<compile_context>
chip_gen: v7x
topology: tpu7x:2x2x1
jax: 0.10.2.dev20260603
libtpu: 0.0.44.dev20260713+nightly
codegen_flags: <defaults>
</compile_context>

<pallas_src>
import functools

import jax
import jax.numpy as jnp
from jax import lax
from jax.experimental import pallas as pl
from jax.experimental.pallas import tpu as pltpu
from jax.experimental.pallas import tpu_sc as plsc

_H = 64
_BB = 128


@functools.lru_cache(maxsize=None)
def _build_sc_kernel(B, S):
    NW = 32
    NT = (B // _BB) * S
    nt = NT // NW
    nb0 = B // _BB
    assert NT % NW == 0 and nt % 4 == 0

    mesh = plsc.VectorSubcoreMesh(core_axis_name="c", subcore_axis_name="s")

    @functools.partial(
        pl.kernel,
        mesh=mesh,
        out_type=jax.ShapeDtypeStruct((S, _H // 8, nb0, 8, _BB),
                                      jnp.float32),
        scratch_types=[
            pltpu.VMEM((4, _BB), jnp.int32),
            pltpu.VMEM((4, _BB), jnp.int32),
            pltpu.VMEM((4, _BB, _H), jnp.float32),
            pltpu.VMEM((2, _H // 8, 8, _BB + 1), jnp.float32),
            pltpu.VMEM((8, _H), jnp.float32),
            [pltpu.SemaphoreType.DMA] * 4,
            [pltpu.SemaphoreType.DMA] * 4,
            [pltpu.SemaphoreType.DMA] * 4,
            [pltpu.SemaphoreType.DMA] * 2,
            pltpu.SemaphoreType.DMA,
        ],
        compiler_params=pltpu.CompilerParams(use_tc_tiling_on_sc=False,
                                             needs_layout_passes=False),
    )
    def sc_kernel(qid4, cid4, qtab, ctab, ptab, out, qi_v, ci_v, gbuf, obuf,
                  pbuf, si, sq, sc, so, sp):
        wid = lax.axis_index("s") * 2 + lax.axis_index("c")
        t0 = wid * nt
        s_base = t0 // nb0

        def tile_s(t):
            return (t0 + t) // nb0

        def tile_b0(t):
            return (t0 + t) % nb0

        def ids_copy(t, slot):
            s, b0 = tile_s(t), tile_b0(t)
            dq = pltpu.make_async_copy(qid4.at[s // 8, b0, s % 8],
                                       qi_v.at[slot], si[slot])
            dc = pltpu.make_async_copy(cid4.at[s // 8, b0, s % 8],
                                       ci_v.at[slot], si[slot])
            return dq, dc

        def q_copy(slot):
            return pltpu.make_async_copy(qtab.at[qi_v.at[slot]],
                                         gbuf.at[slot], sq[slot])

        def c_issue(slot):
            pltpu.async_copy(ctab.at[ci_v.at[slot]],
                             gbuf.at[slot], sc[slot], add=True)

        def c_wait(slot):
            pltpu.make_async_copy(ctab.at[ci_v.at[slot]],
                                  gbuf.at[slot], sc[slot]).wait()

        def out_copy(t, slot):
            return pltpu.make_async_copy(
                obuf.at[slot, :, :, pl.ds(0, _BB)],
                out.at[tile_s(t), :, tile_b0(t)], so[slot])

        lanes = lax.iota(jnp.int32, 16)
        hvecs = [(((hh * 16) + lanes) // 8, ((hh * 16) + lanes) % 8)
                 for hh in range(_H // 16)]

        def transpose_add(t, slot, oslot):
            srow = tile_s(t) - s_base
            pv = [pbuf[srow, pl.ds(hh * 16, 16)] for hh in range(_H // 16)]

            def b_body(i, carry):
                b0v = jnp.full((16,), i * 4, dtype=jnp.int32)
                for db in range(4):
                    b = i * 4 + db
                    bvec = b0v + db
                    for hh in range(_H // 16):
                        v = gbuf[slot, b, pl.ds(hh * 16, 16)] + pv[hh]
                        plsc.store_scatter(
                            obuf.at[oslot],
                            [hvecs[hh][0], hvecs[hh][1], bvec], v)
                return carry

            lax.fori_loop(0, _BB // 4, b_body, 0)

        pltpu.async_copy(ptab.at[pl.ds(s_base, 8)], pbuf, sp)
        for k in range(3):
            for d in ids_copy(k, k):
                d.start()
        for d in ids_copy(0, 0):
            d.wait()
        q_copy(0).start()
        for d in ids_copy(1, 1):
            d.wait()
        q_copy(1).start()
        q_copy(0).wait()
        c_issue(0)
        pltpu.make_async_copy(ptab.at[pl.ds(s_base, 8)], pbuf, sp).wait()

        def step(t, gslot, oslot):
            @pl.when(t + 1 < nt)
            def _():
                q_copy((gslot + 1) % 4).wait()
                c_issue((gslot + 1) % 4)

            @pl.when(t + 2 < nt)
            def _():
                for d in ids_copy(t + 2, (gslot + 2) % 4):
                    d.wait()
                q_copy((gslot + 2) % 4).start()

            @pl.when(t + 3 < nt)
            def _():
                for d in ids_copy(t + 3, (gslot + 3) % 4):
                    d.start()

            c_wait(gslot)

            @pl.when(t >= 2)
            def _():
                out_copy(t - 2, oslot).wait()

            transpose_add(t, gslot, oslot)
            out_copy(t, oslot).start()

        def body(i, carry):
            for k in range(4):
                step(i * 4 + k, k, k % 2)
            return carry

        lax.fori_loop(0, nt // 4, body, 0)

        out_copy(nt - 2, 0).wait()
        out_copy(nt - 1, 1).wait()

    return sc_kernel


def kernel(question_ids, concept_ids, question_table, concept_table,
           position_table):
    B, S = question_ids.shape
    nb0 = B // _BB

    def to4d(ids):
        return (ids.astype(jnp.int32).T
                .reshape(S // 8, 8, nb0, _BB).transpose(0, 2, 1, 3))

    ptab_pad = jnp.concatenate(
        [position_table,
         jnp.zeros((8, _H), dtype=position_table.dtype)], axis=0)
    out5 = _build_sc_kernel(B, S)(to4d(question_ids), to4d(concept_ids),
                                  question_table, concept_table, ptab_pad)
    return out5.transpose(2, 4, 0, 1, 3).reshape(B, S, _H)

# --- scband reference (transcript-rebuilt; emitter-appended) ---
"""Pipeline reference for scband-encoder-embedding-3745211482565 (READ-ONLY COPY).

The authoritative reference and input builder live on the scoring server;
editing this copy changes nothing except your own understanding.
"""

import jax, jax.numpy as jnp
import numpy as np

NUM_QUESTION = 100000
NUM_CONCEPT = 1000
MAX_SEQ_LEN = 200
HIDDEN = 64
BATCH = 4096
PAD_ID = 0


def setup_inputs(seed: int = 0) -> dict:
    key = jax.random.key(seed)
    k1, k2, k3, k4, k5 = jax.random.split(key, 5)
    question_ids = jax.random.randint(k1, (BATCH, MAX_SEQ_LEN), 0, NUM_QUESTION, dtype=jnp.int64 if jax.config.read('jax_enable_x64') else jnp.int32)
    concept_ids = jax.random.randint(k2, (BATCH, MAX_SEQ_LEN), 0, NUM_CONCEPT, dtype=jnp.int64 if jax.config.read('jax_enable_x64') else jnp.int32)
    question_table = jax.random.normal(k3, (NUM_QUESTION, HIDDEN), dtype=jnp.float32)
    concept_table = jax.random.normal(k4, (NUM_CONCEPT, HIDDEN), dtype=jnp.float32)
    position_table = jax.random.normal(k5, (MAX_SEQ_LEN, HIDDEN), dtype=jnp.float32)
    # emulate nn.Embedding padding_idx: pad row is zero-initialized
    question_table = question_table.at[PAD_ID].set(0.0)
    concept_table = concept_table.at[PAD_ID].set(0.0)
    return {
        'question_ids': question_ids,
        'concept_ids': concept_ids,
        'question_table': question_table,
        'concept_table': concept_table,
        'position_table': position_table,
    }


def reference(question_ids, concept_ids, question_table, concept_table, position_table):
    q = jnp.take(question_table, question_ids, axis=0)          # [B, S, H]
    c = jnp.take(concept_table, concept_ids, axis=0)            # [B, S, H]
    seq = jnp.arange(MAX_SEQ_LEN)[None, :]                      # [1, S]
    p = jnp.take(position_table, seq, axis=0)                   # [1, S, H]
    return p + c + q

if __name__ == "__main__":
    import jax
    _d = setup_inputs()
    print(jax.jit(kernel)(*tuple(_d.values())))

</pallas_src>

<mosaic_0001>
#map = affine_map<(d0, d1) -> (0, 0, 0, 0)>
#map1 = affine_map<(d0, d1) -> (0, 0)>
#map2 = affine_map<(d0, d1) -> (0, 0, 0, 0, 0)>
module attributes {stable_mosaic.version = 14 : i64} {
  func.func @sc_kernel(%arg0: i32, %arg1: i32, %arg2: memref<25x32x8x128xi32, #tpu.memory_space<hbm>>, %arg3: memref<25x32x8x128xi32, #tpu.memory_space<hbm>>, %arg4: memref<100000x64xf32, #tpu.memory_space<hbm>>, %arg5: memref<1000x64xf32, #tpu.memory_space<hbm>>, %arg6: memref<208x64xf32, #tpu.memory_space<hbm>>, %arg7: memref<200x8x32x8x128xf32, #tpu.memory_space<hbm>>, %arg8: memref<4x128xi32, #tpu.memory_space<vmem>>, %arg9: memref<4x128xi32, #tpu.memory_space<vmem>>, %arg10: memref<4x128x64xf32, #tpu.memory_space<vmem>>, %arg11: memref<2x8x8x129xf32, #tpu.memory_space<vmem>>, %arg12: memref<8x64xf32, #tpu.memory_space<vmem>>, %arg13: memref<!tpu.dma_semaphore, #tpu.memory_space<semaphore_mem>>, %arg14: memref<!tpu.dma_semaphore, #tpu.memory_space<semaphore_mem>>, %arg15: memref<!tpu.dma_semaphore, #tpu.memory_space<semaphore_mem>>, %arg16: memref<!tpu.dma_semaphore, #tpu.memory_space<semaphore_mem>>, %arg17: memref<!tpu.dma_semaphore, #tpu.memory_space<semaphore_mem>>, %arg18: memref<!tpu.dma_semaphore, #tpu.memory_space<semaphore_mem>>, %arg19: memref<!tpu.dma_semaphore, #tpu.memory_space<semaphore_mem>>, %arg20: memref<!tpu.dma_semaphore, #tpu.memory_space<semaphore_mem>>, %arg21: memref<!tpu.dma_semaphore, #tpu.memory_space<semaphore_mem>>, %arg22: memref<!tpu.dma_semaphore, #tpu.memory_space<semaphore_mem>>, %arg23: memref<!tpu.dma_semaphore, #tpu.memory_space<semaphore_mem>>, %arg24: memref<!tpu.dma_semaphore, #tpu.memory_space<semaphore_mem>>, %arg25: memref<!tpu.dma_semaphore, #tpu.memory_space<semaphore_mem>>, %arg26: memref<!tpu.dma_semaphore, #tpu.memory_space<semaphore_mem>>, %arg27: memref<!tpu.dma_semaphore, #tpu.memory_space<semaphore_mem>>) attributes {dimension_semantics = [#tpu.dimension_semantics<core_parallel>, #tpu.dimension_semantics<subcore_parallel>], iteration_bounds = array<i64: 2, 16>, scalar_prefetch = 0 : i64, scratch_operands = 20 : i64, tpu.core_type = #tpu.core_type<sc_vector_subcore>, window_params = [{transform_indices = #map}, {transform_indices = #map}, {transform_indices = #map1}, {transform_indices = #map1}, {transform_indices = #map1}, {transform_indices = #map2}]} {
    %mul3A = arith.constant 2 : i32
    %mul3A_0 = arith.muli %arg1, %mul3A : i32
    %add3A = arith.addi %mul3A_0, %arg0 : i32
    %mul3A_1 = arith.constant 200 : i32
    %mul3A_2 = arith.muli %add3A, %mul3A_1 : i32
    %jit3A = arith.constant 32 : i32
    %div3A = arith.divsi %mul3A_2, %jit3A : i32
    %sign3A = arith.constant 0 : i32
    %sign3A_3 = arith.cmpi sgt, %mul3A_2, %sign3A : i32
    %sign3A_4 = arith.extui %sign3A_3 : i1 to i32
    %sign3A_5 = arith.constant 0 : i32
    %sign3A_6 = arith.cmpi slt, %mul3A_2, %sign3A_5 : i32
    %sign3A_7 = arith.extui %sign3A_6 : i1 to i32
    %sign3A_8 = arith.subi %sign3A_4, %sign3A_7 : i32
    %sign3A_9 = arith.constant 0 : i32
    %sign3A_10 = arith.cmpi sgt, %jit3A, %sign3A_9 : i32
    %sign3A_11 = arith.extui %sign3A_10 : i1 to i32
    %sign3A_12 = arith.constant 0 : i32
    %sign3A_13 = arith.cmpi slt, %jit3A, %sign3A_12 : i32
    %sign3A_14 = arith.extui %sign3A_13 : i1 to i32
    %sign3A_15 = arith.subi %sign3A_11, %sign3A_14 : i32
    %ne3A = arith.cmpi ne, %sign3A_8, %sign3A_15 : i32
    %rem3A = arith.remsi %mul3A_2, %jit3A : i32
    %ne3A_16 = arith.constant 0 : i32
    %ne3A_17 = arith.cmpi ne, %rem3A, %ne3A_16 : i32
    %and3A = arith.andi %ne3A, %ne3A_17 : i1
    %sub3A = arith.constant 1 : i32
    %sub3A_18 = arith.subi %div3A, %sub3A : i32
    %select_n3A = arith.select %and3A, %sub3A_18, %div3A : i32
    %iota3A = tpu.iota {dimensions = array<i32: 0>} : vector<16xi32>
    %add3A_19 = arith.constant 0 : i32
    %add3A_20 = vector.broadcast %add3A_19 : i32 to vector<16xi32>
    %add3A_21 = arith.addi %add3A_20, %iota3A : vector<16xi32>
    %jit3A_22 = arith.constant 8 : i32
    %div3A_23 = vector.broadcast %jit3A_22 : i32 to vector<16xi32>
    %div3A_24 = arith.divsi %add3A_21, %div3A_23 : vector<16xi32>
    %sign3A_25 = arith.constant 0 : i32
    %sign3A_26 = vector.broadcast %sign3A_25 : i32 to vector<16xi32>
    %sign3A_27 = arith.cmpi sgt, %add3A_21, %sign3A_26 : vector<16xi32>
    %sign3A_28 = arith.extui %sign3A_27 : vector<16xi1> to vector<16xi32>
    %sign3A_29 = arith.constant 0 : i32
    %sign3A_30 = vector.broadcast %sign3A_29 : i32 to vector<16xi32>
    %sign3A_31 = arith.cmpi slt, %add3A_21, %sign3A_30 : vector<16xi32>
    %sign3A_32 = arith.extui %sign3A_31 : vector<16xi1> to vector<16xi32>
    %sign3A_33 = arith.subi %sign3A_28, %sign3A_32 : vector<16xi32>
    %sign3A_34 = arith.constant 0 : i32
    %sign3A_35 = arith.cmpi sgt, %jit3A_22, %sign3A_34 : i32
    %sign3A_36 = arith.extui %sign3A_35 : i1 to i32
    %sign3A_37 = arith.constant 0 : i32
    %sign3A_38 = arith.cmpi slt, %jit3A_22, %sign3A_37 : i32
    %sign3A_39 = arith.extui %sign3A_38 : i1 to i32
    %sign3A_40 = arith.subi %sign3A_36, %sign3A_39 : i32
    %ne3A_41 = vector.broadcast %sign3A_40 : i32 to vector<16xi32>
    %ne3A_42 = arith.cmpi ne, %sign3A_33, %ne3A_41 : vector<16xi32>
    %rem3A_43 = vector.broadcast %jit3A_22 : i32 to vector<16xi32>
    %rem3A_44 = arith.remsi %add3A_21, %rem3A_43 : vector<16xi32>
    %ne3A_45 = arith.constant 0 : i32
    %ne3A_46 = vector.broadcast %ne3A_45 : i32 to vector<16xi32>
    %ne3A_47 = arith.cmpi ne, %rem3A_44, %ne3A_46 : vector<16xi32>
    %and3A_48 = arith.andi %ne3A_42, %ne3A_47 : vector<16xi1>
    %sub3A_49 = arith.constant 1 : i32
    %sub3A_50 = vector.broadcast %sub3A_49 : i32 to vector<16xi32>
    %sub3A_51 = arith.subi %div3A_24, %sub3A_50 : vector<16xi32>
    %select_n3A_52 = arith.select %and3A_48, %sub3A_51, %div3A_24 : vector<16xi1>, vector<16xi32>
    %add3A_53 = arith.constant 0 : i32
    %add3A_54 = vector.broadcast %add3A_53 : i32 to vector<16xi32>
    %add3A_55 = arith.addi %add3A_54, %iota3A : vector<16xi32>
    %jit3A_56 = arith.constant 8 : i32
    %eq3A = arith.constant 0 : i32
    %eq3A_57 = arith.cmpi eq, %jit3A_56, %eq3A : i32
    %jit3A_58 = arith.constant 1 : i32
    %select_n3A_59 = arith.select %eq3A_57, %jit3A_58, %jit3A_56 : i32
    %rem3A_60 = vector.broadcast %select_n3A_59 : i32 to vector<16xi32>
    %rem3A_61 = arith.remsi %add3A_55, %rem3A_60 : vector<16xi32>
    %ne3A_62 = arith.constant 0 : i32
    %ne3A_63 = vector.broadcast %ne3A_62 : i32 to vector<16xi32>
    %ne3A_64 = arith.cmpi ne, %rem3A_61, %ne3A_63 : vector<16xi32>
    %lt3A = arith.constant 0 : i32
    %lt3A_65 = vector.broadcast %lt3A : i32 to vector<16xi32>
    %lt3A_66 = arith.cmpi slt, %rem3A_61, %lt3A_65 : vector<16xi32>
    %lt3A_67 = arith.constant 0 : i32
    %lt3A_68 = arith.cmpi slt, %select_n3A_59, %lt3A_67 : i32
    %ne3A_69 = vector.broadcast %lt3A_68 : i1 to vector<16xi1>
    %ne3A_70 = vector.broadcast %ne3A_69 : vector<16xi1> to vector<16xi1>
    %ne3A_71 = arith.xori %lt3A_66, %ne3A_70 : vector<16xi1>
    %and3A_72 = arith.andi %ne3A_71, %ne3A_64 : vector<16xi1>
    %add3A_73 = vector.broadcast %select_n3A_59 : i32 to vector<16xi32>
    %add3A_74 = arith.addi %rem3A_61, %add3A_73 : vector<16xi32>
    %select_n3A_75 = arith.select %and3A_72, %add3A_74, %rem3A_61 : vector<16xi1>, vector<16xi32>
    %add3A_76 = arith.constant 16 : i32
    %add3A_77 = vector.broadcast %add3A_76 : i32 to vector<16xi32>
    %add3A_78 = arith.addi %add3A_77, %iota3A : vector<16xi32>
    %jit3A_79 = arith.constant 8 : i32
    %div3A_80 = vector.broadcast %jit3A_79 : i32 to vector<16xi32>
    %div3A_81 = arith.divsi %add3A_78, %div3A_80 : vector<16xi32>
    %sign3A_82 = arith.constant 0 : i32
    %sign3A_83 = vector.broadcast %sign3A_82 : i32 to vector<16xi32>
    %sign3A_84 = arith.cmpi sgt, %add3A_78, %sign3A_83 : vector<16xi32>
    %sign3A_85 = arith.extui %sign3A_84 : vector<16xi1> to vector<16xi32>
    %sign3A_86 = arith.constant 0 : i32
    %sign3A_87 = vector.broadcast %sign3A_86 : i32 to vector<16xi32>
    %sign3A_88 = arith.cmpi slt, %add3A_78, %sign3A_87 : vector<16xi32>
    %sign3A_89 = arith.extui %sign3A_88 : vector<16xi1> to vector<16xi32>
    %sign3A_90 = arith.subi %sign3A_85, %sign3A_89 : vector<16xi32>
    %sign3A_91 = arith.constant 0 : i32
    %sign3A_92 = arith.cmpi sgt, %jit3A_79, %sign3A_91 : i32
    %sign3A_93 = arith.extui %sign3A_92 : i1 to i32
    %sign3A_94 = arith.constant 0 : i32
    %sign3A_95 = arith.cmpi slt, %jit3A_79, %sign3A_94 : i32
    %sign3A_96 = arith.extui %sign3A_95 : i1 to i32
    %sign3A_97 = arith.subi %sign3A_93, %sign3A_96 : i32
    %ne3A_98 = vector.broadcast %sign3A_97 : i32 to vector<16xi32>
    %ne3A_99 = arith.cmpi ne, %sign3A_90, %ne3A_98 : vector<16xi32>
    %rem3A_100 = vector.broadcast %jit3A_79 : i32 to vector<16xi32>
    %rem3A_101 = arith.remsi %add3A_78, %rem3A_100 : vector<16xi32>
    %ne3A_102 = arith.constant 0 : i32
    %ne3A_103 = vector.broadcast %ne3A_102 : i32 to vector<16xi32>
    %ne3A_104 = arith.cmpi ne, %rem3A_101, %ne3A_103 : vector<16xi32>
    %and3A_105 = arith.andi %ne3A_99, %ne3A_104 : vector<16xi1>
    %sub3A_106 = arith.constant 1 : i32
    %sub3A_107 = vector.broadcast %sub3A_106 : i32 to vector<16xi32>
    %sub3A_108 = arith.subi %div3A_81, %sub3A_107 : vector<16xi32>
    %select_n3A_109 = arith.select %and3A_105, %sub3A_108, %div3A_81 : vector<16xi1>, vector<16xi32>
    %add3A_110 = arith.constant 16 : i32
    %add3A_111 = vector.broadcast %add3A_110 : i32 to vector<16xi32>
    %add3A_112 = arith.addi %add3A_111, %iota3A : vector<16xi32>
    %jit3A_113 = arith.constant 8 : i32
    %eq3A_114 = arith.constant 0 : i32
    %eq3A_115 = arith.cmpi eq, %jit3A_113, %eq3A_114 : i32
    %jit3A_116 = arith.constant 1 : i32
    %select_n3A_117 = arith.select %eq3A_115, %jit3A_116, %jit3A_113 : i32
    %rem3A_118 = vector.broadcast %select_n3A_117 : i32 to vector<16xi32>
    %rem3A_119 = arith.remsi %add3A_112, %rem3A_118 : vector<16xi32>
    %ne3A_120 = arith.constant 0 : i32
    %ne3A_121 = vector.broadcast %ne3A_120 : i32 to vector<16xi32>
    %ne3A_122 = arith.cmpi ne, %rem3A_119, %ne3A_121 : vector<16xi32>
    %lt3A_123 = arith.constant 0 : i32
    %lt3A_124 = vector.broadcast %lt3A_123 : i32 to vector<16xi32>
    %lt3A_125 = arith.cmpi slt, %rem3A_119, %lt3A_124 : vector<16xi32>
    %lt3A_126 = arith.constant 0 : i32
    %lt3A_127 = arith.cmpi slt, %select_n3A_117, %lt3A_126 : i32
    %ne3A_128 = vector.broadcast %lt3A_127 : i1 to vector<16xi1>
    %ne3A_129 = vector.broadcast %ne3A_128 : vector<16xi1> to vector<16xi1>
    %ne3A_130 = arith.xori %lt3A_125, %ne3A_129 : vector<16xi1>
    %and3A_131 = arith.andi %ne3A_130, %ne3A_122 : vector<16xi1>
    %add3A_132 = vector.broadcast %select_n3A_117 : i32 to vector<16xi32>
    %add3A_133 = arith.addi %rem3A_119, %add3A_132 : vector<16xi32>
    %select_n3A_134 = arith.select %and3A_131, %add3A_133, %rem3A_119 : vector<16xi1>, vector<16xi32>
    %add3A_135 = arith.constant 32 : i32
    %add3A_136 = vector.broadcast %add3A_135 : i32 to vector<16xi32>
    %add3A_137 = arith.addi %add3A_136, %iota3A : vector<16xi32>
    %jit3A_138 = arith.constant 8 : i32
    %div3A_139 = vector.broadcast %jit3A_138 : i32 to vector<16xi32>
    %div3A_140 = arith.divsi %add3A_137, %div3A_139 : vector<16xi32>
    %sign3A_141 = arith.constant 0 : i32
    %sign3A_142 = vector.broadcast %sign3A_141 : i32 to vector<16xi32>
    %sign3A_143 = arith.cmpi sgt, %add3A_137, %sign3A_142 : vector<16xi32>
    %sign3A_144 = arith.extui %sign3A_143 : vector<16xi1> to vector<16xi32>
    %sign3A_145 = arith.constant 0 : i32
    %sign3A_146 = vector.broadcast %sign3A_145 : i32 to vector<16xi32>
    %sign3A_147 = arith.cmpi slt, %add3A_137, %sign3A_146 : vector<16xi32>
    %sign3A_148 = arith.extui %sign3A_147 : vector<16xi1> to vector<16xi32>
    %sign3A_149 = arith.subi %sign3A_144, %sign3A_148 : vector<16xi32>
    %sign3A_150 = arith.constant 0 : i32
    %sign3A_151 = arith.cmpi sgt, %jit3A_138, %sign3A_150 : i32
    %sign3A_152 = arith.extui %sign3A_151 : i1 to i32
    %sign3A_153 = arith.constant 0 : i32
    %sign3A_154 = arith.cmpi slt, %jit3A_138, %sign3A_153 : i32
    %sign3A_155 = arith.extui %sign3A_154 : i1 to i32
    %sign3A_156 = arith.subi %sign3A_152, %sign3A_155 : i32
    %ne3A_157 = vector.broadcast %sign3A_156 : i32 to vector<16xi32>
    %ne3A_158 = arith.cmpi ne, %sign3A_149, %ne3A_157 : vector<16xi32>
    %rem3A_159 = vector.broadcast %jit3A_138 : i32 to vector<16xi32>
    %rem3A_160 = arith.remsi %add3A_137, %rem3A_159 : vector<16xi32>
    %ne3A_161 = arith.constant 0 : i32
    %ne3A_162 = vector.broadcast %ne3A_161 : i32 to vector<16xi32>
    %ne3A_163 = arith.cmpi ne, %rem3A_160, %ne3A_162 : vector<16xi32>
    %and3A_164 = arith.andi %ne3A_158, %ne3A_163 : vector<16xi1>
    %sub3A_165 = arith.constant 1 : i32
    %sub3A_166 = vector.broadcast %sub3A_165 : i32 to vector<16xi32>
    %sub3A_167 = arith.subi %div3A_140, %sub3A_166 : vector<16xi32>
    %select_n3A_168 = arith.select %and3A_164, %sub3A_167, %div3A_140 : vector<16xi1>, vector<16xi32>
    %add3A_169 = arith.constant 32 : i32
    %add3A_170 = vector.broadcast %add3A_169 : i32 to vector<16xi32>
    %add3A_171 = arith.addi %add3A_170, %iota3A : vector<16xi32>
    %jit3A_172 = arith.constant 8 : i32
    %eq3A_173 = arith.constant 0 : i32
    %eq3A_174 = arith.cmpi eq, %jit3A_172, %eq3A_173 : i32
    %jit3A_175 = arith.constant 1 : i32
    %select_n3A_176 = arith.select %eq3A_174, %jit3A_175, %jit3A_172 : i32
    %rem3A_177 = vector.broadcast %select_n3A_176 : i32 to vector<16xi32>
    %rem3A_178 = arith.remsi %add3A_171, %rem3A_177 : vector<16xi32>
    %ne3A_179 = arith.constant 0 : i32
    %ne3A_180 = vector.broadcast %ne3A_179 : i32 to vector<16xi32>
    %ne3A_181 = arith.cmpi ne, %rem3A_178, %ne3A_180 : vector<16xi32>
    %lt3A_182 = arith.constant 0 : i32
    %lt3A_183 = vector.broadcast %lt3A_182 : i32 to vector<16xi32>
    %lt3A_184 = arith.cmpi slt, %rem3A_178, %lt3A_183 : vector<16xi32>
    %lt3A_185 = arith.constant 0 : i32
    %lt3A_186 = arith.cmpi slt, %select_n3A_176, %lt3A_185 : i32
    %ne3A_187 = vector.broadcast %lt3A_186 : i1 to vector<16xi1>
    %ne3A_188 = vector.broadcast %ne3A_187 : vector<16xi1> to vector<16xi1>
    %ne3A_189 = arith.xori %lt3A_184, %ne3A_188 : vector<16xi1>
    %and3A_190 = arith.andi %ne3A_189, %ne3A_181 : vector<16xi1>
    %add3A_191 = vector.broadcast %select_n3A_176 : i32 to vector<16xi32>
    %add3A_192 = arith.addi %rem3A_178, %add3A_191 : vector<16xi32>
    %select_n3A_193 = arith.select %and3A_190, %add3A_192, %rem3A_178 : vector<16xi1>, vector<16xi32>
    %add3A_194 = arith.constant 48 : i32
    %add3A_195 = vector.broadcast %add3A_194 : i32 to vector<16xi32>
    %add3A_196 = arith.addi %add3A_195, %iota3A : vector<16xi32>
    %jit3A_197 = arith.constant 8 : i32
    %div3A_198 = vector.broadcast %jit3A_197 : i32 to vector<16xi32>
    %div3A_199 = arith.divsi %add3A_196, %div3A_198 : vector<16xi32>
    %sign3A_200 = arith.constant 0 : i32
    %sign3A_201 = vector.broadcast %sign3A_200 : i32 to vector<16xi32>
    %sign3A_202 = arith.cmpi sgt, %add3A_196, %sign3A_201 : vector<16xi32>
    %sign3A_203 = arith.extui %sign3A_202 : vector<16xi1> to vector<16xi32>
    %sign3A_204 = arith.constant 0 : i32
    %sign3A_205 = vector.broadcast %sign3A_204 : i32 to vector<16xi32>
    %sign3A_206 = arith.cmpi slt, %add3A_196, %sign3A_205 : vector<16xi32>
    %sign3A_207 = arith.extui %sign3A_206 : vector<16xi1> to vector<16xi32>
    %sign3A_208 = arith.subi %sign3A_203, %sign3A_207 : vector<16xi32>
    %sign3A_209 = arith.constant 0 : i32
    %sign3A_210 = arith.cmpi sgt, %jit3A_197, %sign3A_209 : i32
    %sign3A_211 = arith.extui %sign3A_210 : i1 to i32
    %sign3A_212 = arith.constant 0 : i32
    %sign3A_213 = arith.cmpi slt, %jit3A_197, %sign3A_212 : i32
    %sign3A_214 = arith.extui %sign3A_213 : i1 to i32
    %sign3A_215 = arith.subi %sign3A_211, %sign3A_214 : i32
    %ne3A_216 = vector.broadcast %sign3A_215 : i32 to vector<16xi32>
    %ne3A_217 = arith.cmpi ne, %sign3A_208, %ne3A_216 : vector<16xi32>
    %rem3A_218 = vector.broadcast %jit3A_197 : i32 to vector<16xi32>
    %rem3A_219 = arith.remsi %add3A_196, %rem3A_218 : vector<16xi32>
    %ne3A_220 = arith.constant 0 : i32
    %ne3A_221 = vector.broadcast %ne3A_220 : i32 to vector<16xi32>
    %ne3A_222 = arith.cmpi ne, %rem3A_219, %ne3A_221 : vector<16xi32>
    %and3A_223 = arith.andi %ne3A_217, %ne3A_222 : vector<16xi1>
    %sub3A_224 = arith.constant 1 : i32
    %sub3A_225 = vector.broadcast %sub3A_224 : i32 to vector<16xi32>
    %sub3A_226 = arith.subi %div3A_199, %sub3A_225 : vector<16xi32>
    %select_n3A_227 = arith.select %and3A_223, %sub3A_226, %div3A_199 : vector<16xi1>, vector<16xi32>
    %add3A_228 = arith.constant 48 : i32
    %add3A_229 = vector.broadcast %add3A_228 : i32 to vector<16xi32>
    %add3A_230 = arith.addi %add3A_229, %iota3A : vector<16xi32>
    %jit3A_231 = arith.constant 8 : i32
    %eq3A_232 = arith.constant 0 : i32
    %eq3A_233 = arith.cmpi eq, %jit3A_231, %eq3A_232 : i32
    %jit3A_234 = arith.constant 1 : i32
    %select_n3A_235 = arith.select %eq3A_233, %jit3A_234, %jit3A_231 : i32
    %rem3A_236 = vector.broadcast %select_n3A_235 : i32 to vector<16xi32>
    %rem3A_237 = arith.remsi %add3A_230, %rem3A_236 : vector<16xi32>
    %ne3A_238 = arith.constant 0 : i32
    %ne3A_239 = vector.broadcast %ne3A_238 : i32 to vector<16xi32>
    %ne3A_240 = arith.cmpi ne, %rem3A_237, %ne3A_239 : vector<16xi32>
    %lt3A_241 = arith.constant 0 : i32
    %lt3A_242 = vector.broadcast %lt3A_241 : i32 to vector<16xi32>
    %lt3A_243 = arith.cmpi slt, %rem3A_237, %lt3A_242 : vector<16xi32>
    %lt3A_244 = arith.constant 0 : i32
    %lt3A_245 = arith.cmpi slt, %select_n3A_235, %lt3A_244 : i32
    %ne3A_246 = vector.broadcast %lt3A_245 : i1 to vector<16xi1>
    %ne3A_247 = vector.broadcast %ne3A_246 : vector<16xi1> to vector<16xi1>
    %ne3A_248 = arith.xori %lt3A_243, %ne3A_247 : vector<16xi1>
    %and3A_249 = arith.andi %ne3A_248, %ne3A_240 : vector<16xi1>
    %add3A_250 = vector.broadcast %select_n3A_235 : i32 to vector<16xi32>
    %add3A_251 = arith.addi %rem3A_237, %add3A_250 : vector<16xi32>
    %select_n3A_252 = arith.select %and3A_249, %add3A_251, %rem3A_237 : vector<16xi1>, vector<16xi32>
    %dma_start3A = arith.constant 0 : i32
    %dma_start3A_253 = tpu.memref_slice %arg6[%select_n3A, %dma_start3A] : memref<208x64xf32, #tpu.memory_space<hbm>> -> memref<8x64xf32, #tpu.memory_space<hbm>>
    %dma_start3A_254 = arith.constant 0 : i32
    %dma_start3A_255 = tpu.memref_slice %arg6[%select_n3A, %dma_start3A_254] : memref<208x64xf32, #tpu.memory_space<hbm>> -> memref<8x64xf32, #tpu.memory_space<hbm>>
    tpu.enqueue_dma source(%dma_start3A_255 : memref<8x64xf32, #tpu.memory_space<hbm>>) target(%arg12 : memref<8x64xf32, #tpu.memory_space<vmem>>) target_semaphore(%arg27 : memref<!tpu.dma_semaphore, #tpu.memory_space<semaphore_mem>>)
    %add3A_256 = arith.constant 0 : i32
    %add3A_257 = arith.addi %mul3A_2, %add3A_256 : i32
    %jit3A_258 = arith.constant 32 : i32
    %div3A_259 = arith.divsi %add3A_257, %jit3A_258 : i32
    %sign3A_260 = arith.constant 0 : i32
    %sign3A_261 = arith.cmpi sgt, %add3A_257, %sign3A_260 : i32
    %sign3A_262 = arith.extui %sign3A_261 : i1 to i32
    %sign3A_263 = arith.constant 0 : i32
    %sign3A_264 = arith.cmpi slt, %add3A_257, %sign3A_263 : i32
    %sign3A_265 = arith.extui %sign3A_264 : i1 to i32
    %sign3A_266 = arith.subi %sign3A_262, %sign3A_265 : i32
    %sign3A_267 = arith.constant 0 : i32
    %sign3A_268 = arith.cmpi sgt, %jit3A_258, %sign3A_267 : i32
    %sign3A_269 = arith.extui %sign3A_268 : i1 to i32
    %sign3A_270 = arith.constant 0 : i32
    %sign3A_271 = arith.cmpi slt, %jit3A_258, %sign3A_270 : i32
    %sign3A_272 = arith.extui %sign3A_271 : i1 to i32
    %sign3A_273 = arith.subi %sign3A_269, %sign3A_272 : i32
    %ne3A_274 = arith.cmpi ne, %sign3A_266, %sign3A_273 : i32
    %rem3A_275 = arith.remsi %add3A_257, %jit3A_258 : i32
    %ne3A_276 = arith.constant 0 : i32
    %ne3A_277 = arith.cmpi ne, %rem3A_275, %ne3A_276 : i32
    %and3A_278 = arith.andi %ne3A_274, %ne3A_277 : i1
    %sub3A_279 = arith.constant 1 : i32
    %sub3A_280 = arith.subi %div3A_259, %sub3A_279 : i32
    %select_n3A_281 = arith.select %and3A_278, %sub3A_280, %div3A_259 : i32
    %add3A_282 = arith.constant 0 : i32
    %add3A_283 = arith.addi %mul3A_2, %add3A_282 : i32
    %jit3A_284 = arith.constant 32 : i32
    %eq3A_285 = arith.constant 0 : i32
    %eq3A_286 = arith.cmpi eq, %jit3A_284, %eq3A_285 : i32
    %jit3A_287 = arith.constant 1 : i32
    %select_n3A_288 = arith.select %eq3A_286, %jit3A_287, %jit3A_284 : i32
    %rem3A_289 = arith.remsi %add3A_283, %select_n3A_288 : i32
    %ne3A_290 = arith.constant 0 : i32
    %ne3A_291 = arith.cmpi ne, %rem3A_289, %ne3A_290 : i32
    %lt3A_292 = arith.constant 0 : i32
    %lt3A_293 = arith.cmpi slt, %rem3A_289, %lt3A_292 : i32
    %lt3A_294 = arith.constant 0 : i32
    %lt3A_295 = arith.cmpi slt, %select_n3A_288, %lt3A_294 : i32
    %ne3A_296 = arith.xori %lt3A_293, %lt3A_295 : i1
    %and3A_297 = arith.andi %ne3A_296, %ne3A_291 : i1
    %add3A_298 = arith.addi %rem3A_289, %select_n3A_288 : i32
    %select_n3A_299 = arith.select %and3A_297, %add3A_298, %rem3A_289 : i32
    %jit3A_300 = arith.constant 8 : i32
    %div3A_301 = arith.divsi %select_n3A_281, %jit3A_300 : i32
    %sign3A_302 = arith.constant 0 : i32
    %sign3A_303 = arith.cmpi sgt, %select_n3A_281, %sign3A_302 : i32
    %sign3A_304 = arith.extui %sign3A_303 : i1 to i32
    %sign3A_305 = arith.constant 0 : i32
    %sign3A_306 = arith.cmpi slt, %select_n3A_281, %sign3A_305 : i32
    %sign3A_307 = arith.extui %sign3A_306 : i1 to i32
    %sign3A_308 = arith.subi %sign3A_304, %sign3A_307 : i32
    %sign3A_309 = arith.constant 0 : i32
    %sign3A_310 = arith.cmpi sgt, %jit3A_300, %sign3A_309 : i32
    %sign3A_311 = arith.extui %sign3A_310 : i1 to i32
    %sign3A_312 = arith.constant 0 : i32
    %sign3A_313 = arith.cmpi slt, %jit3A_300, %sign3A_312 : i32
    %sign3A_314 = arith.extui %sign3A_313 : i1 to i32
    %sign3A_315 = arith.subi %sign3A_311, %sign3A_314 : i32
    %ne3A_316 = arith.cmpi ne, %sign3A_308, %sign3A_315 : i32
    %rem3A_317 = arith.remsi %select_n3A_281, %jit3A_300 : i32
    %ne3A_318 = arith.constant 0 : i32
    %ne3A_319 = arith.cmpi ne, %rem3A_317, %ne3A_318 : i32
    %and3A_320 = arith.andi %ne3A_316, %ne3A_319 : i1
    %sub3A_321 = arith.constant 1 : i32
    %sub3A_322 = arith.subi %div3A_301, %sub3A_321 : i32
    %select_n3A_323 = arith.select %and3A_320, %sub3A_322, %div3A_301 : i32
    %jit3A_324 = arith.constant 8 : i32
    %eq3A_325 = arith.constant 0 : i32
    %eq3A_326 = arith.cmpi eq, %jit3A_324, %eq3A_325 : i32
    %jit3A_327 = arith.constant 1 : i32
    %select_n3A_328 = arith.select %eq3A_326, %jit3A_327, %jit3A_324 : i32
    %rem3A_329 = arith.remsi %select_n3A_281, %select_n3A_328 : i32
    %ne3A_330 = arith.constant 0 : i32
    %ne3A_331 = arith.cmpi ne, %rem3A_329, %ne3A_330 : i32
    %lt3A_332 = arith.constant 0 : i32
    %lt3A_333 = arith.cmpi slt, %rem3A_329, %lt3A_332 : i32
    %lt3A_334 = arith.constant 0 : i32
    %lt3A_335 = arith.cmpi slt, %select_n3A_328, %lt3A_334 : i32
    %ne3A_336 = arith.xori %lt3A_333, %lt3A_335 : i1
    %and3A_337 = arith.andi %ne3A_336, %ne3A_331 : i1
    %add3A_338 = arith.addi %rem3A_329, %select_n3A_328 : i32
    %select_n3A_339 = arith.select %and3A_337, %add3A_338, %rem3A_329 : i32
    %jit3A_340 = arith.constant 8 : i32
    %div3A_341 = arith.divsi %select_n3A_281, %jit3A_340 : i32
    %sign3A_342 = arith.constant 0 : i32
    %sign3A_343 = arith.cmpi sgt, %select_n3A_281, %sign3A_342 : i32
    %sign3A_344 = arith.extui %sign3A_343 : i1 to i32
    %sign3A_345 = arith.constant 0 : i32
    %sign3A_346 = arith.cmpi slt, %select_n3A_281, %sign3A_345 : i32
    %sign3A_347 = arith.extui %sign3A_346 : i1 to i32
    %sign3A_348 = arith.subi %sign3A_344, %sign3A_347 : i32
    %sign3A_349 = arith.constant 0 : i32
    %sign3A_350 = arith.cmpi sgt, %jit3A_340, %sign3A_349 : i32
    %sign3A_351 = arith.extui %sign3A_350 : i1 to i32
    %sign3A_352 = arith.constant 0 : i32
    %sign3A_353 = arith.cmpi slt, %jit3A_340, %sign3A_352 : i32
    %sign3A_354 = arith.extui %sign3A_353 : i1 to i32
    %sign3A_355 = arith.subi %sign3A_351, %sign3A_354 : i32
    %ne3A_356 = arith.cmpi ne, %sign3A_348, %sign3A_355 : i32
    %rem3A_357 = arith.remsi %select_n3A_281, %jit3A_340 : i32
    %ne3A_358 = arith.constant 0 : i32
    %ne3A_359 = arith.cmpi ne, %rem3A_357, %ne3A_358 : i32
    %and3A_360 = arith.andi %ne3A_356, %ne3A_359 : i1
    %sub3A_361 = arith.constant 1 : i32
    %sub3A_362 = arith.subi %div3A_341, %sub3A_361 : i32
    %select_n3A_363 = arith.select %and3A_360, %sub3A_362, %div3A_341 : i32
    %jit3A_364 = arith.constant 8 : i32
    %eq3A_365 = arith.constant 0 : i32
    %eq3A_366 = arith.cmpi eq, %jit3A_364, %eq3A_365 : i32
    %jit3A_367 = arith.constant 1 : i32
    %select_n3A_368 = arith.select %eq3A_366, %jit3A_367, %jit3A_364 : i32
    %rem3A_369 = arith.remsi %select_n3A_281, %select_n3A_368 : i32
    %ne3A_370 = arith.constant 0 : i32
    %ne3A_371 = arith.cmpi ne, %rem3A_369, %ne3A_370 : i32
    %lt3A_372 = arith.constant 0 : i32
    %lt3A_373 = arith.cmpi slt, %rem3A_369, %lt3A_372 : i32
    %lt3A_374 = arith.constant 0 : i32
    %lt3A_375 = arith.cmpi slt, %select_n3A_368, %lt3A_374 : i32
    %ne3A_376 = arith.xori %lt3A_373, %lt3A_375 : i1
    %and3A_377 = arith.andi %ne3A_376, %ne3A_371 : i1
    %add3A_378 = arith.addi %rem3A_369, %select_n3A_368 : i32
    %select_n3A_379 = arith.select %and3A_377, %add3A_378, %rem3A_369 : i32
    %dma_start3A_380 = arith.constant 0 : i32
    %dma_start3A_381 = arith.constant 0 : i32
    %dma_start3A_382 = tpu.memref_slice %arg8[%dma_start3A_380, %dma_start3A_381] : memref<4x128xi32, #tpu.memory_space<vmem>> -> memref<1x128xi32, #tpu.memory_space<vmem>>
    %dma_start3A_383 = tpu.memref_squeeze %dma_start3A_382 : memref<1x128xi32, #tpu.memory_space<vmem>> -> memref<128xi32, #tpu.memory_space<vmem>>
    %dma_start3A_384 = arith.constant 0 : i32
    %dma_start3A_385 = tpu.memref_slice %arg2[%select_n3A_323, %select_n3A_299, %select_n3A_339, %dma_start3A_384] : memref<25x32x8x128xi32, #tpu.memory_space<hbm>> -> memref<1x1x1x128xi32, #tpu.memory_space<hbm>>
    %dma_start3A_386 = tpu.memref_squeeze %dma_start3A_385 : memref<1x1x1x128xi32, #tpu.memory_space<hbm>> -> memref<128xi32, #tpu.memory_space<hbm>>
    %dma_start3A_387 = arith.constant 0 : i32
    %dma_start3A_388 = tpu.memref_slice %arg8[%dma_start3A_380, %dma_start3A_387] : memref<4x128xi32, #tpu.memory_space<vmem>> -> memref<1x128xi32, #tpu.memory_space<vmem>>
    %dma_start3A_389 = tpu.memref_squeeze %dma_start3A_388 : memref<1x128xi32, #tpu.memory_space<vmem>> -> memref<128xi32, #tpu.memory_space<vmem>>
    %dma_start3A_390 = arith.constant 0 : i32
    %dma_start3A_391 = tpu.memref_slice %arg2[%select_n3A_323, %select_n3A_299, %select_n3A_339, %dma_start3A_390] : memref<25x32x8x128xi32, #tpu.memory_space<hbm>> -> memref<1x1x1x128xi32, #tpu.memory_space<hbm>>
    %dma_start3A_392 = tpu.memref_squeeze %dma_start3A_391 : memref<1x1x1x128xi32, #tpu.memory_space<hbm>> -> memref<128xi32, #tpu.memory_space<hbm>>
    tpu.enqueue_dma source(%dma_start3A_392 : memref<128xi32, #tpu.memory_space<hbm>>) target(%dma_start3A_389 : memref<128xi32, #tpu.memory_space<vmem>>) target_semaphore(%arg13 : memref<!tpu.dma_semaphore, #tpu.memory_space<semaphore_mem>>)
    %dma_start3A_393 = arith.constant 0 : i32
    %dma_start3A_394 = arith.constant 0 : i32
    %dma_start3A_395 = tpu.memref_slice %arg9[%dma_start3A_393, %dma_start3A_394] : memref<4x128xi32, #tpu.memory_space<vmem>> -> memref<1x128xi32, #tpu.memory_space<vmem>>
    %dma_start3A_396 = tpu.memref_squeeze %dma_start3A_395 : memref<1x128xi32, #tpu.memory_space<vmem>> -> memref<128xi32, #tpu.memory_space<vmem>>
    %dma_start3A_397 = arith.constant 0 : i32
    %dma_start3A_398 = tpu.memref_slice %arg3[%select_n3A_363, %select_n3A_299, %select_n3A_379, %dma_start3A_397] : memref<25x32x8x128xi32, #tpu.memory_space<hbm>> -> memref<1x1x1x128xi32, #tpu.memory_space<hbm>>
    %dma_start3A_399 = tpu.memref_squeeze %dma_start3A_398 : memref<1x1x1x128xi32, #tpu.memory_space<hbm>> -> memref<128xi32, #tpu.memory_space<hbm>>
    %dma_start3A_400 = arith.constant 0 : i32
    %dma_start3A_401 = tpu.memref_slice %arg9[%dma_start3A_393, %dma_start3A_400] : memref<4x128xi32, #tpu.memory_space<vmem>> -> memref<1x128xi32, #tpu.memory_space<vmem>>
    %dma_start3A_402 = tpu.memref_squeeze %dma_start3A_401 : memref<1x128xi32, #tpu.memory_space<vmem>> -> memref<128xi32, #tpu.memory_space<vmem>>
    %dma_start3A_403 = arith.constant 0 : i32
    %dma_start3A_404 = tpu.memref_slice %arg3[%select_n3A_363, %select_n3A_299, %select_n3A_379, %dma_start3A_403] : memref<25x32x8x128xi32, #tpu.memory_space<hbm>> -> memref<1x1x1x128xi32, #tpu.memory_space<hbm>>
    %dma_start3A_405 = tpu.memref_squeeze %dma_start3A_404 : memref<1x1x1x128xi32, #tpu.memory_space<hbm>> -> memref<128xi32, #tpu.memory_space<hbm>>
    tpu.enqueue_dma source(%dma_start3A_405 : memref<128xi32, #tpu.memory_space<hbm>>) target(%dma_start3A_402 : memref<128xi32, #tpu.memory_space<vmem>>) target_semaphore(%arg13 : memref<!tpu.dma_semaphore, #tpu.memory_space<semaphore_mem>>)
    %add3A_406 = arith.constant 1 : i32
    %add3A_407 = arith.addi %mul3A_2, %add3A_406 : i32
    %jit3A_408 = arith.constant 32 : i32
    %div3A_409 = arith.divsi %add3A_407, %jit3A_408 : i32
    %sign3A_410 = arith.constant 0 : i32
    %sign3A_411 = arith.cmpi sgt, %add3A_407, %sign3A_410 : i32
    %sign3A_412 = arith.extui %sign3A_411 : i1 to i32
    %sign3A_413 = arith.constant 0 : i32
    %sign3A_414 = arith.cmpi slt, %add3A_407, %sign3A_413 : i32
    %sign3A_415 = arith.extui %sign3A_414 : i1 to i32
    %sign3A_416 = arith.subi %sign3A_412, %sign3A_415 : i32
    %sign3A_417 = arith.constant 0 : i32
    %sign3A_418 = arith.cmpi sgt, %jit3A_408, %sign3A_417 : i32
    %sign3A_419 = arith.extui %sign3A_418 : i1 to i32
    %sign3A_420 = arith.constant 0 : i32
    %sign3A_421 = arith.cmpi slt, %jit3A_408, %sign3A_420 : i32
    %sign3A_422 = arith.extui %sign3A_421 : i1 to i32
    %sign3A_423 = arith.subi %sign3A_419, %sign3A_422 : i32
    %ne3A_424 = arith.cmpi ne, %sign3A_416, %sign3A_423 : i32
    %rem3A_425 = arith.remsi %add3A_407, %jit3A_408 : i32
    %ne3A_426 = arith.constant 0 : i32
    %ne3A_427 = arith.cmpi ne, %rem3A_425, %ne3A_426 : i32
    %and3A_428 = arith.andi %ne3A_424, %ne3A_427 : i1
    %sub3A_429 = arith.constant 1 : i32
    %sub3A_430 = arith.subi %div3A_409, %sub3A_429 : i32
    %select_n3A_431 = arith.select %and3A_428, %sub3A_430, %div3A_409 : i32
    %add3A_432 = arith.constant 1 : i32
    %add3A_433 = arith.addi %mul3A_2, %add3A_432 : i32
    %jit3A_434 = arith.constant 32 : i32
    %eq3A_435 = arith.constant 0 : i32
    %eq3A_436 = arith.cmpi eq, %jit3A_434, %eq3A_435 : i32
    %jit3A_437 = arith.constant 1 : i32
    %select_n3A_438 = arith.select %eq3A_436, %jit3A_437, %jit3A_434 : i32
    %rem3A_439 = arith.remsi %add3A_433, %select_n3A_438 : i32
    %ne3A_440 = arith.constant 0 : i32
    %ne3A_441 = arith.cmpi ne, %rem3A_439, %ne3A_440 : i32
    %lt3A_442 = arith.constant 0 : i32
    %lt3A_443 = arith.cmpi slt, %rem3A_439, %lt3A_442 : i32
    %lt3A_444 = arith.constant 0 : i32
    %lt3A_445 = arith.cmpi slt, %select_n3A_438, %lt3A_444 : i32
    %ne3A_446 = arith.xori %lt3A_443, %lt3A_445 : i1
    %and3A_447 = arith.andi %ne3A_446, %ne3A_441 : i1
    %add3A_448 = arith.addi %rem3A_439, %select_n3A_438 : i32
    %select_n3A_449 = arith.select %and3A_447, %add3A_448, %rem3A_439 : i32
    %jit3A_450 = arith.constant 8 : i32
    %div3A_451 = arith.divsi %select_n3A_431, %jit3A_450 : i32
    %sign3A_452 = arith.constant 0 : i32
    %sign3A_453 = arith.cmpi sgt, %select_n3A_431, %sign3A_452 : i32
    %sign3A_454 = arith.extui %sign3A_453 : i1 to i32
    %sign3A_455 = arith.constant 0 : i32
    %sign3A_456 = arith.cmpi slt, %select_n3A_431, %sign3A_455 : i32
    %sign3A_457 = arith.extui %sign3A_456 : i1 to i32
    %sign3A_458 = arith.subi %sign3A_454, %sign3A_457 : i32
    %sign3A_459 = arith.constant 0 : i32
    %sign3A_460 = arith.cmpi sgt, %jit3A_450, %sign3A_459 : i32
    %sign3A_461 = arith.extui %sign3A_460 : i1 to i32
    %sign3A_462 = arith.constant 0 : i32
    %sign3A_463 = arith.cmpi slt, %jit3A_450, %sign3A_462 : i32
    %sign3A_464 = arith.extui %sign3A_463 : i1 to i32
    %sign3A_465 = arith.subi %sign3A_461, %sign3A_464 : i32
    %ne3A_466 = arith.cmpi ne, %sign3A_458, %sign3A_465 : i32
    %rem3A_467 = arith.remsi %select_n3A_431, %jit3A_450 : i32
    %ne3A_468 = arith.constant 0 : i32
    %ne3A_469 = arith.cmpi ne, %rem3A_467, %ne3A_468 : i32
    %and3A_470 = arith.andi %ne3A_466, %ne3A_469 : i1
    %sub3A_471 = arith.constant 1 : i32
    %sub3A_472 = arith.subi %div3A_451, %sub3A_471 : i32
    %select_n3A_473 = arith.select %and3A_470, %sub3A_472, %div3A_451 : i32
    %jit3A_474 = arith.constant 8 : i32
    %eq3A_475 = arith.constant 0 : i32
    %eq3A_476 = arith.cmpi eq, %jit3A_474, %eq3A_475 : i32
    %jit3A_477 = arith.constant 1 : i32
    %select_n3A_478 = arith.select %eq3A_476, %jit3A_477, %jit3A_474 : i32
    %rem3A_479 = arith.remsi %select_n3A_431, %select_n3A_478 : i32
    %ne3A_480 = arith.constant 0 : i32
    %ne3A_481 = arith.cmpi ne, %rem3A_479, %ne3A_480 : i32
    %lt3A_482 = arith.constant 0 : i32
    %lt3A_483 = arith.cmpi slt, %rem3A_479, %lt3A_482 : i32
    %lt3A_484 = arith.constant 0 : i32
    %lt3A_485 = arith.cmpi slt, %select_n3A_478, %lt3A_484 : i32
    %ne3A_486 = arith.xori %lt3A_483, %lt3A_485 : i1
    %and3A_487 = arith.andi %ne3A_486, %ne3A_481 : i1
    %add3A_488 = arith.addi %rem3A_479, %select_n3A_478 : i32
    %select_n3A_489 = arith.select %and3A_487, %add3A_488, %rem3A_479 : i32
    %jit3A_490 = arith.constant 8 : i32
    %div3A_491 = arith.divsi %select_n3A_431, %jit3A_490 : i32
    %sign3A_492 = arith.constant 0 : i32
    %sign3A_493 = arith.cmpi sgt, %select_n3A_431, %sign3A_492 : i32
    %sign3A_494 = arith.extui %sign3A_493 : i1 to i32
    %sign3A_495 = arith.constant 0 : i32
    %sign3A_496 = arith.cmpi slt, %select_n3A_431, %sign3A_495 : i32
    %sign3A_497 = arith.extui %sign3A_496 : i1 to i32
    %sign3A_498 = arith.subi %sign3A_494, %sign3A_497 : i32
    %sign3A_499 = arith.constant 0 : i32
    %sign3A_500 = arith.cmpi sgt, %jit3A_490, %sign3A_499 : i32
    %sign3A_501 = arith.extui %sign3A_500 : i1 to i32
    %sign3A_502 = arith.constant 0 : i32
    %sign3A_503 = arith.cmpi slt, %jit3A_490, %sign3A_502 : i32
    %sign3A_504 = arith.extui %sign3A_503 : i1 to i32
    %sign3A_505 = arith.subi %sign3A_501, %sign3A_504 : i32
    %ne3A_506 = arith.cmpi ne, %sign3A_498, %sign3A_505 : i32
    %rem3A_507 = arith.remsi %select_n3A_431, %jit3A_490 : i32
    %ne3A_508 = arith.constant 0 : i32
    %ne3A_509 = arith.cmpi ne, %rem3A_507, %ne3A_508 : i32
    %and3A_510 = arith.andi %ne3A_506, %ne3A_509 : i1
    %sub3A_511 = arith.constant 1 : i32
    %sub3A_512 = arith.subi %div3A_491, %sub3A_511 : i32
    %select_n3A_513 = arith.select %and3A_510, %sub3A_512, %div3A_491 : i32
    %jit3A_514 = arith.constant 8 : i32
    %eq3A_515 = arith.constant 0 : i32
    %eq3A_516 = arith.cmpi eq, %jit3A_514, %eq3A_515 : i32
    %jit3A_517 = arith.constant 1 : i32
    %select_n3A_518 = arith.select %eq3A_516, %jit3A_517, %jit3A_514 : i32
    %rem3A_519 = arith.remsi %select_n3A_431, %select_n3A_518 : i32
    %ne3A_520 = arith.constant 0 : i32
    %ne3A_521 = arith.cmpi ne, %rem3A_519, %ne3A_520 : i32
    %lt3A_522 = arith.constant 0 : i32
    %lt3A_523 = arith.cmpi slt, %rem3A_519, %lt3A_522 : i32
    %lt3A_524 = arith.constant 0 : i32
    %lt3A_525 = arith.cmpi slt, %select_n3A_518, %lt3A_524 : i32
    %ne3A_526 = arith.xori %lt3A_523, %lt3A_525 : i1
    %and3A_527 = arith.andi %ne3A_526, %ne3A_521 : i1
    %add3A_528 = arith.addi %rem3A_519, %select_n3A_518 : i32
    %select_n3A_529 = arith.select %and3A_527, %add3A_528, %rem3A_519 : i32
    %dma_start3A_530 = arith.constant 1 : i32
    %dma_start3A_531 = arith.constant 0 : i32
    %dma_start3A_532 = tpu.memref_slice %arg8[%dma_start3A_530, %dma_start3A_531] : memref<4x128xi32, #tpu.memory_space<vmem>> -> memref<1x128xi32, #tpu.memory_space<vmem>>
    %dma_start3A_533 = tpu.memref_squeeze %dma_start3A_532 : memref<1x128xi32, #tpu.memory_space<vmem>> -> memref<128xi32, #tpu.memory_space<vmem>>
    %dma_start3A_534 = arith.constant 0 : i32
    %dma_start3A_535 = tpu.memref_slice %arg2[%select_n3A_473, %select_n3A_449, %select_n3A_489, %dma_start3A_534] : memref<25x32x8x128xi32, #tpu.memory_space<hbm>> -> memref<1x1x1x128xi32, #tpu.memory_space<hbm>>
    %dma_start3A_536 = tpu.memref_squeeze %dma_start3A_535 : memref<1x1x1x128xi32, #tpu.memory_space<hbm>> -> memref<128xi32, #tpu.memory_space<hbm>>
    %dma_start3A_537 = arith.constant 0 : i32
    %dma_start3A_538 = tpu.memref_slice %arg8[%dma_start3A_530, %dma_start3A_537] : memref<4x128xi32, #tpu.memory_space<vmem>> -> memref<1x128xi32, #tpu.memory_space<vmem>>
    %dma_start3A_539 = tpu.memref_squeeze %dma_start3A_538 : memref<1x128xi32, #tpu.memory_space<vmem>> -> memref<128xi32, #tpu.memory_space<vmem>>
    %dma_start3A_540 = arith.constant 0 : i32
    %dma_start3A_541 = tpu.memref_slice %arg2[%select_n3A_473, %select_n3A_449, %select_n3A_489, %dma_start3A_540] : memref<25x32x8x128xi32, #tpu.memory_space<hbm>> -> memref<1x1x1x128xi32, #tpu.memory_space<hbm>>
    %dma_start3A_542 = tpu.memref_squeeze %dma_start3A_541 : memref<1x1x1x128xi32, #tpu.memory_space<hbm>> -> memref<128xi32, #tpu.memory_space<hbm>>
    tpu.enqueue_dma source(%dma_start3A_542 : memref<128xi32, #tpu.memory_space<hbm>>) target(%dma_start3A_539 : memref<128xi32, #tpu.memory_space<vmem>>) target_semaphore(%arg14 : memref<!tpu.dma_semaphore, #tpu.memory_space<semaphore_mem>>)
    %dma_start3A_543 = arith.constant 1 : i32
    %dma_start3A_544 = arith.constant 0 : i32
    %dma_start3A_545 = tpu.memref_slice %arg9[%dma_start3A_543, %dma_start3A_544] : memref<4x128xi32, #tpu.memory_space<vmem>> -> memref<1x128xi32, #tpu.memory_space<vmem>>
    %dma_start3A_546 = tpu.memref_squeeze %dma_start3A_545 : memref<1x128xi32, #tpu.memory_space<vmem>> -> memref<128xi32, #tpu.memory_space<vmem>>
    %dma_start3A_547 = arith.constant 0 : i32
    %dma_start3A_548 = tpu.memref_slice %arg3[%select_n3A_513, %select_n3A_449, %select_n3A_529, %dma_start3A_547] : memref<25x32x8x128xi32, #tpu.memory_space<hbm>> -> memref<1x1x1x128xi32, #tpu.memory_space<hbm>>
    %dma_start3A_549 = tpu.memref_squeeze %dma_start3A_548 : memref<1x1x1x128xi32, #tpu.memory_space<hbm>> -> memref<128xi32, #tpu.memory_space<hbm>>
    %dma_start3A_550 = arith.constant 0 : i32
    %dma_start3A_551 = tpu.memref_slice %arg9[%dma_start3A_543, %dma_start3A_550] : memref<4x128xi32, #tpu.memory_space<vmem>> -> memref<1x128xi32, #tpu.memory_space<vmem>>
    %dma_start3A_552 = tpu.memref_squeeze %dma_start3A_551 : memref<1x128xi32, #tpu.memory_space<vmem>> -> memref<128xi32, #tpu.memory_space<vmem>>
    %dma_start3A_553 = arith.constant 0 : i32
    %dma_start3A_554 = tpu.memref_slice %arg3[%select_n3A_513, %select_n3A_449, %select_n3A_529, %dma_start3A_553] : memref<25x32x8x128xi32, #tpu.memory_space<hbm>> -> memref<1x1x1x128xi32, #tpu.memory_space<hbm>>
    %dma_start3A_555 = tpu.memref_squeeze %dma_start3A_554 : memref<1x1x1x128xi32, #tpu.memory_space<hbm>> -> memref<128xi32, #tpu.memory_space<hbm>>
    tpu.enqueue_dma source(%dma_start3A_555 : memref<128xi32, #tpu.memory_space<hbm>>) target(%dma_start3A_552 : memref<128xi32, #tpu.memory_space<vmem>>) target_semaphore(%arg14 : memref<!tpu.dma_semaphore, #tpu.memory_space<semaphore_mem>>)
    %add3A_556 = arith.constant 2 : i32
    %add3A_557 = arith.addi %mul3A_2, %add3A_556 : i32
    %jit3A_558 = arith.constant 32 : i32
    %div3A_559 = arith.divsi %add3A_557, %jit3A_558 : i32
    %sign3A_560 = arith.constant 0 : i32
    %sign3A_561 = arith.cmpi sgt, %add3A_557, %sign3A_560 : i32
    %sign3A_562 = arith.extui %sign3A_561 : i1 to i32
    %sign3A_563 = arith.constant 0 : i32
    %sign3A_564 = arith.cmpi slt, %add3A_557, %sign3A_563 : i32
    %sign3A_565 = arith.extui %sign3A_564 : i1 to i32
    %sign3A_566 = arith.subi %sign3A_562, %sign3A_565 : i32
    %sign3A_567 = arith.constant 0 : i32
    %sign3A_568 = arith.cmpi sgt, %jit3A_558, %sign3A_567 : i32
    %sign3A_569 = arith.extui %sign3A_568 : i1 to i32
    %sign3A_570 = arith.constant 0 : i32
    %sign3A_571 = arith.cmpi slt, %jit3A_558, %sign3A_570 : i32
    %sign3A_572 = arith.extui %sign3A_571 : i1 to i32
    %sign3A_573 = arith.subi %sign3A_569, %sign3A_572 : i32
    %ne3A_574 = arith.cmpi ne, %sign3A_566, %sign3A_573 : i32
    %rem3A_575 = arith.remsi %add3A_557, %jit3A_558 : i32
    %ne3A_576 = arith.constant 0 : i32
    %ne3A_577 = arith.cmpi ne, %rem3A_575, %ne3A_576 : i32
    %and3A_578 = arith.andi %ne3A_574, %ne3A_577 : i1
    %sub3A_579 = arith.constant 1 : i32
    %sub3A_580 = arith.subi %div3A_559, %sub3A_579 : i32
    %select_n3A_581 = arith.select %and3A_578, %sub3A_580, %div3A_559 : i32
    %add3A_582 = arith.constant 2 : i32
    %add3A_583 = arith.addi %mul3A_2, %add3A_582 : i32
    %jit3A_584 = arith.constant 32 : i32
    %eq3A_585 = arith.constant 0 : i32
    %eq3A_586 = arith.cmpi eq, %jit3A_584, %eq3A_585 : i32
    %jit3A_587 = arith.constant 1 : i32
    %select_n3A_588 = arith.select %eq3A_586, %jit3A_587, %jit3A_584 : i32
    %rem3A_589 = arith.remsi %add3A_583, %select_n3A_588 : i32
    %ne3A_590 = arith.constant 0 : i32
    %ne3A_591 = arith.cmpi ne, %rem3A_589, %ne3A_590 : i32
    %lt3A_592 = arith.constant 0 : i32
    %lt3A_593 = arith.cmpi slt, %rem3A_589, %lt3A_592 : i32
    %lt3A_594 = arith.constant 0 : i32
    %lt3A_595 = arith.cmpi slt, %select_n3A_588, %lt3A_594 : i32
    %ne3A_596 = arith.xori %lt3A_593, %lt3A_595 : i1
    %and3A_597 = arith.andi %ne3A_596, %ne3A_591 : i1
    %add3A_598 = arith.addi %rem3A_589, %select_n3A_588 : i32
    %select_n3A_599 = arith.select %and3A_597, %add3A_598, %rem3A_589 : i32
    %jit3A_600 = arith.constant 8 : i32
    %div3A_601 = arith.divsi %select_n3A_581, %jit3A_600 : i32
    %sign3A_602 = arith.constant 0 : i32
    %sign3A_603 = arith.cmpi sgt, %select_n3A_581, %sign3A_602 : i32
    %sign3A_604 = arith.extui %sign3A_603 : i1 to i32
    %sign3A_605 = arith.constant 0 : i32
    %sign3A_606 = arith.cmpi slt, %select_n3A_581, %sign3A_605 : i32
    %sign3A_607 = arith.extui %sign3A_606 : i1 to i32
    %sign3A_608 = arith.subi %sign3A_604, %sign3A_607 : i32
    %sign3A_609 = arith.constant 0 : i32
    %sign3A_610 = arith.cmpi sgt, %jit3A_600, %sign3A_609 : i32
    %sign3A_611 = arith.extui %sign3A_610 : i1 to i32
    %sign3A_612 = arith.constant 0 : i32
    %sign3A_613 = arith.cmpi slt, %jit3A_600, %sign3A_612 : i32
    %sign3A_614 = arith.extui %sign3A_613 : i1 to i32
    %sign3A_615 = arith.subi %sign3A_611, %sign3A_614 : i32
    %ne3A_616 = arith.cmpi ne, %sign3A_608, %sign3A_615 : i32
    %rem3A_617 = arith.remsi %select_n3A_581, %jit3A_600 : i32
    %ne3A_618 = arith.constant 0 : i32
    %ne3A_619 = arith.cmpi ne, %rem3A_617, %ne3A_618 : i32
    %and3A_620 = arith.andi %ne3A_616, %ne3A_619 : i1
    %sub3A_621 = arith.constant 1 : i32
    %sub3A_622 = arith.subi %div3A_601, %sub3A_621 : i32
    %select_n3A_623 = arith.select %and3A_620, %sub3A_622, %div3A_601 : i32
    %jit3A_624 = arith.constant 8 : i32
    %eq3A_625 = arith.constant 0 : i32
    %eq3A_626 = arith.cmpi eq, %jit3A_624, %eq3A_625 : i32
    %jit3A_627 = arith.constant 1 : i32
    %select_n3A_628 = arith.select %eq3A_626, %jit3A_627, %jit3A_624 : i32
    %rem3A_629 = arith.remsi %select_n3A_581, %select_n3A_628 : i32
    %ne3A_630 = arith.constant 0 : i32
    %ne3A_631 = arith.cmpi ne, %rem3A_629, %ne3A_630 : i32
    %lt3A_632 = arith.constant 0 : i32
    %lt3A_633 = arith.cmpi slt, %rem3A_629, %lt3A_632 : i32
    %lt3A_634 = arith.constant 0 : i32
    %lt3A_635 = arith.cmpi slt, %select_n3A_628, %lt3A_634 : i32
    %ne3A_636 = arith.xori %lt3A_633, %lt3A_635 : i1
    %and3A_637 = arith.andi %ne3A_636, %ne3A_631 : i1
    %add3A_638 = arith.addi %rem3A_629, %select_n3A_628 : i32
    %select_n3A_639 = arith.select %and3A_637, %add3A_638, %rem3A_629 : i32
    %jit3A_640 = arith.constant 8 : i32
    %div3A_641 = arith.divsi %select_n3A_581, %jit3A_640 : i32
    %sign3A_642 = arith.constant 0 : i32
    %sign3A_643 = arith.cmpi sgt, %select_n3A_581, %sign3A_642 : i32
    %sign3A_644 = arith.extui %sign3A_643 : i1 to i32
    %sign3A_645 = arith.constant 0 : i32
    %sign3A_646 = arith.cmpi slt, %select_n3A_581, %sign3A_645 : i32
    %sign3A_647 = arith.extui %sign3A_646 : i1 to i32
    %sign3A_648 = arith.subi %sign3A_644, %sign3A_647 : i32
    %sign3A_649 = arith.constant 0 : i32
    %sign3A_650 = arith.cmpi sgt, %jit3A_640, %sign3A_649 : i32
    %sign3A_651 = arith.extui %sign3A_650 : i1 to i32
    %sign3A_652 = arith.constant 0 : i32
    %sign3A_653 = arith.cmpi slt, %jit3A_640, %sign3A_652 : i32
    %sign3A_654 = arith.extui %sign3A_653 : i1 to i32
    %sign3A_655 = arith.subi %sign3A_651, %sign3A_654 : i32
    %ne3A_656 = arith.cmpi ne, %sign3A_648, %sign3A_655 : i32
    %rem3A_657 = arith.remsi %select_n3A_581, %jit3A_640 : i32
    %ne3A_658 = arith.constant 0 : i32
    %ne3A_659 = arith.cmpi ne, %rem3A_657, %ne3A_658 : i32
    %and3A_660 = arith.andi %ne3A_656, %ne3A_659 : i1
    %sub3A_661 = arith.constant 1 : i32
    %sub3A_662 = arith.subi %div3A_641, %sub3A_661 : i32
    %select_n3A_663 = arith.select %and3A_660, %sub3A_662, %div3A_641 : i32
    %jit3A_664 = arith.constant 8 : i32
    %eq3A_665 = arith.constant 0 : i32
    %eq3A_666 = arith.cmpi eq, %jit3A_664, %eq3A_665 : i32
    %jit3A_667 = arith.constant 1 : i32
    %select_n3A_668 = arith.select %eq3A_666, %jit3A_667, %jit3A_664 : i32
    %rem3A_669 = arith.remsi %select_n3A_581, %select_n3A_668 : i32
    %ne3A_670 = arith.constant 0 : i32
    %ne3A_671 = arith.cmpi ne, %rem3A_669, %ne3A_670 : i32
    %lt3A_672 = arith.constant 0 : i32
    %lt3A_673 = arith.cmpi slt, %rem3A_669, %lt3A_672 : i32
    %lt3A_674 = arith.constant 0 : i32
    %lt3A_675 = arith.cmpi slt, %select_n3A_668, %lt3A_674 : i32
    %ne3A_676 = arith.xori %lt3A_673, %lt3A_675 : i1
    %and3A_677 = arith.andi %ne3A_676, %ne3A_671 : i1
    %add3A_678 = arith.addi %rem3A_669, %select_n3A_668 : i32
    %select_n3A_679 = arith.select %and3A_677, %add3A_678, %rem3A_669 : i32
    %dma_start3A_680 = arith.constant 2 : i32
    %dma_start3A_681 = arith.constant 0 : i32
    %dma_start3A_682 = tpu.memref_slice %arg8[%dma_start3A_680, %dma_start3A_681] : memref<4x128xi32, #tpu.memory_space<vmem>> -> memref<1x128xi32, #tpu.memory_space<vmem>>
    %dma_start3A_683 = tpu.memref_squeeze %dma_start3A_682 : memref<1x128xi32, #tpu.memory_space<vmem>> -> memref<128xi32, #tpu.memory_space<vmem>>
    %dma_start3A_684 = arith.constant 0 : i32
    %dma_start3A_685 = tpu.memref_slice %arg2[%select_n3A_623, %select_n3A_599, %select_n3A_639, %dma_start3A_684] : memref<25x32x8x128xi32, #tpu.memory_space<hbm>> -> memref<1x1x1x128xi32, #tpu.memory_space<hbm>>
    %dma_start3A_686 = tpu.memref_squeeze %dma_start3A_685 : memref<1x1x1x128xi32, #tpu.memory_space<hbm>> -> memref<128xi32, #tpu.memory_space<hbm>>
    %dma_start3A_687 = arith.constant 0 : i32
    %dma_start3A_688 = tpu.memref_slice %arg8[%dma_start3A_680, %dma_start3A_687] : memref<4x128xi32, #tpu.memory_space<vmem>> -> memref<1x128xi32, #tpu.memory_space<vmem>>
    %dma_start3A_689 = tpu.memref_squeeze %dma_start3A_688 : memref<1x128xi32, #tpu.memory_space<vmem>> -> memref<128xi32, #tpu.memory_space<vmem>>
    %dma_start3A_690 = arith.constant 0 : i32
    %dma_start3A_691 = tpu.memref_slice %arg2[%select_n3A_623, %select_n3A_599, %select_n3A_639, %dma_start3A_690] : memref<25x32x8x128xi32, #tpu.memory_space<hbm>> -> memref<1x1x1x128xi32, #tpu.memory_space<hbm>>
    %dma_start3A_692 = tpu.memref_squeeze %dma_start3A_691 : memref<1x1x1x128xi32, #tpu.memory_space<hbm>> -> memref<128xi32, #tpu.memory_space<hbm>>
    tpu.enqueue_dma source(%dma_start3A_692 : memref<128xi32, #tpu.memory_space<hbm>>) target(%dma_start3A_689 : memref<128xi32, #tpu.memory_space<vmem>>) target_semaphore(%arg15 : memref<!tpu.dma_semaphore, #tpu.memory_space<semaphore_mem>>)
    %dma_start3A_693 = arith.constant 2 : i32
    %dma_start3A_694 = arith.constant 0 : i32
    %dma_start3A_695 = tpu.memref_slice %arg9[%dma_start3A_693, %dma_start3A_694] : memref<4x128xi32, #tpu.memory_space<vmem>> -> memref<1x128xi32, #tpu.memory_space<vmem>>
    %dma_start3A_696 = tpu.memref_squeeze %dma_start3A_695 : memref<1x128xi32, #tpu.memory_space<vmem>> -> memref<128xi32, #tpu.memory_space<vmem>>
    %dma_start3A_697 = arith.constant 0 : i32
    %dma_start3A_698 = tpu.memref_slice %arg3[%select_n3A_663, %select_n3A_599, %select_n3A_679, %dma_start3A_697] : memref<25x32x8x128xi32, #tpu.memory_space<hbm>> -> memref<1x1x1x128xi32, #tpu.memory_space<hbm>>
    %dma_start3A_699 = tpu.memref_squeeze %dma_start3A_698 : memref<1x1x1x128xi32, #tpu.memory_space<hbm>> -> memref<128xi32, #tpu.memory_space<hbm>>
    %dma_start3A_700 = arith.constant 0 : i32
    %dma_start3A_701 = tpu.memref_slice %arg9[%dma_start3A_693, %dma_start3A_700] : memref<4x128xi32, #tpu.memory_space<vmem>> -> memref<1x128xi32, #tpu.memory_space<vmem>>
    %dma_start3A_702 = tpu.memref_squeeze %dma_start3A_701 : memref<1x128xi32, #tpu.memory_space<vmem>> -> memref<128xi32, #tpu.memory_space<vmem>>
    %dma_start3A_703 = arith.constant 0 : i32
    %dma_start3A_704 = tpu.memref_slice %arg3[%select_n3A_663, %select_n3A_599, %select_n3A_679, %dma_start3A_703] : memref<25x32x8x128xi32, #tpu.memory_space<hbm>> -> memref<1x1x1x128xi32, #tpu.memory_space<hbm>>
    %dma_start3A_705 = tpu.memref_squeeze %dma_start3A_704 : memref<1x1x1x128xi32, #tpu.memory_space<hbm>> -> memref<128xi32, #tpu.memory_space<hbm>>
    tpu.enqueue_dma source(%dma_start3A_705 : memref<128xi32, #tpu.memory_space<hbm>>) target(%dma_start3A_702 : memref<128xi32, #tpu.memory_space<vmem>>) target_semaphore(%arg15 : memref<!tpu.dma_semaphore, #tpu.memory_space<semaphore_mem>>)
    %add3A_706 = arith.constant 0 : i32
    %add3A_707 = arith.addi %mul3A_2, %add3A_706 : i32
    %jit3A_708 = arith.constant 32 : i32
    %div3A_709 = arith.divsi %add3A_707, %jit3A_708 : i32
    %sign3A_710 = arith.constant 0 : i32
    %sign3A_711 = arith.cmpi sgt, %add3A_707, %sign3A_710 : i32
    %sign3A_712 = arith.extui %sign3A_711 : i1 to i32
    %sign3A_713 = arith.constant 0 : i32
    %sign3A_714 = arith.cmpi slt, %add3A_707, %sign3A_713 : i32
    %sign3A_715 = arith.extui %sign3A_714 : i1 to i32
    %sign3A_716 = arith.subi %sign3A_712, %sign3A_715 : i32
    %sign3A_717 = arith.constant 0 : i32
    %sign3A_718 = arith.cmpi sgt, %jit3A_708, %sign3A_717 : i32
    %sign3A_719 = arith.extui %sign3A_718 : i1 to i32
    %sign3A_720 = arith.constant 0 : i32
    %sign3A_721 = arith.cmpi slt, %jit3A_708, %sign3A_720 : i32
    %sign3A_722 = arith.extui %sign3A_721 : i1 to i32
    %sign3A_723 = arith.subi %sign3A_719, %sign3A_722 : i32
    %ne3A_724 = arith.cmpi ne, %sign3A_716, %sign3A_723 : i32
    %rem3A_725 = arith.remsi %add3A_707, %jit3A_708 : i32
    %ne3A_726 = arith.constant 0 : i32
    %ne3A_727 = arith.cmpi ne, %rem3A_725, %ne3A_726 : i32
    %and3A_728 = arith.andi %ne3A_724, %ne3A_727 : i1
    %sub3A_729 = arith.constant 1 : i32
    %sub3A_730 = arith.subi %div3A_709, %sub3A_729 : i32
    %select_n3A_731 = arith.select %and3A_728, %sub3A_730, %div3A_709 : i32
    %add3A_732 = arith.constant 0 : i32
    %add3A_733 = arith.addi %mul3A_2, %add3A_732 : i32
    %jit3A_734 = arith.constant 32 : i32
    %eq3A_735 = arith.constant 0 : i32
    %eq3A_736 = arith.cmpi eq, %jit3A_734, %eq3A_735 : i32
    %jit3A_737 = arith.constant 1 : i32
    %select_n3A_738 = arith.select %eq3A_736, %jit3A_737, %jit3A_734 : i32
    %rem3A_739 = arith.remsi %add3A_733, %select_n3A_738 : i32
    %ne3A_740 = arith.constant 0 : i32
    %ne3A_741 = arith.cmpi ne, %rem3A_739, %ne3A_740 : i32
    %lt3A_742 = arith.constant 0 : i32
    %lt3A_743 = arith.cmpi slt, %rem3A_739, %lt3A_742 : i32
    %lt3A_744 = arith.constant 0 : i32
    %lt3A_745 = arith.cmpi slt, %select_n3A_738, %lt3A_744 : i32
    %ne3A_746 = arith.xori %lt3A_743, %lt3A_745 : i1
    %and3A_747 = arith.andi %ne3A_746, %ne3A_741 : i1
    %add3A_748 = arith.addi %rem3A_739, %select_n3A_738 : i32
    %select_n3A_749 = arith.select %and3A_747, %add3A_748, %rem3A_739 : i32
    %jit3A_750 = arith.constant 8 : i32
    %div3A_751 = arith.divsi %select_n3A_731, %jit3A_750 : i32
    %sign3A_752 = arith.constant 0 : i32
    %sign3A_753 = arith.cmpi sgt, %select_n3A_731, %sign3A_752 : i32
    %sign3A_754 = arith.extui %sign3A_753 : i1 to i32
    %sign3A_755 = arith.constant 0 : i32
    %sign3A_756 = arith.cmpi slt, %select_n3A_731, %sign3A_755 : i32
    %sign3A_757 = arith.extui %sign3A_756 : i1 to i32
    %sign3A_758 = arith.subi %sign3A_754, %sign3A_757 : i32
    %sign3A_759 = arith.constant 0 : i32
    %sign3A_760 = arith.cmpi sgt, %jit3A_750, %sign3A_759 : i32
    %sign3A_761 = arith.extui %sign3A_760 : i1 to i32
    %sign3A_762 = arith.constant 0 : i32
    %sign3A_763 = arith.cmpi slt, %jit3A_750, %sign3A_762 : i32
    %sign3A_764 = arith.extui %sign3A_763 : i1 to i32
    %sign3A_765 = arith.subi %sign3A_761, %sign3A_764 : i32
    %ne3A_766 = arith.cmpi ne, %sign3A_758, %sign3A_765 : i32
    %rem3A_767 = arith.remsi %select_n3A_731, %jit3A_750 : i32
    %ne3A_768 = arith.constant 0 : i32
    %ne3A_769 = arith.cmpi ne, %rem3A_767, %ne3A_768 : i32
    %and3A_770 = arith.andi %ne3A_766, %ne3A_769 : i1
    %sub3A_771 = arith.constant 1 : i32
    %sub3A_772 = arith.subi %div3A_751, %sub3A_771 : i32
    %select_n3A_773 = arith.select %and3A_770, %sub3A_772, %div3A_751 : i32
    %jit3A_774 = arith.constant 8 : i32
    %eq3A_775 = arith.constant 0 : i32
    %eq3A_776 = arith.cmpi eq, %jit3A_774, %eq3A_775 : i32
    %jit3A_777 = arith.constant 1 : i32
    %select_n3A_778 = arith.select %eq3A_776, %jit3A_777, %jit3A_774 : i32
    %rem3A_779 = arith.remsi %select_n3A_731, %select_n3A_778 : i32
    %ne3A_780 = arith.constant 0 : i32
    %ne3A_781 = arith.cmpi ne, %rem3A_779, %ne3A_780 : i32
    %lt3A_782 = arith.constant 0 : i32
    %lt3A_783 = arith.cmpi slt, %rem3A_779, %lt3A_782 : i32
    %lt3A_784 = arith.constant 0 : i32
    %lt3A_785 = arith.cmpi slt, %select_n3A_778, %lt3A_784 : i32
    %ne3A_786 = arith.xori %lt3A_783, %lt3A_785 : i1
    %and3A_787 = arith.andi %ne3A_786, %ne3A_781 : i1
    %add3A_788 = arith.addi %rem3A_779, %select_n3A_778 : i32
    %select_n3A_789 = arith.select %and3A_787, %add3A_788, %rem3A_779 : i32
    %jit3A_790 = arith.constant 8 : i32
    %div3A_791 = arith.divsi %select_n3A_731, %jit3A_790 : i32
    %sign3A_792 = arith.constant 0 : i32
    %sign3A_793 = arith.cmpi sgt, %select_n3A_731, %sign3A_792 : i32
    %sign3A_794 = arith.extui %sign3A_793 : i1 to i32
    %sign3A_795 = arith.constant 0 : i32
    %sign3A_796 = arith.cmpi slt, %select_n3A_731, %sign3A_795 : i32
    %sign3A_797 = arith.extui %sign3A_796 : i1 to i32
    %sign3A_798 = arith.subi %sign3A_794, %sign3A_797 : i32
    %sign3A_799 = arith.constant 0 : i32
    %sign3A_800 = arith.cmpi sgt, %jit3A_790, %sign3A_799 : i32
    %sign3A_801 = arith.extui %sign3A_800 : i1 to i32
    %sign3A_802 = arith.constant 0 : i32
    %sign3A_803 = arith.cmpi slt, %jit3A_790, %sign3A_802 : i32
    %sign3A_804 = arith.extui %sign3A_803 : i1 to i32
    %sign3A_805 = arith.subi %sign3A_801, %sign3A_804 : i32
    %ne3A_806 = arith.cmpi ne, %sign3A_798, %sign3A_805 : i32
    %rem3A_807 = arith.remsi %select_n3A_731, %jit3A_790 : i32
    %ne3A_808 = arith.constant 0 : i32
    %ne3A_809 = arith.cmpi ne, %rem3A_807, %ne3A_808 : i32
    %and3A_810 = arith.andi %ne3A_806, %ne3A_809 : i1
    %sub3A_811 = arith.constant 1 : i32
    %sub3A_812 = arith.subi %div3A_791, %sub3A_811 : i32
    %select_n3A_813 = arith.select %and3A_810, %sub3A_812, %div3A_791 : i32
    %jit3A_814 = arith.constant 8 : i32
    %eq3A_815 = arith.constant 0 : i32
    %eq3A_816 = arith.cmpi eq, %jit3A_814, %eq3A_815 : i32
    %jit3A_817 = arith.constant 1 : i32
    %select_n3A_818 = arith.select %eq3A_816, %jit3A_817, %jit3A_814 : i32
    %rem3A_819 = arith.remsi %select_n3A_731, %select_n3A_818 : i32
    %ne3A_820 = arith.constant 0 : i32
    %ne3A_821 = arith.cmpi ne, %rem3A_819, %ne3A_820 : i32
    %lt3A_822 = arith.constant 0 : i32
    %lt3A_823 = arith.cmpi slt, %rem3A_819, %lt3A_822 : i32
    %lt3A_824 = arith.constant 0 : i32
    %lt3A_825 = arith.cmpi slt, %select_n3A_818, %lt3A_824 : i32
    %ne3A_826 = arith.xori %lt3A_823, %lt3A_825 : i1
    %and3A_827 = arith.andi %ne3A_826, %ne3A_821 : i1
    %add3A_828 = arith.addi %rem3A_819, %select_n3A_818 : i32
    %select_n3A_829 = arith.select %and3A_827, %add3A_828, %rem3A_819 : i32
    %dma_wait3A = arith.constant 0 : i32
    %dma_wait3A_830 = arith.constant 0 : i32
    %dma_wait3A_831 = tpu.memref_slice %arg8[%dma_wait3A, %dma_wait3A_830] : memref<4x128xi32, #tpu.memory_space<vmem>> -> memref<1x128xi32, #tpu.memory_space<vmem>>
    %dma_wait3A_832 = tpu.memref_squeeze %dma_wait3A_831 : memref<1x128xi32, #tpu.memory_space<vmem>> -> memref<128xi32, #tpu.memory_space<vmem>>
    %dma_wait3A_833 = arith.constant 0 : i32
    %dma_wait3A_834 = tpu.memref_slice %arg2[%select_n3A_773, %select_n3A_749, %select_n3A_789, %dma_wait3A_833] : memref<25x32x8x128xi32, #tpu.memory_space<hbm>> -> memref<1x1x1x128xi32, #tpu.memory_space<hbm>>
    %dma_wait3A_835 = tpu.memref_squeeze %dma_wait3A_834 : memref<1x1x1x128xi32, #tpu.memory_space<hbm>> -> memref<128xi32, #tpu.memory_space<hbm>>
    %dma_wait3A_836 = arith.constant 0 : i32
    %dma_wait3A_837 = tpu.memref_slice %arg8[%dma_wait3A, %dma_wait3A_836] : memref<4x128xi32, #tpu.memory_space<vmem>> -> memref<1x128xi32, #tpu.memory_space<vmem>>
    %dma_wait3A_838 = tpu.memref_squeeze %dma_wait3A_837 : memref<1x128xi32, #tpu.memory_space<vmem>> -> memref<128xi32, #tpu.memory_space<vmem>>
    %dma_wait3A_839 = arith.constant 0 : i32
    %dma_wait3A_840 = tpu.memref_slice %arg2[%select_n3A_773, %select_n3A_749, %select_n3A_789, %dma_wait3A_839] : memref<25x32x8x128xi32, #tpu.memory_space<hbm>> -> memref<1x1x1x128xi32, #tpu.memory_space<hbm>>
    %dma_wait3A_841 = tpu.memref_squeeze %dma_wait3A_840 : memref<1x1x1x128xi32, #tpu.memory_space<hbm>> -> memref<128xi32, #tpu.memory_space<hbm>>
    tpu.wait_dma2 semaphore(%arg13 : memref<!tpu.dma_semaphore, #tpu.memory_space<semaphore_mem>>) src(%dma_wait3A_841 : memref<128xi32, #tpu.memory_space<hbm>>) dst(%dma_wait3A_838 : memref<128xi32, #tpu.memory_space<vmem>>)
    %dma_wait3A_842 = arith.constant 0 : i32
    %dma_wait3A_843 = arith.constant 0 : i32
    %dma_wait3A_844 = tpu.memref_slice %arg9[%dma_wait3A_842, %dma_wait3A_843] : memref<4x128xi32, #tpu.memory_space<vmem>> -> memref<1x128xi32, #tpu.memory_space<vmem>>
    %dma_wait3A_845 = tpu.memref_squeeze %dma_wait3A_844 : memref<1x128xi32, #tpu.memory_space<vmem>> -> memref<128xi32, #tpu.memory_space<vmem>>
    %dma_wait3A_846 = arith.constant 0 : i32
    %dma_wait3A_847 = tpu.memref_slice %arg3[%select_n3A_813, %select_n3A_749, %select_n3A_829, %dma_wait3A_846] : memref<25x32x8x128xi32, #tpu.memory_space<hbm>> -> memref<1x1x1x128xi32, #tpu.memory_space<hbm>>
    %dma_wait3A_848 = tpu.memref_squeeze %dma_wait3A_847 : memref<1x1x1x128xi32, #tpu.memory_space<hbm>> -> memref<128xi32, #tpu.memory_space<hbm>>
    %dma_wait3A_849 = arith.constant 0 : i32
    %dma_wait3A_850 = tpu.memref_slice %arg9[%dma_wait3A_842, %dma_wait3A_849] : memref<4x128xi32, #tpu.memory_space<vmem>> -> memref<1x128xi32, #tpu.memory_space<vmem>>
    %dma_wait3A_851 = tpu.memref_squeeze %dma_wait3A_850 : memref<1x128xi32, #tpu.memory_space<vmem>> -> memref<128xi32, #tpu.memory_space<vmem>>
    %dma_wait3A_852 = arith.constant 0 : i32
    %dma_wait3A_853 = tpu.memref_slice %arg3[%select_n3A_813, %select_n3A_749, %select_n3A_829, %dma_wait3A_852] : memref<25x32x8x128xi32, #tpu.memory_space<hbm>> -> memref<1x1x1x128xi32, #tpu.memory_space<hbm>>
    %dma_wait3A_854 = tpu.memref_squeeze %dma_wait3A_853 : memref<1x1x1x128xi32, #tpu.memory_space<hbm>> -> memref<128xi32, #tpu.memory_space<hbm>>
    tpu.wait_dma2 semaphore(%arg13 : memref<!tpu.dma_semaphore, #tpu.memory_space<semaphore_mem>>) src(%dma_wait3A_854 : memref<128xi32, #tpu.memory_space<hbm>>) dst(%dma_wait3A_851 : memref<128xi32, #tpu.memory_space<vmem>>)
    %dma_start3A_855 = arith.constant 0 : i32
    %dma_start3A_856 = arith.constant 0 : i32
    %dma_start3A_857 = arith.constant 0 : i32
    %dma_start3A_858 = arith.constant 0 : i32
    %dma_start3A_859 = tpu.memref_slice %arg10[%dma_start3A_856, %dma_start3A_857, %dma_start3A_858] : memref<4x128x64xf32, #tpu.memory_space<vmem>> -> memref<1x128x64xf32, #tpu.memory_space<vmem>>
    %dma_start3A_860 = tpu.memref_squeeze %dma_start3A_859 : memref<1x128x64xf32, #tpu.memory_space<vmem>> -> memref<128x64xf32, #tpu.memory_space<vmem>>
    %dma_start3A_861 = arith.constant 0 : i32
    %dma_start3A_862 = tpu.memref_slice %arg8[%dma_start3A_855, %dma_start3A_861] : memref<4x128xi32, #tpu.memory_space<vmem>> -> memref<1x128xi32, #tpu.memory_space<vmem>>
    %dma_start3A_863 = tpu.memref_squeeze %dma_start3A_862 : memref<1x128xi32, #tpu.memory_space<vmem>> -> memref<128xi32, #tpu.memory_space<vmem>>
    %dma_start3A_864 = arith.constant 0 : i32
    %dma_start3A_865 = arith.constant 0 : i32
    %dma_start3A_866 = tpu.memref_slice %arg4[%dma_start3A_864, %dma_start3A_865] : memref<100000x64xf32, #tpu.memory_space<hbm>> -> memref<100000x64xf32, #tpu.memory_space<hbm>>
    tpu.enqueue_indirect_dma source(%dma_start3A_866 : memref<100000x64xf32, #tpu.memory_space<hbm>>) target(%dma_start3A_860 : memref<128x64xf32, #tpu.memory_space<vmem>>) offsets(%dma_start3A_863 : memref<128xi32, #tpu.memory_space<vmem>>) semaphore(%arg17 : memref<!tpu.dma_semaphore, #tpu.memory_space<semaphore_mem>>)
    %add3A_867 = arith.constant 1 : i32
    %add3A_868 = arith.addi %mul3A_2, %add3A_867 : i32
    %jit3A_869 = arith.constant 32 : i32
    %div3A_870 = arith.divsi %add3A_868, %jit3A_869 : i32
    %sign3A_871 = arith.constant 0 : i32
    %sign3A_872 = arith.cmpi sgt, %add3A_868, %sign3A_871 : i32
    %sign3A_873 = arith.extui %sign3A_872 : i1 to i32
    %sign3A_874 = arith.constant 0 : i32
    %sign3A_875 = arith.cmpi slt, %add3A_868, %sign3A_874 : i32
    %sign3A_876 = arith.extui %sign3A_875 : i1 to i32
    %sign3A_877 = arith.subi %sign3A_873, %sign3A_876 : i32
    %sign3A_878 = arith.constant 0 : i32
    %sign3A_879 = arith.cmpi sgt, %jit3A_869, %sign3A_878 : i32
    %sign3A_880 = arith.extui %sign3A_879 : i1 to i32
    %sign3A_881 = arith.constant 0 : i32
    %sign3A_882 = arith.cmpi slt, %jit3A_869, %sign3A_881 : i32
    %sign3A_883 = arith.extui %sign3A_882 : i1 to i32
    %sign3A_884 = arith.subi %sign3A_880, %sign3A_883 : i32
    %ne3A_885 = arith.cmpi ne, %sign3A_877, %sign3A_884 : i32
    %rem3A_886 = arith.remsi %add3A_868, %jit3A_869 : i32
    %ne3A_887 = arith.constant 0 : i32
    %ne3A_888 = arith.cmpi ne, %rem3A_886, %ne3A_887 : i32
    %and3A_889 = arith.andi %ne3A_885, %ne3A_888 : i1
    %sub3A_890 = arith.constant 1 : i32
    %sub3A_891 = arith.subi %div3A_870, %sub3A_890 : i32
    %select_n3A_892 = arith.select %and3A_889, %sub3A_891, %div3A_870 : i32
    %add3A_893 = arith.constant 1 : i32
    %add3A_894 = arith.addi %mul3A_2, %add3A_893 : i32
    %jit3A_895 = arith.constant 32 : i32
    %eq3A_896 = arith.constant 0 : i32
    %eq3A_897 = arith.cmpi eq, %jit3A_895, %eq3A_896 : i32
    %jit3A_898 = arith.constant 1 : i32
    %select_n3A_899 = arith.select %eq3A_897, %jit3A_898, %jit3A_895 : i32
    %rem3A_900 = arith.remsi %add3A_894, %select_n3A_899 : i32
    %ne3A_901 = arith.constant 0 : i32
    %ne3A_902 = arith.cmpi ne, %rem3A_900, %ne3A_901 : i32
    %lt3A_903 = arith.constant 0 : i32
    %lt3A_904 = arith.cmpi slt, %rem3A_900, %lt3A_903 : i32
    %lt3A_905 = arith.constant 0 : i32
    %lt3A_906 = arith.cmpi slt, %select_n3A_899, %lt3A_905 : i32
    %ne3A_907 = arith.xori %lt3A_904, %lt3A_906 : i1
    %and3A_908 = arith.andi %ne3A_907, %ne3A_902 : i1
    %add3A_909 = arith.addi %rem3A_900, %select_n3A_899 : i32
    %select_n3A_910 = arith.select %and3A_908, %add3A_909, %rem3A_900 : i32
    %jit3A_911 = arith.constant 8 : i32
    %div3A_912 = arith.divsi %select_n3A_892, %jit3A_911 : i32
    %sign3A_913 = arith.constant 0 : i32
    %sign3A_914 = arith.cmpi sgt, %select_n3A_892, %sign3A_913 : i32
    %sign3A_915 = arith.extui %sign3A_914 : i1 to i32
    %sign3A_916 = arith.constant 0 : i32
    %sign3A_917 = arith.cmpi slt, %select_n3A_892, %sign3A_916 : i32
    %sign3A_918 = arith.extui %sign3A_917 : i1 to i32
    %sign3A_919 = arith.subi %sign3A_915, %sign3A_918 : i32
    %sign3A_920 = arith.constant 0 : i32
    %sign3A_921 = arith.cmpi sgt, %jit3A_911, %sign3A_920 : i32
    %sign3A_922 = arith.extui %sign3A_921 : i1 to i32
    %sign3A_923 = arith.constant 0 : i32
    %sign3A_924 = arith.cmpi slt, %jit3A_911, %sign3A_923 : i32
    %sign3A_925 = arith.extui %sign3A_924 : i1 to i32
    %sign3A_926 = arith.subi %sign3A_922, %sign3A_925 : i32
    %ne3A_927 = arith.cmpi ne, %sign3A_919, %sign3A_926 : i32
    %rem3A_928 = arith.remsi %select_n3A_892, %jit3A_911 : i32
    %ne3A_929 = arith.constant 0 : i32
    %ne3A_930 = arith.cmpi ne, %rem3A_928, %ne3A_929 : i32
    %and3A_931 = arith.andi %ne3A_927, %ne3A_930 : i1
    %sub3A_932 = arith.constant 1 : i32
    %sub3A_933 = arith.subi %div3A_912, %sub3A_932 : i32
    %select_n3A_934 = arith.select %and3A_931, %sub3A_933, %div3A_912 : i32
    %jit3A_935 = arith.constant 8 : i32
    %eq3A_936 = arith.constant 0 : i32
    %eq3A_937 = arith.cmpi eq, %jit3A_935, %eq3A_936 : i32
    %jit3A_938 = arith.constant 1 : i32
    %select_n3A_939 = arith.select %eq3A_937, %jit3A_938, %jit3A_935 : i32
    %rem3A_940 = arith.remsi %select_n3A_892, %select_n3A_939 : i32
    %ne3A_941 = arith.constant 0 : i32
    %ne3A_942 = arith.cmpi ne, %rem3A_940, %ne3A_941 : i32
    %lt3A_943 = arith.constant 0 : i32
    %lt3A_944 = arith.cmpi slt, %rem3A_940, %lt3A_943 : i32
    %lt3A_945 = arith.constant 0 : i32
    %lt3A_946 = arith.cmpi slt, %select_n3A_939, %lt3A_945 : i32
    %ne3A_947 = arith.xori %lt3A_944, %lt3A_946 : i1
    %and3A_948 = arith.andi %ne3A_947, %ne3A_942 : i1
    %add3A_949 = arith.addi %rem3A_940, %select_n3A_939 : i32
    %select_n3A_950 = arith.select %and3A_948, %add3A_949, %rem3A_940 : i32
    %jit3A_951 = arith.constant 8 : i32
    %div3A_952 = arith.divsi %select_n3A_892, %jit3A_951 : i32
    %sign3A_953 = arith.constant 0 : i32
    %sign3A_954 = arith.cmpi sgt, %select_n3A_892, %sign3A_953 : i32
    %sign3A_955 = arith.extui %sign3A_954 : i1 to i32
    %sign3A_956 = arith.constant 0 : i32
    %sign3A_957 = arith.cmpi slt, %select_n3A_892, %sign3A_956 : i32
    %sign3A_958 = arith.extui %sign3A_957 : i1 to i32
    %sign3A_959 = arith.subi %sign3A_955, %sign3A_958 : i32
    %sign3A_960 = arith.constant 0 : i32
    %sign3A_961 = arith.cmpi sgt, %jit3A_951, %sign3A_960 : i32
    %sign3A_962 = arith.extui %sign3A_961 : i1 to i32
    %sign3A_963 = arith.constant 0 : i32
    %sign3A_964 = arith.cmpi slt, %jit3A_951, %sign3A_963 : i32
    %sign3A_965 = arith.extui %sign3A_964 : i1 to i32
    %sign3A_966 = arith.subi %sign3A_962, %sign3A_965 : i32
    %ne3A_967 = arith.cmpi ne, %sign3A_959, %sign3A_966 : i32
    %rem3A_968 = arith.remsi %select_n3A_892, %jit3A_951 : i32
    %ne3A_969 = arith.constant 0 : i32
    %ne3A_970 = arith.cmpi ne, %rem3A_968, %ne3A_969 : i32
    %and3A_971 = arith.andi %ne3A_967, %ne3A_970 : i1
    %sub3A_972 = arith.constant 1 : i32
    %sub3A_973 = arith.subi %div3A_952, %sub3A_972 : i32
    %select_n3A_974 = arith.select %and3A_971, %sub3A_973, %div3A_952 : i32
    %jit3A_975 = arith.constant 8 : i32
    %eq3A_976 = arith.constant 0 : i32
    %eq3A_977 = arith.cmpi eq, %jit3A_975, %eq3A_976 : i32
    %jit3A_978 = arith.constant 1 : i32
    %select_n3A_979 = arith.select %eq3A_977, %jit3A_978, %jit3A_975 : i32
    %rem3A_980 = arith.remsi %select_n3A_892, %select_n3A_979 : i32
    %ne3A_981 = arith.constant 0 : i32
    %ne3A_982 = arith.cmpi ne, %rem3A_980, %ne3A_981 : i32
    %lt3A_983 = arith.constant 0 : i32
    %lt3A_984 = arith.cmpi slt, %rem3A_980, %lt3A_983 : i32
    %lt3A_985 = arith.constant 0 : i32
    %lt3A_986 = arith.cmpi slt, %select_n3A_979, %lt3A_985 : i32
    %ne3A_987 = arith.xori %lt3A_984, %lt3A_986 : i1
    %and3A_988 = arith.andi %ne3A_987, %ne3A_982 : i1
    %add3A_989 = arith.addi %rem3A_980, %select_n3A_979 : i32
    %select_n3A_990 = arith.select %and3A_988, %add3A_989, %rem3A_980 : i32
    %dma_wait3A_991 = arith.constant 1 : i32
    %dma_wait3A_992 = arith.constant 0 : i32
    %dma_wait3A_993 = tpu.memref_slice %arg8[%dma_wait3A_991, %dma_wait3A_992] : memref<4x128xi32, #tpu.memory_space<vmem>> -> memref<1x128xi32, #tpu.memory_space<vmem>>
    %dma_wait3A_994 = tpu.memref_squeeze %dma_wait3A_993 : memref<1x128xi32, #tpu.memory_space<vmem>> -> memref<128xi32, #tpu.memory_space<vmem>>
    %dma_wait3A_995 = arith.constant 0 : i32
    %dma_wait3A_996 = tpu.memref_slice %arg2[%select_n3A_934, %select_n3A_910, %select_n3A_950, %dma_wait3A_995] : memref<25x32x8x128xi32, #tpu.memory_space<hbm>> -> memref<1x1x1x128xi32, #tpu.memory_space<hbm>>
    %dma_wait3A_997 = tpu.memref_squeeze %dma_wait3A_996 : memref<1x1x1x128xi32, #tpu.memory_space<hbm>> -> memref<128xi32, #tpu.memory_space<hbm>>
    %dma_wait3A_998 = arith.constant 0 : i32
    %dma_wait3A_999 = tpu.memref_slice %arg8[%dma_wait3A_991, %dma_wait3A_998] : memref<4x128xi32, #tpu.memory_space<vmem>> -> memref<1x128xi32, #tpu.memory_space<vmem>>
    %dma_wait3A_1000 = tpu.memref_squeeze %dma_wait3A_999 : memref<1x128xi32, #tpu.memory_space<vmem>> -> memref<128xi32, #tpu.memory_space<vmem>>
    %dma_wait3A_1001 = arith.constant 0 : i32
    %dma_wait3A_1002 = tpu.memref_slice %arg2[%select_n3A_934, %select_n3A_910, %select_n3A_950, %dma_wait3A_1001] : memref<25x32x8x128xi32, #tpu.memory_space<hbm>> -> memref<1x1x1x128xi32, #tpu.memory_space<hbm>>
    %dma_wait3A_1003 = tpu.memref_squeeze %dma_wait3A_1002 : memref<1x1x1x128xi32, #tpu.memory_space<hbm>> -> memref<128xi32, #tpu.memory_space<hbm>>
    tpu.wait_dma2 semaphore(%arg14 : memref<!tpu.dma_semaphore, #tpu.memory_space<semaphore_mem>>) src(%dma_wait3A_1003 : memref<128xi32, #tpu.memory_space<hbm>>) dst(%dma_wait3A_1000 : memref<128xi32, #tpu.memory_space<vmem>>)
    %dma_wait3A_1004 = arith.constant 1 : i32
    %dma_wait3A_1005 = arith.constant 0 : i32
    %dma_wait3A_1006 = tpu.memref_slice %arg9[%dma_wait3A_1004, %dma_wait3A_1005] : memref<4x128xi32, #tpu.memory_space<vmem>> -> memref<1x128xi32, #tpu.memory_space<vmem>>
    %dma_wait3A_1007 = tpu.memref_squeeze %dma_wait3A_1006 : memref<1x128xi32, #tpu.memory_space<vmem>> -> memref<128xi32, #tpu.memory_space<vmem>>
    %dma_wait3A_1008 = arith.constant 0 : i32
    %dma_wait3A_1009 = tpu.memref_slice %arg3[%select_n3A_974, %select_n3A_910, %select_n3A_990, %dma_wait3A_1008] : memref<25x32x8x128xi32, #tpu.memory_space<hbm>> -> memref<1x1x1x128xi32, #tpu.memory_space<hbm>>
    %dma_wait3A_1010 = tpu.memref_squeeze %dma_wait3A_1009 : memref<1x1x1x128xi32, #tpu.memory_space<hbm>> -> memref<128xi32, #tpu.memory_space<hbm>>
    %dma_wait3A_1011 = arith.constant 0 : i32
    %dma_wait3A_1012 = tpu.memref_slice %arg9[%dma_wait3A_1004, %dma_wait3A_1011] : memref<4x128xi32, #tpu.memory_space<vmem>> -> memref<1x128xi32, #tpu.memory_space<vmem>>
    %dma_wait3A_1013 = tpu.memref_squeeze %dma_wait3A_1012 : memref<1x128xi32, #tpu.memory_space<vmem>> -> memref<128xi32, #tpu.memory_space<vmem>>
    %dma_wait3A_1014 = arith.constant 0 : i32
    %dma_wait3A_1015 = tpu.memref_slice %arg3[%select_n3A_974, %select_n3A_910, %select_n3A_990, %dma_wait3A_1014] : memref<25x32x8x128xi32, #tpu.memory_space<hbm>> -> memref<1x1x1x128xi32, #tpu.memory_space<hbm>>
    %dma_wait3A_1016 = tpu.memref_squeeze %dma_wait3A_1015 : memref<1x1x1x128xi32, #tpu.memory_space<hbm>> -> memref<128xi32, #tpu.memory_space<hbm>>
    tpu.wait_dma2 semaphore(%arg14 : memref<!tpu.dma_semaphore, #tpu.memory_space<semaphore_mem>>) src(%dma_wait3A_1016 : memref<128xi32, #tpu.memory_space<hbm>>) dst(%dma_wait3A_1013 : memref<128xi32, #tpu.memory_space<vmem>>)
    %dma_start3A_1017 = arith.constant 1 : i32
    %dma_start3A_1018 = arith.constant 1 : i32
    %dma_start3A_1019 = arith.constant 0 : i32
    %dma_start3A_1020 = arith.constant 0 : i32
    %dma_start3A_1021 = tpu.memref_slice %arg10[%dma_start3A_1018, %dma_start3A_1019, %dma_start3A_1020] : memref<4x128x64xf32, #tpu.memory_space<vmem>> -> memref<1x128x64xf32, #tpu.memory_space<vmem>>
    %dma_start3A_1022 = tpu.memref_squeeze %dma_start3A_1021 : memref<1x128x64xf32, #tpu.memory_space<vmem>> -> memref<128x64xf32, #tpu.memory_space<vmem>>
    %dma_start3A_1023 = arith.constant 0 : i32
    %dma_start3A_1024 = tpu.memref_slice %arg8[%dma_start3A_1017, %dma_start3A_1023] : memref<4x128xi32, #tpu.memory_space<vmem>> -> memref<1x128xi32, #tpu.memory_space<vmem>>
    %dma_start3A_1025 = tpu.memref_squeeze %dma_start3A_1024 : memref<1x128xi32, #tpu.memory_space<vmem>> -> memref<128xi32, #tpu.memory_space<vmem>>
    %dma_start3A_1026 = arith.constant 0 : i32
    %dma_start3A_1027 = arith.constant 0 : i32
    %dma_start3A_1028 = tpu.memref_slice %arg4[%dma_start3A_1026, %dma_start3A_1027] : memref<100000x64xf32, #tpu.memory_space<hbm>> -> memref<100000x64xf32, #tpu.memory_space<hbm>>
    tpu.enqueue_indirect_dma source(%dma_start3A_1028 : memref<100000x64xf32, #tpu.memory_space<hbm>>) target(%dma_start3A_1022 : memref<128x64xf32, #tpu.memory_space<vmem>>) offsets(%dma_start3A_1025 : memref<128xi32, #tpu.memory_space<vmem>>) semaphore(%arg18 : memref<!tpu.dma_semaphore, #tpu.memory_space<semaphore_mem>>)
    %dma_wait3A_1029 = arith.constant 0 : i32
    %dma_wait3A_1030 = arith.constant 0 : i32
    %dma_wait3A_1031 = arith.constant 0 : i32
    %dma_wait3A_1032 = arith.constant 0 : i32
    %dma_wait3A_1033 = tpu.memref_slice %arg10[%dma_wait3A_1030, %dma_wait3A_1031, %dma_wait3A_1032] : memref<4x128x64xf32, #tpu.memory_space<vmem>> -> memref<1x128x64xf32, #tpu.memory_space<vmem>>
    %dma_wait3A_1034 = tpu.memref_squeeze %dma_wait3A_1033 : memref<1x128x64xf32, #tpu.memory_space<vmem>> -> memref<128x64xf32, #tpu.memory_space<vmem>>
    %dma_wait3A_1035 = arith.constant 0 : i32
    %dma_wait3A_1036 = tpu.memref_slice %arg8[%dma_wait3A_1029, %dma_wait3A_1035] : memref<4x128xi32, #tpu.memory_space<vmem>> -> memref<1x128xi32, #tpu.memory_space<vmem>>
    %dma_wait3A_1037 = tpu.memref_squeeze %dma_wait3A_1036 : memref<1x128xi32, #tpu.memory_space<vmem>> -> memref<128xi32, #tpu.memory_space<vmem>>
    %dma_wait3A_1038 = arith.constant 0 : i32
    %dma_wait3A_1039 = arith.constant 0 : i32
    %dma_wait3A_1040 = tpu.memref_slice %arg4[%dma_wait3A_1038, %dma_wait3A_1039] : memref<100000x64xf32, #tpu.memory_space<hbm>> -> memref<100000x64xf32, #tpu.memory_space<hbm>>
    tpu.wait_indirect_dma semaphore(%arg17 : memref<!tpu.dma_semaphore, #tpu.memory_space<semaphore_mem>>) src(%dma_wait3A_1040 : memref<100000x64xf32, #tpu.memory_space<hbm>>) dst(%dma_wait3A_1034 : memref<128x64xf32, #tpu.memory_space<vmem>>)
    %dma_start3A_1041 = arith.constant 0 : i32
    %dma_start3A_1042 = arith.constant 0 : i32
    %dma_start3A_1043 = arith.constant 0 : i32
    %dma_start3A_1044 = arith.constant 0 : i32
    %dma_start3A_1045 = tpu.memref_slice %arg10[%dma_start3A_1042, %dma_start3A_1043, %dma_start3A_1044] : memref<4x128x64xf32, #tpu.memory_space<vmem>> -> memref<1x128x64xf32, #tpu.memory_space<vmem>>
    %dma_start3A_1046 = tpu.memref_squeeze %dma_start3A_1045 : memref<1x128x64xf32, #tpu.memory_space<vmem>> -> memref<128x64xf32, #tpu.memory_space<vmem>>
    %dma_start3A_1047 = arith.constant 0 : i32
    %dma_start3A_1048 = tpu.memref_slice %arg9[%dma_start3A_1041, %dma_start3A_1047] : memref<4x128xi32, #tpu.memory_space<vmem>> -> memref<1x128xi32, #tpu.memory_space<vmem>>
    %dma_start3A_1049 = tpu.memref_squeeze %dma_start3A_1048 : memref<1x128xi32, #tpu.memory_space<vmem>> -> memref<128xi32, #tpu.memory_space<vmem>>
    %dma_start3A_1050 = arith.constant 0 : i32
    %dma_start3A_1051 = arith.constant 0 : i32
    %dma_start3A_1052 = tpu.memref_slice %arg5[%dma_start3A_1050, %dma_start3A_1051] : memref<1000x64xf32, #tpu.memory_space<hbm>> -> memref<1000x64xf32, #tpu.memory_space<hbm>>
    tpu.enqueue_indirect_dma source(%dma_start3A_1052 : memref<1000x64xf32, #tpu.memory_space<hbm>>) target(%dma_start3A_1046 : memref<128x64xf32, #tpu.memory_space<vmem>>) offsets(%dma_start3A_1049 : memref<128xi32, #tpu.memory_space<vmem>>) semaphore(%arg21 : memref<!tpu.dma_semaphore, #tpu.memory_space<semaphore_mem>>) {add = true}
    %dma_wait3A_1053 = arith.constant 0 : i32
    %dma_wait3A_1054 = tpu.memref_slice %arg6[%select_n3A, %dma_wait3A_1053] : memref<208x64xf32, #tpu.memory_space<hbm>> -> memref<8x64xf32, #tpu.memory_space<hbm>>
    %dma_wait3A_1055 = arith.constant 0 : i32
    %dma_wait3A_1056 = tpu.memref_slice %arg6[%select_n3A, %dma_wait3A_1055] : memref<208x64xf32, #tpu.memory_space<hbm>> -> memref<8x64xf32, #tpu.memory_space<hbm>>
    tpu.wait_dma2 semaphore(%arg27 : memref<!tpu.dma_semaphore, #tpu.memory_space<semaphore_mem>>) src(%dma_wait3A_1056 : memref<8x64xf32, #tpu.memory_space<hbm>>) dst(%arg12 : memref<8x64xf32, #tpu.memory_space<vmem>>)
    %scan3A = arith.constant 0 : i32
    %scan3A_1057 = arith.constant 0 : i32
    %scan3A_1058 = arith.constant 50 : i32
    %scan3A_1059 = arith.addi %scan3A_1057, %scan3A_1058 : i32
    %scan3A_1060 = arith.constant 1 : i32
    scf.for %scan3A_1192 = %scan3A_1057 to %scan3A_1059 step %scan3A_1060  : i32 {
      %mul3A_1193 = arith.constant 4 : i32
      %mul3A_1194 = arith.muli %scan3A_1192, %mul3A_1193 : i32
      %add3A_1195 = arith.constant 0 : i32
      %add3A_1196 = arith.addi %mul3A_1194, %add3A_1195 : i32
      %add3A_1197 = arith.constant 1 : i32
      %add3A_1198 = arith.addi %add3A_1196, %add3A_1197 : i32
      %lt3A_1199 = arith.constant 200 : i32
      %lt3A_1200 = arith.cmpi slt, %add3A_1198, %lt3A_1199 : i32
      %convert_element_type3A = arith.extui %lt3A_1200 : i1 to i32
      %cond3A = arith.constant 0 : i32
      %cond3A_1201 = arith.cmpi ne, %convert_element_type3A, %cond3A : i32
      scf.if %cond3A_1201 {
        %dma_wait3A_1785 = arith.constant 1 : i32
        %dma_wait3A_1786 = arith.constant 1 : i32
        %dma_wait3A_1787 = arith.constant 0 : i32
        %dma_wait3A_1788 = arith.constant 0 : i32
        %dma_wait3A_1789 = tpu.memref_slice %arg10[%dma_wait3A_1786, %dma_wait3A_1787, %dma_wait3A_1788] : memref<4x128x64xf32, #tpu.memory_space<vmem>> -> memref<1x128x64xf32, #tpu.memory_space<vmem>>
        %dma_wait3A_1790 = tpu.memref_squeeze %dma_wait3A_1789 : memref<1x128x64xf32, #tpu.memory_space<vmem>> -> memref<128x64xf32, #tpu.memory_space<vmem>>
        %dma_wait3A_1791 = arith.constant 0 : i32
        %dma_wait3A_1792 = tpu.memref_slice %arg8[%dma_wait3A_1785, %dma_wait3A_1791] : memref<4x128xi32, #tpu.memory_space<vmem>> -> memref<1x128xi32, #tpu.memory_space<vmem>>
        %dma_wait3A_1793 = tpu.memref_squeeze %dma_wait3A_1792 : memref<1x128xi32, #tpu.memory_space<vmem>> -> memref<128xi32, #tpu.memory_space<vmem>>
        %dma_wait3A_1794 = arith.constant 0 : i32
        %dma_wait3A_1795 = arith.constant 0 : i32
        %dma_wait3A_1796 = tpu.memref_slice %arg4[%dma_wait3A_1794, %dma_wait3A_1795] : memref<100000x64xf32, #tpu.memory_space<hbm>> -> memref<100000x64xf32, #tpu.memory_space<hbm>>
        tpu.wait_indirect_dma semaphore(%arg18 : memref<!tpu.dma_semaphore, #tpu.memory_space<semaphore_mem>>) src(%dma_wait3A_1796 : memref<100000x64xf32, #tpu.memory_space<hbm>>) dst(%dma_wait3A_1790 : memref<128x64xf32, #tpu.memory_space<vmem>>)
        %dma_start3A_1797 = arith.constant 1 : i32
        %dma_start3A_1798 = arith.constant 1 : i32
        %dma_start3A_1799 = arith.constant 0 : i32
        %dma_start3A_1800 = arith.constant 0 : i32
        %dma_start3A_1801 = tpu.memref_slice %arg10[%dma_start3A_1798, %dma_start3A_1799, %dma_start3A_1800] : memref<4x128x64xf32, #tpu.memory_space<vmem>> -> memref<1x128x64xf32, #tpu.memory_space<vmem>>
        %dma_start3A_1802 = tpu.memref_squeeze %dma_start3A_1801 : memref<1x128x64xf32, #tpu.memory_space<vmem>> -> memref<128x64xf32, #tpu.memory_space<vmem>>
        %dma_start3A_1803 = arith.constant 0 : i32
        %dma_start3A_1804 = tpu.memref_slice %arg9[%dma_start3A_1797, %dma_start3A_1803] : memref<4x128xi32, #tpu.memory_space<vmem>> -> memref<1x128xi32, #tpu.memory_space<vmem>>
        %dma_start3A_1805 = tpu.memref_squeeze %dma_start3A_1804 : memref<1x128xi32, #tpu.memory_space<vmem>> -> memref<128xi32, #tpu.memory_space<vmem>>
        %dma_start3A_1806 = arith.constant 0 : i32
        %dma_start3A_1807 = arith.constant 0 : i32
        %dma_start3A_1808 = tpu.memref_slice %arg5[%dma_start3A_1806, %dma_start3A_1807] : memref<1000x64xf32, #tpu.memory_space<hbm>> -> memref<1000x64xf32, #tpu.memory_space<hbm>>
        tpu.enqueue_indirect_dma source(%dma_start3A_1808 : memref<1000x64xf32, #tpu.memory_space<hbm>>) target(%dma_start3A_1802 : memref<128x64xf32, #tpu.memory_space<vmem>>) offsets(%dma_start3A_1805 : memref<128xi32, #tpu.memory_space<vmem>>) semaphore(%arg22 : memref<!tpu.dma_semaphore, #tpu.memory_space<semaphore_mem>>) {add = true}
      } else {
      }
      %add3A_1202 = arith.constant 2 : i32
      %add3A_1203 = arith.addi %add3A_1196, %add3A_1202 : i32
      %lt3A_1204 = arith.constant 200 : i32
      %lt3A_1205 = arith.cmpi slt, %add3A_1203, %lt3A_1204 : i32
      %convert_element_type3A_1206 = arith.extui %lt3A_1205 : i1 to i32
      %cond3A_1207 = arith.constant 0 : i32
      %cond3A_1208 = arith.cmpi ne, %convert_element_type3A_1206, %cond3A_1207 : i32
      scf.if %cond3A_1208 {
        %add3A_1785 = arith.constant 2 : i32
        %add3A_1786 = arith.addi %add3A_1196, %add3A_1785 : i32
        %add3A_1787 = arith.addi %mul3A_2, %add3A_1786 : i32
        %jit3A_1788 = arith.constant 32 : i32
        %div3A_1789 = arith.divsi %add3A_1787, %jit3A_1788 : i32
        %sign3A_1790 = arith.constant 0 : i32
        %sign3A_1791 = arith.cmpi sgt, %add3A_1787, %sign3A_1790 : i32
        %sign3A_1792 = arith.extui %sign3A_1791 : i1 to i32
        %sign3A_1793 = arith.constant 0 : i32
        %sign3A_1794 = arith.cmpi slt, %add3A_1787, %sign3A_1793 : i32
        %sign3A_1795 = arith.extui %sign3A_1794 : i1 to i32
        %sign3A_1796 = arith.subi %sign3A_1792, %sign3A_1795 : i32
        %sign3A_1797 = arith.constant 0 : i32
        %sign3A_1798 = arith.cmpi sgt, %jit3A_1788, %sign3A_1797 : i32
        %sign3A_1799 = arith.extui %sign3A_1798 : i1 to i32
        %sign3A_1800 = arith.constant 0 : i32
        %sign3A_1801 = arith.cmpi slt, %jit3A_1788, %sign3A_1800 : i32
        %sign3A_1802 = arith.extui %sign3A_1801 : i1 to i32
        %sign3A_1803 = arith.subi %sign3A_1799, %sign3A_1802 : i32
        %ne3A_1804 = arith.cmpi ne, %sign3A_1796, %sign3A_1803 : i32
        %rem3A_1805 = arith.remsi %add3A_1787, %jit3A_1788 : i32
        %ne3A_1806 = arith.constant 0 : i32
        %ne3A_1807 = arith.cmpi ne, %rem3A_1805, %ne3A_1806 : i32
        %and3A_1808 = arith.andi %ne3A_1804, %ne3A_1807 : i1
        %sub3A_1809 = arith.constant 1 : i32
        %sub3A_1810 = arith.subi %div3A_1789, %sub3A_1809 : i32
        %select_n3A_1811 = arith.select %and3A_1808, %sub3A_1810, %div3A_1789 : i32
        %add3A_1812 = arith.addi %mul3A_2, %add3A_1786 : i32
        %jit3A_1813 = arith.constant 32 : i32
        %eq3A_1814 = arith.constant 0 : i32
        %eq3A_1815 = arith.cmpi eq, %jit3A_1813, %eq3A_1814 : i32
        %jit3A_1816 = arith.constant 1 : i32
        %select_n3A_1817 = arith.select %eq3A_1815, %jit3A_1816, %jit3A_1813 : i32
        %rem3A_1818 = arith.remsi %add3A_1812, %select_n3A_1817 : i32
        %ne3A_1819 = arith.constant 0 : i32
        %ne3A_1820 = arith.cmpi ne, %rem3A_1818, %ne3A_1819 : i32
        %lt3A_1821 = arith.constant 0 : i32
        %lt3A_1822 = arith.cmpi slt, %rem3A_1818, %lt3A_1821 : i32
        %lt3A_1823 = arith.constant 0 : i32
        %lt3A_1824 = arith.cmpi slt, %select_n3A_1817, %lt3A_1823 : i32
        %ne3A_1825 = arith.xori %lt3A_1822, %lt3A_1824 : i1
        %and3A_1826 = arith.andi %ne3A_1825, %ne3A_1820 : i1
        %add3A_1827 = arith.addi %rem3A_1818, %select_n3A_1817 : i32
        %select_n3A_1828 = arith.select %and3A_1826, %add3A_1827, %rem3A_1818 : i32
        %jit3A_1829 = arith.constant 8 : i32
        %div3A_1830 = arith.divsi %select_n3A_1811, %jit3A_1829 : i32
        %sign3A_1831 = arith.constant 0 : i32
        %sign3A_1832 = arith.cmpi sgt, %select_n3A_1811, %sign3A_1831 : i32
        %sign3A_1833 = arith.extui %sign3A_1832 : i1 to i32
        %sign3A_1834 = arith.constant 0 : i32
        %sign3A_1835 = arith.cmpi slt, %select_n3A_1811, %sign3A_1834 : i32
        %sign3A_1836 = arith.extui %sign3A_1835 : i1 to i32
        %sign3A_1837 = arith.subi %sign3A_1833, %sign3A_1836 : i32
        %sign3A_1838 = arith.constant 0 : i32
        %sign3A_1839 = arith.cmpi sgt, %jit3A_1829, %sign3A_1838 : i32
        %sign3A_1840 = arith.extui %sign3A_1839 : i1 to i32
        %sign3A_1841 = arith.constant 0 : i32
        %sign3A_1842 = arith.cmpi slt, %jit3A_1829, %sign3A_1841 : i32
        %sign3A_1843 = arith.extui %sign3A_1842 : i1 to i32
        %sign3A_1844 = arith.subi %sign3A_1840, %sign3A_1843 : i32
        %ne3A_1845 = arith.cmpi ne, %sign3A_1837, %sign3A_1844 : i32
        %rem3A_1846 = arith.remsi %select_n3A_1811, %jit3A_1829 : i32
        %ne3A_1847 = arith.constant 0 : i32
        %ne3A_1848 = arith.cmpi ne, %rem3A_1846, %ne3A_1847 : i32
        %and3A_1849 = arith.andi %ne3A_1845, %ne3A_1848 : i1
        %sub3A_1850 = arith.constant 1 : i32
        %sub3A_1851 = arith.subi %div3A_1830, %sub3A_1850 : i32
        %select_n3A_1852 = arith.select %and3A_1849, %sub3A_1851, %div3A_1830 : i32
        %jit3A_1853 = arith.constant 8 : i32
        %eq3A_1854 = arith.constant 0 : i32
        %eq3A_1855 = arith.cmpi eq, %jit3A_1853, %eq3A_1854 : i32
        %jit3A_1856 = arith.constant 1 : i32
        %select_n3A_1857 = arith.select %eq3A_1855, %jit3A_1856, %jit3A_1853 : i32
        %rem3A_1858 = arith.remsi %select_n3A_1811, %select_n3A_1857 : i32
        %ne3A_1859 = arith.constant 0 : i32
        %ne3A_1860 = arith.cmpi ne, %rem3A_1858, %ne3A_1859 : i32
        %lt3A_1861 = arith.constant 0 : i32
        %lt3A_1862 = arith.cmpi slt, %rem3A_1858, %lt3A_1861 : i32
        %lt3A_1863 = arith.constant 0 : i32
        %lt3A_1864 = arith.cmpi slt, %select_n3A_1857, %lt3A_1863 : i32
        %ne3A_1865 = arith.xori %lt3A_1862, %lt3A_1864 : i1
        %and3A_1866 = arith.andi %ne3A_1865, %ne3A_1860 : i1
        %add3A_1867 = arith.addi %rem3A_1858, %select_n3A_1857 : i32
        %select_n3A_1868 = arith.select %and3A_1866, %add3A_1867, %rem3A_1858 : i32
        %jit3A_1869 = arith.constant 8 : i32
        %div3A_1870 = arith.divsi %select_n3A_1811, %jit3A_1869 : i32
        %sign3A_1871 = arith.constant 0 : i32
        %sign3A_1872 = arith.cmpi sgt, %select_n3A_1811, %sign3A_1871 : i32
        %sign3A_1873 = arith.extui %sign3A_1872 : i1 to i32
        %sign3A_1874 = arith.constant 0 : i32
        %sign3A_1875 = arith.cmpi slt, %select_n3A_1811, %sign3A_1874 : i32
        %sign3A_1876 = arith.extui %sign3A_1875 : i1 to i32
        %sign3A_1877 = arith.subi %sign3A_1873, %sign3A_1876 : i32
        %sign3A_1878 = arith.constant 0 : i32
        %sign3A_1879 = arith.cmpi sgt, %jit3A_1869, %sign3A_1878 : i32
        %sign3A_1880 = arith.extui %sign3A_1879 : i1 to i32
        %sign3A_1881 = arith.constant 0 : i32
        %sign3A_1882 = arith.cmpi slt, %jit3A_1869, %sign3A_1881 : i32
        %sign3A_1883 = arith.extui %sign3A_1882 : i1 to i32
        %sign3A_1884 = arith.subi %sign3A_1880, %sign3A_1883 : i32
        %ne3A_1885 = arith.cmpi ne, %sign3A_1877, %sign3A_1884 : i32
        %rem3A_1886 = arith.remsi %select_n3A_1811, %jit3A_1869 : i32
        %ne3A_1887 = arith.constant 0 : i32
        %ne3A_1888 = arith.cmpi ne, %rem3A_1886, %ne3A_1887 : i32
        %and3A_1889 = arith.andi %ne3A_1885, %ne3A_1888 : i1
        %sub3A_1890 = arith.constant 1 : i32
        %sub3A_1891 = arith.subi %div3A_1870, %sub3A_1890 : i32
        %select_n3A_1892 = arith.select %and3A_1889, %sub3A_1891, %div3A_1870 : i32
        %jit3A_1893 = arith.constant 8 : i32
        %eq3A_1894 = arith.constant 0 : i32
        %eq3A_1895 = arith.cmpi eq, %jit3A_1893, %eq3A_1894 : i32
        %jit3A_1896 = arith.constant 1 : i32
        %select_n3A_1897 = arith.select %eq3A_1895, %jit3A_1896, %jit3A_1893 : i32
        %rem3A_1898 = arith.remsi %select_n3A_1811, %select_n3A_1897 : i32
        %ne3A_1899 = arith.constant 0 : i32
        %ne3A_1900 = arith.cmpi ne, %rem3A_1898, %ne3A_1899 : i32
        %lt3A_1901 = arith.constant 0 : i32
        %lt3A_1902 = arith.cmpi slt, %rem3A_1898, %lt3A_1901 : i32
        %lt3A_1903 = arith.constant 0 : i32
        %lt3A_1904 = arith.cmpi slt, %select_n3A_1897, %lt3A_1903 : i32
        %ne3A_1905 = arith.xori %lt3A_1902, %lt3A_1904 : i1
        %and3A_1906 = arith.andi %ne3A_1905, %ne3A_1900 : i1
        %add3A_1907 = arith.addi %rem3A_1898, %select_n3A_1897 : i32
        %select_n3A_1908 = arith.select %and3A_1906, %add3A_1907, %rem3A_1898 : i32
        %dma_wait3A_1909 = arith.constant 2 : i32
        %dma_wait3A_1910 = arith.constant 0 : i32
        %dma_wait3A_1911 = tpu.memref_slice %arg8[%dma_wait3A_1909, %dma_wait3A_1910] : memref<4x128xi32, #tpu.memory_space<vmem>> -> memref<1x128xi32, #tpu.memory_space<vmem>>
        %dma_wait3A_1912 = tpu.memref_squeeze %dma_wait3A_1911 : memref<1x128xi32, #tpu.memory_space<vmem>> -> memref<128xi32, #tpu.memory_space<vmem>>
        %dma_wait3A_1913 = arith.constant 0 : i32
        %dma_wait3A_1914 = tpu.memref_slice %arg2[%select_n3A_1852, %select_n3A_1828, %select_n3A_1868, %dma_wait3A_1913] : memref<25x32x8x128xi32, #tpu.memory_space<hbm>> -> memref<1x1x1x128xi32, #tpu.memory_space<hbm>>
        %dma_wait3A_1915 = tpu.memref_squeeze %dma_wait3A_1914 : memref<1x1x1x128xi32, #tpu.memory_space<hbm>> -> memref<128xi32, #tpu.memory_space<hbm>>
        %dma_wait3A_1916 = arith.constant 0 : i32
        %dma_wait3A_1917 = tpu.memref_slice %arg8[%dma_wait3A_1909, %dma_wait3A_1916] : memref<4x128xi32, #tpu.memory_space<vmem>> -> memref<1x128xi32, #tpu.memory_space<vmem>>
        %dma_wait3A_1918 = tpu.memref_squeeze %dma_wait3A_1917 : memref<1x128xi32, #tpu.memory_space<vmem>> -> memref<128xi32, #tpu.memory_space<vmem>>
        %dma_wait3A_1919 = arith.constant 0 : i32
        %dma_wait3A_1920 = tpu.memref_slice %arg2[%select_n3A_1852, %select_n3A_1828, %select_n3A_1868, %dma_wait3A_1919] : memref<25x32x8x128xi32, #tpu.memory_space<hbm>> -> memref<1x1x1x128xi32, #tpu.memory_space<hbm>>
        %dma_wait3A_1921 = tpu.memref_squeeze %dma_wait3A_1920 : memref<1x1x1x128xi32, #tpu.memory_space<hbm>> -> memref<128xi32, #tpu.memory_space<hbm>>
        tpu.wait_dma2 semaphore(%arg15 : memref<!tpu.dma_semaphore, #tpu.memory_space<semaphore_mem>>) src(%dma_wait3A_1921 : memref<128xi32, #tpu.memory_space<hbm>>) dst(%dma_wait3A_1918 : memref<128xi32, #tpu.memory_space<vmem>>)
        %dma_wait3A_1922 = arith.constant 2 : i32
        %dma_wait3A_1923 = arith.constant 0 : i32
        %dma_wait3A_1924 = tpu.memref_slice %arg9[%dma_wait3A_1922, %dma_wait3A_1923] : memref<4x128xi32, #tpu.memory_space<vmem>> -> memref<1x128xi32, #tpu.memory_space<vmem>>
        %dma_wait3A_1925 = tpu.memref_squeeze %dma_wait3A_1924 : memref<1x128xi32, #tpu.memory_space<vmem>> -> memref<128xi32, #tpu.memory_space<vmem>>
        %dma_wait3A_1926 = arith.constant 0 : i32
        %dma_wait3A_1927 = tpu.memref_slice %arg3[%select_n3A_1892, %select_n3A_1828, %select_n3A_1908, %dma_wait3A_1926] : memref<25x32x8x128xi32, #tpu.memory_space<hbm>> -> memref<1x1x1x128xi32, #tpu.memory_space<hbm>>
        %dma_wait3A_1928 = tpu.memref_squeeze %dma_wait3A_1927 : memref<1x1x1x128xi32, #tpu.memory_space<hbm>> -> memref<128xi32, #tpu.memory_space<hbm>>
        %dma_wait3A_1929 = arith.constant 0 : i32
        %dma_wait3A_1930 = tpu.memref_slice %arg9[%dma_wait3A_1922, %dma_wait3A_1929] : memref<4x128xi32, #tpu.memory_space<vmem>> -> memref<1x128xi32, #tpu.memory_space<vmem>>
        %dma_wait3A_1931 = tpu.memref_squeeze %dma_wait3A_1930 : memref<1x128xi32, #tpu.memory_space<vmem>> -> memref<128xi32, #tpu.memory_space<vmem>>
        %dma_wait3A_1932 = arith.constant 0 : i32
        %dma_wait3A_1933 = tpu.memref_slice %arg3[%select_n3A_1892, %select_n3A_1828, %select_n3A_1908, %dma_wait3A_1932] : memref<25x32x8x128xi32, #tpu.memory_space<hbm>> -> memref<1x1x1x128xi32, #tpu.memory_space<hbm>>
        %dma_wait3A_1934 = tpu.memref_squeeze %dma_wait3A_1933 : memref<1x1x1x128xi32, #tpu.memory_space<hbm>> -> memref<128xi32, #tpu.memory_space<hbm>>
        tpu.wait_dma2 semaphore(%arg15 : memref<!tpu.dma_semaphore, #tpu.memory_space<semaphore_mem>>) src(%dma_wait3A_1934 : memref<128xi32, #tpu.memory_space<hbm>>) dst(%dma_wait3A_1931 : memref<128xi32, #tpu.memory_space<vmem>>)
        %dma_start3A_1935 = arith.constant 2 : i32
        %dma_start3A_1936 = arith.constant 2 : i32
        %dma_start3A_1937 = arith.constant 0 : i32
        %dma_start3A_1938 = arith.constant 0 : i32
        %dma_start3A_1939 = tpu.memref_slice %arg10[%dma_start3A_1936, %dma_start3A_1937, %dma_start3A_1938] : memref<4x128x64xf32, #tpu.memory_space<vmem>> -> memref<1x128x64xf32, #tpu.memory_space<vmem>>
        %dma_start3A_1940 = tpu.memref_squeeze %dma_start3A_1939 : memref<1x128x64xf32, #tpu.memory_space<vmem>> -> memref<128x64xf32, #tpu.memory_space<vmem>>
        %dma_start3A_1941 = arith.constant 0 : i32
        %dma_start3A_1942 = tpu.memref_slice %arg8[%dma_start3A_1935, %dma_start3A_1941] : memref<4x128xi32, #tpu.memory_space<vmem>> -> memref<1x128xi32, #tpu.memory_space<vmem>>
        %dma_start3A_1943 = tpu.memref_squeeze %dma_start3A_1942 : memref<1x128xi32, #tpu.memory_space<vmem>> -> memref<128xi32, #tpu.memory_space<vmem>>
        %dma_start3A_1944 = arith.constant 0 : i32
        %dma_start3A_1945 = arith.constant 0 : i32
        %dma_start3A_1946 = tpu.memref_slice %arg4[%dma_start3A_1944, %dma_start3A_1945] : memref<100000x64xf32, #tpu.memory_space<hbm>> -> memref<100000x64xf32, #tpu.memory_space<hbm>>
        tpu.enqueue_indirect_dma source(%dma_start3A_1946 : memref<100000x64xf32, #tpu.memory_space<hbm>>) target(%dma_start3A_1940 : memref<128x64xf32, #tpu.memory_space<vmem>>) offsets(%dma_start3A_1943 : memref<128xi32, #tpu.memory_space<vmem>>) semaphore(%arg19 : memref<!tpu.dma_semaphore, #tpu.memory_space<semaphore_mem>>)
      } else {
      }
      %add3A_1209 = arith.constant 3 : i32
      %add3A_1210 = arith.addi %add3A_1196, %add3A_1209 : i32
      %lt3A_1211 = arith.constant 200 : i32
      %lt3A_1212 = arith.cmpi slt, %add3A_1210, %lt3A_1211 : i32
      %convert_element_type3A_1213 = arith.extui %lt3A_1212 : i1 to i32
      %cond3A_1214 = arith.constant 0 : i32
      %cond3A_1215 = arith.cmpi ne, %convert_element_type3A_1213, %cond3A_1214 : i32
      scf.if %cond3A_1215 {
        %add3A_1785 = arith.constant 3 : i32
        %add3A_1786 = arith.addi %add3A_1196, %add3A_1785 : i32
        %add3A_1787 = arith.addi %mul3A_2, %add3A_1786 : i32
        %jit3A_1788 = arith.constant 32 : i32
        %div3A_1789 = arith.divsi %add3A_1787, %jit3A_1788 : i32
        %sign3A_1790 = arith.constant 0 : i32
        %sign3A_1791 = arith.cmpi sgt, %add3A_1787, %sign3A_1790 : i32
        %sign3A_1792 = arith.extui %sign3A_1791 : i1 to i32
        %sign3A_1793 = arith.constant 0 : i32
        %sign3A_1794 = arith.cmpi slt, %add3A_1787, %sign3A_1793 : i32
        %sign3A_1795 = arith.extui %sign3A_1794 : i1 to i32
        %sign3A_1796 = arith.subi %sign3A_1792, %sign3A_1795 : i32
        %sign3A_1797 = arith.constant 0 : i32
        %sign3A_1798 = arith.cmpi sgt, %jit3A_1788, %sign3A_1797 : i32
        %sign3A_1799 = arith.extui %sign3A_1798 : i1 to i32
        %sign3A_1800 = arith.constant 0 : i32
        %sign3A_1801 = arith.cmpi slt, %jit3A_1788, %sign3A_1800 : i32
        %sign3A_1802 = arith.extui %sign3A_1801 : i1 to i32
        %sign3A_1803 = arith.subi %sign3A_1799, %sign3A_1802 : i32
        %ne3A_1804 = arith.cmpi ne, %sign3A_1796, %sign3A_1803 : i32
        %rem3A_1805 = arith.remsi %add3A_1787, %jit3A_1788 : i32
        %ne3A_1806 = arith.constant 0 : i32
        %ne3A_1807 = arith.cmpi ne, %rem3A_1805, %ne3A_1806 : i32
        %and3A_1808 = arith.andi %ne3A_1804, %ne3A_1807 : i1
        %sub3A_1809 = arith.constant 1 : i32
        %sub3A_1810 = arith.subi %div3A_1789, %sub3A_1809 : i32
        %select_n3A_1811 = arith.select %and3A_1808, %sub3A_1810, %div3A_1789 : i32
        %add3A_1812 = arith.addi %mul3A_2, %add3A_1786 : i32
        %jit3A_1813 = arith.constant 32 : i32
        %eq3A_1814 = arith.constant 0 : i32
        %eq3A_1815 = arith.cmpi eq, %jit3A_1813, %eq3A_1814 : i32
        %jit3A_1816 = arith.constant 1 : i32
        %select_n3A_1817 = arith.select %eq3A_1815, %jit3A_1816, %jit3A_1813 : i32
        %rem3A_1818 = arith.remsi %add3A_1812, %select_n3A_1817 : i32
        %ne3A_1819 = arith.constant 0 : i32
        %ne3A_1820 = arith.cmpi ne, %rem3A_1818, %ne3A_1819 : i32
        %lt3A_1821 = arith.constant 0 : i32
        %lt3A_1822 = arith.cmpi slt, %rem3A_1818, %lt3A_1821 : i32
        %lt3A_1823 = arith.constant 0 : i32
        %lt3A_1824 = arith.cmpi slt, %select_n3A_1817, %lt3A_1823 : i32
        %ne3A_1825 = arith.xori %lt3A_1822, %lt3A_1824 : i1
        %and3A_1826 = arith.andi %ne3A_1825, %ne3A_1820 : i1
        %add3A_1827 = arith.addi %rem3A_1818, %select_n3A_1817 : i32
        %select_n3A_1828 = arith.select %and3A_1826, %add3A_1827, %rem3A_1818 : i32
        %jit3A_1829 = arith.constant 8 : i32
        %div3A_1830 = arith.divsi %select_n3A_1811, %jit3A_1829 : i32
        %sign3A_1831 = arith.constant 0 : i32
        %sign3A_1832 = arith.cmpi sgt, %select_n3A_1811, %sign3A_1831 : i32
        %sign3A_1833 = arith.extui %sign3A_1832 : i1 to i32
        %sign3A_1834 = arith.constant 0 : i32
        %sign3A_1835 = arith.cmpi slt, %select_n3A_1811, %sign3A_1834 : i32
        %sign3A_1836 = arith.extui %sign3A_1835 : i1 to i32
        %sign3A_1837 = arith.subi %sign3A_1833, %sign3A_1836 : i32
        %sign3A_1838 = arith.constant 0 : i32
        %sign3A_1839 = arith.cmpi sgt, %jit3A_1829, %sign3A_1838 : i32
        %sign3A_1840 = arith.extui %sign3A_1839 : i1 to i32
        %sign3A_1841 = arith.constant 0 : i32
        %sign3A_1842 = arith.cmpi slt, %jit3A_1829, %sign3A_1841 : i32
        %sign3A_1843 = arith.extui %sign3A_1842 : i1 to i32
        %sign3A_1844 = arith.subi %sign3A_1840, %sign3A_1843 : i32
        %ne3A_1845 = arith.cmpi ne, %sign3A_1837, %sign3A_1844 : i32
        %rem3A_1846 = arith.remsi %select_n3A_1811, %jit3A_1829 : i32
        %ne3A_1847 = arith.constant 0 : i32
        %ne3A_1848 = arith.cmpi ne, %rem3A_1846, %ne3A_1847 : i32
        %and3A_1849 = arith.andi %ne3A_1845, %ne3A_1848 : i1
        %sub3A_1850 = arith.constant 1 : i32
        %sub3A_1851 = arith.subi %div3A_1830, %sub3A_1850 : i32
        %select_n3A_1852 = arith.select %and3A_1849, %sub3A_1851, %div3A_1830 : i32
        %jit3A_1853 = arith.constant 8 : i32
        %eq3A_1854 = arith.constant 0 : i32
        %eq3A_1855 = arith.cmpi eq, %jit3A_1853, %eq3A_1854 : i32
        %jit3A_1856 = arith.constant 1 : i32
        %select_n3A_1857 = arith.select %eq3A_1855, %jit3A_1856, %jit3A_1853 : i32
        %rem3A_1858 = arith.remsi %select_n3A_1811, %select_n3A_1857 : i32
        %ne3A_1859 = arith.constant 0 : i32
        %ne3A_1860 = arith.cmpi ne, %rem3A_1858, %ne3A_1859 : i32
        %lt3A_1861 = arith.constant 0 : i32
        %lt3A_1862 = arith.cmpi slt, %rem3A_1858, %lt3A_1861 : i32
        %lt3A_1863 = arith.constant 0 : i32
        %lt3A_1864 = arith.cmpi slt, %select_n3A_1857, %lt3A_1863 : i32
        %ne3A_1865 = arith.xori %lt3A_1862, %lt3A_1864 : i1
        %and3A_1866 = arith.andi %ne3A_1865, %ne3A_1860 : i1
        %add3A_1867 = arith.addi %rem3A_1858, %select_n3A_1857 : i32
        %select_n3A_1868 = arith.select %and3A_1866, %add3A_1867, %rem3A_1858 : i32
        %jit3A_1869 = arith.constant 8 : i32
        %div3A_1870 = arith.divsi %select_n3A_1811, %jit3A_1869 : i32
        %sign3A_1871 = arith.constant 0 : i32
        %sign3A_1872 = arith.cmpi sgt, %select_n3A_1811, %sign3A_1871 : i32
        %sign3A_1873 = arith.extui %sign3A_1872 : i1 to i32
        %sign3A_1874 = arith.constant 0 : i32
        %sign3A_1875 = arith.cmpi slt, %select_n3A_1811, %sign3A_1874 : i32
        %sign3A_1876 = arith.extui %sign3A_1875 : i1 to i32
        %sign3A_1877 = arith.subi %sign3A_1873, %sign3A_1876 : i32
        %sign3A_1878 = arith.constant 0 : i32
        %sign3A_1879 = arith.cmpi sgt, %jit3A_1869, %sign3A_1878 : i32
        %sign3A_1880 = arith.extui %sign3A_1879 : i1 to i32
        %sign3A_1881 = arith.constant 0 : i32
        %sign3A_1882 = arith.cmpi slt, %jit3A_1869, %sign3A_1881 : i32
        %sign3A_1883 = arith.extui %sign3A_1882 : i1 to i32
        %sign3A_1884 = arith.subi %sign3A_1880, %sign3A_1883 : i32
        %ne3A_1885 = arith.cmpi ne, %sign3A_1877, %sign3A_1884 : i32
        %rem3A_1886 = arith.remsi %select_n3A_1811, %jit3A_1869 : i32
        %ne3A_1887 = arith.constant 0 : i32
        %ne3A_1888 = arith.cmpi ne, %rem3A_1886, %ne3A_1887 : i32
        %and3A_1889 = arith.andi %ne3A_1885, %ne3A_1888 : i1
        %sub3A_1890 = arith.constant 1 : i32
        %sub3A_1891 = arith.subi %div3A_1870, %sub3A_1890 : i32
        %select_n3A_1892 = arith.select %and3A_1889, %sub3A_1891, %div3A_1870 : i32
        %jit3A_1893 = arith.constant 8 : i32
        %eq3A_1894 = arith.constant 0 : i32
        %eq3A_1895 = arith.cmpi eq, %jit3A_1893, %eq3A_1894 : i32
        %jit3A_1896 = arith.constant 1 : i32
        %select_n3A_1897 = arith.select %eq3A_1895, %jit3A_1896, %jit3A_1893 : i32
        %rem3A_1898 = arith.remsi %select_n3A_1811, %select_n3A_1897 : i32
        %ne3A_1899 = arith.constant 0 : i32
        %ne3A_1900 = arith.cmpi ne, %rem3A_1898, %ne3A_1899 : i32
        %lt3A_1901 = arith.constant 0 : i32
        %lt3A_1902 = arith.cmpi slt, %rem3A_1898, %lt3A_1901 : i32
        %lt3A_1903 = arith.constant 0 : i32
        %lt3A_1904 = arith.cmpi slt, %select_n3A_1897, %lt3A_1903 : i32
        %ne3A_1905 = arith.xori %lt3A_1902, %lt3A_1904 : i1
        %and3A_1906 = arith.andi %ne3A_1905, %ne3A_1900 : i1
        %add3A_1907 = arith.addi %rem3A_1898, %select_n3A_1897 : i32
        %select_n3A_1908 = arith.select %and3A_1906, %add3A_1907, %rem3A_1898 : i32
        %dma_start3A_1909 = arith.constant 3 : i32
        %dma_start3A_1910 = arith.constant 0 : i32
        %dma_start3A_1911 = tpu.memref_slice %arg8[%dma_start3A_1909, %dma_start3A_1910] : memref<4x128xi32, #tpu.memory_space<vmem>> -> memref<1x128xi32, #tpu.memory_space<vmem>>
        %dma_start3A_1912 = tpu.memref_squeeze %dma_start3A_1911 : memref<1x128xi32, #tpu.memory_space<vmem>> -> memref<128xi32, #tpu.memory_space<vmem>>
        %dma_start3A_1913 = arith.constant 0 : i32
        %dma_start3A_1914 = tpu.memref_slice %arg2[%select_n3A_1852, %select_n3A_1828, %select_n3A_1868, %dma_start3A_1913] : memref<25x32x8x128xi32, #tpu.memory_space<hbm>> -> memref<1x1x1x128xi32, #tpu.memory_space<hbm>>
        %dma_start3A_1915 = tpu.memref_squeeze %dma_start3A_1914 : memref<1x1x1x128xi32, #tpu.memory_space<hbm>> -> memref<128xi32, #tpu.memory_space<hbm>>
        %dma_start3A_1916 = arith.constant 0 : i32
        %dma_start3A_1917 = tpu.memref_slice %arg8[%dma_start3A_1909, %dma_start3A_1916] : memref<4x128xi32, #tpu.memory_space<vmem>> -> memref<1x128xi32, #tpu.memory_space<vmem>>
        %dma_start3A_1918 = tpu.memref_squeeze %dma_start3A_1917 : memref<1x128xi32, #tpu.memory_space<vmem>> -> memref<128xi32, #tpu.memory_space<vmem>>
        %dma_start3A_1919 = arith.constant 0 : i32
        %dma_start3A_1920 = tpu.memref_slice %arg2[%select_n3A_1852, %select_n3A_1828, %select_n3A_1868, %dma_start3A_1919] : memref<25x32x8x128xi32, #tpu.memory_space<hbm>> -> memref<1x1x1x128xi32, #tpu.memory_space<hbm>>
        %dma_start3A_1921 = tpu.memref_squeeze %dma_start3A_1920 : memref<1x1x1x128xi32, #tpu.memory_space<hbm>> -> memref<128xi32, #tpu.memory_space<hbm>>
        tpu.enqueue_dma source(%dma_start3A_1921 : memref<128xi32, #tpu.memory_space<hbm>>) target(%dma_start3A_1918 : memref<128xi32, #tpu.memory_space<vmem>>) target_semaphore(%arg16 : memref<!tpu.dma_semaphore, #tpu.memory_space<semaphore_mem>>)
        %dma_start3A_1922 = arith.constant 3 : i32
        %dma_start3A_1923 = arith.constant 0 : i32
        %dma_start3A_1924 = tpu.memref_slice %arg9[%dma_start3A_1922, %dma_start3A_1923] : memref<4x128xi32, #tpu.memory_space<vmem>> -> memref<1x128xi32, #tpu.memory_space<vmem>>
        %dma_start3A_1925 = tpu.memref_squeeze %dma_start3A_1924 : memref<1x128xi32, #tpu.memory_space<vmem>> -> memref<128xi32, #tpu.memory_space<vmem>>
        %dma_start3A_1926 = arith.constant 0 : i32
        %dma_start3A_1927 = tpu.memref_slice %arg3[%select_n3A_1892, %select_n3A_1828, %select_n3A_1908, %dma_start3A_1926] : memref<25x32x8x128xi32, #tpu.memory_space<hbm>> -> memref<1x1x1x128xi32, #tpu.memory_space<hbm>>
        %dma_start3A_1928 = tpu.memref_squeeze %dma_start3A_1927 : memref<1x1x1x128xi32, #tpu.memory_space<hbm>> -> memref<128xi32, #tpu.memory_space<hbm>>
        %dma_start3A_1929 = arith.constant 0 : i32
        %dma_start3A_1930 = tpu.memref_slice %arg9[%dma_start3A_1922, %dma_start3A_1929] : memref<4x128xi32, #tpu.memory_space<vmem>> -> memref<1x128xi32, #tpu.memory_space<vmem>>
        %dma_start3A_1931 = tpu.memref_squeeze %dma_start3A_1930 : memref<1x128xi32, #tpu.memory_space<vmem>> -> memref<128xi32, #tpu.memory_space<vmem>>
        %dma_start3A_1932 = arith.constant 0 : i32
        %dma_start3A_1933 = tpu.memref_slice %arg3[%select_n3A_1892, %select_n3A_1828, %select_n3A_1908, %dma_start3A_1932] : memref<25x32x8x128xi32, #tpu.memory_space<hbm>> -> memref<1x1x1x128xi32, #tpu.memory_space<hbm>>
        %dma_start3A_1934 = tpu.memref_squeeze %dma_start3A_1933 : memref<1x1x1x128xi32, #tpu.memory_space<hbm>> -> memref<128xi32, #tpu.memory_space<hbm>>
        tpu.enqueue_dma source(%dma_start3A_1934 : memref<128xi32, #tpu.memory_space<hbm>>) target(%dma_start3A_1931 : memref<128xi32, #tpu.memory_space<vmem>>) target_semaphore(%arg16 : memref<!tpu.dma_semaphore, #tpu.memory_space<semaphore_mem>>)
      } else {
      }
      %dma_wait3A_1216 = arith.constant 0 : i32
      %dma_wait3A_1217 = arith.constant 0 : i32
      %dma_wait3A_1218 = arith.constant 0 : i32
      %dma_wait3A_1219 = arith.constant 0 : i32
      %dma_wait3A_1220 = tpu.memref_slice %arg10[%dma_wait3A_1217, %dma_wait3A_1218, %dma_wait3A_1219] : memref<4x128x64xf32, #tpu.memory_space<vmem>> -> memref<1x128x64xf32, #tpu.memory_space<vmem>>
      %dma_wait3A_1221 = tpu.memref_squeeze %dma_wait3A_1220 : memref<1x128x64xf32, #tpu.memory_space<vmem>> -> memref<128x64xf32, #tpu.memory_space<vmem>>
      %dma_wait3A_1222 = arith.constant 0 : i32
      %dma_wait3A_1223 = tpu.memref_slice %arg9[%dma_wait3A_1216, %dma_wait3A_1222] : memref<4x128xi32, #tpu.memory_space<vmem>> -> memref<1x128xi32, #tpu.memory_space<vmem>>
      %dma_wait3A_1224 = tpu.memref_squeeze %dma_wait3A_1223 : memref<1x128xi32, #tpu.memory_space<vmem>> -> memref<128xi32, #tpu.memory_space<vmem>>
      %dma_wait3A_1225 = arith.constant 0 : i32
      %dma_wait3A_1226 = arith.constant 0 : i32
      %dma_wait3A_1227 = tpu.memref_slice %arg5[%dma_wait3A_1225, %dma_wait3A_1226] : memref<1000x64xf32, #tpu.memory_space<hbm>> -> memref<1000x64xf32, #tpu.memory_space<hbm>>
      tpu.wait_indirect_dma semaphore(%arg21 : memref<!tpu.dma_semaphore, #tpu.memory_space<semaphore_mem>>) src(%dma_wait3A_1227 : memref<1000x64xf32, #tpu.memory_space<hbm>>) dst(%dma_wait3A_1221 : memref<128x64xf32, #tpu.memory_space<vmem>>)
      %ge3A = arith.constant 2 : i32
      %ge3A_1228 = arith.cmpi sge, %add3A_1196, %ge3A : i32
      %convert_element_type3A_1229 = arith.extui %ge3A_1228 : i1 to i32
      %cond3A_1230 = arith.constant 0 : i32
      %cond3A_1231 = arith.cmpi ne, %convert_element_type3A_1229, %cond3A_1230 : i32
      scf.if %cond3A_1231 {
        %sub3A_1785 = arith.constant 2 : i32
        %sub3A_1786 = arith.subi %add3A_1196, %sub3A_1785 : i32
        %add3A_1787 = arith.addi %mul3A_2, %sub3A_1786 : i32
        %jit3A_1788 = arith.constant 32 : i32
        %div3A_1789 = arith.divsi %add3A_1787, %jit3A_1788 : i32
        %sign3A_1790 = arith.constant 0 : i32
        %sign3A_1791 = arith.cmpi sgt, %add3A_1787, %sign3A_1790 : i32
        %sign3A_1792 = arith.extui %sign3A_1791 : i1 to i32
        %sign3A_1793 = arith.constant 0 : i32
        %sign3A_1794 = arith.cmpi slt, %add3A_1787, %sign3A_1793 : i32
        %sign3A_1795 = arith.extui %sign3A_1794 : i1 to i32
        %sign3A_1796 = arith.subi %sign3A_1792, %sign3A_1795 : i32
        %sign3A_1797 = arith.constant 0 : i32
        %sign3A_1798 = arith.cmpi sgt, %jit3A_1788, %sign3A_1797 : i32
        %sign3A_1799 = arith.extui %sign3A_1798 : i1 to i32
        %sign3A_1800 = arith.constant 0 : i32
        %sign3A_1801 = arith.cmpi slt, %jit3A_1788, %sign3A_1800 : i32
        %sign3A_1802 = arith.extui %sign3A_1801 : i1 to i32
        %sign3A_1803 = arith.subi %sign3A_1799, %sign3A_1802 : i32
        %ne3A_1804 = arith.cmpi ne, %sign3A_1796, %sign3A_1803 : i32
        %rem3A_1805 = arith.remsi %add3A_1787, %jit3A_1788 : i32
        %ne3A_1806 = arith.constant 0 : i32
        %ne3A_1807 = arith.cmpi ne, %rem3A_1805, %ne3A_1806 : i32
        %and3A_1808 = arith.andi %ne3A_1804, %ne3A_1807 : i1
        %sub3A_1809 = arith.constant 1 : i32
        %sub3A_1810 = arith.subi %div3A_1789, %sub3A_1809 : i32
        %select_n3A_1811 = arith.select %and3A_1808, %sub3A_1810, %div3A_1789 : i32
        %add3A_1812 = arith.addi %mul3A_2, %sub3A_1786 : i32
        %jit3A_1813 = arith.constant 32 : i32
        %eq3A_1814 = arith.constant 0 : i32
        %eq3A_1815 = arith.cmpi eq, %jit3A_1813, %eq3A_1814 : i32
        %jit3A_1816 = arith.constant 1 : i32
        %select_n3A_1817 = arith.select %eq3A_1815, %jit3A_1816, %jit3A_1813 : i32
        %rem3A_1818 = arith.remsi %add3A_1812, %select_n3A_1817 : i32
        %ne3A_1819 = arith.constant 0 : i32
        %ne3A_1820 = arith.cmpi ne, %rem3A_1818, %ne3A_1819 : i32
        %lt3A_1821 = arith.constant 0 : i32
        %lt3A_1822 = arith.cmpi slt, %rem3A_1818, %lt3A_1821 : i32
        %lt3A_1823 = arith.constant 0 : i32
        %lt3A_1824 = arith.cmpi slt, %select_n3A_1817, %lt3A_1823 : i32
        %ne3A_1825 = arith.xori %lt3A_1822, %lt3A_1824 : i1
        %and3A_1826 = arith.andi %ne3A_1825, %ne3A_1820 : i1
        %add3A_1827 = arith.addi %rem3A_1818, %select_n3A_1817 : i32
        %select_n3A_1828 = arith.select %and3A_1826, %add3A_1827, %rem3A_1818 : i32
        %dma_wait3A_1829 = arith.constant 0 : i32
        %dma_wait3A_1830 = arith.constant 0 : i32
        %dma_wait3A_1831 = arith.constant 0 : i32
        %dma_wait3A_1832 = arith.constant 0 : i32
        %dma_wait3A_1833 = tpu.memref_slice %arg11[%dma_wait3A_1829, %dma_wait3A_1830, %dma_wait3A_1831, %dma_wait3A_1832] : memref<2x8x8x129xf32, #tpu.memory_space<vmem>> -> memref<1x8x8x128xf32, #tpu.memory_space<vmem>>
        %dma_wait3A_1834 = tpu.memref_squeeze %dma_wait3A_1833 : memref<1x8x8x128xf32, #tpu.memory_space<vmem>> -> memref<8x8x128xf32, #tpu.memory_space<vmem>>
        %dma_wait3A_1835 = arith.constant 0 : i32
        %dma_wait3A_1836 = arith.constant 0 : i32
        %dma_wait3A_1837 = arith.constant 0 : i32
        %dma_wait3A_1838 = tpu.memref_slice %arg7[%select_n3A_1811, %dma_wait3A_1835, %select_n3A_1828, %dma_wait3A_1836, %dma_wait3A_1837] : memref<200x8x32x8x128xf32, #tpu.memory_space<hbm>> -> memref<1x8x1x8x128xf32, #tpu.memory_space<hbm>>
        %dma_wait3A_1839 = tpu.memref_squeeze %dma_wait3A_1838 : memref<1x8x1x8x128xf32, #tpu.memory_space<hbm>> -> memref<8x8x128xf32, #tpu.memory_space<hbm>>
        %dma_wait3A_1840 = arith.constant 0 : i32
        %dma_wait3A_1841 = arith.constant 0 : i32
        %dma_wait3A_1842 = arith.constant 0 : i32
        %dma_wait3A_1843 = tpu.memref_slice %arg7[%select_n3A_1811, %dma_wait3A_1840, %select_n3A_1828, %dma_wait3A_1841, %dma_wait3A_1842] : memref<200x8x32x8x128xf32, #tpu.memory_space<hbm>> -> memref<1x8x1x8x128xf32, #tpu.memory_space<hbm>>
        %dma_wait3A_1844 = tpu.memref_squeeze %dma_wait3A_1843 : memref<1x8x1x8x128xf32, #tpu.memory_space<hbm>> -> memref<8x8x128xf32, #tpu.memory_space<hbm>>
        %dma_wait3A_1845 = arith.constant 0 : i32
        %dma_wait3A_1846 = arith.constant 0 : i32
        %dma_wait3A_1847 = arith.constant 0 : i32
        %dma_wait3A_1848 = tpu.memref_slice %arg11[%dma_wait3A_1829, %dma_wait3A_1845, %dma_wait3A_1846, %dma_wait3A_1847] : memref<2x8x8x129xf32, #tpu.memory_space<vmem>> -> memref<1x8x8x128xf32, #tpu.memory_space<vmem>>
        %dma_wait3A_1849 = tpu.memref_squeeze %dma_wait3A_1848 : memref<1x8x8x128xf32, #tpu.memory_space<vmem>> -> memref<8x8x128xf32, #tpu.memory_space<vmem>>
        tpu.wait_dma2 semaphore(%arg25 : memref<!tpu.dma_semaphore, #tpu.memory_space<semaphore_mem>>) src(%dma_wait3A_1849 : memref<8x8x128xf32, #tpu.memory_space<vmem>>) dst(%dma_wait3A_1844 : memref<8x8x128xf32, #tpu.memory_space<hbm>>)
      } else {
      }
      %add3A_1232 = arith.addi %mul3A_2, %add3A_1196 : i32
      %jit3A_1233 = arith.constant 32 : i32
      %div3A_1234 = arith.divsi %add3A_1232, %jit3A_1233 : i32
      %sign3A_1235 = arith.constant 0 : i32
      %sign3A_1236 = arith.cmpi sgt, %add3A_1232, %sign3A_1235 : i32
      %sign3A_1237 = arith.extui %sign3A_1236 : i1 to i32
      %sign3A_1238 = arith.constant 0 : i32
      %sign3A_1239 = arith.cmpi slt, %add3A_1232, %sign3A_1238 : i32
      %sign3A_1240 = arith.extui %sign3A_1239 : i1 to i32
      %sign3A_1241 = arith.subi %sign3A_1237, %sign3A_1240 : i32
      %sign3A_1242 = arith.constant 0 : i32
      %sign3A_1243 = arith.cmpi sgt, %jit3A_1233, %sign3A_1242 : i32
      %sign3A_1244 = arith.extui %sign3A_1243 : i1 to i32
      %sign3A_1245 = arith.constant 0 : i32
      %sign3A_1246 = arith.cmpi slt, %jit3A_1233, %sign3A_1245 : i32
      %sign3A_1247 = arith.extui %sign3A_1246 : i1 to i32
      %sign3A_1248 = arith.subi %sign3A_1244, %sign3A_1247 : i32
      %ne3A_1249 = arith.cmpi ne, %sign3A_1241, %sign3A_1248 : i32
      %rem3A_1250 = arith.remsi %add3A_1232, %jit3A_1233 : i32
      %ne3A_1251 = arith.constant 0 : i32
      %ne3A_1252 = arith.cmpi ne, %rem3A_1250, %ne3A_1251 : i32
      %and3A_1253 = arith.andi %ne3A_1249, %ne3A_1252 : i1
      %sub3A_1254 = arith.constant 1 : i32
      %sub3A_1255 = arith.subi %div3A_1234, %sub3A_1254 : i32
      %select_n3A_1256 = arith.select %and3A_1253, %sub3A_1255, %div3A_1234 : i32
      %sub3A_1257 = arith.subi %select_n3A_1256, %select_n3A : i32
      %get3A = arith.index_cast %sub3A_1257 : i32 to index
      %get3A_1258 = arith.constant 0 : index
      %get3A_1259 = tpu.vector_load %arg12[%get3A, %get3A_1258] {strides = array<i32>} : memref<8x64xf32, #tpu.memory_space<vmem>>, vector<16xf32>,
      %get3A_1260 = arith.index_cast %sub3A_1257 : i32 to index
      %get3A_1261 = arith.constant 16 : index
      %get3A_1262 = tpu.vector_load %arg12[%get3A_1260, %get3A_1261] {strides = array<i32>} : memref<8x64xf32, #tpu.memory_space<vmem>>, vector<16xf32>,
      %get3A_1263 = arith.index_cast %sub3A_1257 : i32 to index
      %get3A_1264 = arith.constant 32 : index
      %get3A_1265 = tpu.vector_load %arg12[%get3A_1263, %get3A_1264] {strides = array<i32>} : memref<8x64xf32, #tpu.memory_space<vmem>>, vector<16xf32>,
      %get3A_1266 = arith.index_cast %sub3A_1257 : i32 to index
      %get3A_1267 = arith.constant 48 : index
      %get3A_1268 = tpu.vector_load %arg12[%get3A_1266, %get3A_1267] {strides = array<i32>} : memref<8x64xf32, #tpu.memory_space<vmem>>, vector<16xf32>,
      %scan3A_1269 = arith.constant 0 : i32
      %scan3A_1270 = arith.constant 0 : i32
      %scan3A_1271 = arith.constant 32 : i32
      %scan3A_1272 = arith.addi %scan3A_1270, %scan3A_1271 : i32
      %scan3A_1273 = arith.constant 1 : i32
      scf.for %scan3A_1785 = %scan3A_1270 to %scan3A_1272 step %scan3A_1273  : i32 {
        %mul3A_1786 = arith.constant 4 : i32
        %mul3A_1787 = arith.muli %scan3A_1785, %mul3A_1786 : i32
        %broadcast_in_dim3A = vector.broadcast %mul3A_1787 : i32 to vector<16xi32>
        %mul3A_1788 = arith.constant 4 : i32
        %mul3A_1789 = arith.muli %scan3A_1785, %mul3A_1788 : i32
        %add3A_1790 = arith.constant 0 : i32
        %add3A_1791 = arith.addi %mul3A_1789, %add3A_1790 : i32
        %add3A_1792 = arith.constant 0 : i32
        %add3A_1793 = vector.broadcast %add3A_1792 : i32 to vector<16xi32>
        %add3A_1794 = arith.addi %broadcast_in_dim3A, %add3A_1793 : vector<16xi32>
        %get3A_1795 = arith.constant 0 : i32
        %get3A_1796 = arith.index_cast %get3A_1795 : i32 to index
        %get3A_1797 = arith.index_cast %add3A_1791 : i32 to index
        %get3A_1798 = arith.constant 0 : index
        %get3A_1799 = tpu.vector_load %arg10[%get3A_1796, %get3A_1797, %get3A_1798] {strides = array<i32>} : memref<4x128x64xf32, #tpu.memory_space<vmem>>, vector<16xf32>,
        %add3A_1800 = arith.addf %get3A_1799, %get3A_1259 : vector<16xf32>
        %scatter3A = arith.constant 0 : i32
        %scatter3A_1801 = arith.constant 0 : i32
        %scatter3A_1802 = arith.constant 0 : i32
        %scatter3A_1803 = arith.constant 0 : i32
        %scatter3A_1804 = tpu.memref_slice %arg11[%scatter3A, %scatter3A_1801, %scatter3A_1802, %scatter3A_1803] : memref<2x8x8x129xf32, #tpu.memory_space<vmem>> -> memref<1x8x8x129xf32, #tpu.memory_space<vmem>>
        %scatter3A_1805 = tpu.memref_squeeze %scatter3A_1804 : memref<1x8x8x129xf32, #tpu.memory_space<vmem>> -> memref<8x8x129xf32, #tpu.memory_space<vmem>>
        tpu.vector_store_idx %scatter3A_1805[%select_n3A_52, %select_n3A_75, %add3A_1794], %add3A_1800 : memref<8x8x129xf32, #tpu.memory_space<vmem>>[vector<16xi32>, vector<16xi32>, vector<16xi32>], vector<16xf32>,
        %get3A_1806 = arith.constant 0 : i32
        %get3A_1807 = arith.index_cast %get3A_1806 : i32 to index
        %get3A_1808 = arith.index_cast %add3A_1791 : i32 to index
        %get3A_1809 = arith.constant 16 : index
        %get3A_1810 = tpu.vector_load %arg10[%get3A_1807, %get3A_1808, %get3A_1809] {strides = array<i32>} : memref<4x128x64xf32, #tpu.memory_space<vmem>>, vector<16xf32>,
        %add3A_1811 = arith.addf %get3A_1810, %get3A_1262 : vector<16xf32>
        %scatter3A_1812 = arith.constant 0 : i32
        %scatter3A_1813 = arith.constant 0 : i32
        %scatter3A_1814 = arith.constant 0 : i32
        %scatter3A_1815 = arith.constant 0 : i32
        %scatter3A_1816 = tpu.memref_slice %arg11[%scatter3A_1812, %scatter3A_1813, %scatter3A_1814, %scatter3A_1815] : memref<2x8x8x129xf32, #tpu.memory_space<vmem>> -> memref<1x8x8x129xf32, #tpu.memory_space<vmem>>
        %scatter3A_1817 = tpu.memref_squeeze %scatter3A_1816 : memref<1x8x8x129xf32, #tpu.memory_space<vmem>> -> memref<8x8x129xf32, #tpu.memory_space<vmem>>
        tpu.vector_store_idx %scatter3A_1817[%select_n3A_109, %select_n3A_134, %add3A_1794], %add3A_1811 : memref<8x8x129xf32, #tpu.memory_space<vmem>>[vector<16xi32>, vector<16xi32>, vector<16xi32>], vector<16xf32>,
        %get3A_1818 = arith.constant 0 : i32
        %get3A_1819 = arith.index_cast %get3A_1818 : i32 to index
        %get3A_1820 = arith.index_cast %add3A_1791 : i32 to index
        %get3A_1821 = arith.constant 32 : index
        %get3A_1822 = tpu.vector_load %arg10[%get3A_1819, %get3A_1820, %get3A_1821] {strides = array<i32>} : memref<4x128x64xf32, #tpu.memory_space<vmem>>, vector<16xf32>,
        %add3A_1823 = arith.addf %get3A_1822, %get3A_1265 : vector<16xf32>
        %scatter3A_1824 = arith.constant 0 : i32
        %scatter3A_1825 = arith.constant 0 : i32
        %scatter3A_1826 = arith.constant 0 : i32
        %scatter3A_1827 = arith.constant 0 : i32
        %scatter3A_1828 = tpu.memref_slice %arg11[%scatter3A_1824, %scatter3A_1825, %scatter3A_1826, %scatter3A_1827] : memref<2x8x8x129xf32, #tpu.memory_space<vmem>> -> memref<1x8x8x129xf32, #tpu.memory_space<vmem>>
        %scatter3A_1829 = tpu.memref_squeeze %scatter3A_1828 : memref<1x8x8x129xf32, #tpu.memory_space<vmem>> -> memref<8x8x129xf32, #tpu.memory_space<vmem>>
        tpu.vector_store_idx %scatter3A_1829[%select_n3A_168, %select_n3A_193, %add3A_1794], %add3A_1823 : memref<8x8x129xf32, #tpu.memory_space<vmem>>[vector<16xi32>, vector<16xi32>, vector<16xi32>], vector<16xf32>,
        %get3A_1830 = arith.constant 0 : i32
        %get3A_1831 = arith.index_cast %get3A_1830 : i32 to index
        %get3A_1832 = arith.index_cast %add3A_1791 : i32 to index
        %get3A_1833 = arith.constant 48 : index
        %get3A_1834 = tpu.vector_load %arg10[%get3A_1831, %get3A_1832, %get3A_1833] {strides = array<i32>} : memref<4x128x64xf32, #tpu.memory_space<vmem>>, vector<16xf32>,
        %add3A_1835 = arith.addf %get3A_1834, %get3A_1268 : vector<16xf32>
        %scatter3A_1836 = arith.constant 0 : i32
        %scatter3A_1837 = arith.constant 0 : i32
        %scatter3A_1838 = arith.constant 0 : i32
        %scatter3A_1839 = arith.constant 0 : i32
        %scatter3A_1840 = tpu.memref_slice %arg11[%scatter3A_1836, %scatter3A_1837, %scatter3A_1838, %scatter3A_1839] : memref<2x8x8x129xf32, #tpu.memory_space<vmem>> -> memref<1x8x8x129xf32, #tpu.memory_space<vmem>>
        %scatter3A_1841 = tpu.memref_squeeze %scatter3A_1840 : memref<1x8x8x129xf32, #tpu.memory_space<vmem>> -> memref<8x8x129xf32, #tpu.memory_space<vmem>>
        tpu.vector_store_idx %scatter3A_1841[%select_n3A_227, %select_n3A_252, %add3A_1794], %add3A_1835 : memref<8x8x129xf32, #tpu.memory_space<vmem>>[vector<16xi32>, vector<16xi32>, vector<16xi32>], vector<16xf32>,
        %mul3A_1842 = arith.constant 4 : i32
        %mul3A_1843 = arith.muli %scan3A_1785, %mul3A_1842 : i32
        %add3A_1844 = arith.constant 1 : i32
        %add3A_1845 = arith.addi %mul3A_1843, %add3A_1844 : i32
        %add3A_1846 = arith.constant 1 : i32
        %add3A_1847 = vector.broadcast %add3A_1846 : i32 to vector<16xi32>
        %add3A_1848 = arith.addi %broadcast_in_dim3A, %add3A_1847 : vector<16xi32>
        %get3A_1849 = arith.constant 0 : i32
        %get3A_1850 = arith.index_cast %get3A_1849 : i32 to index
        %get3A_1851 = arith.index_cast %add3A_1845 : i32 to index
        %get3A_1852 = arith.constant 0 : index
        %get3A_1853 = tpu.vector_load %arg10[%get3A_1850, %get3A_1851, %get3A_1852] {strides = array<i32>} : memref<4x128x64xf32, #tpu.memory_space<vmem>>, vector<16xf32>,
        %add3A_1854 = arith.addf %get3A_1853, %get3A_1259 : vector<16xf32>
        %scatter3A_1855 = arith.constant 0 : i32
        %scatter3A_1856 = arith.constant 0 : i32
        %scatter3A_1857 = arith.constant 0 : i32
        %scatter3A_1858 = arith.constant 0 : i32
        %scatter3A_1859 = tpu.memref_slice %arg11[%scatter3A_1855, %scatter3A_1856, %scatter3A_1857, %scatter3A_1858] : memref<2x8x8x129xf32, #tpu.memory_space<vmem>> -> memref<1x8x8x129xf32, #tpu.memory_space<vmem>>
        %scatter3A_1860 = tpu.memref_squeeze %scatter3A_1859 : memref<1x8x8x129xf32, #tpu.memory_space<vmem>> -> memref<8x8x129xf32, #tpu.memory_space<vmem>>
        tpu.vector_store_idx %scatter3A_1860[%select_n3A_52, %select_n3A_75, %add3A_1848], %add3A_1854 : memref<8x8x129xf32, #tpu.memory_space<vmem>>[vector<16xi32>, vector<16xi32>, vector<16xi32>], vector<16xf32>,
        %get3A_1861 = arith.constant 0 : i32
        %get3A_1862 = arith.index_cast %get3A_1861 : i32 to index
        %get3A_1863 = arith.index_cast %add3A_1845 : i32 to index
        %get3A_1864 = arith.constant 16 : index
        %get3A_1865 = tpu.vector_load %arg10[%get3A_1862, %get3A_1863, %get3A_1864] {strides = array<i32>} : memref<4x128x64xf32, #tpu.memory_space<vmem>>, vector<16xf32>,
        %add3A_1866 = arith.addf %get3A_1865, %get3A_1262 : vector<16xf32>
        %scatter3A_1867 = arith.constant 0 : i32
        %scatter3A_1868 = arith.constant 0 : i32
        %scatter3A_1869 = arith.constant 0 : i32
        %scatter3A_1870 = arith.constant 0 : i32
        %scatter3A_1871 = tpu.memref_slice %arg11[%scatter3A_1867, %scatter3A_1868, %scatter3A_1869, %scatter3A_1870] : memref<2x8x8x129xf32, #tpu.memory_space<vmem>> -> memref<1x8x8x129xf32, #tpu.memory_space<vmem>>
        %scatter3A_1872 = tpu.memref_squeeze %scatter3A_1871 : memref<1x8x8x129xf32, #tpu.memory_space<vmem>> -> memref<8x8x129xf32, #tpu.memory_space<vmem>>
        tpu.vector_store_idx %scatter3A_1872[%select_n3A_109, %select_n3A_134, %add3A_1848], %add3A_1866 : memref<8x8x129xf32, #tpu.memory_space<vmem>>[vector<16xi32>, vector<16xi32>, vector<16xi32>], vector<16xf32>,
        %get3A_1873 = arith.constant 0 : i32
        %get3A_1874 = arith.index_cast %get3A_1873 : i32 to index
        %get3A_1875 = arith.index_cast %add3A_1845 : i32 to index
        %get3A_1876 = arith.constant 32 : index
        %get3A_1877 = tpu.vector_load %arg10[%get3A_1874, %get3A_1875, %get3A_1876] {strides = array<i32>} : memref<4x128x64xf32, #tpu.memory_space<vmem>>, vector<16xf32>,
        %add3A_1878 = arith.addf %get3A_1877, %get3A_1265 : vector<16xf32>
        %scatter3A_1879 = arith.constant 0 : i32
        %scatter3A_1880 = arith.constant 0 : i32
        %scatter3A_1881 = arith.constant 0 : i32
        %scatter3A_1882 = arith.constant 0 : i32
        %scatter3A_1883 = tpu.memref_slice %arg11[%scatter3A_1879, %scatter3A_1880, %scatter3A_1881, %scatter3A_1882] : memref<2x8x8x129xf32, #tpu.memory_space<vmem>> -> memref<1x8x8x129xf32, #tpu.memory_space<vmem>>
        %scatter3A_1884 = tpu.memref_squeeze %scatter3A_1883 : memref<1x8x8x129xf32, #tpu.memory_space<vmem>> -> memref<8x8x129xf32, #tpu.memory_space<vmem>>
        tpu.vector_store_idx %scatter3A_1884[%select_n3A_168, %select_n3A_193, %add3A_1848], %add3A_1878 : memref<8x8x129xf32, #tpu.memory_space<vmem>>[vector<16xi32>, vector<16xi32>, vector<16xi32>], vector<16xf32>,
        %get3A_1885 = arith.constant 0 : i32
        %get3A_1886 = arith.index_cast %get3A_1885 : i32 to index
        %get3A_1887 = arith.index_cast %add3A_1845 : i32 to index
        %get3A_1888 = arith.constant 48 : index
        %get3A_1889 = tpu.vector_load %arg10[%get3A_1886, %get3A_1887, %get3A_1888] {strides = array<i32>} : memref<4x128x64xf32, #tpu.memory_space<vmem>>, vector<16xf32>,
        %add3A_1890 = arith.addf %get3A_1889, %get3A_1268 : vector<16xf32>
        %scatter3A_1891 = arith.constant 0 : i32
        %scatter3A_1892 = arith.constant 0 : i32
        %scatter3A_1893 = arith.constant 0 : i32
        %scatter3A_1894 = arith.constant 0 : i32
        %scatter3A_1895 = tpu.memref_slice %arg11[%scatter3A_1891, %scatter3A_1892, %scatter3A_1893, %scatter3A_1894] : memref<2x8x8x129xf32, #tpu.memory_space<vmem>> -> memref<1x8x8x129xf32, #tpu.memory_space<vmem>>
        %scatter3A_1896 = tpu.memref_squeeze %scatter3A_1895 : memref<1x8x8x129xf32, #tpu.memory_space<vmem>> -> memref<8x8x129xf32, #tpu.memory_space<vmem>>
        tpu.vector_store_idx %scatter3A_1896[%select_n3A_227, %select_n3A_252, %add3A_1848], %add3A_1890 : memref<8x8x129xf32, #tpu.memory_space<vmem>>[vector<16xi32>, vector<16xi32>, vector<16xi32>], vector<16xf32>,
        %mul3A_1897 = arith.constant 4 : i32
        %mul3A_1898 = arith.muli %scan3A_1785, %mul3A_1897 : i32
        %add3A_1899 = arith.constant 2 : i32
        %add3A_1900 = arith.addi %mul3A_1898, %add3A_1899 : i32
        %add3A_1901 = arith.constant 2 : i32
        %add3A_1902 = vector.broadcast %add3A_1901 : i32 to vector<16xi32>
        %add3A_1903 = arith.addi %broadcast_in_dim3A, %add3A_1902 : vector<16xi32>
        %get3A_1904 = arith.constant 0 : i32
        %get3A_1905 = arith.index_cast %get3A_1904 : i32 to index
        %get3A_1906 = arith.index_cast %add3A_1900 : i32 to index
        %get3A_1907 = arith.constant 0 : index
        %get3A_1908 = tpu.vector_load %arg10[%get3A_1905, %get3A_1906, %get3A_1907] {strides = array<i32>} : memref<4x128x64xf32, #tpu.memory_space<vmem>>, vector<16xf32>,
        %add3A_1909 = arith.addf %get3A_1908, %get3A_1259 : vector<16xf32>
        %scatter3A_1910 = arith.constant 0 : i32
        %scatter3A_1911 = arith.constant 0 : i32
        %scatter3A_1912 = arith.constant 0 : i32
        %scatter3A_1913 = arith.constant 0 : i32
        %scatter3A_1914 = tpu.memref_slice %arg11[%scatter3A_1910, %scatter3A_1911, %scatter3A_1912, %scatter3A_1913] : memref<2x8x8x129xf32, #tpu.memory_space<vmem>> -> memref<1x8x8x129xf32, #tpu.memory_space<vmem>>
        %scatter3A_1915 = tpu.memref_squeeze %scatter3A_1914 : memref<1x8x8x129xf32, #tpu.memory_space<vmem>> -> memref<8x8x129xf32, #tpu.memory_space<vmem>>
        tpu.vector_store_idx %scatter3A_1915[%select_n3A_52, %select_n3A_75, %add3A_1903], %add3A_1909 : memref<8x8x129xf32, #tpu.memory_space<vmem>>[vector<16xi32>, vector<16xi32>, vector<16xi32>], vector<16xf32>,
        %get3A_1916 = arith.constant 0 : i32
        %get3A_1917 = arith.index_cast %get3A_1916 : i32 to index
        %get3A_1918 = arith.index_cast %add3A_1900 : i32 to index
        %get3A_1919 = arith.constant 16 : index
        %get3A_1920 = tpu.vector_load %arg10[%get3A_1917, %get3A_1918, %get3A_1919] {strides = array<i32>} : memref<4x128x64xf32, #tpu.memory_space<vmem>>, vector<16xf32>,
        %add3A_1921 = arith.addf %get3A_1920, %get3A_1262 : vector<16xf32>
        %scatter3A_1922 = arith.constant 0 : i32
        %scatter3A_1923 = arith.constant 0 : i32
        %scatter3A_1924 = arith.constant 0 : i32
        %scatter3A_1925 = arith.constant 0 : i32
        %scatter3A_1926 = tpu.memref_slice %arg11[%scatter3A_1922, %scatter3A_1923, %scatter3A_1924, %scatter3A_1925] : memref<2x8x8x129xf32, #tpu.memory_space<vmem>> -> memref<1x8x8x129xf32, #tpu.memory_space<vmem>>
        %scatter3A_1927 = tpu.memref_squeeze %scatter3A_1926 : memref<1x8x8x129xf32, #tpu.memory_space<vmem>> -> memref<8x8x129xf32, #tpu.memory_space<vmem>>
        tpu.vector_store_idx %scatter3A_1927[%select_n3A_109, %select_n3A_134, %add3A_1903], %add3A_1921 : memref<8x8x129xf32, #tpu.memory_space<vmem>>[vector<16xi32>, vector<16xi32>, vector<16xi32>], vector<16xf32>,
        %get3A_1928 = arith.constant 0 : i32
        %get3A_1929 = arith.index_cast %get3A_1928 : i32 to index
        %get3A_1930 = arith.index_cast %add3A_1900 : i32 to index
        %get3A_1931 = arith.constant 32 : index
        %get3A_1932 = tpu.vector_load %arg10[%get3A_1929, %get3A_1930, %get3A_1931] {strides = array<i32>} : memref<4x128x64xf32, #tpu.memory_space<vmem>>, vector<16xf32>,
        %add3A_1933 = arith.addf %get3A_1932, %get3A_1265 : vector<16xf32>
        %scatter3A_1934 = arith.constant 0 : i32
        %scatter3A_1935 = arith.constant 0 : i32
        %scatter3A_1936 = arith.constant 0 : i32
        %scatter3A_1937 = arith.constant 0 : i32
        %scatter3A_1938 = tpu.memref_slice %arg11[%scatter3A_1934, %scatter3A_1935, %scatter3A_1936, %scatter3A_1937] : memref<2x8x8x129xf32, #tpu.memory_space<vmem>> -> memref<1x8x8x129xf32, #tpu.memory_space<vmem>>
        %scatter3A_1939 = tpu.memref_squeeze %scatter3A_1938 : memref<1x8x8x129xf32, #tpu.memory_space<vmem>> -> memref<8x8x129xf32, #tpu.memory_space<vmem>>
        tpu.vector_store_idx %scatter3A_1939[%select_n3A_168, %select_n3A_193, %add3A_1903], %add3A_1933 : memref<8x8x129xf32, #tpu.memory_space<vmem>>[vector<16xi32>, vector<16xi32>, vector<16xi32>], vector<16xf32>,
        %get3A_1940 = arith.constant 0 : i32
        %get3A_1941 = arith.index_cast %get3A_1940 : i32 to index
        %get3A_1942 = arith.index_cast %add3A_1900 : i32 to index
        %get3A_1943 = arith.constant 48 : index
        %get3A_1944 = tpu.vector_load %arg10[%get3A_1941, %get3A_1942, %get3A_1943] {strides = array<i32>} : memref<4x128x64xf32, #tpu.memory_space<vmem>>, vector<16xf32>,
        %add3A_1945 = arith.addf %get3A_1944, %get3A_1268 : vector<16xf32>
        %scatter3A_1946 = arith.constant 0 : i32
        %scatter3A_1947 = arith.constant 0 : i32
        %scatter3A_1948 = arith.constant 0 : i32
        %scatter3A_1949 = arith.constant 0 : i32
        %scatter3A_1950 = tpu.memref_slice %arg11[%scatter3A_1946, %scatter3A_1947, %scatter3A_1948, %scatter3A_1949] : memref<2x8x8x129xf32, #tpu.memory_space<vmem>> -> memref<1x8x8x129xf32, #tpu.memory_space<vmem>>
        %scatter3A_1951 = tpu.memref_squeeze %scatter3A_1950 : memref<1x8x8x129xf32, #tpu.memory_space<vmem>> -> memref<8x8x129xf32, #tpu.memory_space<vmem>>
        tpu.vector_store_idx %scatter3A_1951[%select_n3A_227, %select_n3A_252, %add3A_1903], %add3A_1945 : memref<8x8x129xf32, #tpu.memory_space<vmem>>[vector<16xi32>, vector<16xi32>, vector<16xi32>], vector<16xf32>,
        %mul3A_1952 = arith.constant 4 : i32
        %mul3A_1953 = arith.muli %scan3A_1785, %mul3A_1952 : i32
        %add3A_1954 = arith.constant 3 : i32
        %add3A_1955 = arith.addi %mul3A_1953, %add3A_1954 : i32
        %add3A_1956 = arith.constant 3 : i32
        %add3A_1957 = vector.broadcast %add3A_1956 : i32 to vector<16xi32>
        %add3A_1958 = arith.addi %broadcast_in_dim3A, %add3A_1957 : vector<16xi32>
        %get3A_1959 = arith.constant 0 : i32
        %get3A_1960 = arith.index_cast %get3A_1959 : i32 to index
        %get3A_1961 = arith.index_cast %add3A_1955 : i32 to index
        %get3A_1962 = arith.constant 0 : index
        %get3A_1963 = tpu.vector_load %arg10[%get3A_1960, %get3A_1961, %get3A_1962] {strides = array<i32>} : memref<4x128x64xf32, #tpu.memory_space<vmem>>, vector<16xf32>,
        %add3A_1964 = arith.addf %get3A_1963, %get3A_1259 : vector<16xf32>
        %scatter3A_1965 = arith.constant 0 : i32
        %scatter3A_1966 = arith.constant 0 : i32
        %scatter3A_1967 = arith.constant 0 : i32
        %scatter3A_1968 = arith.constant 0 : i32
        %scatter3A_1969 = tpu.memref_slice %arg11[%scatter3A_1965, %scatter3A_1966, %scatter3A_1967, %scatter3A_1968] : memref<2x8x8x129xf32, #tpu.memory_space<vmem>> -> memref<1x8x8x129xf32, #tpu.memory_space<vmem>>
        %scatter3A_1970 = tpu.memref_squeeze %scatter3A_1969 : memref<1x8x8x129xf32, #tpu.memory_space<vmem>> -> memref<8x8x129xf32, #tpu.memory_space<vmem>>
        tpu.vector_store_idx %scatter3A_1970[%select_n3A_52, %select_n3A_75, %add3A_1958], %add3A_1964 : memref<8x8x129xf32, #tpu.memory_space<vmem>>[vector<16xi32>, vector<16xi32>, vector<16xi32>], vector<16xf32>,
        %get3A_1971 = arith.constant 0 : i32
        %get3A_1972 = arith.index_cast %get3A_1971 : i32 to index
        %get3A_1973 = arith.index_cast %add3A_1955 : i32 to index
        %get3A_1974 = arith.constant 16 : index
        %get3A_1975 = tpu.vector_load %arg10[%get3A_1972, %get3A_1973, %get3A_1974] {strides = array<i32>} : memref<4x128x64xf32, #tpu.memory_space<vmem>>, vector<16xf32>,
        %add3A_1976 = arith.addf %get3A_1975, %get3A_1262 : vector<16xf32>
        %scatter3A_1977 = arith.constant 0 : i32
        %scatter3A_1978 = arith.constant 0 : i32
        %scatter3A_1979 = arith.constant 0 : i32
        %scatter3A_1980 = arith.constant 0 : i32
        %scatter3A_1981 = tpu.memref_slice %arg11[%scatter3A_1977, %scatter3A_1978, %scatter3A_1979, %scatter3A_1980] : memref<2x8x8x129xf32, #tpu.memory_space<vmem>> -> memref<1x8x8x129xf32, #tpu.memory_space<vmem>>
        %scatter3A_1982 = tpu.memref_squeeze %scatter3A_1981 : memref<1x8x8x129xf32, #tpu.memory_space<vmem>> -> memref<8x8x129xf32, #tpu.memory_space<vmem>>
        tpu.vector_store_idx %scatter3A_1982[%select_n3A_109, %select_n3A_134, %add3A_1958], %add3A_1976 : memref<8x8x129xf32, #tpu.memory_space<vmem>>[vector<16xi32>, vector<16xi32>, vector<16xi32>], vector<16xf32>,
        %get3A_1983 = arith.constant 0 : i32
        %get3A_1984 = arith.index_cast %get3A_1983 : i32 to index
        %get3A_1985 = arith.index_cast %add3A_1955 : i32 to index
        %get3A_1986 = arith.constant 32 : index
        %get3A_1987 = tpu.vector_load %arg10[%get3A_1984, %get3A_1985, %get3A_1986] {strides = array<i32>} : memref<4x128x64xf32, #tpu.memory_space<vmem>>, vector<16xf32>,
        %add3A_1988 = arith.addf %get3A_1987, %get3A_1265 : vector<16xf32>
        %scatter3A_1989 = arith.constant 0 : i32
        %scatter3A_1990 = arith.constant 0 : i32
        %scatter3A_1991 = arith.constant 0 : i32
        %scatter3A_1992 = arith.constant 0 : i32
        %scatter3A_1993 = tpu.memref_slice %arg11[%scatter3A_1989, %scatter3A_1990, %scatter3A_1991, %scatter3A_1992] : memref<2x8x8x129xf32, #tpu.memory_space<vmem>> -> memref<1x8x8x129xf32, #tpu.memory_space<vmem>>
        %scatter3A_1994 = tpu.memref_squeeze %scatter3A_1993 : memref<1x8x8x129xf32, #tpu.memory_space<vmem>> -> memref<8x8x129xf32, #tpu.memory_space<vmem>>
        tpu.vector_store_idx %scatter3A_1994[%select_n3A_168, %select_n3A_193, %add3A_1958], %add3A_1988 : memref<8x8x129xf32, #tpu.memory_space<vmem>>[vector<16xi32>, vector<16xi32>, vector<16xi32>], vector<16xf32>,
        %get3A_1995 = arith.constant 0 : i32
        %get3A_1996 = arith.index_cast %get3A_1995 : i32 to index
        %get3A_1997 = arith.index_cast %add3A_1955 : i32 to index
        %get3A_1998 = arith.constant 48 : index
        %get3A_1999 = tpu.vector_load %arg10[%get3A_1996, %get3A_1997, %get3A_1998] {strides = array<i32>} : memref<4x128x64xf32, #tpu.memory_space<vmem>>, vector<16xf32>,
        %add3A_2000 = arith.addf %get3A_1999, %get3A_1268 : vector<16xf32>
        %scatter3A_2001 = arith.constant 0 : i32
        %scatter3A_2002 = arith.constant 0 : i32
        %scatter3A_2003 = arith.constant 0 : i32
        %scatter3A_2004 = arith.constant 0 : i32
        %scatter3A_2005 = tpu.memref_slice %arg11[%scatter3A_2001, %scatter3A_2002, %scatter3A_2003, %scatter3A_2004] : memref<2x8x8x129xf32, #tpu.memory_space<vmem>> -> memref<1x8x8x129xf32, #tpu.memory_space<vmem>>
        %scatter3A_2006 = tpu.memref_squeeze %scatter3A_2005 : memref<1x8x8x129xf32, #tpu.memory_space<vmem>> -> memref<8x8x129xf32, #tpu.memory_space<vmem>>
        tpu.vector_store_idx %scatter3A_2006[%select_n3A_227, %select_n3A_252, %add3A_1958], %add3A_2000 : memref<8x8x129xf32, #tpu.memory_space<vmem>>[vector<16xi32>, vector<16xi32>, vector<16xi32>], vector<16xf32>,
      }
      %scan3A_1274 = arith.constant 32 : i32
      %add3A_1275 = arith.addi %mul3A_2, %add3A_1196 : i32
      %jit3A_1276 = arith.constant 32 : i32
      %div3A_1277 = arith.divsi %add3A_1275, %jit3A_1276 : i32
      %sign3A_1278 = arith.constant 0 : i32
      %sign3A_1279 = arith.cmpi sgt, %add3A_1275, %sign3A_1278 : i32
      %sign3A_1280 = arith.extui %sign3A_1279 : i1 to i32
      %sign3A_1281 = arith.constant 0 : i32
      %sign3A_1282 = arith.cmpi slt, %add3A_1275, %sign3A_1281 : i32
      %sign3A_1283 = arith.extui %sign3A_1282 : i1 to i32
      %sign3A_1284 = arith.subi %sign3A_1280, %sign3A_1283 : i32
      %sign3A_1285 = arith.constant 0 : i32
      %sign3A_1286 = arith.cmpi sgt, %jit3A_1276, %sign3A_1285 : i32
      %sign3A_1287 = arith.extui %sign3A_1286 : i1 to i32
      %sign3A_1288 = arith.constant 0 : i32
      %sign3A_1289 = arith.cmpi slt, %jit3A_1276, %sign3A_1288 : i32
      %sign3A_1290 = arith.extui %sign3A_1289 : i1 to i32
      %sign3A_1291 = arith.subi %sign3A_1287, %sign3A_1290 : i32
      %ne3A_1292 = arith.cmpi ne, %sign3A_1284, %sign3A_1291 : i32
      %rem3A_1293 = arith.remsi %add3A_1275, %jit3A_1276 : i32
      %ne3A_1294 = arith.constant 0 : i32
      %ne3A_1295 = arith.cmpi ne, %rem3A_1293, %ne3A_1294 : i32
      %and3A_1296 = arith.andi %ne3A_1292, %ne3A_1295 : i1
      %sub3A_1297 = arith.constant 1 : i32
      %sub3A_1298 = arith.subi %div3A_1277, %sub3A_1297 : i32
      %select_n3A_1299 = arith.select %and3A_1296, %sub3A_1298, %div3A_1277 : i32
      %add3A_1300 = arith.addi %mul3A_2, %add3A_1196 : i32
      %jit3A_1301 = arith.constant 32 : i32
      %eq3A_1302 = arith.constant 0 : i32
      %eq3A_1303 = arith.cmpi eq, %jit3A_1301, %eq3A_1302 : i32
      %jit3A_1304 = arith.constant 1 : i32
      %select_n3A_1305 = arith.select %eq3A_1303, %jit3A_1304, %jit3A_1301 : i32
      %rem3A_1306 = arith.remsi %add3A_1300, %select_n3A_1305 : i32
      %ne3A_1307 = arith.constant 0 : i32
      %ne3A_1308 = arith.cmpi ne, %rem3A_1306, %ne3A_1307 : i32
      %lt3A_1309 = arith.constant 0 : i32
      %lt3A_1310 = arith.cmpi slt, %rem3A_1306, %lt3A_1309 : i32
      %lt3A_1311 = arith.constant 0 : i32
      %lt3A_1312 = arith.cmpi slt, %select_n3A_1305, %lt3A_1311 : i32
      %ne3A_1313 = arith.xori %lt3A_1310, %lt3A_1312 : i1
      %and3A_1314 = arith.andi %ne3A_1313, %ne3A_1308 : i1
      %add3A_1315 = arith.addi %rem3A_1306, %select_n3A_1305 : i32
      %select_n3A_1316 = arith.select %and3A_1314, %add3A_1315, %rem3A_1306 : i32
      %dma_start3A_1317 = arith.constant 0 : i32
      %dma_start3A_1318 = arith.constant 0 : i32
      %dma_start3A_1319 = arith.constant 0 : i32
      %dma_start3A_1320 = arith.constant 0 : i32
      %dma_start3A_1321 = tpu.memref_slice %arg11[%dma_start3A_1317, %dma_start3A_1318, %dma_start3A_1319, %dma_start3A_1320] : memref<2x8x8x129xf32, #tpu.memory_space<vmem>> -> memref<1x8x8x128xf32, #tpu.memory_space<vmem>>
      %dma_start3A_1322 = tpu.memref_squeeze %dma_start3A_1321 : memref<1x8x8x128xf32, #tpu.memory_space<vmem>> -> memref<8x8x128xf32, #tpu.memory_space<vmem>>
      %dma_start3A_1323 = arith.constant 0 : i32
      %dma_start3A_1324 = arith.constant 0 : i32
      %dma_start3A_1325 = arith.constant 0 : i32
      %dma_start3A_1326 = tpu.memref_slice %arg7[%select_n3A_1299, %dma_start3A_1323, %select_n3A_1316, %dma_start3A_1324, %dma_start3A_1325] : memref<200x8x32x8x128xf32, #tpu.memory_space<hbm>> -> memref<1x8x1x8x128xf32, #tpu.memory_space<hbm>>
      %dma_start3A_1327 = tpu.memref_squeeze %dma_start3A_1326 : memref<1x8x1x8x128xf32, #tpu.memory_space<hbm>> -> memref<8x8x128xf32, #tpu.memory_space<hbm>>
      %dma_start3A_1328 = arith.constant 0 : i32
      %dma_start3A_1329 = arith.constant 0 : i32
      %dma_start3A_1330 = arith.constant 0 : i32
      %dma_start3A_1331 = tpu.memref_slice %arg7[%select_n3A_1299, %dma_start3A_1328, %select_n3A_1316, %dma_start3A_1329, %dma_start3A_1330] : memref<200x8x32x8x128xf32, #tpu.memory_space<hbm>> -> memref<1x8x1x8x128xf32, #tpu.memory_space<hbm>>
      %dma_start3A_1332 = tpu.memref_squeeze %dma_start3A_1331 : memref<1x8x1x8x128xf32, #tpu.memory_space<hbm>> -> memref<8x8x128xf32, #tpu.memory_space<hbm>>
      %dma_start3A_1333 = arith.constant 0 : i32
      %dma_start3A_1334 = arith.constant 0 : i32
      %dma_start3A_1335 = arith.constant 0 : i32
      %dma_start3A_1336 = tpu.memref_slice %arg11[%dma_start3A_1317, %dma_start3A_1333, %dma_start3A_1334, %dma_start3A_1335] : memref<2x8x8x129xf32, #tpu.memory_space<vmem>> -> memref<1x8x8x128xf32, #tpu.memory_space<vmem>>
      %dma_start3A_1337 = tpu.memref_squeeze %dma_start3A_1336 : memref<1x8x8x128xf32, #tpu.memory_space<vmem>> -> memref<8x8x128xf32, #tpu.memory_space<vmem>>
      tpu.enqueue_dma source(%dma_start3A_1337 : memref<8x8x128xf32, #tpu.memory_space<vmem>>) target(%dma_start3A_1332 : memref<8x8x128xf32, #tpu.memory_space<hbm>>) target_semaphore(%arg25 : memref<!tpu.dma_semaphore, #tpu.memory_space<semaphore_mem>>)
      %mul3A_1338 = arith.constant 4 : i32
      %mul3A_1339 = arith.muli %scan3A_1192, %mul3A_1338 : i32
      %add3A_1340 = arith.constant 1 : i32
      %add3A_1341 = arith.addi %mul3A_1339, %add3A_1340 : i32
      %add3A_1342 = arith.constant 1 : i32
      %add3A_1343 = arith.addi %add3A_1341, %add3A_1342 : i32
      %lt3A_1344 = arith.constant 200 : i32
      %lt3A_1345 = arith.cmpi slt, %add3A_1343, %lt3A_1344 : i32
      %convert_element_type3A_1346 = arith.extui %lt3A_1345 : i1 to i32
      %cond3A_1347 = arith.constant 0 : i32
      %cond3A_1348 = arith.cmpi ne, %convert_element_type3A_1346, %cond3A_1347 : i32
      scf.if %cond3A_1348 {
        %dma_wait3A_1785 = arith.constant 2 : i32
        %dma_wait3A_1786 = arith.constant 2 : i32
        %dma_wait3A_1787 = arith.constant 0 : i32
        %dma_wait3A_1788 = arith.constant 0 : i32
        %dma_wait3A_1789 = tpu.memref_slice %arg10[%dma_wait3A_1786, %dma_wait3A_1787, %dma_wait3A_1788] : memref<4x128x64xf32, #tpu.memory_space<vmem>> -> memref<1x128x64xf32, #tpu.memory_space<vmem>>
        %dma_wait3A_1790 = tpu.memref_squeeze %dma_wait3A_1789 : memref<1x128x64xf32, #tpu.memory_space<vmem>> -> memref<128x64xf32, #tpu.memory_space<vmem>>
        %dma_wait3A_1791 = arith.constant 0 : i32
        %dma_wait3A_1792 = tpu.memref_slice %arg8[%dma_wait3A_1785, %dma_wait3A_1791] : memref<4x128xi32, #tpu.memory_space<vmem>> -> memref<1x128xi32, #tpu.memory_space<vmem>>
        %dma_wait3A_1793 = tpu.memref_squeeze %dma_wait3A_1792 : memref<1x128xi32, #tpu.memory_space<vmem>> -> memref<128xi32, #tpu.memory_space<vmem>>
        %dma_wait3A_1794 = arith.constant 0 : i32
        %dma_wait3A_1795 = arith.constant 0 : i32
        %dma_wait3A_1796 = tpu.memref_slice %arg4[%dma_wait3A_1794, %dma_wait3A_1795] : memref<100000x64xf32, #tpu.memory_space<hbm>> -> memref<100000x64xf32, #tpu.memory_space<hbm>>
        tpu.wait_indirect_dma semaphore(%arg19 : memref<!tpu.dma_semaphore, #tpu.memory_space<semaphore_mem>>) src(%dma_wait3A_1796 : memref<100000x64xf32, #tpu.memory_space<hbm>>) dst(%dma_wait3A_1790 : memref<128x64xf32, #tpu.memory_space<vmem>>)
        %dma_start3A_1797 = arith.constant 2 : i32
        %dma_start3A_1798 = arith.constant 2 : i32
        %dma_start3A_1799 = arith.constant 0 : i32
        %dma_start3A_1800 = arith.constant 0 : i32
        %dma_start3A_1801 = tpu.memref_slice %arg10[%dma_start3A_1798, %dma_start3A_1799, %dma_start3A_1800] : memref<4x128x64xf32, #tpu.memory_space<vmem>> -> memref<1x128x64xf32, #tpu.memory_space<vmem>>
        %dma_start3A_1802 = tpu.memref_squeeze %dma_start3A_1801 : memref<1x128x64xf32, #tpu.memory_space<vmem>> -> memref<128x64xf32, #tpu.memory_space<vmem>>
        %dma_start3A_1803 = arith.constant 0 : i32
        %dma_start3A_1804 = tpu.memref_slice %arg9[%dma_start3A_1797, %dma_start3A_1803] : memref<4x128xi32, #tpu.memory_space<vmem>> -> memref<1x128xi32, #tpu.memory_space<vmem>>
        %dma_start3A_1805 = tpu.memref_squeeze %dma_start3A_1804 : memref<1x128xi32, #tpu.memory_space<vmem>> -> memref<128xi32, #tpu.memory_space<vmem>>
        %dma_start3A_1806 = arith.constant 0 : i32
        %dma_start3A_1807 = arith.constant 0 : i32
        %dma_start3A_1808 = tpu.memref_slice %arg5[%dma_start3A_1806, %dma_start3A_1807] : memref<1000x64xf32, #tpu.memory_space<hbm>> -> memref<1000x64xf32, #tpu.memory_space<hbm>>
        tpu.enqueue_indirect_dma source(%dma_start3A_1808 : memref<1000x64xf32, #tpu.memory_space<hbm>>) target(%dma_start3A_1802 : memref<128x64xf32, #tpu.memory_space<vmem>>) offsets(%dma_start3A_1805 : memref<128xi32, #tpu.memory_space<vmem>>) semaphore(%arg23 : memref<!tpu.dma_semaphore, #tpu.memory_space<semaphore_mem>>) {add = true}
      } else {
      }
      %add3A_1349 = arith.constant 2 : i32
      %add3A_1350 = arith.addi %add3A_1341, %add3A_1349 : i32
      %lt3A_1351 = arith.constant 200 : i32
      %lt3A_1352 = arith.cmpi slt, %add3A_1350, %lt3A_1351 : i32
      %convert_element_type3A_1353 = arith.extui %lt3A_1352 : i1 to i32
      %cond3A_1354 = arith.constant 0 : i32
      %cond3A_1355 = arith.cmpi ne, %convert_element_type3A_1353, %cond3A_1354 : i32
      scf.if %cond3A_1355 {
        %add3A_1785 = arith.constant 2 : i32
        %add3A_1786 = arith.addi %add3A_1341, %add3A_1785 : i32
        %add3A_1787 = arith.addi %mul3A_2, %add3A_1786 : i32
        %jit3A_1788 = arith.constant 32 : i32
        %div3A_1789 = arith.divsi %add3A_1787, %jit3A_1788 : i32
        %sign3A_1790 = arith.constant 0 : i32
        %sign3A_1791 = arith.cmpi sgt, %add3A_1787, %sign3A_1790 : i32
        %sign3A_1792 = arith.extui %sign3A_1791 : i1 to i32
        %sign3A_1793 = arith.constant 0 : i32
        %sign3A_1794 = arith.cmpi slt, %add3A_1787, %sign3A_1793 : i32
        %sign3A_1795 = arith.extui %sign3A_1794 : i1 to i32
        %sign3A_1796 = arith.subi %sign3A_1792, %sign3A_1795 : i32
        %sign3A_1797 = arith.constant 0 : i32
        %sign3A_1798 = arith.cmpi sgt, %jit3A_1788, %sign3A_1797 : i32
        %sign3A_1799 = arith.extui %sign3A_1798 : i1 to i32
        %sign3A_1800 = arith.constant 0 : i32
        %sign3A_1801 = arith.cmpi slt, %jit3A_1788, %sign3A_1800 : i32
        %sign3A_1802 = arith.extui %sign3A_1801 : i1 to i32
        %sign3A_1803 = arith.subi %sign3A_1799, %sign3A_1802 : i32
        %ne3A_1804 = arith.cmpi ne, %sign3A_1796, %sign3A_1803 : i32
        %rem3A_1805 = arith.remsi %add3A_1787, %jit3A_1788 : i32
        %ne3A_1806 = arith.constant 0 : i32
        %ne3A_1807 = arith.cmpi ne, %rem3A_1805, %ne3A_1806 : i32
        %and3A_1808 = arith.andi %ne3A_1804, %ne3A_1807 : i1
        %sub3A_1809 = arith.constant 1 : i32
        %sub3A_1810 = arith.subi %div3A_1789, %sub3A_1809 : i32
        %select_n3A_1811 = arith.select %and3A_1808, %sub3A_1810, %div3A_1789 : i32
        %add3A_1812 = arith.addi %mul3A_2, %add3A_1786 : i32
        %jit3A_1813 = arith.constant 32 : i32
        %eq3A_1814 = arith.constant 0 : i32
        %eq3A_1815 = arith.cmpi eq, %jit3A_1813, %eq3A_1814 : i32
        %jit3A_1816 = arith.constant 1 : i32
        %select_n3A_1817 = arith.select %eq3A_1815, %jit3A_1816, %jit3A_1813 : i32
        %rem3A_1818 = arith.remsi %add3A_1812, %select_n3A_1817 : i32
        %ne3A_1819 = arith.constant 0 : i32
        %ne3A_1820 = arith.cmpi ne, %rem3A_1818, %ne3A_1819 : i32
        %lt3A_1821 = arith.constant 0 : i32
        %lt3A_1822 = arith.cmpi slt, %rem3A_1818, %lt3A_1821 : i32
        %lt3A_1823 = arith.constant 0 : i32
        %lt3A_1824 = arith.cmpi slt, %select_n3A_1817, %lt3A_1823 : i32
        %ne3A_1825 = arith.xori %lt3A_1822, %lt3A_1824 : i1
        %and3A_1826 = arith.andi %ne3A_1825, %ne3A_1820 : i1
        %add3A_1827 = arith.addi %rem3A_1818, %select_n3A_1817 : i32
        %select_n3A_1828 = arith.select %and3A_1826, %add3A_1827, %rem3A_1818 : i32
        %jit3A_1829 = arith.constant 8 : i32
        %div3A_1830 = arith.divsi %select_n3A_1811, %jit3A_1829 : i32
        %sign3A_1831 = arith.constant 0 : i32
        %sign3A_1832 = arith.cmpi sgt, %select_n3A_1811, %sign3A_1831 : i32
        %sign3A_1833 = arith.extui %sign3A_1832 : i1 to i32
        %sign3A_1834 = arith.constant 0 : i32
        %sign3A_1835 = arith.cmpi slt, %select_n3A_1811, %sign3A_1834 : i32
        %sign3A_1836 = arith.extui %sign3A_1835 : i1 to i32
        %sign3A_1837 = arith.subi %sign3A_1833, %sign3A_1836 : i32
        %sign3A_1838 = arith.constant 0 : i32
        %sign3A_1839 = arith.cmpi sgt, %jit3A_1829, %sign3A_1838 : i32
        %sign3A_1840 = arith.extui %sign3A_1839 : i1 to i32
        %sign3A_1841 = arith.constant 0 : i32
        %sign3A_1842 = arith.cmpi slt, %jit3A_1829, %sign3A_1841 : i32
        %sign3A_1843 = arith.extui %sign3A_1842 : i1 to i32
        %sign3A_1844 = arith.subi %sign3A_1840, %sign3A_1843 : i32
        %ne3A_1845 = arith.cmpi ne, %sign3A_1837, %sign3A_1844 : i32
        %rem3A_1846 = arith.remsi %select_n3A_1811, %jit3A_1829 : i32
        %ne3A_1847 = arith.constant 0 : i32
        %ne3A_1848 = arith.cmpi ne, %rem3A_1846, %ne3A_1847 : i32
        %and3A_1849 = arith.andi %ne3A_1845, %ne3A_1848 : i1
        %sub3A_1850 = arith.constant 1 : i32
        %sub3A_1851 = arith.subi %div3A_1830, %sub3A_1850 : i32
        %select_n3A_1852 = arith.select %and3A_1849, %sub3A_1851, %div3A_1830 : i32
        %jit3A_1853 = arith.constant 8 : i32
        %eq3A_1854 = arith.constant 0 : i32
        %eq3A_1855 = arith.cmpi eq, %jit3A_1853, %eq3A_1854 : i32
        %jit3A_1856 = arith.constant 1 : i32
        %select_n3A_1857 = arith.select %eq3A_1855, %jit3A_1856, %jit3A_1853 : i32
        %rem3A_1858 = arith.remsi %select_n3A_1811, %select_n3A_1857 : i32
        %ne3A_1859 = arith.constant 0 : i32
        %ne3A_1860 = arith.cmpi ne, %rem3A_1858, %ne3A_1859 : i32
        %lt3A_1861 = arith.constant 0 : i32
        %lt3A_1862 = arith.cmpi slt, %rem3A_1858, %lt3A_1861 : i32
        %lt3A_1863 = arith.constant 0 : i32
        %lt3A_1864 = arith.cmpi slt, %select_n3A_1857, %lt3A_1863 : i32
        %ne3A_1865 = arith.xori %lt3A_1862, %lt3A_1864 : i1
        %and3A_1866 = arith.andi %ne3A_1865, %ne3A_1860 : i1
        %add3A_1867 = arith.addi %rem3A_1858, %select_n3A_1857 : i32
        %select_n3A_1868 = arith.select %and3A_1866, %add3A_1867, %rem3A_1858 : i32
        %jit3A_1869 = arith.constant 8 : i32
        %div3A_1870 = arith.divsi %select_n3A_1811, %jit3A_1869 : i32
        %sign3A_1871 = arith.constant 0 : i32
        %sign3A_1872 = arith.cmpi sgt, %select_n3A_1811, %sign3A_1871 : i32
        %sign3A_1873 = arith.extui %sign3A_1872 : i1 to i32
        %sign3A_1874 = arith.constant 0 : i32
        %sign3A_1875 = arith.cmpi slt, %select_n3A_1811, %sign3A_1874 : i32
        %sign3A_1876 = arith.extui %sign3A_1875 : i1 to i32
        %sign3A_1877 = arith.subi %sign3A_1873, %sign3A_1876 : i32
        %sign3A_1878 = arith.constant 0 : i32
        %sign3A_1879 = arith.cmpi sgt, %jit3A_1869, %sign3A_1878 : i32
        %sign3A_1880 = arith.extui %sign3A_1879 : i1 to i32
        %sign3A_1881 = arith.constant 0 : i32
        %sign3A_1882 = arith.cmpi slt, %jit3A_1869, %sign3A_1881 : i32
        %sign3A_1883 = arith.extui %sign3A_1882 : i1 to i32
        %sign3A_1884 = arith.subi %sign3A_1880, %sign3A_1883 : i32
        %ne3A_1885 = arith.cmpi ne, %sign3A_1877, %sign3A_1884 : i32
        %rem3A_1886 = arith.remsi %select_n3A_1811, %jit3A_1869 : i32
        %ne3A_1887 = arith.constant 0 : i32
        %ne3A_1888 = arith.cmpi ne, %rem3A_1886, %ne3A_1887 : i32
        %and3A_1889 = arith.andi %ne3A_1885, %ne3A_1888 : i1
        %sub3A_1890 = arith.constant 1 : i32
        %sub3A_1891 = arith.subi %div3A_1870, %sub3A_1890 : i32
        %select_n3A_1892 = arith.select %and3A_1889, %sub3A_1891, %div3A_1870 : i32
        %jit3A_1893 = arith.constant 8 : i32
        %eq3A_1894 = arith.constant 0 : i32
        %eq3A_1895 = arith.cmpi eq, %jit3A_1893, %eq3A_1894 : i32
        %jit3A_1896 = arith.constant 1 : i32
        %select_n3A_1897 = arith.select %eq3A_1895, %jit3A_1896, %jit3A_1893 : i32
        %rem3A_1898 = arith.remsi %select_n3A_1811, %select_n3A_1897 : i32
        %ne3A_1899 = arith.constant 0 : i32
        %ne3A_1900 = arith.cmpi ne, %rem3A_1898, %ne3A_1899 : i32
        %lt3A_1901 = arith.constant 0 : i32
        %lt3A_1902 = arith.cmpi slt, %rem3A_1898, %lt3A_1901 : i32
        %lt3A_1903 = arith.constant 0 : i32
        %lt3A_1904 = arith.cmpi slt, %select_n3A_1897, %lt3A_1903 : i32
        %ne3A_1905 = arith.xori %lt3A_1902, %lt3A_1904 : i1
        %and3A_1906 = arith.andi %ne3A_1905, %ne3A_1900 : i1
        %add3A_1907 = arith.addi %rem3A_1898, %select_n3A_1897 : i32
        %select_n3A_1908 = arith.select %and3A_1906, %add3A_1907, %rem3A_1898 : i32
        %dma_wait3A_1909 = arith.constant 3 : i32
        %dma_wait3A_1910 = arith.constant 0 : i32
        %dma_wait3A_1911 = tpu.memref_slice %arg8[%dma_wait3A_1909, %dma_wait3A_1910] : memref<4x128xi32, #tpu.memory_space<vmem>> -> memref<1x128xi32, #tpu.memory_space<vmem>>
        %dma_wait3A_1912 = tpu.memref_squeeze %dma_wait3A_1911 : memref<1x128xi32, #tpu.memory_space<vmem>> -> memref<128xi32, #tpu.memory_space<vmem>>
        %dma_wait3A_1913 = arith.constant 0 : i32
        %dma_wait3A_1914 = tpu.memref_slice %arg2[%select_n3A_1852, %select_n3A_1828, %select_n3A_1868, %dma_wait3A_1913] : memref<25x32x8x128xi32, #tpu.memory_space<hbm>> -> memref<1x1x1x128xi32, #tpu.memory_space<hbm>>
        %dma_wait3A_1915 = tpu.memref_squeeze %dma_wait3A_1914 : memref<1x1x1x128xi32, #tpu.memory_space<hbm>> -> memref<128xi32, #tpu.memory_space<hbm>>
        %dma_wait3A_1916 = arith.constant 0 : i32
        %dma_wait3A_1917 = tpu.memref_slice %arg8[%dma_wait3A_1909, %dma_wait3A_1916] : memref<4x128xi32, #tpu.memory_space<vmem>> -> memref<1x128xi32, #tpu.memory_space<vmem>>
        %dma_wait3A_1918 = tpu.memref_squeeze %dma_wait3A_1917 : memref<1x128xi32, #tpu.memory_space<vmem>> -> memref<128xi32, #tpu.memory_space<vmem>>
        %dma_wait3A_1919 = arith.constant 0 : i32
        %dma_wait3A_1920 = tpu.memref_slice %arg2[%select_n3A_1852, %select_n3A_1828, %select_n3A_1868, %dma_wait3A_1919] : memref<25x32x8x128xi32, #tpu.memory_space<hbm>> -> memref<1x1x1x128xi32, #tpu.memory_space<hbm>>
        %dma_wait3A_1921 = tpu.memref_squeeze %dma_wait3A_1920 : memref<1x1x1x128xi32, #tpu.memory_space<hbm>> -> memref<128xi32, #tpu.memory_space<hbm>>
        tpu.wait_dma2 semaphore(%arg16 : memref<!tpu.dma_semaphore, #tpu.memory_space<semaphore_mem>>) src(%dma_wait3A_1921 : memref<128xi32, #tpu.memory_space<hbm>>) dst(%dma_wait3A_1918 : memref<128xi32, #tpu.memory_space<vmem>>)
        %dma_wait3A_1922 = arith.constant 3 : i32
        %dma_wait3A_1923 = arith.constant 0 : i32
        %dma_wait3A_1924 = tpu.memref_slice %arg9[%dma_wait3A_1922, %dma_wait3A_1923] : memref<4x128xi32, #tpu.memory_space<vmem>> -> memref<1x128xi32, #tpu.memory_space<vmem>>
        %dma_wait3A_1925 = tpu.memref_squeeze %dma_wait3A_1924 : memref<1x128xi32, #tpu.memory_space<vmem>> -> memref<128xi32, #tpu.memory_space<vmem>>
        %dma_wait3A_1926 = arith.constant 0 : i32
        %dma_wait3A_1927 = tpu.memref_slice %arg3[%select_n3A_1892, %select_n3A_1828, %select_n3A_1908, %dma_wait3A_1926] : memref<25x32x8x128xi32, #tpu.memory_space<hbm>> -> memref<1x1x1x128xi32, #tpu.memory_space<hbm>>
        %dma_wait3A_1928 = tpu.memref_squeeze %dma_wait3A_1927 : memref<1x1x1x128xi32, #tpu.memory_space<hbm>> -> memref<128xi32, #tpu.memory_space<hbm>>
        %dma_wait3A_1929 = arith.constant 0 : i32
        %dma_wait3A_1930 = tpu.memref_slice %arg9[%dma_wait3A_1922, %dma_wait3A_1929] : memref<4x128xi32, #tpu.memory_space<vmem>> -> memref<1x128xi32, #tpu.memory_space<vmem>>
        %dma_wait3A_1931 = tpu.memref_squeeze %dma_wait3A_1930 : memref<1x128xi32, #tpu.memory_space<vmem>> -> memref<128xi32, #tpu.memory_space<vmem>>
        %dma_wait3A_1932 = arith.constant 0 : i32
        %dma_wait3A_1933 = tpu.memref_slice %arg3[%select_n3A_1892, %select_n3A_1828, %select_n3A_1908, %dma_wait3A_1932] : memref<25x32x8x128xi32, #tpu.memory_space<hbm>> -> memref<1x1x1x128xi32, #tpu.memory_space<hbm>>
        %dma_wait3A_1934 = tpu.memref_squeeze %dma_wait3A_1933 : memref<1x1x1x128xi32, #tpu.memory_space<hbm>> -> memref<128xi32, #tpu.memory_space<hbm>>
        tpu.wait_dma2 semaphore(%arg16 : memref<!tpu.dma_semaphore, #tpu.memory_space<semaphore_mem>>) src(%dma_wait3A_1934 : memref<128xi32, #tpu.memory_space<hbm>>) dst(%dma_wait3A_1931 : memref<128xi32, #tpu.memory_space<vmem>>)
        %dma_start3A_1935 = arith.constant 3 : i32
        %dma_start3A_1936 = arith.constant 3 : i32
        %dma_start3A_1937 = arith.constant 0 : i32
        %dma_start3A_1938 = arith.constant 0 : i32
        %dma_start3A_1939 = tpu.memref_slice %arg10[%dma_start3A_1936, %dma_start3A_1937, %dma_start3A_1938] : memref<4x128x64xf32, #tpu.memory_space<vmem>> -> memref<1x128x64xf32, #tpu.memory_space<vmem>>
        %dma_start3A_1940 = tpu.memref_squeeze %dma_start3A_1939 : memref<1x128x64xf32, #tpu.memory_space<vmem>> -> memref<128x64xf32, #tpu.memory_space<vmem>>
        %dma_start3A_1941 = arith.constant 0 : i32
        %dma_start3A_1942 = tpu.memref_slice %arg8[%dma_start3A_1935, %dma_start3A_1941] : memref<4x128xi32, #tpu.memory_space<vmem>> -> memref<1x128xi32, #tpu.memory_space<vmem>>
        %dma_start3A_1943 = tpu.memref_squeeze %dma_start3A_1942 : memref<1x128xi32, #tpu.memory_space<vmem>> -> memref<128xi32, #tpu.memory_space<vmem>>
        %dma_start3A_1944 = arith.constant 0 : i32
        %dma_start3A_1945 = arith.constant 0 : i32
        %dma_start3A_1946 = tpu.memref_slice %arg4[%dma_start3A_1944, %dma_start3A_1945] : memref<100000x64xf32, #tpu.memory_space<hbm>> -> memref<100000x64xf32, #tpu.memory_space<hbm>>
        tpu.enqueue_indirect_dma source(%dma_start3A_1946 : memref<100000x64xf32, #tpu.memory_space<hbm>>) target(%dma_start3A_1940 : memref<128x64xf32, #tpu.memory_space<vmem>>) offsets(%dma_start3A_1943 : memref<128xi32, #tpu.memory_space<vmem>>) semaphore(%arg20 : memref<!tpu.dma_semaphore, #tpu.memory_space<semaphore_mem>>)
      } else {
      }
      %add3A_1356 = arith.constant 3 : i32
      %add3A_1357 = arith.addi %add3A_1341, %add3A_1356 : i32
      %lt3A_1358 = arith.constant 200 : i32
      %lt3A_1359 = arith.cmpi slt, %add3A_1357, %lt3A_1358 : i32
      %convert_element_type3A_1360 = arith.extui %lt3A_1359 : i1 to i32
      %cond3A_1361 = arith.constant 0 : i32
      %cond3A_1362 = arith.cmpi ne, %convert_element_type3A_1360, %cond3A_1361 : i32
      scf.if %cond3A_1362 {
        %add3A_1785 = arith.constant 3 : i32
        %add3A_1786 = arith.addi %add3A_1341, %add3A_1785 : i32
        %add3A_1787 = arith.addi %mul3A_2, %add3A_1786 : i32
        %jit3A_1788 = arith.constant 32 : i32
        %div3A_1789 = arith.divsi %add3A_1787, %jit3A_1788 : i32
        %sign3A_1790 = arith.constant 0 : i32
        %sign3A_1791 = arith.cmpi sgt, %add3A_1787, %sign3A_1790 : i32
        %sign3A_1792 = arith.extui %sign3A_1791 : i1 to i32
        %sign3A_1793 = arith.constant 0 : i32
        %sign3A_1794 = arith.cmpi slt, %add3A_1787, %sign3A_1793 : i32
        %sign3A_1795 = arith.extui %sign3A_1794 : i1 to i32
        %sign3A_1796 = arith.subi %sign3A_1792, %sign3A_1795 : i32
        %sign3A_1797 = arith.constant 0 : i32
        %sign3A_1798 = arith.cmpi sgt, %jit3A_1788, %sign3A_1797 : i32
        %sign3A_1799 = arith.extui %sign3A_1798 : i1 to i32
        %sign3A_1800 = arith.constant 0 : i32
        %sign3A_1801 = arith.cmpi slt, %jit3A_1788, %sign3A_1800 : i32
        %sign3A_1802 = arith.extui %sign3A_1801 : i1 to i32
        %sign3A_1803 = arith.subi %sign3A_1799, %sign3A_1802 : i32
        %ne3A_1804 = arith.cmpi ne, %sign3A_1796, %sign3A_1803 : i32
        %rem3A_1805 = arith.remsi %add3A_1787, %jit3A_1788 : i32
        %ne3A_1806 = arith.constant 0 : i32
        %ne3A_1807 = arith.cmpi ne, %rem3A_1805, %ne3A_1806 : i32
        %and3A_1808 = arith.andi %ne3A_1804, %ne3A_1807 : i1
        %sub3A_1809 = arith.constant 1 : i32
        %sub3A_1810 = arith.subi %div3A_1789, %sub3A_1809 : i32
        %select_n3A_1811 = arith.select %and3A_1808, %sub3A_1810, %div3A_1789 : i32
        %add3A_1812 = arith.addi %mul3A_2, %add3A_1786 : i32
        %jit3A_1813 = arith.constant 32 : i32
        %eq3A_1814 = arith.constant 0 : i32
        %eq3A_1815 = arith.cmpi eq, %jit3A_1813, %eq3A_1814 : i32
        %jit3A_1816 = arith.constant 1 : i32
        %select_n3A_1817 = arith.select %eq3A_1815, %jit3A_1816, %jit3A_1813 : i32
        %rem3A_1818 = arith.remsi %add3A_1812, %select_n3A_1817 : i32
        %ne3A_1819 = arith.constant 0 : i32
        %ne3A_1820 = arith.cmpi ne, %rem3A_1818, %ne3A_1819 : i32
        %lt3A_1821 = arith.constant 0 : i32
        %lt3A_1822 = arith.cmpi slt, %rem3A_1818, %lt3A_1821 : i32
        %lt3A_1823 = arith.constant 0 : i32
        %lt3A_1824 = arith.cmpi slt, %select_n3A_1817, %lt3A_1823 : i32
        %ne3A_1825 = arith.xori %lt3A_1822, %lt3A_1824 : i1
        %and3A_1826 = arith.andi %ne3A_1825, %ne3A_1820 : i1
        %add3A_1827 = arith.addi %rem3A_1818, %select_n3A_1817 : i32
        %select_n3A_1828 = arith.select %and3A_1826, %add3A_1827, %rem3A_1818 : i32
        %jit3A_1829 = arith.constant 8 : i32
        %div3A_1830 = arith.divsi %select_n3A_1811, %jit3A_1829 : i32
        %sign3A_1831 = arith.constant 0 : i32
        %sign3A_1832 = arith.cmpi sgt, %select_n3A_1811, %sign3A_1831 : i32
        %sign3A_1833 = arith.extui %sign3A_1832 : i1 to i32
        %sign3A_1834 = arith.constant 0 : i32
        %sign3A_1835 = arith.cmpi slt, %select_n3A_1811, %sign3A_1834 : i32
        %sign3A_1836 = arith.extui %sign3A_1835 : i1 to i32
        %sign3A_1837 = arith.subi %sign3A_1833, %sign3A_1836 : i32
        %sign3A_1838 = arith.constant 0 : i32
        %sign3A_1839 = arith.cmpi sgt, %jit3A_1829, %sign3A_1838 : i32
        %sign3A_1840 = arith.extui %sign3A_1839 : i1 to i32
        %sign3A_1841 = arith.constant 0 : i32
        %sign3A_1842 = arith.cmpi slt, %jit3A_1829, %sign3A_1841 : i32
        %sign3A_1843 = arith.extui %sign3A_1842 : i1 to i32
        %sign3A_1844 = arith.subi %sign3A_1840, %sign3A_1843 : i32
        %ne3A_1845 = arith.cmpi ne, %sign3A_1837, %sign3A_1844 : i32
        %rem3A_1846 = arith.remsi %select_n3A_1811, %jit3A_1829 : i32
        %ne3A_1847 = arith.constant 0 : i32
        %ne3A_1848 = arith.cmpi ne, %rem3A_1846, %ne3A_1847 : i32
        %and3A_1849 = arith.andi %ne3A_1845, %ne3A_1848 : i1
        %sub3A_1850 = arith.constant 1 : i32
        %sub3A_1851 = arith.subi %div3A_1830, %sub3A_1850 : i32
        %select_n3A_1852 = arith.select %and3A_1849, %sub3A_1851, %div3A_1830 : i32
        %jit3A_1853 = arith.constant 8 : i32
        %eq3A_1854 = arith.constant 0 : i32
        %eq3A_1855 = arith.cmpi eq, %jit3A_1853, %eq3A_1854 : i32
        %jit3A_1856 = arith.constant 1 : i32
        %select_n3A_1857 = arith.select %eq3A_1855, %jit3A_1856, %jit3A_1853 : i32
        %rem3A_1858 = arith.remsi %select_n3A_1811, %select_n3A_1857 : i32
        %ne3A_1859 = arith.constant 0 : i32
        %ne3A_1860 = arith.cmpi ne, %rem3A_1858, %ne3A_1859 : i32
        %lt3A_1861 = arith.constant 0 : i32
        %lt3A_1862 = arith.cmpi slt, %rem3A_1858, %lt3A_1861 : i32
        %lt3A_1863 = arith.constant 0 : i32
        %lt3A_1864 = arith.cmpi slt, %select_n3A_1857, %lt3A_1863 : i32
        %ne3A_1865 = arith.xori %lt3A_1862, %lt3A_1864 : i1
        %and3A_1866 = arith.andi %ne3A_1865, %ne3A_1860 : i1
        %add3A_1867 = arith.addi %rem3A_1858, %select_n3A_1857 : i32
        %select_n3A_1868 = arith.select %and3A_1866, %add3A_1867, %rem3A_1858 : i32
        %jit3A_1869 = arith.constant 8 : i32
        %div3A_1870 = arith.divsi %select_n3A_1811, %jit3A_1869 : i32
        %sign3A_1871 = arith.constant 0 : i32
        %sign3A_1872 = arith.cmpi sgt, %select_n3A_1811, %sign3A_1871 : i32
        %sign3A_1873 = arith.extui %sign3A_1872 : i1 to i32
        %sign3A_1874 = arith.constant 0 : i32
        %sign3A_1875 = arith.cmpi slt, %select_n3A_1811, %sign3A_1874 : i32
        %sign3A_1876 = arith.extui %sign3A_1875 : i1 to i32
        %sign3A_1877 = arith.subi %sign3A_1873, %sign3A_1876 : i32
        %sign3A_1878 = arith.constant 0 : i32
        %sign3A_1879 = arith.cmpi sgt, %jit3A_1869, %sign3A_1878 : i32
        %sign3A_1880 = arith.extui %sign3A_1879 : i1 to i32
        %sign3A_1881 = arith.constant 0 : i32
        %sign3A_1882 = arith.cmpi slt, %jit3A_1869, %sign3A_1881 : i32
        %sign3A_1883 = arith.extui %sign3A_1882 : i1 to i32
        %sign3A_1884 = arith.subi %sign3A_1880, %sign3A_1883 : i32
        %ne3A_1885 = arith.cmpi ne, %sign3A_1877, %sign3A_1884 : i32
        %rem3A_1886 = arith.remsi %select_n3A_1811, %jit3A_1869 : i32
        %ne3A_1887 = arith.constant 0 : i32
        %ne3A_1888 = arith.cmpi ne, %rem3A_1886, %ne3A_1887 : i32
        %and3A_1889 = arith.andi %ne3A_1885, %ne3A_1888 : i1
        %sub3A_1890 = arith.constant 1 : i32
        %sub3A_1891 = arith.subi %div3A_1870, %sub3A_1890 : i32
        %select_n3A_1892 = arith.select %and3A_1889, %sub3A_1891, %div3A_1870 : i32
        %jit3A_1893 = arith.constant 8 : i32
        %eq3A_1894 = arith.constant 0 : i32
        %eq3A_1895 = arith.cmpi eq, %jit3A_1893, %eq3A_1894 : i32
        %jit3A_1896 = arith.constant 1 : i32
        %select_n3A_1897 = arith.select %eq3A_1895, %jit3A_1896, %jit3A_1893 : i32
        %rem3A_1898 = arith.remsi %select_n3A_1811, %select_n3A_1897 : i32
        %ne3A_1899 = arith.constant 0 : i32
        %ne3A_1900 = arith.cmpi ne, %rem3A_1898, %ne3A_1899 : i32
        %lt3A_1901 = arith.constant 0 : i32
        %lt3A_1902 = arith.cmpi slt, %rem3A_1898, %lt3A_1901 : i32
        %lt3A_1903 = arith.constant 0 : i32
        %lt3A_1904 = arith.cmpi slt, %select_n3A_1897, %lt3A_1903 : i32
        %ne3A_1905 = arith.xori %lt3A_1902, %lt3A_1904 : i1
        %and3A_1906 = arith.andi %ne3A_1905, %ne3A_1900 : i1
        %add3A_1907 = arith.addi %rem3A_1898, %select_n3A_1897 : i32
        %select_n3A_1908 = arith.select %and3A_1906, %add3A_1907, %rem3A_1898 : i32
        %dma_start3A_1909 = arith.constant 0 : i32
        %dma_start3A_1910 = arith.constant 0 : i32
        %dma_start3A_1911 = tpu.memref_slice %arg8[%dma_start3A_1909, %dma_start3A_1910] : memref<4x128xi32, #tpu.memory_space<vmem>> -> memref<1x128xi32, #tpu.memory_space<vmem>>
        %dma_start3A_1912 = tpu.memref_squeeze %dma_start3A_1911 : memref<1x128xi32, #tpu.memory_space<vmem>> -> memref<128xi32, #tpu.memory_space<vmem>>
        %dma_start3A_1913 = arith.constant 0 : i32
        %dma_start3A_1914 = tpu.memref_slice %arg2[%select_n3A_1852, %select_n3A_1828, %select_n3A_1868, %dma_start3A_1913] : memref<25x32x8x128xi32, #tpu.memory_space<hbm>> -> memref<1x1x1x128xi32, #tpu.memory_space<hbm>>
        %dma_start3A_1915 = tpu.memref_squeeze %dma_start3A_1914 : memref<1x1x1x128xi32, #tpu.memory_space<hbm>> -> memref<128xi32, #tpu.memory_space<hbm>>
        %dma_start3A_1916 = arith.constant 0 : i32
        %dma_start3A_1917 = tpu.memref_slice %arg8[%dma_start3A_1909, %dma_start3A_1916] : memref<4x128xi32, #tpu.memory_space<vmem>> -> memref<1x128xi32, #tpu.memory_space<vmem>>
        %dma_start3A_1918 = tpu.memref_squeeze %dma_start3A_1917 : memref<1x128xi32, #tpu.memory_space<vmem>> -> memref<128xi32, #tpu.memory_space<vmem>>
        %dma_start3A_1919 = arith.constant 0 : i32
        %dma_start3A_1920 = tpu.memref_slice %arg2[%select_n3A_1852, %select_n3A_1828, %select_n3A_1868, %dma_start3A_1919] : memref<25x32x8x128xi32, #tpu.memory_space<hbm>> -> memref<1x1x1x128xi32, #tpu.memory_space<hbm>>
        %dma_start3A_1921 = tpu.memref_squeeze %dma_start3A_1920 : memref<1x1x1x128xi32, #tpu.memory_space<hbm>> -> memref<128xi32, #tpu.memory_space<hbm>>
        tpu.enqueue_dma source(%dma_start3A_1921 : memref<128xi32, #tpu.memory_space<hbm>>) target(%dma_start3A_1918 : memref<128xi32, #tpu.memory_space<vmem>>) target_semaphore(%arg13 : memref<!tpu.dma_semaphore, #tpu.memory_space<semaphore_mem>>)
        %dma_start3A_1922 = arith.constant 0 : i32
        %dma_start3A_1923 = arith.constant 0 : i32
        %dma_start3A_1924 = tpu.memref_slice %arg9[%dma_start3A_1922, %dma_start3A_1923] : memref<4x128xi32, #tpu.memory_space<vmem>> -> memref<1x128xi32, #tpu.memory_space<vmem>>
        %dma_start3A_1925 = tpu.memref_squeeze %dma_start3A_1924 : memref<1x128xi32, #tpu.memory_space<vmem>> -> memref<128xi32, #tpu.memory_space<vmem>>
        %dma_start3A_1926 = arith.constant 0 : i32
        %dma_start3A_1927 = tpu.memref_slice %arg3[%select_n3A_1892, %select_n3A_1828, %select_n3A_1908, %dma_start3A_1926] : memref<25x32x8x128xi32, #tpu.memory_space<hbm>> -> memref<1x1x1x128xi32, #tpu.memory_space<hbm>>
        %dma_start3A_1928 = tpu.memref_squeeze %dma_start3A_1927 : memref<1x1x1x128xi32, #tpu.memory_space<hbm>> -> memref<128xi32, #tpu.memory_space<hbm>>
        %dma_start3A_1929 = arith.constant 0 : i32
        %dma_start3A_1930 = tpu.memref_slice %arg9[%dma_start3A_1922, %dma_start3A_1929] : memref<4x128xi32, #tpu.memory_space<vmem>> -> memref<1x128xi32, #tpu.memory_space<vmem>>
        %dma_start3A_1931 = tpu.memref_squeeze %dma_start3A_1930 : memref<1x128xi32, #tpu.memory_space<vmem>> -> memref<128xi32, #tpu.memory_space<vmem>>
        %dma_start3A_1932 = arith.constant 0 : i32
        %dma_start3A_1933 = tpu.memref_slice %arg3[%select_n3A_1892, %select_n3A_1828, %select_n3A_1908, %dma_start3A_1932] : memref<25x32x8x128xi32, #tpu.memory_space<hbm>> -> memref<1x1x1x128xi32, #tpu.memory_space<hbm>>
        %dma_start3A_1934 = tpu.memref_squeeze %dma_start3A_1933 : memref<1x1x1x128xi32, #tpu.memory_space<hbm>> -> memref<128xi32, #tpu.memory_space<hbm>>
        tpu.enqueue_dma source(%dma_start3A_1934 : memref<128xi32, #tpu.memory_space<hbm>>) target(%dma_start3A_1931 : memref<128xi32, #tpu.memory_space<vmem>>) target_semaphore(%arg13 : memref<!tpu.dma_semaphore, #tpu.memory_space<semaphore_mem>>)
      } else {
      }
      %dma_wait3A_1363 = arith.constant 1 : i32
      %dma_wait3A_1364 = arith.constant 1 : i32
      %dma_wait3A_1365 = arith.constant 0 : i32
      %dma_wait3A_1366 = arith.constant 0 : i32
      %dma_wait3A_1367 = tpu.memref_slice %arg10[%dma_wait3A_1364, %dma_wait3A_1365, %dma_wait3A_1366] : memref<4x128x64xf32, #tpu.memory_space<vmem>> -> memref<1x128x64xf32, #tpu.memory_space<vmem>>
      %dma_wait3A_1368 = tpu.memref_squeeze %dma_wait3A_1367 : memref<1x128x64xf32, #tpu.memory_space<vmem>> -> memref<128x64xf32, #tpu.memory_space<vmem>>
      %dma_wait3A_1369 = arith.constant 0 : i32
      %dma_wait3A_1370 = tpu.memref_slice %arg9[%dma_wait3A_1363, %dma_wait3A_1369] : memref<4x128xi32, #tpu.memory_space<vmem>> -> memref<1x128xi32, #tpu.memory_space<vmem>>
      %dma_wait3A_1371 = tpu.memref_squeeze %dma_wait3A_1370 : memref<1x128xi32, #tpu.memory_space<vmem>> -> memref<128xi32, #tpu.memory_space<vmem>>
      %dma_wait3A_1372 = arith.constant 0 : i32
      %dma_wait3A_1373 = arith.constant 0 : i32
      %dma_wait3A_1374 = tpu.memref_slice %arg5[%dma_wait3A_1372, %dma_wait3A_1373] : memref<1000x64xf32, #tpu.memory_space<hbm>> -> memref<1000x64xf32, #tpu.memory_space<hbm>>
      tpu.wait_indirect_dma semaphore(%arg22 : memref<!tpu.dma_semaphore, #tpu.memory_space<semaphore_mem>>) src(%dma_wait3A_1374 : memref<1000x64xf32, #tpu.memory_space<hbm>>) dst(%dma_wait3A_1368 : memref<128x64xf32, #tpu.memory_space<vmem>>)
      %ge3A_1375 = arith.constant 2 : i32
      %ge3A_1376 = arith.cmpi sge, %add3A_1341, %ge3A_1375 : i32
      %convert_element_type3A_1377 = arith.extui %ge3A_1376 : i1 to i32
      %cond3A_1378 = arith.constant 0 : i32
      %cond3A_1379 = arith.cmpi ne, %convert_element_type3A_1377, %cond3A_1378 : i32
      scf.if %cond3A_1379 {
        %sub3A_1785 = arith.constant 2 : i32
        %sub3A_1786 = arith.subi %add3A_1341, %sub3A_1785 : i32
        %add3A_1787 = arith.addi %mul3A_2, %sub3A_1786 : i32
        %jit3A_1788 = arith.constant 32 : i32
        %div3A_1789 = arith.divsi %add3A_1787, %jit3A_1788 : i32
        %sign3A_1790 = arith.constant 0 : i32
        %sign3A_1791 = arith.cmpi sgt, %add3A_1787, %sign3A_1790 : i32
        %sign3A_1792 = arith.extui %sign3A_1791 : i1 to i32
        %sign3A_1793 = arith.constant 0 : i32
        %sign3A_1794 = arith.cmpi slt, %add3A_1787, %sign3A_1793 : i32
        %sign3A_1795 = arith.extui %sign3A_1794 : i1 to i32
        %sign3A_1796 = arith.subi %sign3A_1792, %sign3A_1795 : i32
        %sign3A_1797 = arith.constant 0 : i32
        %sign3A_1798 = arith.cmpi sgt, %jit3A_1788, %sign3A_1797 : i32
        %sign3A_1799 = arith.extui %sign3A_1798 : i1 to i32
        %sign3A_1800 = arith.constant 0 : i32
        %sign3A_1801 = arith.cmpi slt, %jit3A_1788, %sign3A_1800 : i32
        %sign3A_1802 = arith.extui %sign3A_1801 : i1 to i32
        %sign3A_1803 = arith.subi %sign3A_1799, %sign3A_1802 : i32
        %ne3A_1804 = arith.cmpi ne, %sign3A_1796, %sign3A_1803 : i32
        %rem3A_1805 = arith.remsi %add3A_1787, %jit3A_1788 : i32
        %ne3A_1806 = arith.constant 0 : i32
        %ne3A_1807 = arith.cmpi ne, %rem3A_1805, %ne3A_1806 : i32
        %and3A_1808 = arith.andi %ne3A_1804, %ne3A_1807 : i1
        %sub3A_1809 = arith.constant 1 : i32
        %sub3A_1810 = arith.subi %div3A_1789, %sub3A_1809 : i32
        %select_n3A_1811 = arith.select %and3A_1808, %sub3A_1810, %div3A_1789 : i32
        %add3A_1812 = arith.addi %mul3A_2, %sub3A_1786 : i32
        %jit3A_1813 = arith.constant 32 : i32
        %eq3A_1814 = arith.constant 0 : i32
        %eq3A_1815 = arith.cmpi eq, %jit3A_1813, %eq3A_1814 : i32
        %jit3A_1816 = arith.constant 1 : i32
        %select_n3A_1817 = arith.select %eq3A_1815, %jit3A_1816, %jit3A_1813 : i32
        %rem3A_1818 = arith.remsi %add3A_1812, %select_n3A_1817 : i32
        %ne3A_1819 = arith.constant 0 : i32
        %ne3A_1820 = arith.cmpi ne, %rem3A_1818, %ne3A_1819 : i32
        %lt3A_1821 = arith.constant 0 : i32
        %lt3A_1822 = arith.cmpi slt, %rem3A_1818, %lt3A_1821 : i32
        %lt3A_1823 = arith.constant 0 : i32
        %lt3A_1824 = arith.cmpi slt, %select_n3A_1817, %lt3A_1823 : i32
        %ne3A_1825 = arith.xori %lt3A_1822, %lt3A_1824 : i1
        %and3A_1826 = arith.andi %ne3A_1825, %ne3A_1820 : i1
        %add3A_1827 = arith.addi %rem3A_1818, %select_n3A_1817 : i32
        %select_n3A_1828 = arith.select %and3A_1826, %add3A_1827, %rem3A_1818 : i32
        %dma_wait3A_1829 = arith.constant 1 : i32
        %dma_wait3A_1830 = arith.constant 0 : i32
        %dma_wait3A_1831 = arith.constant 0 : i32
        %dma_wait3A_1832 = arith.constant 0 : i32
        %dma_wait3A_1833 = tpu.memref_slice %arg11[%dma_wait3A_1829, %dma_wait3A_1830, %dma_wait3A_1831, %dma_wait3A_1832] : memref<2x8x8x129xf32, #tpu.memory_space<vmem>> -> memref<1x8x8x128xf32, #tpu.memory_space<vmem>>
        %dma_wait3A_1834 = tpu.memref_squeeze %dma_wait3A_1833 : memref<1x8x8x128xf32, #tpu.memory_space<vmem>> -> memref<8x8x128xf32, #tpu.memory_space<vmem>>
        %dma_wait3A_1835 = arith.constant 0 : i32
        %dma_wait3A_1836 = arith.constant 0 : i32
        %dma_wait3A_1837 = arith.constant 0 : i32
        %dma_wait3A_1838 = tpu.memref_slice %arg7[%select_n3A_1811, %dma_wait3A_1835, %select_n3A_1828, %dma_wait3A_1836, %dma_wait3A_1837] : memref<200x8x32x8x128xf32, #tpu.memory_space<hbm>> -> memref<1x8x1x8x128xf32, #tpu.memory_space<hbm>>
        %dma_wait3A_1839 = tpu.memref_squeeze %dma_wait3A_1838 : memref<1x8x1x8x128xf32, #tpu.memory_space<hbm>> -> memref<8x8x128xf32, #tpu.memory_space<hbm>>
        %dma_wait3A_1840 = arith.constant 0 : i32
        %dma_wait3A_1841 = arith.constant 0 : i32
        %dma_wait3A_1842 = arith.constant 0 : i32
        %dma_wait3A_1843 = tpu.memref_slice %arg7[%select_n3A_1811, %dma_wait3A_1840, %select_n3A_1828, %dma_wait3A_1841, %dma_wait3A_1842] : memref<200x8x32x8x128xf32, #tpu.memory_space<hbm>> -> memref<1x8x1x8x128xf32, #tpu.memory_space<hbm>>
        %dma_wait3A_1844 = tpu.memref_squeeze %dma_wait3A_1843 : memref<1x8x1x8x128xf32, #tpu.memory_space<hbm>> -> memref<8x8x128xf32, #tpu.memory_space<hbm>>
        %dma_wait3A_1845 = arith.constant 0 : i32
        %dma_wait3A_1846 = arith.constant 0 : i32
        %dma_wait3A_1847 = arith.constant 0 : i32
        %dma_wait3A_1848 = tpu.memref_slice %arg11[%dma_wait3A_1829, %dma_wait3A_1845, %dma_wait3A_1846, %dma_wait3A_1847] : memref<2x8x8x129xf32, #tpu.memory_space<vmem>> -> memref<1x8x8x128xf32, #tpu.memory_space<vmem>>
        %dma_wait3A_1849 = tpu.memref_squeeze %dma_wait3A_1848 : memref<1x8x8x128xf32, #tpu.memory_space<vmem>> -> memref<8x8x128xf32, #tpu.memory_space<vmem>>
        tpu.wait_dma2 semaphore(%arg26 : memref<!tpu.dma_semaphore, #tpu.memory_space<semaphore_mem>>) src(%dma_wait3A_1849 : memref<8x8x128xf32, #tpu.memory_space<vmem>>) dst(%dma_wait3A_1844 : memref<8x8x128xf32, #tpu.memory_space<hbm>>)
      } else {
      }
      %add3A_1380 = arith.addi %mul3A_2, %add3A_1341 : i32
      %jit3A_1381 = arith.constant 32 : i32
      %div3A_1382 = arith.divsi %add3A_1380, %jit3A_1381 : i32
      %sign3A_1383 = arith.constant 0 : i32
      %sign3A_1384 = arith.cmpi sgt, %add3A_1380, %sign3A_1383 : i32
      %sign3A_1385 = arith.extui %sign3A_1384 : i1 to i32
      %sign3A_1386 = arith.constant 0 : i32
      %sign3A_1387 = arith.cmpi slt, %add3A_1380, %sign3A_1386 : i32
      %sign3A_1388 = arith.extui %sign3A_1387 : i1 to i32
      %sign3A_1389 = arith.subi %sign3A_1385, %sign3A_1388 : i32
      %sign3A_1390 = arith.constant 0 : i32
      %sign3A_1391 = arith.cmpi sgt, %jit3A_1381, %sign3A_1390 : i32
      %sign3A_1392 = arith.extui %sign3A_1391 : i1 to i32
      %sign3A_1393 = arith.constant 0 : i32
      %sign3A_1394 = arith.cmpi slt, %jit3A_1381, %sign3A_1393 : i32
      %sign3A_1395 = arith.extui %sign3A_1394 : i1 to i32
      %sign3A_1396 = arith.subi %sign3A_1392, %sign3A_1395 : i32
      %ne3A_1397 = arith.cmpi ne, %sign3A_1389, %sign3A_1396 : i32
      %rem3A_1398 = arith.remsi %add3A_1380, %jit3A_1381 : i32
      %ne3A_1399 = arith.constant 0 : i32
      %ne3A_1400 = arith.cmpi ne, %rem3A_1398, %ne3A_1399 : i32
      %and3A_1401 = arith.andi %ne3A_1397, %ne3A_1400 : i1
      %sub3A_1402 = arith.constant 1 : i32
      %sub3A_1403 = arith.subi %div3A_1382, %sub3A_1402 : i32
      %select_n3A_1404 = arith.select %and3A_1401, %sub3A_1403, %div3A_1382 : i32
      %sub3A_1405 = arith.subi %select_n3A_1404, %select_n3A : i32
      %get3A_1406 = arith.index_cast %sub3A_1405 : i32 to index
      %get3A_1407 = arith.constant 0 : index
      %get3A_1408 = tpu.vector_load %arg12[%get3A_1406, %get3A_1407] {strides = array<i32>} : memref<8x64xf32, #tpu.memory_space<vmem>>, vector<16xf32>,
      %get3A_1409 = arith.index_cast %sub3A_1405 : i32 to index
      %get3A_1410 = arith.constant 16 : index
      %get3A_1411 = tpu.vector_load %arg12[%get3A_1409, %get3A_1410] {strides = array<i32>} : memref<8x64xf32, #tpu.memory_space<vmem>>, vector<16xf32>,
      %get3A_1412 = arith.index_cast %sub3A_1405 : i32 to index
      %get3A_1413 = arith.constant 32 : index
      %get3A_1414 = tpu.vector_load %arg12[%get3A_1412, %get3A_1413] {strides = array<i32>} : memref<8x64xf32, #tpu.memory_space<vmem>>, vector<16xf32>,
      %get3A_1415 = arith.index_cast %sub3A_1405 : i32 to index
      %get3A_1416 = arith.constant 48 : index
      %get3A_1417 = tpu.vector_load %arg12[%get3A_1415, %get3A_1416] {strides = array<i32>} : memref<8x64xf32, #tpu.memory_space<vmem>>, vector<16xf32>,
      %scan3A_1418 = arith.constant 0 : i32
      %scan3A_1419 = arith.constant 0 : i32
      %scan3A_1420 = arith.constant 32 : i32
      %scan3A_1421 = arith.addi %scan3A_1419, %scan3A_1420 : i32
      %scan3A_1422 = arith.constant 1 : i32
      scf.for %scan3A_1785 = %scan3A_1419 to %scan3A_1421 step %scan3A_1422  : i32 {
        %mul3A_1786 = arith.constant 4 : i32
        %mul3A_1787 = arith.muli %scan3A_1785, %mul3A_1786 : i32
        %broadcast_in_dim3A = vector.broadcast %mul3A_1787 : i32 to vector<16xi32>
        %mul3A_1788 = arith.constant 4 : i32
        %mul3A_1789 = arith.muli %scan3A_1785, %mul3A_1788 : i32
        %add3A_1790 = arith.constant 0 : i32
        %add3A_1791 = arith.addi %mul3A_1789, %add3A_1790 : i32
        %add3A_1792 = arith.constant 0 : i32
        %add3A_1793 = vector.broadcast %add3A_1792 : i32 to vector<16xi32>
        %add3A_1794 = arith.addi %broadcast_in_dim3A, %add3A_1793 : vector<16xi32>
        %get3A_1795 = arith.constant 1 : i32
        %get3A_1796 = arith.index_cast %get3A_1795 : i32 to index
        %get3A_1797 = arith.index_cast %add3A_1791 : i32 to index
        %get3A_1798 = arith.constant 0 : index
        %get3A_1799 = tpu.vector_load %arg10[%get3A_1796, %get3A_1797, %get3A_1798] {strides = array<i32>} : memref<4x128x64xf32, #tpu.memory_space<vmem>>, vector<16xf32>,
        %add3A_1800 = arith.addf %get3A_1799, %get3A_1408 : vector<16xf32>
        %scatter3A = arith.constant 1 : i32
        %scatter3A_1801 = arith.constant 0 : i32
        %scatter3A_1802 = arith.constant 0 : i32
        %scatter3A_1803 = arith.constant 0 : i32
        %scatter3A_1804 = tpu.memref_slice %arg11[%scatter3A, %scatter3A_1801, %scatter3A_1802, %scatter3A_1803] : memref<2x8x8x129xf32, #tpu.memory_space<vmem>> -> memref<1x8x8x129xf32, #tpu.memory_space<vmem>>
        %scatter3A_1805 = tpu.memref_squeeze %scatter3A_1804 : memref<1x8x8x129xf32, #tpu.memory_space<vmem>> -> memref<8x8x129xf32, #tpu.memory_space<vmem>>
        tpu.vector_store_idx %scatter3A_1805[%select_n3A_52, %select_n3A_75, %add3A_1794], %add3A_1800 : memref<8x8x129xf32, #tpu.memory_space<vmem>>[vector<16xi32>, vector<16xi32>, vector<16xi32>], vector<16xf32>,
        %get3A_1806 = arith.constant 1 : i32
        %get3A_1807 = arith.index_cast %get3A_1806 : i32 to index
        %get3A_1808 = arith.index_cast %add3A_1791 : i32 to index
        %get3A_1809 = arith.constant 16 : index
        %get3A_1810 = tpu.vector_load %arg10[%get3A_1807, %get3A_1808, %get3A_1809] {strides = array<i32>} : memref<4x128x64xf32, #tpu.memory_space<vmem>>, vector<16xf32>,
        %add3A_1811 = arith.addf %get3A_1810, %get3A_1411 : vector<16xf32>
        %scatter3A_1812 = arith.constant 1 : i32
        %scatter3A_1813 = arith.constant 0 : i32
        %scatter3A_1814 = arith.constant 0 : i32
        %scatter3A_1815 = arith.constant 0 : i32
        %scatter3A_1816 = tpu.memref_slice %arg11[%scatter3A_1812, %scatter3A_1813, %scatter3A_1814, %scatter3A_1815] : memref<2x8x8x129xf32, #tpu.memory_space<vmem>> -> memref<1x8x8x129xf32, #tpu.memory_space<vmem>>
        %scatter3A_1817 = tpu.memref_squeeze %scatter3A_1816 : memref<1x8x8x129xf32, #tpu.memory_space<vmem>> -> memref<8x8x129xf32, #tpu.memory_space<vmem>>
        tpu.vector_store_idx %scatter3A_1817[%select_n3A_109, %select_n3A_134, %add3A_1794], %add3A_1811 : memref<8x8x129xf32, #tpu.memory_space<vmem>>[vector<16xi32>, vector<16xi32>, vector<16xi32>], vector<16xf32>,
        %get3A_1818 = arith.constant 1 : i32
        %get3A_1819 = arith.index_cast %get3A_1818 : i32 to index
        %get3A_1820 = arith.index_cast %add3A_1791 : i32 to index
        %get3A_1821 = arith.constant 32 : index
        %get3A_1822 = tpu.vector_load %arg10[%get3A_1819, %get3A_1820, %get3A_1821] {strides = array<i32>} : memref<4x128x64xf32, #tpu.memory_space<vmem>>, vector<16xf32>,
        %add3A_1823 = arith.addf %get3A_1822, %get3A_1414 : vector<16xf32>
        %scatter3A_1824 = arith.constant 1 : i32
        %scatter3A_1825 = arith.constant 0 : i32
        %scatter3A_1826 = arith.constant 0 : i32
        %scatter3A_1827 = arith.constant 0 : i32
        %scatter3A_1828 = tpu.memref_slice %arg11[%scatter3A_1824, %scatter3A_1825, %scatter3A_1826, %scatter3A_1827] : memref<2x8x8x129xf32, #tpu.memory_space<vmem>> -> memref<1x8x8x129xf32, #tpu.memory_space<vmem>>
        %scatter3A_1829 = tpu.memref_squeeze %scatter3A_1828 : memref<1x8x8x129xf32, #tpu.memory_space<vmem>> -> memref<8x8x129xf32, #tpu.memory_space<vmem>>
        tpu.vector_store_idx %scatter3A_1829[%select_n3A_168, %select_n3A_193, %add3A_1794], %add3A_1823 : memref<8x8x129xf32, #tpu.memory_space<vmem>>[vector<16xi32>, vector<16xi32>, vector<16xi32>], vector<16xf32>,
        %get3A_1830 = arith.constant 1 : i32
        %get3A_1831 = arith.index_cast %get3A_1830 : i32 to index
        %get3A_1832 = arith.index_cast %add3A_1791 : i32 to index
        %get3A_1833 = arith.constant 48 : index
        %get3A_1834 = tpu.vector_load %arg10[%get3A_1831, %get3A_1832, %get3A_1833] {strides = array<i32>} : memref<4x128x64xf32, #tpu.memory_space<vmem>>, vector<16xf32>,
        %add3A_1835 = arith.addf %get3A_1834, %get3A_1417 : vector<16xf32>
        %scatter3A_1836 = arith.constant 1 : i32
        %scatter3A_1837 = arith.constant 0 : i32
        %scatter3A_1838 = arith.constant 0 : i32
        %scatter3A_1839 = arith.constant 0 : i32
        %scatter3A_1840 = tpu.memref_slice %arg11[%scatter3A_1836, %scatter3A_1837, %scatter3A_1838, %scatter3A_1839] : memref<2x8x8x129xf32, #tpu.memory_space<vmem>> -> memref<1x8x8x129xf32, #tpu.memory_space<vmem>>
        %scatter3A_1841 = tpu.memref_squeeze %scatter3A_1840 : memref<1x8x8x129xf32, #tpu.memory_space<vmem>> -> memref<8x8x129xf32, #tpu.memory_space<vmem>>
        tpu.vector_store_idx %scatter3A_1841[%select_n3A_227, %select_n3A_252, %add3A_1794], %add3A_1835 : memref<8x8x129xf32, #tpu.memory_space<vmem>>[vector<16xi32>, vector<16xi32>, vector<16xi32>], vector<16xf32>,
        %mul3A_1842 = arith.constant 4 : i32
        %mul3A_1843 = arith.muli %scan3A_1785, %mul3A_1842 : i32
        %add3A_1844 = arith.constant 1 : i32
        %add3A_1845 = arith.addi %mul3A_1843, %add3A_1844 : i32
        %add3A_1846 = arith.constant 1 : i32
        %add3A_1847 = vector.broadcast %add3A_1846 : i32 to vector<16xi32>
        %add3A_1848 = arith.addi %broadcast_in_dim3A, %add3A_1847 : vector<16xi32>
        %get3A_1849 = arith.constant 1 : i32
        %get3A_1850 = arith.index_cast %get3A_1849 : i32 to index
        %get3A_1851 = arith.index_cast %add3A_1845 : i32 to index
        %get3A_1852 = arith.constant 0 : index
        %get3A_1853 = tpu.vector_load %arg10[%get3A_1850, %get3A_1851, %get3A_1852] {strides = array<i32>} : memref<4x128x64xf32, #tpu.memory_space<vmem>>, vector<16xf32>,
        %add3A_1854 = arith.addf %get3A_1853, %get3A_1408 : vector<16xf32>
        %scatter3A_1855 = arith.constant 1 : i32
        %scatter3A_1856 = arith.constant 0 : i32
        %scatter3A_1857 = arith.constant 0 : i32
        %scatter3A_1858 = arith.constant 0 : i32
        %scatter3A_1859 = tpu.memref_slice %arg11[%scatter3A_1855, %scatter3A_1856, %scatter3A_1857, %scatter3A_1858] : memref<2x8x8x129xf32, #tpu.memory_space<vmem>> -> memref<1x8x8x129xf32, #tpu.memory_space<vmem>>
        %scatter3A_1860 = tpu.memref_squeeze %scatter3A_1859 : memref<1x8x8x129xf32, #tpu.memory_space<vmem>> -> memref<8x8x129xf32, #tpu.memory_space<vmem>>
        tpu.vector_store_idx %scatter3A_1860[%select_n3A_52, %select_n3A_75, %add3A_1848], %add3A_1854 : memref<8x8x129xf32, #tpu.memory_space<vmem>>[vector<16xi32>, vector<16xi32>, vector<16xi32>], vector<16xf32>,
        %get3A_1861 = arith.constant 1 : i32
        %get3A_1862 = arith.index_cast %get3A_1861 : i32 to index
        %get3A_1863 = arith.index_cast %add3A_1845 : i32 to index
        %get3A_1864 = arith.constant 16 : index
        %get3A_1865 = tpu.vector_load %arg10[%get3A_1862, %get3A_1863, %get3A_1864] {strides = array<i32>} : memref<4x128x64xf32, #tpu.memory_space<vmem>>, vector<16xf32>,
        %add3A_1866 = arith.addf %get3A_1865, %get3A_1411 : vector<16xf32>
        %scatter3A_1867 = arith.constant 1 : i32
        %scatter3A_1868 = arith.constant 0 : i32
        %scatter3A_1869 = arith.constant 0 : i32
        %scatter3A_1870 = arith.constant 0 : i32
        %scatter3A_1871 = tpu.memref_slice %arg11[%scatter3A_1867, %scatter3A_1868, %scatter3A_1869, %scatter3A_1870] : memref<2x8x8x129xf32, #tpu.memory_space<vmem>> -> memref<1x8x8x129xf32, #tpu.memory_space<vmem>>
        %scatter3A_1872 = tpu.memref_squeeze %scatter3A_1871 : memref<1x8x8x129xf32, #tpu.memory_space<vmem>> -> memref<8x8x129xf32, #tpu.memory_space<vmem>>
        tpu.vector_store_idx %scatter3A_1872[%select_n3A_109, %select_n3A_134, %add3A_1848], %add3A_1866 : memref<8x8x129xf32, #tpu.memory_space<vmem>>[vector<16xi32>, vector<16xi32>, vector<16xi32>], vector<16xf32>,
        %get3A_1873 = arith.constant 1 : i32
        %get3A_1874 = arith.index_cast %get3A_1873 : i32 to index
        %get3A_1875 = arith.index_cast %add3A_1845 : i32 to index
        %get3A_1876 = arith.constant 32 : index
        %get3A_1877 = tpu.vector_load %arg10[%get3A_1874, %get3A_1875, %get3A_1876] {strides = array<i32>} : memref<4x128x64xf32, #tpu.memory_space<vmem>>, vector<16xf32>,
        %add3A_1878 = arith.addf %get3A_1877, %get3A_1414 : vector<16xf32>
        %scatter3A_1879 = arith.constant 1 : i32
        %scatter3A_1880 = arith.constant 0 : i32
        %scatter3A_1881 = arith.constant 0 : i32
        %scatter3A_1882 = arith.constant 0 : i32
        %scatter3A_1883 = tpu.memref_slice %arg11[%scatter3A_1879, %scatter3A_1880, %scatter3A_1881, %scatter3A_1882] : memref<2x8x8x129xf32, #tpu.memory_space<vmem>> -> memref<1x8x8x129xf32, #tpu.memory_space<vmem>>
        %scatter3A_1884 = tpu.memref_squeeze %scatter3A_1883 : memref<1x8x8x129xf32, #tpu.memory_space<vmem>> -> memref<8x8x129xf32, #tpu.memory_space<vmem>>
        tpu.vector_store_idx %scatter3A_1884[%select_n3A_168, %select_n3A_193, %add3A_1848], %add3A_1878 : memref<8x8x129xf32, #tpu.memory_space<vmem>>[vector<16xi32>, vector<16xi32>, vector<16xi32>], vector<16xf32>,
        %get3A_1885 = arith.constant 1 : i32
        %get3A_1886 = arith.index_cast %get3A_1885 : i32 to index
        %get3A_1887 = arith.index_cast %add3A_1845 : i32 to index
        %get3A_1888 = arith.constant 48 : index
        %get3A_1889 = tpu.vector_load %arg10[%get3A_1886, %get3A_1887, %get3A_1888] {strides = array<i32>} : memref<4x128x64xf32, #tpu.memory_space<vmem>>, vector<16xf32>,
        %add3A_1890 = arith.addf %get3A_1889, %get3A_1417 : vector<16xf32>
        %scatter3A_1891 = arith.constant 1 : i32
        %scatter3A_1892 = arith.constant 0 : i32
        %scatter3A_1893 = arith.constant 0 : i32
        %scatter3A_1894 = arith.constant 0 : i32
        %scatter3A_1895 = tpu.memref_slice %arg11[%scatter3A_1891, %scatter3A_1892, %scatter3A_1893, %scatter3A_1894] : memref<2x8x8x129xf32, #tpu.memory_space<vmem>> -> memref<1x8x8x129xf32, #tpu.memory_space<vmem>>
        %scatter3A_1896 = tpu.memref_squeeze %scatter3A_1895 : memref<1x8x8x129xf32, #tpu.memory_space<vmem>> -> memref<8x8x129xf32, #tpu.memory_space<vmem>>
        tpu.vector_store_idx %scatter3A_1896[%select_n3A_227, %select_n3A_252, %add3A_1848], %add3A_1890 : memref<8x8x129xf32, #tpu.memory_space<vmem>>[vector<16xi32>, vector<16xi32>, vector<16xi32>], vector<16xf32>,
        %mul3A_1897 = arith.constant 4 : i32
        %mul3A_1898 = arith.muli %scan3A_1785, %mul3A_1897 : i32
        %add3A_1899 = arith.constant 2 : i32
        %add3A_1900 = arith.addi %mul3A_1898, %add3A_1899 : i32
        %add3A_1901 = arith.constant 2 : i32
        %add3A_1902 = vector.broadcast %add3A_1901 : i32 to vector<16xi32>
        %add3A_1903 = arith.addi %broadcast_in_dim3A, %add3A_1902 : vector<16xi32>
        %get3A_1904 = arith.constant 1 : i32
        %get3A_1905 = arith.index_cast %get3A_1904 : i32 to index
        %get3A_1906 = arith.index_cast %add3A_1900 : i32 to index
        %get3A_1907 = arith.constant 0 : index
        %get3A_1908 = tpu.vector_load %arg10[%get3A_1905, %get3A_1906, %get3A_1907] {strides = array<i32>} : memref<4x128x64xf32, #tpu.memory_space<vmem>>, vector<16xf32>,
        %add3A_1909 = arith.addf %get3A_1908, %get3A_1408 : vector<16xf32>
        %scatter3A_1910 = arith.constant 1 : i32
        %scatter3A_1911 = arith.constant 0 : i32
        %scatter3A_1912 = arith.constant 0 : i32
        %scatter3A_1913 = arith.constant 0 : i32
        %scatter3A_1914 = tpu.memref_slice %arg11[%scatter3A_1910, %scatter3A_1911, %scatter3A_1912, %scatter3A_1913] : memref<2x8x8x129xf32, #tpu.memory_space<vmem>> -> memref<1x8x8x129xf32, #tpu.memory_space<vmem>>
        %scatter3A_1915 = tpu.memref_squeeze %scatter3A_1914 : memref<1x8x8x129xf32, #tpu.memory_space<vmem>> -> memref<8x8x129xf32, #tpu.memory_space<vmem>>
        tpu.vector_store_idx %scatter3A_1915[%select_n3A_52, %select_n3A_75, %add3A_1903], %add3A_1909 : memref<8x8x129xf32, #tpu.memory_space<vmem>>[vector<16xi32>, vector<16xi32>, vector<16xi32>], vector<16xf32>,
        %get3A_1916 = arith.constant 1 : i32
        %get3A_1917 = arith.index_cast %get3A_1916 : i32 to index
        %get3A_1918 = arith.index_cast %add3A_1900 : i32 to index
        %get3A_1919 = arith.constant 16 : index
        %get3A_1920 = tpu.vector_load %arg10[%get3A_1917, %get3A_1918, %get3A_1919] {strides = array<i32>} : memref<4x128x64xf32, #tpu.memory_space<vmem>>, vector<16xf32>,
        %add3A_1921 = arith.addf %get3A_1920, %get3A_1411 : vector<16xf32>
        %scatter3A_1922 = arith.constant 1 : i32
        %scatter3A_1923 = arith.constant 0 : i32
        %scatter3A_1924 = arith.constant 0 : i32
        %scatter3A_1925 = arith.constant 0 : i32
        %scatter3A_1926 = tpu.memref_slice %arg11[%scatter3A_1922, %scatter3A_1923, %scatter3A_1924, %scatter3A_1925] : memref<2x8x8x129xf32, #tpu.memory_space<vmem>> -> memref<1x8x8x129xf32, #tpu.memory_space<vmem>>
        %scatter3A_1927 = tpu.memref_squeeze %scatter3A_1926 : memref<1x8x8x129xf32, #tpu.memory_space<vmem>> -> memref<8x8x129xf32, #tpu.memory_space<vmem>>
        tpu.vector_store_idx %scatter3A_1927[%select_n3A_109, %select_n3A_134, %add3A_1903], %add3A_1921 : memref<8x8x129xf32, #tpu.memory_space<vmem>>[vector<16xi32>, vector<16xi32>, vector<16xi32>], vector<16xf32>,
        %get3A_1928 = arith.constant 1 : i32
        %get3A_1929 = arith.index_cast %get3A_1928 : i32 to index
        %get3A_1930 = arith.index_cast %add3A_1900 : i32 to index
        %get3A_1931 = arith.constant 32 : index
        %get3A_1932 = tpu.vector_load %arg10[%get3A_1929, %get3A_1930, %get3A_1931] {strides = array<i32>} : memref<4x128x64xf32, #tpu.memory_space<vmem>>, vector<16xf32>,
        %add3A_1933 = arith.addf %get3A_1932, %get3A_1414 : vector<16xf32>
        %scatter3A_1934 = arith.constant 1 : i32
        %scatter3A_1935 = arith.constant 0 : i32
        %scatter3A_1936 = arith.constant 0 : i32
        %scatter3A_1937 = arith.constant 0 : i32
        %scatter3A_1938 = tpu.memref_slice %arg11[%scatter3A_1934, %scatter3A_1935, %scatter3A_1936, %scatter3A_1937] : memref<2x8x8x129xf32, #tpu.memory_space<vmem>> -> memref<1x8x8x129xf32, #tpu.memory_space<vmem>>
        %scatter3A_1939 = tpu.memref_squeeze %scatter3A_1938 : memref<1x8x8x129xf32, #tpu.memory_space<vmem>> -> memref<8x8x129xf32, #tpu.memory_space<vmem>>
        tpu.vector_store_idx %scatter3A_1939[%select_n3A_168, %select_n3A_193, %add3A_1903], %add3A_1933 : memref<8x8x129xf32, #tpu.memory_space<vmem>>[vector<16xi32>, vector<16xi32>, vector<16xi32>], vector<16xf32>,
        %get3A_1940 = arith.constant 1 : i32
        %get3A_1941 = arith.index_cast %get3A_1940 : i32 to index
        %get3A_1942 = arith.index_cast %add3A_1900 : i32 to index
        %get3A_1943 = arith.constant 48 : index
        %get3A_1944 = tpu.vector_load %arg10[%get3A_1941, %get3A_1942, %get3A_1943] {strides = array<i32>} : memref<4x128x64xf32, #tpu.memory_space<vmem>>, vector<16xf32>,
        %add3A_1945 = arith.addf %get3A_1944, %get3A_1417 : vector<16xf32>
        %scatter3A_1946 = arith.constant 1 : i32
        %scatter3A_1947 = arith.constant 0 : i32
        %scatter3A_1948 = arith.constant 0 : i32
        %scatter3A_1949 = arith.constant 0 : i32
        %scatter3A_1950 = tpu.memref_slice %arg11[%scatter3A_1946, %scatter3A_1947, %scatter3A_1948, %scatter3A_1949] : memref<2x8x8x129xf32, #tpu.memory_space<vmem>> -> memref<1x8x8x129xf32, #tpu.memory_space<vmem>>
        %scatter3A_1951 = tpu.memref_squeeze %scatter3A_1950 : memref<1x8x8x129xf32, #tpu.memory_space<vmem>> -> memref<8x8x129xf32, #tpu.memory_space<vmem>>
        tpu.vector_store_idx %scatter3A_1951[%select_n3A_227, %select_n3A_252, %add3A_1903], %add3A_1945 : memref<8x8x129xf32, #tpu.memory_space<vmem>>[vector<16xi32>, vector<16xi32>, vector<16xi32>], vector<16xf32>,
        %mul3A_1952 = arith.constant 4 : i32
        %mul3A_1953 = arith.muli %scan3A_1785, %mul3A_1952 : i32
        %add3A_1954 = arith.constant 3 : i32
        %add3A_1955 = arith.addi %mul3A_1953, %add3A_1954 : i32
        %add3A_1956 = arith.constant 3 : i32
        %add3A_1957 = vector.broadcast %add3A_1956 : i32 to vector<16xi32>
        %add3A_1958 = arith.addi %broadcast_in_dim3A, %add3A_1957 : vector<16xi32>
        %get3A_1959 = arith.constant 1 : i32
        %get3A_1960 = arith.index_cast %get3A_1959 : i32 to index
        %get3A_1961 = arith.index_cast %add3A_1955 : i32 to index
        %get3A_1962 = arith.constant 0 : index
        %get3A_1963 = tpu.vector_load %arg10[%get3A_1960, %get3A_1961, %get3A_1962] {strides = array<i32>} : memref<4x128x64xf32, #tpu.memory_space<vmem>>, vector<16xf32>,
        %add3A_1964 = arith.addf %get3A_1963, %get3A_1408 : vector<16xf32>
        %scatter3A_1965 = arith.constant 1 : i32
        %scatter3A_1966 = arith.constant 0 : i32
        %scatter3A_1967 = arith.constant 0 : i32
        %scatter3A_1968 = arith.constant 0 : i32
        %scatter3A_1969 = tpu.memref_slice %arg11[%scatter3A_1965, %scatter3A_1966, %scatter3A_1967, %scatter3A_1968] : memref<2x8x8x129xf32, #tpu.memory_space<vmem>> -> memref<1x8x8x129xf32, #tpu.memory_space<vmem>>
        %scatter3A_1970 = tpu.memref_squeeze %scatter3A_1969 : memref<1x8x8x129xf32, #tpu.memory_space<vmem>> -> memref<8x8x129xf32, #tpu.memory_space<vmem>>
        tpu.vector_store_idx %scatter3A_1970[%select_n3A_52, %select_n3A_75, %add3A_1958], %add3A_1964 : memref<8x8x129xf32, #tpu.memory_space<vmem>>[vector<16xi32>, vector<16xi32>, vector<16xi32>], vector<16xf32>,
        %get3A_1971 = arith.constant 1 : i32
        %get3A_1972 = arith.index_cast %get3A_1971 : i32 to index
        %get3A_1973 = arith.index_cast %add3A_1955 : i32 to index
        %get3A_1974 = arith.constant 16 : index
        %get3A_1975 = tpu.vector_load %arg10[%get3A_1972, %get3A_1973, %get3A_1974] {strides = array<i32>} : memref<4x128x64xf32, #tpu.memory_space<vmem>>, vector<16xf32>,
        %add3A_1976 = arith.addf %get3A_1975, %get3A_1411 : vector<16xf32>
        %scatter3A_1977 = arith.constant 1 : i32
        %scatter3A_1978 = arith.constant 0 : i32
        %scatter3A_1979 = arith.constant 0 : i32
        %scatter3A_1980 = arith.constant 0 : i32
        %scatter3A_1981 = tpu.memref_slice %arg11[%scatter3A_1977, %scatter3A_1978, %scatter3A_1979, %scatter3A_1980] : memref<2x8x8x129xf32, #tpu.memory_space<vmem>> -> memref<1x8x8x129xf32, #tpu.memory_space<vmem>>
        %scatter3A_1982 = tpu.memref_squeeze %scatter3A_1981 : memref<1x8x8x129xf32, #tpu.memory_space<vmem>> -> memref<8x8x129xf32, #tpu.memory_space<vmem>>
        tpu.vector_store_idx %scatter3A_1982[%select_n3A_109, %select_n3A_134, %add3A_1958], %add3A_1976 : memref<8x8x129xf32, #tpu.memory_space<vmem>>[vector<16xi32>, vector<16xi32>, vector<16xi32>], vector<16xf32>,
        %get3A_1983 = arith.constant 1 : i32
        %get3A_1984 = arith.index_cast %get3A_1983 : i32 to index
        %get3A_1985 = arith.index_cast %add3A_1955 : i32 to index
        %get3A_1986 = arith.constant 32 : index
        %get3A_1987 = tpu.vector_load %arg10[%get3A_1984, %get3A_1985, %get3A_1986] {strides = array<i32>} : memref<4x128x64xf32, #tpu.memory_space<vmem>>, vector<16xf32>,
        %add3A_1988 = arith.addf %get3A_1987, %get3A_1414 : vector<16xf32>
        %scatter3A_1989 = arith.constant 1 : i32
        %scatter3A_1990 = arith.constant 0 : i32
        %scatter3A_1991 = arith.constant 0 : i32
        %scatter3A_1992 = arith.constant 0 : i32
        %scatter3A_1993 = tpu.memref_slice %arg11[%scatter3A_1989, %scatter3A_1990, %scatter3A_1991, %scatter3A_1992] : memref<2x8x8x129xf32, #tpu.memory_space<vmem>> -> memref<1x8x8x129xf32, #tpu.memory_space<vmem>>
        %scatter3A_1994 = tpu.memref_squeeze %scatter3A_1993 : memref<1x8x8x129xf32, #tpu.memory_space<vmem>> -> memref<8x8x129xf32, #tpu.memory_space<vmem>>
        tpu.vector_store_idx %scatter3A_1994[%select_n3A_168, %select_n3A_193, %add3A_1958], %add3A_1988 : memref<8x8x129xf32, #tpu.memory_space<vmem>>[vector<16xi32>, vector<16xi32>, vector<16xi32>], vector<16xf32>,
        %get3A_1995 = arith.constant 1 : i32
        %get3A_1996 = arith.index_cast %get3A_1995 : i32 to index
        %get3A_1997 = arith.index_cast %add3A_1955 : i32 to index
        %get3A_1998 = arith.constant 48 : index
        %get3A_1999 = tpu.vector_load %arg10[%get3A_1996, %get3A_1997, %get3A_1998] {strides = array<i32>} : memref<4x128x64xf32, #tpu.memory_space<vmem>>, vector<16xf32>,
        %add3A_2000 = arith.addf %get3A_1999, %get3A_1417 : vector<16xf32>
        %scatter3A_2001 = arith.constant 1 : i32
        %scatter3A_2002 = arith.constant 0 : i32
        %scatter3A_2003 = arith.constant 0 : i32
        %scatter3A_2004 = arith.constant 0 : i32
        %scatter3A_2005 = tpu.memref_slice %arg11[%scatter3A_2001, %scatter3A_2002, %scatter3A_2003, %scatter3A_2004] : memref<2x8x8x129xf32, #tpu.memory_space<vmem>> -> memref<1x8x8x129xf32, #tpu.memory_space<vmem>>
        %scatter3A_2006 = tpu.memref_squeeze %scatter3A_2005 : memref<1x8x8x129xf32, #tpu.memory_space<vmem>> -> memref<8x8x129xf32, #tpu.memory_space<vmem>>
        tpu.vector_store_idx %scatter3A_2006[%select_n3A_227, %select_n3A_252, %add3A_1958], %add3A_2000 : memref<8x8x129xf32, #tpu.memory_space<vmem>>[vector<16xi32>, vector<16xi32>, vector<16xi32>], vector<16xf32>,
      }
      %scan3A_1423 = arith.constant 32 : i32
      %add3A_1424 = arith.addi %mul3A_2, %add3A_1341 : i32
      %jit3A_1425 = arith.constant 32 : i32
      %div3A_1426 = arith.divsi %add3A_1424, %jit3A_1425 : i32
      %sign3A_1427 = arith.constant 0 : i32
      %sign3A_1428 = arith.cmpi sgt, %add3A_1424, %sign3A_1427 : i32
      %sign3A_1429 = arith.extui %sign3A_1428 : i1 to i32
      %sign3A_1430 = arith.constant 0 : i32
      %sign3A_1431 = arith.cmpi slt, %add3A_1424, %sign3A_1430 : i32
      %sign3A_1432 = arith.extui %sign3A_1431 : i1 to i32
      %sign3A_1433 = arith.subi %sign3A_1429, %sign3A_1432 : i32
      %sign3A_1434 = arith.constant 0 : i32
      %sign3A_1435 = arith.cmpi sgt, %jit3A_1425, %sign3A_1434 : i32
      %sign3A_1436 = arith.extui %sign3A_1435 : i1 to i32
      %sign3A_1437 = arith.constant 0 : i32
      %sign3A_1438 = arith.cmpi slt, %jit3A_1425, %sign3A_1437 : i32
      %sign3A_1439 = arith.extui %sign3A_1438 : i1 to i32
      %sign3A_1440 = arith.subi %sign3A_1436, %sign3A_1439 : i32
      %ne3A_1441 = arith.cmpi ne, %sign3A_1433, %sign3A_1440 : i32
      %rem3A_1442 = arith.remsi %add3A_1424, %jit3A_1425 : i32
      %ne3A_1443 = arith.constant 0 : i32
      %ne3A_1444 = arith.cmpi ne, %rem3A_1442, %ne3A_1443 : i32
      %and3A_1445 = arith.andi %ne3A_1441, %ne3A_1444 : i1
      %sub3A_1446 = arith.constant 1 : i32
      %sub3A_1447 = arith.subi %div3A_1426, %sub3A_1446 : i32
      %select_n3A_1448 = arith.select %and3A_1445, %sub3A_1447, %div3A_1426 : i32
      %add3A_1449 = arith.addi %mul3A_2, %add3A_1341 : i32
      %jit3A_1450 = arith.constant 32 : i32
      %eq3A_1451 = arith.constant 0 : i32
      %eq3A_1452 = arith.cmpi eq, %jit3A_1450, %eq3A_1451 : i32
      %jit3A_1453 = arith.constant 1 : i32
      %select_n3A_1454 = arith.select %eq3A_1452, %jit3A_1453, %jit3A_1450 : i32
      %rem3A_1455 = arith.remsi %add3A_1449, %select_n3A_1454 : i32
      %ne3A_1456 = arith.constant 0 : i32
      %ne3A_1457 = arith.cmpi ne, %rem3A_1455, %ne3A_1456 : i32
      %lt3A_1458 = arith.constant 0 : i32
      %lt3A_1459 = arith.cmpi slt, %rem3A_1455, %lt3A_1458 : i32
      %lt3A_1460 = arith.constant 0 : i32
      %lt3A_1461 = arith.cmpi slt, %select_n3A_1454, %lt3A_1460 : i32
      %ne3A_1462 = arith.xori %lt3A_1459, %lt3A_1461 : i1
      %and3A_1463 = arith.andi %ne3A_1462, %ne3A_1457 : i1
      %add3A_1464 = arith.addi %rem3A_1455, %select_n3A_1454 : i32
      %select_n3A_1465 = arith.select %and3A_1463, %add3A_1464, %rem3A_1455 : i32
      %dma_start3A_1466 = arith.constant 1 : i32
      %dma_start3A_1467 = arith.constant 0 : i32
      %dma_start3A_1468 = arith.constant 0 : i32
      %dma_start3A_1469 = arith.constant 0 : i32
      %dma_start3A_1470 = tpu.memref_slice %arg11[%dma_start3A_1466, %dma_start3A_1467, %dma_start3A_1468, %dma_start3A_1469] : memref<2x8x8x129xf32, #tpu.memory_space<vmem>> -> memref<1x8x8x128xf32, #tpu.memory_space<vmem>>
      %dma_start3A_1471 = tpu.memref_squeeze %dma_start3A_1470 : memref<1x8x8x128xf32, #tpu.memory_space<vmem>> -> memref<8x8x128xf32, #tpu.memory_space<vmem>>
      %dma_start3A_1472 = arith.constant 0 : i32
      %dma_start3A_1473 = arith.constant 0 : i32
      %dma_start3A_1474 = arith.constant 0 : i32
      %dma_start3A_1475 = tpu.memref_slice %arg7[%select_n3A_1448, %dma_start3A_1472, %select_n3A_1465, %dma_start3A_1473, %dma_start3A_1474] : memref<200x8x32x8x128xf32, #tpu.memory_space<hbm>> -> memref<1x8x1x8x128xf32, #tpu.memory_space<hbm>>
      %dma_start3A_1476 = tpu.memref_squeeze %dma_start3A_1475 : memref<1x8x1x8x128xf32, #tpu.memory_space<hbm>> -> memref<8x8x128xf32, #tpu.memory_space<hbm>>
      %dma_start3A_1477 = arith.constant 0 : i32
      %dma_start3A_1478 = arith.constant 0 : i32
      %dma_start3A_1479 = arith.constant 0 : i32
      %dma_start3A_1480 = tpu.memref_slice %arg7[%select_n3A_1448, %dma_start3A_1477, %select_n3A_1465, %dma_start3A_1478, %dma_start3A_1479] : memref<200x8x32x8x128xf32, #tpu.memory_space<hbm>> -> memref<1x8x1x8x128xf32, #tpu.memory_space<hbm>>
      %dma_start3A_1481 = tpu.memref_squeeze %dma_start3A_1480 : memref<1x8x1x8x128xf32, #tpu.memory_space<hbm>> -> memref<8x8x128xf32, #tpu.memory_space<hbm>>
      %dma_start3A_1482 = arith.constant 0 : i32
      %dma_start3A_1483 = arith.constant 0 : i32
      %dma_start3A_1484 = arith.constant 0 : i32
      %dma_start3A_1485 = tpu.memref_slice %arg11[%dma_start3A_1466, %dma_start3A_1482, %dma_start3A_1483, %dma_start3A_1484] : memref<2x8x8x129xf32, #tpu.memory_space<vmem>> -> memref<1x8x8x128xf32, #tpu.memory_space<vmem>>
      %dma_start3A_1486 = tpu.memref_squeeze %dma_start3A_1485 : memref<1x8x8x128xf32, #tpu.memory_space<vmem>> -> memref<8x8x128xf32, #tpu.memory_space<vmem>>
      tpu.enqueue_dma source(%dma_start3A_1486 : memref<8x8x128xf32, #tpu.memory_space<vmem>>) target(%dma_start3A_1481 : memref<8x8x128xf32, #tpu.memory_space<hbm>>) target_semaphore(%arg26 : memref<!tpu.dma_semaphore, #tpu.memory_space<semaphore_mem>>)
      %mul3A_1487 = arith.constant 4 : i32
      %mul3A_1488 = arith.muli %scan3A_1192, %mul3A_1487 : i32
      %add3A_1489 = arith.constant 2 : i32
      %add3A_1490 = arith.addi %mul3A_1488, %add3A_1489 : i32
      %add3A_1491 = arith.constant 1 : i32
      %add3A_1492 = arith.addi %add3A_1490, %add3A_1491 : i32
      %lt3A_1493 = arith.constant 200 : i32
      %lt3A_1494 = arith.cmpi slt, %add3A_1492, %lt3A_1493 : i32
      %convert_element_type3A_1495 = arith.extui %lt3A_1494 : i1 to i32
      %cond3A_1496 = arith.constant 0 : i32
      %cond3A_1497 = arith.cmpi ne, %convert_element_type3A_1495, %cond3A_1496 : i32
      scf.if %cond3A_1497 {
        %dma_wait3A_1785 = arith.constant 3 : i32
        %dma_wait3A_1786 = arith.constant 3 : i32
        %dma_wait3A_1787 = arith.constant 0 : i32
        %dma_wait3A_1788 = arith.constant 0 : i32
        %dma_wait3A_1789 = tpu.memref_slice %arg10[%dma_wait3A_1786, %dma_wait3A_1787, %dma_wait3A_1788] : memref<4x128x64xf32, #tpu.memory_space<vmem>> -> memref<1x128x64xf32, #tpu.memory_space<vmem>>
        %dma_wait3A_1790 = tpu.memref_squeeze %dma_wait3A_1789 : memref<1x128x64xf32, #tpu.memory_space<vmem>> -> memref<128x64xf32, #tpu.memory_space<vmem>>
        %dma_wait3A_1791 = arith.constant 0 : i32
        %dma_wait3A_1792 = tpu.memref_slice %arg8[%dma_wait3A_1785, %dma_wait3A_1791] : memref<4x128xi32, #tpu.memory_space<vmem>> -> memref<1x128xi32, #tpu.memory_space<vmem>>
        %dma_wait3A_1793 = tpu.memref_squeeze %dma_wait3A_1792 : memref<1x128xi32, #tpu.memory_space<vmem>> -> memref<128xi32, #tpu.memory_space<vmem>>
        %dma_wait3A_1794 = arith.constant 0 : i32
        %dma_wait3A_1795 = arith.constant 0 : i32
        %dma_wait3A_1796 = tpu.memref_slice %arg4[%dma_wait3A_1794, %dma_wait3A_1795] : memref<100000x64xf32, #tpu.memory_space<hbm>> -> memref<100000x64xf32, #tpu.memory_space<hbm>>
        tpu.wait_indirect_dma semaphore(%arg20 : memref<!tpu.dma_semaphore, #tpu.memory_space<semaphore_mem>>) src(%dma_wait3A_1796 : memref<100000x64xf32, #tpu.memory_space<hbm>>) dst(%dma_wait3A_1790 : memref<128x64xf32, #tpu.memory_space<vmem>>)
        %dma_start3A_1797 = arith.constant 3 : i32
        %dma_start3A_1798 = arith.constant 3 : i32
        %dma_start3A_1799 = arith.constant 0 : i32
        %dma_start3A_1800 = arith.constant 0 : i32
        %dma_start3A_1801 = tpu.memref_slice %arg10[%dma_start3A_1798, %dma_start3A_1799, %dma_start3A_1800] : memref<4x128x64xf32, #tpu.memory_space<vmem>> -> memref<1x128x64xf32, #tpu.memory_space<vmem>>
        %dma_start3A_1802 = tpu.memref_squeeze %dma_start3A_1801 : memref<1x128x64xf32, #tpu.memory_space<vmem>> -> memref<128x64xf32, #tpu.memory_space<vmem>>
        %dma_start3A_1803 = arith.constant 0 : i32
        %dma_start3A_1804 = tpu.memref_slice %arg9[%dma_start3A_1797, %dma_start3A_1803] : memref<4x128xi32, #tpu.memory_space<vmem>> -> memref<1x128xi32, #tpu.memory_space<vmem>>
        %dma_start3A_1805 = tpu.memref_squeeze %dma_start3A_1804 : memref<1x128xi32, #tpu.memory_space<vmem>> -> memref<128xi32, #tpu.memory_space<vmem>>
        %dma_start3A_1806 = arith.constant 0 : i32
        %dma_start3A_1807 = arith.constant 0 : i32
        %dma_start3A_1808 = tpu.memref_slice %arg5[%dma_start3A_1806, %dma_start3A_1807] : memref<1000x64xf32, #tpu.memory_space<hbm>> -> memref<1000x64xf32, #tpu.memory_space<hbm>>
        tpu.enqueue_indirect_dma source(%dma_start3A_1808 : memref<1000x64xf32, #tpu.memory_space<hbm>>) target(%dma_start3A_1802 : memref<128x64xf32, #tpu.memory_space<vmem>>) offsets(%dma_start3A_1805 : memref<128xi32, #tpu.memory_space<vmem>>) semaphore(%arg24 : memref<!tpu.dma_semaphore, #tpu.memory_space<semaphore_mem>>) {add = true}
      } else {
      }
      %add3A_1498 = arith.constant 2 : i32
      %add3A_1499 = arith.addi %add3A_1490, %add3A_1498 : i32
      %lt3A_1500 = arith.constant 200 : i32
      %lt3A_1501 = arith.cmpi slt, %add3A_1499, %lt3A_1500 : i32
      %convert_element_type3A_1502 = arith.extui %lt3A_1501 : i1 to i32
      %cond3A_1503 = arith.constant 0 : i32
      %cond3A_1504 = arith.cmpi ne, %convert_element_type3A_1502, %cond3A_1503 : i32
      scf.if %cond3A_1504 {
        %add3A_1785 = arith.constant 2 : i32
        %add3A_1786 = arith.addi %add3A_1490, %add3A_1785 : i32
        %add3A_1787 = arith.addi %mul3A_2, %add3A_1786 : i32
        %jit3A_1788 = arith.constant 32 : i32
        %div3A_1789 = arith.divsi %add3A_1787, %jit3A_1788 : i32
        %sign3A_1790 = arith.constant 0 : i32
        %sign3A_1791 = arith.cmpi sgt, %add3A_1787, %sign3A_1790 : i32
        %sign3A_1792 = arith.extui %sign3A_1791 : i1 to i32
        %sign3A_1793 = arith.constant 0 : i32
        %sign3A_1794 = arith.cmpi slt, %add3A_1787, %sign3A_1793 : i32
        %sign3A_1795 = arith.extui %sign3A_1794 : i1 to i32
        %sign3A_1796 = arith.subi %sign3A_1792, %sign3A_1795 : i32
        %sign3A_1797 = arith.constant 0 : i32
        %sign3A_1798 = arith.cmpi sgt, %jit3A_1788, %sign3A_1797 : i32
        %sign3A_1799 = arith.extui %sign3A_1798 : i1 to i32
        %sign3A_1800 = arith.constant 0 : i32
        %sign3A_1801 = arith.cmpi slt, %jit3A_1788, %sign3A_1800 : i32
        %sign3A_1802 = arith.extui %sign3A_1801 : i1 to i32
        %sign3A_1803 = arith.subi %sign3A_1799, %sign3A_1802 : i32
        %ne3A_1804 = arith.cmpi ne, %sign3A_1796, %sign3A_1803 : i32
        %rem3A_1805 = arith.remsi %add3A_1787, %jit3A_1788 : i32
        %ne3A_1806 = arith.constant 0 : i32
        %ne3A_1807 = arith.cmpi ne, %rem3A_1805, %ne3A_1806 : i32
        %and3A_1808 = arith.andi %ne3A_1804, %ne3A_1807 : i1
        %sub3A_1809 = arith.constant 1 : i32
        %sub3A_1810 = arith.subi %div3A_1789, %sub3A_1809 : i32
        %select_n3A_1811 = arith.select %and3A_1808, %sub3A_1810, %div3A_1789 : i32
        %add3A_1812 = arith.addi %mul3A_2, %add3A_1786 : i32
        %jit3A_1813 = arith.constant 32 : i32
        %eq3A_1814 = arith.constant 0 : i32
        %eq3A_1815 = arith.cmpi eq, %jit3A_1813, %eq3A_1814 : i32
        %jit3A_1816 = arith.constant 1 : i32
        %select_n3A_1817 = arith.select %eq3A_1815, %jit3A_1816, %jit3A_1813 : i32
        %rem3A_1818 = arith.remsi %add3A_1812, %select_n3A_1817 : i32
        %ne3A_1819 = arith.constant 0 : i32
        %ne3A_1820 = arith.cmpi ne, %rem3A_1818, %ne3A_1819 : i32
        %lt3A_1821 = arith.constant 0 : i32
        %lt3A_1822 = arith.cmpi slt, %rem3A_1818, %lt3A_1821 : i32
        %lt3A_1823 = arith.constant 0 : i32
        %lt3A_1824 = arith.cmpi slt, %select_n3A_1817, %lt3A_1823 : i32
        %ne3A_1825 = arith.xori %lt3A_1822, %lt3A_1824 : i1
        %and3A_1826 = arith.andi %ne3A_1825, %ne3A_1820 : i1
        %add3A_1827 = arith.addi %rem3A_1818, %select_n3A_1817 : i32
        %select_n3A_1828 = arith.select %and3A_1826, %add3A_1827, %rem3A_1818 : i32
        %jit3A_1829 = arith.constant 8 : i32
        %div3A_1830 = arith.divsi %select_n3A_1811, %jit3A_1829 : i32
        %sign3A_1831 = arith.constant 0 : i32
        %sign3A_1832 = arith.cmpi sgt, %select_n3A_1811, %sign3A_1831 : i32
        %sign3A_1833 = arith.extui %sign3A_1832 : i1 to i32
        %sign3A_1834 = arith.constant 0 : i32
        %sign3A_1835 = arith.cmpi slt, %select_n3A_1811, %sign3A_1834 : i32
        %sign3A_1836 = arith.extui %sign3A_1835 : i1 to i32
        %sign3A_1837 = arith.subi %sign3A_1833, %sign3A_1836 : i32
        %sign3A_1838 = arith.constant 0 : i32
        %sign3A_1839 = arith.cmpi sgt, %jit3A_1829, %sign3A_1838 : i32
        %sign3A_1840 = arith.extui %sign3A_1839 : i1 to i32
        %sign3A_1841 = arith.constant 0 : i32
        %sign3A_1842 = arith.cmpi slt, %jit3A_1829, %sign3A_1841 : i32
        %sign3A_1843 = arith.extui %sign3A_1842 : i1 to i32
        %sign3A_1844 = arith.subi %sign3A_1840, %sign3A_1843 : i32
        %ne3A_1845 = arith.cmpi ne, %sign3A_1837, %sign3A_1844 : i32
        %rem3A_1846 = arith.remsi %select_n3A_1811, %jit3A_1829 : i32
        %ne3A_1847 = arith.constant 0 : i32
        %ne3A_1848 = arith.cmpi ne, %rem3A_1846, %ne3A_1847 : i32
        %and3A_1849 = arith.andi %ne3A_1845, %ne3A_1848 : i1
        %sub3A_1850 = arith.constant 1 : i32
        %sub3A_1851 = arith.subi %div3A_1830, %sub3A_1850 : i32
        %select_n3A_1852 = arith.select %and3A_1849, %sub3A_1851, %div3A_1830 : i32
        %jit3A_1853 = arith.constant 8 : i32
        %eq3A_1854 = arith.constant 0 : i32
        %eq3A_1855 = arith.cmpi eq, %jit3A_1853, %eq3A_1854 : i32
        %jit3A_1856 = arith.constant 1 : i32
        %select_n3A_1857 = arith.select %eq3A_1855, %jit3A_1856, %jit3A_1853 : i32
        %rem3A_1858 = arith.remsi %select_n3A_1811, %select_n3A_1857 : i32
        %ne3A_1859 = arith.constant 0 : i32
        %ne3A_1860 = arith.cmpi ne, %rem3A_1858, %ne3A_1859 : i32
        %lt3A_1861 = arith.constant 0 : i32
        %lt3A_1862 = arith.cmpi slt, %rem3A_1858, %lt3A_1861 : i32
        %lt3A_1863 = arith.constant 0 : i32
        %lt3A_1864 = arith.cmpi slt, %select_n3A_1857, %lt3A_1863 : i32
        %ne3A_1865 = arith.xori %lt3A_1862, %lt3A_1864 : i1
        %and3A_1866 = arith.andi %ne3A_1865, %ne3A_1860 : i1
        %add3A_1867 = arith.addi %rem3A_1858, %select_n3A_1857 : i32
        %select_n3A_1868 = arith.select %and3A_1866, %add3A_1867, %rem3A_1858 : i32
        %jit3A_1869 = arith.constant 8 : i32
        %div3A_1870 = arith.divsi %select_n3A_1811, %jit3A_1869 : i32
        %sign3A_1871 = arith.constant 0 : i32
        %sign3A_1872 = arith.cmpi sgt, %select_n3A_1811, %sign3A_1871 : i32
        %sign3A_1873 = arith.extui %sign3A_1872 : i1 to i32
        %sign3A_1874 = arith.constant 0 : i32
        %sign3A_1875 = arith.cmpi slt, %select_n3A_1811, %sign3A_1874 : i32
        %sign3A_1876 = arith.extui %sign3A_1875 : i1 to i32
        %sign3A_1877 = arith.subi %sign3A_1873, %sign3A_1876 : i32
        %sign3A_1878 = arith.constant 0 : i32
        %sign3A_1879 = arith.cmpi sgt, %jit3A_1869, %sign3A_1878 : i32
        %sign3A_1880 = arith.extui %sign3A_1879 : i1 to i32
        %sign3A_1881 = arith.constant 0 : i32
        %sign3A_1882 = arith.cmpi slt, %jit3A_1869, %sign3A_1881 : i32
        %sign3A_1883 = arith.extui %sign3A_1882 : i1 to i32
        %sign3A_1884 = arith.subi %sign3A_1880, %sign3A_1883 : i32
        %ne3A_1885 = arith.cmpi ne, %sign3A_1877, %sign3A_1884 : i32
        %rem3A_1886 = arith.remsi %select_n3A_1811, %jit3A_1869 : i32
        %ne3A_1887 = arith.constant 0 : i32
        %ne3A_1888 = arith.cmpi ne, %rem3A_1886, %ne3A_1887 : i32
        %and3A_1889 = arith.andi %ne3A_1885, %ne3A_1888 : i1
        %sub3A_1890 = arith.constant 1 : i32
        %sub3A_1891 = arith.subi %div3A_1870, %sub3A_1890 : i32
        %select_n3A_1892 = arith.select %and3A_1889, %sub3A_1891, %div3A_1870 : i32
        %jit3A_1893 = arith.constant 8 : i32
        %eq3A_1894 = arith.constant 0 : i32
        %eq3A_1895 = arith.cmpi eq, %jit3A_1893, %eq3A_1894 : i32
        %jit3A_1896 = arith.constant 1 : i32
        %select_n3A_1897 = arith.select %eq3A_1895, %jit3A_1896, %jit3A_1893 : i32
        %rem3A_1898 = arith.remsi %select_n3A_1811, %select_n3A_1897 : i32
        %ne3A_1899 = arith.constant 0 : i32
        %ne3A_1900 = arith.cmpi ne, %rem3A_1898, %ne3A_1899 : i32
        %lt3A_1901 = arith.constant 0 : i32
        %lt3A_1902 = arith.cmpi slt, %rem3A_1898, %lt3A_1901 : i32
        %lt3A_1903 = arith.constant 0 : i32
        %lt3A_1904 = arith.cmpi slt, %select_n3A_1897, %lt3A_1903 : i32
        %ne3A_1905 = arith.xori %lt3A_1902, %lt3A_1904 : i1
        %and3A_1906 = arith.andi %ne3A_1905, %ne3A_1900 : i1
        %add3A_1907 = arith.addi %rem3A_1898, %select_n3A_1897 : i32
        %select_n3A_1908 = arith.select %and3A_1906, %add3A_1907, %rem3A_1898 : i32
        %dma_wait3A_1909 = arith.constant 0 : i32
        %dma_wait3A_1910 = arith.constant 0 : i32
        %dma_wait3A_1911 = tpu.memref_slice %arg8[%dma_wait3A_1909, %dma_wait3A_1910] : memref<4x128xi32, #tpu.memory_space<vmem>> -> memref<1x128xi32, #tpu.memory_space<vmem>>
        %dma_wait3A_1912 = tpu.memref_squeeze %dma_wait3A_1911 : memref<1x128xi32, #tpu.memory_space<vmem>> -> memref<128xi32, #tpu.memory_space<vmem>>
        %dma_wait3A_1913 = arith.constant 0 : i32
        %dma_wait3A_1914 = tpu.memref_slice %arg2[%select_n3A_1852, %select_n3A_1828, %select_n3A_1868, %dma_wait3A_1913] : memref<25x32x8x128xi32, #tpu.memory_space<hbm>> -> memref<1x1x1x128xi32, #tpu.memory_space<hbm>>
        %dma_wait3A_1915 = tpu.memref_squeeze %dma_wait3A_1914 : memref<1x1x1x128xi32, #tpu.memory_space<hbm>> -> memref<128xi32, #tpu.memory_space<hbm>>
        %dma_wait3A_1916 = arith.constant 0 : i32
        %dma_wait3A_1917 = tpu.memref_slice %arg8[%dma_wait3A_1909, %dma_wait3A_1916] : memref<4x128xi32, #tpu.memory_space<vmem>> -> memref<1x128xi32, #tpu.memory_space<vmem>>
        %dma_wait3A_1918 = tpu.memref_squeeze %dma_wait3A_1917 : memref<1x128xi32, #tpu.memory_space<vmem>> -> memref<128xi32, #tpu.memory_space<vmem>>
        %dma_wait3A_1919 = arith.constant 0 : i32
        %dma_wait3A_1920 = tpu.memref_slice %arg2[%select_n3A_1852, %select_n3A_1828, %select_n3A_1868, %dma_wait3A_1919] : memref<25x32x8x128xi32, #tpu.memory_space<hbm>> -> memref<1x1x1x128xi32, #tpu.memory_space<hbm>>
        %dma_wait3A_1921 = tpu.memref_squeeze %dma_wait3A_1920 : memref<1x1x1x128xi32, #tpu.memory_space<hbm>> -> memref<128xi32, #tpu.memory_space<hbm>>
        tpu.wait_dma2 semaphore(%arg13 : memref<!tpu.dma_semaphore, #tpu.memory_space<semaphore_mem>>) src(%dma_wait3A_1921 : memref<128xi32, #tpu.memory_space<hbm>>) dst(%dma_wait3A_1918 : memref<128xi32, #tpu.memory_space<vmem>>)
        %dma_wait3A_1922 = arith.constant 0 : i32
        %dma_wait3A_1923 = arith.constant 0 : i32
        %dma_wait3A_1924 = tpu.memref_slice %arg9[%dma_wait3A_1922, %dma_wait3A_1923] : memref<4x128xi32, #tpu.memory_space<vmem>> -> memref<1x128xi32, #tpu.memory_space<vmem>>
        %dma_wait3A_1925 = tpu.memref_squeeze %dma_wait3A_1924 : memref<1x128xi32, #tpu.memory_space<vmem>> -> memref<128xi32, #tpu.memory_space<vmem>>
        %dma_wait3A_1926 = arith.constant 0 : i32
        %dma_wait3A_1927 = tpu.memref_slice %arg3[%select_n3A_1892, %select_n3A_1828, %select_n3A_1908, %dma_wait3A_1926] : memref<25x32x8x128xi32, #tpu.memory_space<hbm>> -> memref<1x1x1x128xi32, #tpu.memory_space<hbm>>
        %dma_wait3A_1928 = tpu.memref_squeeze %dma_wait3A_1927 : memref<1x1x1x128xi32, #tpu.memory_space<hbm>> -> memref<128xi32, #tpu.memory_space<hbm>>
        %dma_wait3A_1929 = arith.constant 0 : i32
        %dma_wait3A_1930 = tpu.memref_slice %arg9[%dma_wait3A_1922, %dma_wait3A_1929] : memref<4x128xi32, #tpu.memory_space<vmem>> -> memref<1x128xi32, #tpu.memory_space<vmem>>
        %dma_wait3A_1931 = tpu.memref_squeeze %dma_wait3A_1930 : memref<1x128xi32, #tpu.memory_space<vmem>> -> memref<128xi32, #tpu.memory_space<vmem>>
        %dma_wait3A_1932 = arith.constant 0 : i32
        %dma_wait3A_1933 = tpu.memref_slice %arg3[%select_n3A_1892, %select_n3A_1828, %select_n3A_1908, %dma_wait3A_1932] : memref<25x32x8x128xi32, #tpu.memory_space<hbm>> -> memref<1x1x1x128xi32, #tpu.memory_space<hbm>>
        %dma_wait3A_1934 = tpu.memref_squeeze %dma_wait3A_1933 : memref<1x1x1x128xi32, #tpu.memory_space<hbm>> -> memref<128xi32, #tpu.memory_space<hbm>>
        tpu.wait_dma2 semaphore(%arg13 : memref<!tpu.dma_semaphore, #tpu.memory_space<semaphore_mem>>) src(%dma_wait3A_1934 : memref<128xi32, #tpu.memory_space<hbm>>) dst(%dma_wait3A_1931 : memref<128xi32, #tpu.memory_space<vmem>>)
        %dma_start3A_1935 = arith.constant 0 : i32
        %dma_start3A_1936 = arith.constant 0 : i32
        %dma_start3A_1937 = arith.constant 0 : i32
        %dma_start3A_1938 = arith.constant 0 : i32
        %dma_start3A_1939 = tpu.memref_slice %arg10[%dma_start3A_1936, %dma_start3A_1937, %dma_start3A_1938] : memref<4x128x64xf32, #tpu.memory_space<vmem>> -> memref<1x128x64xf32, #tpu.memory_space<vmem>>
        %dma_start3A_1940 = tpu.memref_squeeze %dma_start3A_1939 : memref<1x128x64xf32, #tpu.memory_space<vmem>> -> memref<128x64xf32, #tpu.memory_space<vmem>>
        %dma_start3A_1941 = arith.constant 0 : i32
        %dma_start3A_1942 = tpu.memref_slice %arg8[%dma_start3A_1935, %dma_start3A_1941] : memref<4x128xi32, #tpu.memory_space<vmem>> -> memref<1x128xi32, #tpu.memory_space<vmem>>
        %dma_start3A_1943 = tpu.memref_squeeze %dma_start3A_1942 : memref<1x128xi32, #tpu.memory_space<vmem>> -> memref<128xi32, #tpu.memory_space<vmem>>
        %dma_start3A_1944 = arith.constant 0 : i32
        %dma_start3A_1945 = arith.constant 0 : i32
        %dma_start3A_1946 = tpu.memref_slice %arg4[%dma_start3A_1944, %dma_start3A_1945] : memref<100000x64xf32, #tpu.memory_space<hbm>> -> memref<100000x64xf32, #tpu.memory_space<hbm>>
        tpu.enqueue_indirect_dma source(%dma_start3A_1946 : memref<100000x64xf32, #tpu.memory_space<hbm>>) target(%dma_start3A_1940 : memref<128x64xf32, #tpu.memory_space<vmem>>) offsets(%dma_start3A_1943 : memref<128xi32, #tpu.memory_space<vmem>>) semaphore(%arg17 : memref<!tpu.dma_semaphore, #tpu.memory_space<semaphore_mem>>)
      } else {
      }
      %add3A_1505 = arith.constant 3 : i32
      %add3A_1506 = arith.addi %add3A_1490, %add3A_1505 : i32
      %lt3A_1507 = arith.constant 200 : i32
      %lt3A_1508 = arith.cmpi slt, %add3A_1506, %lt3A_1507 : i32
      %convert_element_type3A_1509 = arith.extui %lt3A_1508 : i1 to i32
      %cond3A_1510 = arith.constant 0 : i32
      %cond3A_1511 = arith.cmpi ne, %convert_element_type3A_1509, %cond3A_1510 : i32
      scf.if %cond3A_1511 {
        %add3A_1785 = arith.constant 3 : i32
        %add3A_1786 = arith.addi %add3A_1490, %add3A_1785 : i32
        %add3A_1787 = arith.addi %mul3A_2, %add3A_1786 : i32
        %jit3A_1788 = arith.constant 32 : i32
        %div3A_1789 = arith.divsi %add3A_1787, %jit3A_1788 : i32
        %sign3A_1790 = arith.constant 0 : i32
        %sign3A_1791 = arith.cmpi sgt, %add3A_1787, %sign3A_1790 : i32
        %sign3A_1792 = arith.extui %sign3A_1791 : i1 to i32
        %sign3A_1793 = arith.constant 0 : i32
        %sign3A_1794 = arith.cmpi slt, %add3A_1787, %sign3A_1793 : i32
        %sign3A_1795 = arith.extui %sign3A_1794 : i1 to i32
        %sign3A_1796 = arith.subi %sign3A_1792, %sign3A_1795 : i32
        %sign3A_1797 = arith.constant 0 : i32
        %sign3A_1798 = arith.cmpi sgt, %jit3A_1788, %sign3A_1797 : i32
        %sign3A_1799 = arith.extui %sign3A_1798 : i1 to i32
        %sign3A_1800 = arith.constant 0 : i32
        %sign3A_1801 = arith.cmpi slt, %jit3A_1788, %sign3A_1800 : i32
        %sign3A_1802 = arith.extui %sign3A_1801 : i1 to i32
        %sign3A_1803 = arith.subi %sign3A_1799, %sign3A_1802 : i32
        %ne3A_1804 = arith.cmpi ne, %sign3A_1796, %sign3A_1803 : i32
        %rem3A_1805 = arith.remsi %add3A_1787, %jit3A_1788 : i32
        %ne3A_1806 = arith.constant 0 : i32
        %ne3A_1807 = arith.cmpi ne, %rem3A_1805, %ne3A_1806 : i32
        %and3A_1808 = arith.andi %ne3A_1804, %ne3A_1807 : i1
        %sub3A_1809 = arith.constant 1 : i32
        %sub3A_1810 = arith.subi %div3A_1789, %sub3A_1809 : i32
        %select_n3A_1811 = arith.select %and3A_1808, %sub3A_1810, %div3A_1789 : i32
        %add3A_1812 = arith.addi %mul3A_2, %add3A_1786 : i32
        %jit3A_1813 = arith.constant 32 : i32
        %eq3A_1814 = arith.constant 0 : i32
        %eq3A_1815 = arith.cmpi eq, %jit3A_1813, %eq3A_1814 : i32
        %jit3A_1816 = arith.constant 1 : i32
        %select_n3A_1817 = arith.select %eq3A_1815, %jit3A_1816, %jit3A_1813 : i32
        %rem3A_1818 = arith.remsi %add3A_1812, %select_n3A_1817 : i32
        %ne3A_1819 = arith.constant 0 : i32
        %ne3A_1820 = arith.cmpi ne, %rem3A_1818, %ne3A_1819 : i32
        %lt3A_1821 = arith.constant 0 : i32
        %lt3A_1822 = arith.cmpi slt, %rem3A_1818, %lt3A_1821 : i32
        %lt3A_1823 = arith.constant 0 : i32
        %lt3A_1824 = arith.cmpi slt, %select_n3A_1817, %lt3A_1823 : i32
        %ne3A_1825 = arith.xori %lt3A_1822, %lt3A_1824 : i1
        %and3A_1826 = arith.andi %ne3A_1825, %ne3A_1820 : i1
        %add3A_1827 = arith.addi %rem3A_1818, %select_n3A_1817 : i32
        %select_n3A_1828 = arith.select %and3A_1826, %add3A_1827, %rem3A_1818 : i32
        %jit3A_1829 = arith.constant 8 : i32
        %div3A_1830 = arith.divsi %select_n3A_1811, %jit3A_1829 : i32
        %sign3A_1831 = arith.constant 0 : i32
        %sign3A_1832 = arith.cmpi sgt, %select_n3A_1811, %sign3A_1831 : i32
        %sign3A_1833 = arith.extui %sign3A_1832 : i1 to i32
        %sign3A_1834 = arith.constant 0 : i32
        %sign3A_1835 = arith.cmpi slt, %select_n3A_1811, %sign3A_1834 : i32
        %sign3A_1836 = arith.extui %sign3A_1835 : i1 to i32
        %sign3A_1837 = arith.subi %sign3A_1833, %sign3A_1836 : i32
        %sign3A_1838 = arith.constant 0 : i32
        %sign3A_1839 = arith.cmpi sgt, %jit3A_1829, %sign3A_1838 : i32
        %sign3A_1840 = arith.extui %sign3A_1839 : i1 to i32
        %sign3A_1841 = arith.constant 0 : i32
        %sign3A_1842 = arith.cmpi slt, %jit3A_1829, %sign3A_1841 : i32
        %sign3A_1843 = arith.extui %sign3A_1842 : i1 to i32
        %sign3A_1844 = arith.subi %sign3A_1840, %sign3A_1843 : i32
        %ne3A_1845 = arith.cmpi ne, %sign3A_1837, %sign3A_1844 : i32
        %rem3A_1846 = arith.remsi %select_n3A_1811, %jit3A_1829 : i32
        %ne3A_1847 = arith.constant 0 : i32
        %ne3A_1848 = arith.cmpi ne, %rem3A_1846, %ne3A_1847 : i32
        %and3A_1849 = arith.andi %ne3A_1845, %ne3A_1848 : i1
        %sub3A_1850 = arith.constant 1 : i32
        %sub3A_1851 = arith.subi %div3A_1830, %sub3A_1850 : i32
        %select_n3A_1852 = arith.select %and3A_1849, %sub3A_1851, %div3A_1830 : i32
        %jit3A_1853 = arith.constant 8 : i32
        %eq3A_1854 = arith.constant 0 : i32
        %eq3A_1855 = arith.cmpi eq, %jit3A_1853, %eq3A_1854 : i32
        %jit3A_1856 = arith.constant 1 : i32
        %select_n3A_1857 = arith.select %eq3A_1855, %jit3A_1856, %jit3A_1853 : i32
        %rem3A_1858 = arith.remsi %select_n3A_1811, %select_n3A_1857 : i32
        %ne3A_1859 = arith.constant 0 : i32
        %ne3A_1860 = arith.cmpi ne, %rem3A_1858, %ne3A_1859 : i32
        %lt3A_1861 = arith.constant 0 : i32
        %lt3A_1862 = arith.cmpi slt, %rem3A_1858, %lt3A_1861 : i32
        %lt3A_1863 = arith.constant 0 : i32
        %lt3A_1864 = arith.cmpi slt, %select_n3A_1857, %lt3A_1863 : i32
        %ne3A_1865 = arith.xori %lt3A_1862, %lt3A_1864 : i1
        %and3A_1866 = arith.andi %ne3A_1865, %ne3A_1860 : i1
        %add3A_1867 = arith.addi %rem3A_1858, %select_n3A_1857 : i32
        %select_n3A_1868 = arith.select %and3A_1866, %add3A_1867, %rem3A_1858 : i32
        %jit3A_1869 = arith.constant 8 : i32
        %div3A_1870 = arith.divsi %select_n3A_1811, %jit3A_1869 : i32
        %sign3A_1871 = arith.constant 0 : i32
        %sign3A_1872 = arith.cmpi sgt, %select_n3A_1811, %sign3A_1871 : i32
        %sign3A_1873 = arith.extui %sign3A_1872 : i1 to i32
        %sign3A_1874 = arith.constant 0 : i32
        %sign3A_1875 = arith.cmpi slt, %select_n3A_1811, %sign3A_1874 : i32
        %sign3A_1876 = arith.extui %sign3A_1875 : i1 to i32
        %sign3A_1877 = arith.subi %sign3A_1873, %sign3A_1876 : i32
        %sign3A_1878 = arith.constant 0 : i32
        %sign3A_1879 = arith.cmpi sgt, %jit3A_1869, %sign3A_1878 : i32
        %sign3A_1880 = arith.extui %sign3A_1879 : i1 to i32
        %sign3A_1881 = arith.constant 0 : i32
        %sign3A_1882 = arith.cmpi slt, %jit3A_1869, %sign3A_1881 : i32
        %sign3A_1883 = arith.extui %sign3A_1882 : i1 to i32
        %sign3A_1884 = arith.subi %sign3A_1880, %sign3A_1883 : i32
        %ne3A_1885 = arith.cmpi ne, %sign3A_1877, %sign3A_1884 : i32
        %rem3A_1886 = arith.remsi %select_n3A_1811, %jit3A_1869 : i32
        %ne3A_1887 = arith.constant 0 : i32
        %ne3A_1888 = arith.cmpi ne, %rem3A_1886, %ne3A_1887 : i32
        %and3A_1889 = arith.andi %ne3A_1885, %ne3A_1888 : i1
        %sub3A_1890 = arith.constant 1 : i32
        %sub3A_1891 = arith.subi %div3A_1870, %sub3A_1890 : i32
        %select_n3A_1892 = arith.select %and3A_1889, %sub3A_1891, %div3A_1870 : i32
        %jit3A_1893 = arith.constant 8 : i32
        %eq3A_1894 = arith.constant 0 : i32
        %eq3A_1895 = arith.cmpi eq, %jit3A_1893, %eq3A_1894 : i32
        %jit3A_1896 = arith.constant 1 : i32
        %select_n3A_1897 = arith.select %eq3A_1895, %jit3A_1896, %jit3A_1893 : i32
        %rem3A_1898 = arith.remsi %select_n3A_1811, %select_n3A_1897 : i32
        %ne3A_1899 = arith.constant 0 : i32
        %ne3A_1900 = arith.cmpi ne, %rem3A_1898, %ne3A_1899 : i32
        %lt3A_1901 = arith.constant 0 : i32
        %lt3A_1902 = arith.cmpi slt, %rem3A_1898, %lt3A_1901 : i32
        %lt3A_1903 = arith.constant 0 : i32
        %lt3A_1904 = arith.cmpi slt, %select_n3A_1897, %lt3A_1903 : i32
        %ne3A_1905 = arith.xori %lt3A_1902, %lt3A_1904 : i1
        %and3A_1906 = arith.andi %ne3A_1905, %ne3A_1900 : i1
        %add3A_1907 = arith.addi %rem3A_1898, %select_n3A_1897 : i32
        %select_n3A_1908 = arith.select %and3A_1906, %add3A_1907, %rem3A_1898 : i32
        %dma_start3A_1909 = arith.constant 1 : i32
        %dma_start3A_1910 = arith.constant 0 : i32
        %dma_start3A_1911 = tpu.memref_slice %arg8[%dma_start3A_1909, %dma_start3A_1910] : memref<4x128xi32, #tpu.memory_space<vmem>> -> memref<1x128xi32, #tpu.memory_space<vmem>>
        %dma_start3A_1912 = tpu.memref_squeeze %dma_start3A_1911 : memref<1x128xi32, #tpu.memory_space<vmem>> -> memref<128xi32, #tpu.memory_space<vmem>>
        %dma_start3A_1913 = arith.constant 0 : i32
        %dma_start3A_1914 = tpu.memref_slice %arg2[%select_n3A_1852, %select_n3A_1828, %select_n3A_1868, %dma_start3A_1913] : memref<25x32x8x128xi32, #tpu.memory_space<hbm>> -> memref<1x1x1x128xi32, #tpu.memory_space<hbm>>
        %dma_start3A_1915 = tpu.memref_squeeze %dma_start3A_1914 : memref<1x1x1x128xi32, #tpu.memory_space<hbm>> -> memref<128xi32, #tpu.memory_space<hbm>>
        %dma_start3A_1916 = arith.constant 0 : i32
        %dma_start3A_1917 = tpu.memref_slice %arg8[%dma_start3A_1909, %dma_start3A_1916] : memref<4x128xi32, #tpu.memory_space<vmem>> -> memref<1x128xi32, #tpu.memory_space<vmem>>
        %dma_start3A_1918 = tpu.memref_squeeze %dma_start3A_1917 : memref<1x128xi32, #tpu.memory_space<vmem>> -> memref<128xi32, #tpu.memory_space<vmem>>
        %dma_start3A_1919 = arith.constant 0 : i32
        %dma_start3A_1920 = tpu.memref_slice %arg2[%select_n3A_1852, %select_n3A_1828, %select_n3A_1868, %dma_start3A_1919] : memref<25x32x8x128xi32, #tpu.memory_space<hbm>> -> memref<1x1x1x128xi32, #tpu.memory_space<hbm>>
        %dma_start3A_1921 = tpu.memref_squeeze %dma_start3A_1920 : memref<1x1x1x128xi32, #tpu.memory_space<hbm>> -> memref<128xi32, #tpu.memory_space<hbm>>
        tpu.enqueue_dma source(%dma_start3A_1921 : memref<128xi32, #tpu.memory_space<hbm>>) target(%dma_start3A_1918 : memref<128xi32, #tpu.memory_space<vmem>>) target_semaphore(%arg14 : memref<!tpu.dma_semaphore, #tpu.memory_space<semaphore_mem>>)
        %dma_start3A_1922 = arith.constant 1 : i32
        %dma_start3A_1923 = arith.constant 0 : i32
        %dma_start3A_1924 = tpu.memref_slice %arg9[%dma_start3A_1922, %dma_start3A_1923] : memref<4x128xi32, #tpu.memory_space<vmem>> -> memref<1x128xi32, #tpu.memory_space<vmem>>
        %dma_start3A_1925 = tpu.memref_squeeze %dma_start3A_1924 : memref<1x128xi32, #tpu.memory_space<vmem>> -> memref<128xi32, #tpu.memory_space<vmem>>
        %dma_start3A_1926 = arith.constant 0 : i32
        %dma_start3A_1927 = tpu.memref_slice %arg3[%select_n3A_1892, %select_n3A_1828, %select_n3A_1908, %dma_start3A_1926] : memref<25x32x8x128xi32, #tpu.memory_space<hbm>> -> memref<1x1x1x128xi32, #tpu.memory_space<hbm>>
        %dma_start3A_1928 = tpu.memref_squeeze %dma_start3A_1927 : memref<1x1x1x128xi32, #tpu.memory_space<hbm>> -> memref<128xi32, #tpu.memory_space<hbm>>
        %dma_start3A_1929 = arith.constant 0 : i32
        %dma_start3A_1930 = tpu.memref_slice %arg9[%dma_start3A_1922, %dma_start3A_1929] : memref<4x128xi32, #tpu.memory_space<vmem>> -> memref<1x128xi32, #tpu.memory_space<vmem>>
        %dma_start3A_1931 = tpu.memref_squeeze %dma_start3A_1930 : memref<1x128xi32, #tpu.memory_space<vmem>> -> memref<128xi32, #tpu.memory_space<vmem>>
        %dma_start3A_1932 = arith.constant 0 : i32
        %dma_start3A_1933 = tpu.memref_slice %arg3[%select_n3A_1892, %select_n3A_1828, %select_n3A_1908, %dma_start3A_1932] : memref<25x32x8x128xi32, #tpu.memory_space<hbm>> -> memref<1x1x1x128xi32, #tpu.memory_space<hbm>>
        %dma_start3A_1934 = tpu.memref_squeeze %dma_start3A_1933 : memref<1x1x1x128xi32, #tpu.memory_space<hbm>> -> memref<128xi32, #tpu.memory_space<hbm>>
        tpu.enqueue_dma source(%dma_start3A_1934 : memref<128xi32, #tpu.memory_space<hbm>>) target(%dma_start3A_1931 : memref<128xi32, #tpu.memory_space<vmem>>) target_semaphore(%arg14 : memref<!tpu.dma_semaphore, #tpu.memory_space<semaphore_mem>>)
      } else {
      }
      %dma_wait3A_1512 = arith.constant 2 : i32
      %dma_wait3A_1513 = arith.constant 2 : i32
      %dma_wait3A_1514 = arith.constant 0 : i32
      %dma_wait3A_1515 = arith.constant 0 : i32
      %dma_wait3A_1516 = tpu.memref_slice %arg10[%dma_wait3A_1513, %dma_wait3A_1514, %dma_wait3A_1515] : memref<4x128x64xf32, #tpu.memory_space<vmem>> -> memref<1x128x64xf32, #tpu.memory_space<vmem>>
      %dma_wait3A_1517 = tpu.memref_squeeze %dma_wait3A_1516 : memref<1x128x64xf32, #tpu.memory_space<vmem>> -> memref<128x64xf32, #tpu.memory_space<vmem>>
      %dma_wait3A_1518 = arith.constant 0 : i32
      %dma_wait3A_1519 = tpu.memref_slice %arg9[%dma_wait3A_1512, %dma_wait3A_1518] : memref<4x128xi32, #tpu.memory_space<vmem>> -> memref<1x128xi32, #tpu.memory_space<vmem>>
      %dma_wait3A_1520 = tpu.memref_squeeze %dma_wait3A_1519 : memref<1x128xi32, #tpu.memory_space<vmem>> -> memref<128xi32, #tpu.memory_space<vmem>>
      %dma_wait3A_1521 = arith.constant 0 : i32
      %dma_wait3A_1522 = arith.constant 0 : i32
      %dma_wait3A_1523 = tpu.memref_slice %arg5[%dma_wait3A_1521, %dma_wait3A_1522] : memref<1000x64xf32, #tpu.memory_space<hbm>> -> memref<1000x64xf32, #tpu.memory_space<hbm>>
      tpu.wait_indirect_dma semaphore(%arg23 : memref<!tpu.dma_semaphore, #tpu.memory_space<semaphore_mem>>) src(%dma_wait3A_1523 : memref<1000x64xf32, #tpu.memory_space<hbm>>) dst(%dma_wait3A_1517 : memref<128x64xf32, #tpu.memory_space<vmem>>)
      %ge3A_1524 = arith.constant 2 : i32
      %ge3A_1525 = arith.cmpi sge, %add3A_1490, %ge3A_1524 : i32
      %convert_element_type3A_1526 = arith.extui %ge3A_1525 : i1 to i32
      %cond3A_1527 = arith.constant 0 : i32
      %cond3A_1528 = arith.cmpi ne, %convert_element_type3A_1526, %cond3A_1527 : i32
      scf.if %cond3A_1528 {
        %sub3A_1785 = arith.constant 2 : i32
        %sub3A_1786 = arith.subi %add3A_1490, %sub3A_1785 : i32
        %add3A_1787 = arith.addi %mul3A_2, %sub3A_1786 : i32
        %jit3A_1788 = arith.constant 32 : i32
        %div3A_1789 = arith.divsi %add3A_1787, %jit3A_1788 : i32
        %sign3A_1790 = arith.constant 0 : i32
        %sign3A_1791 = arith.cmpi sgt, %add3A_1787, %sign3A_1790 : i32
        %sign3A_1792 = arith.extui %sign3A_1791 : i1 to i32
        %sign3A_1793 = arith.constant 0 : i32
        %sign3A_1794 = arith.cmpi slt, %add3A_1787, %sign3A_1793 : i32
        %sign3A_1795 = arith.extui %sign3A_1794 : i1 to i32
        %sign3A_1796 = arith.subi %sign3A_1792, %sign3A_1795 : i32
        %sign3A_1797 = arith.constant 0 : i32
        %sign3A_1798 = arith.cmpi sgt, %jit3A_1788, %sign3A_1797 : i32
        %sign3A_1799 = arith.extui %sign3A_1798 : i1 to i32
        %sign3A_1800 = arith.constant 0 : i32
        %sign3A_1801 = arith.cmpi slt, %jit3A_1788, %sign3A_1800 : i32
        %sign3A_1802 = arith.extui %sign3A_1801 : i1 to i32
        %sign3A_1803 = arith.subi %sign3A_1799, %sign3A_1802 : i32
        %ne3A_1804 = arith.cmpi ne, %sign3A_1796, %sign3A_1803 : i32
        %rem3A_1805 = arith.remsi %add3A_1787, %jit3A_1788 : i32
        %ne3A_1806 = arith.constant 0 : i32
        %ne3A_1807 = arith.cmpi ne, %rem3A_1805, %ne3A_1806 : i32
        %and3A_1808 = arith.andi %ne3A_1804, %ne3A_1807 : i1
        %sub3A_1809 = arith.constant 1 : i32
        %sub3A_1810 = arith.subi %div3A_1789, %sub3A_1809 : i32
        %select_n3A_1811 = arith.select %and3A_1808, %sub3A_1810, %div3A_1789 : i32
        %add3A_1812 = arith.addi %mul3A_2, %sub3A_1786 : i32
        %jit3A_1813 = arith.constant 32 : i32
        %eq3A_1814 = arith.constant 0 : i32
        %eq3A_1815 = arith.cmpi eq, %jit3A_1813, %eq3A_1814 : i32
        %jit3A_1816 = arith.constant 1 : i32
        %select_n3A_1817 = arith.select %eq3A_1815, %jit3A_1816, %jit3A_1813 : i32
        %rem3A_1818 = arith.remsi %add3A_1812, %select_n3A_1817 : i32
        %ne3A_1819 = arith.constant 0 : i32
        %ne3A_1820 = arith.cmpi ne, %rem3A_1818, %ne3A_1819 : i32
        %lt3A_1821 = arith.constant 0 : i32
        %lt3A_1822 = arith.cmpi slt, %rem3A_1818, %lt3A_1821 : i32
        %lt3A_1823 = arith.constant 0 : i32
        %lt3A_1824 = arith.cmpi slt, %select_n3A_1817, %lt3A_1823 : i32
        %ne3A_1825 = arith.xori %lt3A_1822, %lt3A_1824 : i1
        %and3A_1826 = arith.andi %ne3A_1825, %ne3A_1820 : i1
        %add3A_1827 = arith.addi %rem3A_1818, %select_n3A_1817 : i32
        %select_n3A_1828 = arith.select %and3A_1826, %add3A_1827, %rem3A_1818 : i32
        %dma_wait3A_1829 = arith.constant 0 : i32
        %dma_wait3A_1830 = arith.constant 0 : i32
        %dma_wait3A_1831 = arith.constant 0 : i32
        %dma_wait3A_1832 = arith.constant 0 : i32
        %dma_wait3A_1833 = tpu.memref_slice %arg11[%dma_wait3A_1829, %dma_wait3A_1830, %dma_wait3A_1831, %dma_wait3A_1832] : memref<2x8x8x129xf32, #tpu.memory_space<vmem>> -> memref<1x8x8x128xf32, #tpu.memory_space<vmem>>
        %dma_wait3A_1834 = tpu.memref_squeeze %dma_wait3A_1833 : memref<1x8x8x128xf32, #tpu.memory_space<vmem>> -> memref<8x8x128xf32, #tpu.memory_space<vmem>>
        %dma_wait3A_1835 = arith.constant 0 : i32
        %dma_wait3A_1836 = arith.constant 0 : i32
        %dma_wait3A_1837 = arith.constant 0 : i32
        %dma_wait3A_1838 = tpu.memref_slice %arg7[%select_n3A_1811, %dma_wait3A_1835, %select_n3A_1828, %dma_wait3A_1836, %dma_wait3A_1837] : memref<200x8x32x8x128xf32, #tpu.memory_space<hbm>> -> memref<1x8x1x8x128xf32, #tpu.memory_space<hbm>>
        %dma_wait3A_1839 = tpu.memref_squeeze %dma_wait3A_1838 : memref<1x8x1x8x128xf32, #tpu.memory_space<hbm>> -> memref<8x8x128xf32, #tpu.memory_space<hbm>>
        %dma_wait3A_1840 = arith.constant 0 : i32
        %dma_wait3A_1841 = arith.constant 0 : i32
        %dma_wait3A_1842 = arith.constant 0 : i32
        %dma_wait3A_1843 = tpu.memref_slice %arg7[%select_n3A_1811, %dma_wait3A_1840, %select_n3A_1828, %dma_wait3A_1841, %dma_wait3A_1842] : memref<200x8x32x8x128xf32, #tpu.memory_space<hbm>> -> memref<1x8x1x8x128xf32, #tpu.memory_space<hbm>>
        %dma_wait3A_1844 = tpu.memref_squeeze %dma_wait3A_1843 : memref<1x8x1x8x128xf32, #tpu.memory_space<hbm>> -> memref<8x8x128xf32, #tpu.memory_space<hbm>>
        %dma_wait3A_1845 = arith.constant 0 : i32
        %dma_wait3A_1846 = arith.constant 0 : i32
        %dma_wait3A_1847 = arith.constant 0 : i32
        %dma_wait3A_1848 = tpu.memref_slice %arg11[%dma_wait3A_1829, %dma_wait3A_1845, %dma_wait3A_1846, %dma_wait3A_1847] : memref<2x8x8x129xf32, #tpu.memory_space<vmem>> -> memref<1x8x8x128xf32, #tpu.memory_space<vmem>>
        %dma_wait3A_1849 = tpu.memref_squeeze %dma_wait3A_1848 : memref<1x8x8x128xf32, #tpu.memory_space<vmem>> -> memref<8x8x128xf32, #tpu.memory_space<vmem>>
        tpu.wait_dma2 semaphore(%arg25 : memref<!tpu.dma_semaphore, #tpu.memory_space<semaphore_mem>>) src(%dma_wait3A_1849 : memref<8x8x128xf32, #tpu.memory_space<vmem>>) dst(%dma_wait3A_1844 : memref<8x8x128xf32, #tpu.memory_space<hbm>>)
      } else {
      }
      %add3A_1529 = arith.addi %mul3A_2, %add3A_1490 : i32
      %jit3A_1530 = arith.constant 32 : i32
      %div3A_1531 = arith.divsi %add3A_1529, %jit3A_1530 : i32
      %sign3A_1532 = arith.constant 0 : i32
      %sign3A_1533 = arith.cmpi sgt, %add3A_1529, %sign3A_1532 : i32
      %sign3A_1534 = arith.extui %sign3A_1533 : i1 to i32
      %sign3A_1535 = arith.constant 0 : i32
      %sign3A_1536 = arith.cmpi slt, %add3A_1529, %sign3A_1535 : i32
      %sign3A_1537 = arith.extui %sign3A_1536 : i1 to i32
      %sign3A_1538 = arith.subi %sign3A_1534, %sign3A_1537 : i32
      %sign3A_1539 = arith.constant 0 : i32
      %sign3A_1540 = arith.cmpi sgt, %jit3A_1530, %sign3A_1539 : i32
      %sign3A_1541 = arith.extui %sign3A_1540 : i1 to i32
      %sign3A_1542 = arith.constant 0 : i32
      %sign3A_1543 = arith.cmpi slt, %jit3A_1530, %sign3A_1542 : i32
      %sign3A_1544 = arith.extui %sign3A_1543 : i1 to i32
      %sign3A_1545 = arith.subi %sign3A_1541, %sign3A_1544 : i32
      %ne3A_1546 = arith.cmpi ne, %sign3A_1538, %sign3A_1545 : i32
      %rem3A_1547 = arith.remsi %add3A_1529, %jit3A_1530 : i32
      %ne3A_1548 = arith.constant 0 : i32
      %ne3A_1549 = arith.cmpi ne, %rem3A_1547, %ne3A_1548 : i32
      %and3A_1550 = arith.andi %ne3A_1546, %ne3A_1549 : i1
      %sub3A_1551 = arith.constant 1 : i32
      %sub3A_1552 = arith.subi %div3A_1531, %sub3A_1551 : i32
      %select_n3A_1553 = arith.select %and3A_1550, %sub3A_1552, %div3A_1531 : i32
      %sub3A_1554 = arith.subi %select_n3A_1553, %select_n3A : i32
      %get3A_1555 = arith.index_cast %sub3A_1554 : i32 to index
      %get3A_1556 = arith.constant 0 : index
      %get3A_1557 = tpu.vector_load %arg12[%get3A_1555, %get3A_1556] {strides = array<i32>} : memref<8x64xf32, #tpu.memory_space<vmem>>, vector<16xf32>,
      %get3A_1558 = arith.index_cast %sub3A_1554 : i32 to index
      %get3A_1559 = arith.constant 16 : index
      %get3A_1560 = tpu.vector_load %arg12[%get3A_1558, %get3A_1559] {strides = array<i32>} : memref<8x64xf32, #tpu.memory_space<vmem>>, vector<16xf32>,
      %get3A_1561 = arith.index_cast %sub3A_1554 : i32 to index
      %get3A_1562 = arith.constant 32 : index
      %get3A_1563 = tpu.vector_load %arg12[%get3A_1561, %get3A_1562] {strides = array<i32>} : memref<8x64xf32, #tpu.memory_space<vmem>>, vector<16xf32>,
      %get3A_1564 = arith.index_cast %sub3A_1554 : i32 to index
      %get3A_1565 = arith.constant 48 : index
      %get3A_1566 = tpu.vector_load %arg12[%get3A_1564, %get3A_1565] {strides = array<i32>} : memref<8x64xf32, #tpu.memory_space<vmem>>, vector<16xf32>,
      %scan3A_1567 = arith.constant 0 : i32
      %scan3A_1568 = arith.constant 0 : i32
      %scan3A_1569 = arith.constant 32 : i32
      %scan3A_1570 = arith.addi %scan3A_1568, %scan3A_1569 : i32
      %scan3A_1571 = arith.constant 1 : i32
      scf.for %scan3A_1785 = %scan3A_1568 to %scan3A_1570 step %scan3A_1571  : i32 {
        %mul3A_1786 = arith.constant 4 : i32
        %mul3A_1787 = arith.muli %scan3A_1785, %mul3A_1786 : i32
        %broadcast_in_dim3A = vector.broadcast %mul3A_1787 : i32 to vector<16xi32>
        %mul3A_1788 = arith.constant 4 : i32
        %mul3A_1789 = arith.muli %scan3A_1785, %mul3A_1788 : i32
        %add3A_1790 = arith.constant 0 : i32
        %add3A_1791 = arith.addi %mul3A_1789, %add3A_1790 : i32
        %add3A_1792 = arith.constant 0 : i32
        %add3A_1793 = vector.broadcast %add3A_1792 : i32 to vector<16xi32>
        %add3A_1794 = arith.addi %broadcast_in_dim3A, %add3A_1793 : vector<16xi32>
        %get3A_1795 = arith.constant 2 : i32
        %get3A_1796 = arith.index_cast %get3A_1795 : i32 to index
        %get3A_1797 = arith.index_cast %add3A_1791 : i32 to index
        %get3A_1798 = arith.constant 0 : index
        %get3A_1799 = tpu.vector_load %arg10[%get3A_1796, %get3A_1797, %get3A_1798] {strides = array<i32>} : memref<4x128x64xf32, #tpu.memory_space<vmem>>, vector<16xf32>,
        %add3A_1800 = arith.addf %get3A_1799, %get3A_1557 : vector<16xf32>
        %scatter3A = arith.constant 0 : i32
        %scatter3A_1801 = arith.constant 0 : i32
        %scatter3A_1802 = arith.constant 0 : i32
        %scatter3A_1803 = arith.constant 0 : i32
        %scatter3A_1804 = tpu.memref_slice %arg11[%scatter3A, %scatter3A_1801, %scatter3A_1802, %scatter3A_1803] : memref<2x8x8x129xf32, #tpu.memory_space<vmem>> -> memref<1x8x8x129xf32, #tpu.memory_space<vmem>>
        %scatter3A_1805 = tpu.memref_squeeze %scatter3A_1804 : memref<1x8x8x129xf32, #tpu.memory_space<vmem>> -> memref<8x8x129xf32, #tpu.memory_space<vmem>>
        tpu.vector_store_idx %scatter3A_1805[%select_n3A_52, %select_n3A_75, %add3A_1794], %add3A_1800 : memref<8x8x129xf32, #tpu.memory_space<vmem>>[vector<16xi32>, vector<16xi32>, vector<16xi32>], vector<16xf32>,
        %get3A_1806 = arith.constant 2 : i32
        %get3A_1807 = arith.index_cast %get3A_1806 : i32 to index
        %get3A_1808 = arith.index_cast %add3A_1791 : i32 to index
        %get3A_1809 = arith.constant 16 : index
        %get3A_1810 = tpu.vector_load %arg10[%get3A_1807, %get3A_1808, %get3A_1809] {strides = array<i32>} : memref<4x128x64xf32, #tpu.memory_space<vmem>>, vector<16xf32>,
        %add3A_1811 = arith.addf %get3A_1810, %get3A_1560 : vector<16xf32>
        %scatter3A_1812 = arith.constant 0 : i32
        %scatter3A_1813 = arith.constant 0 : i32
        %scatter3A_1814 = arith.constant 0 : i32
        %scatter3A_1815 = arith.constant 0 : i32
        %scatter3A_1816 = tpu.memref_slice %arg11[%scatter3A_1812, %scatter3A_1813, %scatter3A_1814, %scatter3A_1815] : memref<2x8x8x129xf32, #tpu.memory_space<vmem>> -> memref<1x8x8x129xf32, #tpu.memory_space<vmem>>
        %scatter3A_1817 = tpu.memref_squeeze %scatter3A_1816 : memref<1x8x8x129xf32, #tpu.memory_space<vmem>> -> memref<8x8x129xf32, #tpu.memory_space<vmem>>
        tpu.vector_store_idx %scatter3A_1817[%select_n3A_109, %select_n3A_134, %add3A_1794], %add3A_1811 : memref<8x8x129xf32, #tpu.memory_space<vmem>>[vector<16xi32>, vector<16xi32>, vector<16xi32>], vector<16xf32>,
        %get3A_1818 = arith.constant 2 : i32
        %get3A_1819 = arith.index_cast %get3A_1818 : i32 to index
        %get3A_1820 = arith.index_cast %add3A_1791 : i32 to index
        %get3A_1821 = arith.constant 32 : index
        %get3A_1822 = tpu.vector_load %arg10[%get3A_1819, %get3A_1820, %get3A_1821] {strides = array<i32>} : memref<4x128x64xf32, #tpu.memory_space<vmem>>, vector<16xf32>,
        %add3A_1823 = arith.addf %get3A_1822, %get3A_1563 : vector<16xf32>
        %scatter3A_1824 = arith.constant 0 : i32
        %scatter3A_1825 = arith.constant 0 : i32
        %scatter3A_1826 = arith.constant 0 : i32
        %scatter3A_1827 = arith.constant 0 : i32
        %scatter3A_1828 = tpu.memref_slice %arg11[%scatter3A_1824, %scatter3A_1825, %scatter3A_1826, %scatter3A_1827] : memref<2x8x8x129xf32, #tpu.memory_space<vmem>> -> memref<1x8x8x129xf32, #tpu.memory_space<vmem>>
        %scatter3A_1829 = tpu.memref_squeeze %scatter3A_1828 : memref<1x8x8x129xf32, #tpu.memory_space<vmem>> -> memref<8x8x129xf32, #tpu.memory_space<vmem>>
        tpu.vector_store_idx %scatter3A_1829[%select_n3A_168, %select_n3A_193, %add3A_1794], %add3A_1823 : memref<8x8x129xf32, #tpu.memory_space<vmem>>[vector<16xi32>, vector<16xi32>, vector<16xi32>], vector<16xf32>,
        %get3A_1830 = arith.constant 2 : i32
        %get3A_1831 = arith.index_cast %get3A_1830 : i32 to index
        %get3A_1832 = arith.index_cast %add3A_1791 : i32 to index
        %get3A_1833 = arith.constant 48 : index
        %get3A_1834 = tpu.vector_load %arg10[%get3A_1831, %get3A_1832, %get3A_1833] {strides = array<i32>} : memref<4x128x64xf32, #tpu.memory_space<vmem>>, vector<16xf32>,
        %add3A_1835 = arith.addf %get3A_1834, %get3A_1566 : vector<16xf32>
        %scatter3A_1836 = arith.constant 0 : i32
        %scatter3A_1837 = arith.constant 0 : i32
        %scatter3A_1838 = arith.constant 0 : i32
        %scatter3A_1839 = arith.constant 0 : i32
        %scatter3A_1840 = tpu.memref_slice %arg11[%scatter3A_1836, %scatter3A_1837, %scatter3A_1838, %scatter3A_1839] : memref<2x8x8x129xf32, #tpu.memory_space<vmem>> -> memref<1x8x8x129xf32, #tpu.memory_space<vmem>>
        %scatter3A_1841 = tpu.memref_squeeze %scatter3A_1840 : memref<1x8x8x129xf32, #tpu.memory_space<vmem>> -> memref<8x8x129xf32, #tpu.memory_space<vmem>>
        tpu.vector_store_idx %scatter3A_1841[%select_n3A_227, %select_n3A_252, %add3A_1794], %add3A_1835 : memref<8x8x129xf32, #tpu.memory_space<vmem>>[vector<16xi32>, vector<16xi32>, vector<16xi32>], vector<16xf32>,
        %mul3A_1842 = arith.constant 4 : i32
        %mul3A_1843 = arith.muli %scan3A_1785, %mul3A_1842 : i32
        %add3A_1844 = arith.constant 1 : i32
        %add3A_1845 = arith.addi %mul3A_1843, %add3A_1844 : i32
        %add3A_1846 = arith.constant 1 : i32
        %add3A_1847 = vector.broadcast %add3A_1846 : i32 to vector<16xi32>
        %add3A_1848 = arith.addi %broadcast_in_dim3A, %add3A_1847 : vector<16xi32>
        %get3A_1849 = arith.constant 2 : i32
        %get3A_1850 = arith.index_cast %get3A_1849 : i32 to index
        %get3A_1851 = arith.index_cast %add3A_1845 : i32 to index
        %get3A_1852 = arith.constant 0 : index
        %get3A_1853 = tpu.vector_load %arg10[%get3A_1850, %get3A_1851, %get3A_1852] {strides = array<i32>} : memref<4x128x64xf32, #tpu.memory_space<vmem>>, vector<16xf32>,
        %add3A_1854 = arith.addf %get3A_1853, %get3A_1557 : vector<16xf32>
        %scatter3A_1855 = arith.constant 0 : i32
        %scatter3A_1856 = arith.constant 0 : i32
        %scatter3A_1857 = arith.constant 0 : i32
        %scatter3A_1858 = arith.constant 0 : i32
        %scatter3A_1859 = tpu.memref_slice %arg11[%scatter3A_1855, %scatter3A_1856, %scatter3A_1857, %scatter3A_1858] : memref<2x8x8x129xf32, #tpu.memory_space<vmem>> -> memref<1x8x8x129xf32, #tpu.memory_space<vmem>>
        %scatter3A_1860 = tpu.memref_squeeze %scatter3A_1859 : memref<1x8x8x129xf32, #tpu.memory_space<vmem>> -> memref<8x8x129xf32, #tpu.memory_space<vmem>>
        tpu.vector_store_idx %scatter3A_1860[%select_n3A_52, %select_n3A_75, %add3A_1848], %add3A_1854 : memref<8x8x129xf32, #tpu.memory_space<vmem>>[vector<16xi32>, vector<16xi32>, vector<16xi32>], vector<16xf32>,
        %get3A_1861 = arith.constant 2 : i32
        %get3A_1862 = arith.index_cast %get3A_1861 : i32 to index
        %get3A_1863 = arith.index_cast %add3A_1845 : i32 to index
        %get3A_1864 = arith.constant 16 : index
        %get3A_1865 = tpu.vector_load %arg10[%get3A_1862, %get3A_1863, %get3A_1864] {strides = array<i32>} : memref<4x128x64xf32, #tpu.memory_space<vmem>>, vector<16xf32>,
        %add3A_1866 = arith.addf %get3A_1865, %get3A_1560 : vector<16xf32>
        %scatter3A_1867 = arith.constant 0 : i32
        %scatter3A_1868 = arith.constant 0 : i32
        %scatter3A_1869 = arith.constant 0 : i32
        %scatter3A_1870 = arith.constant 0 : i32
        %scatter3A_1871 = tpu.memref_slice %arg11[%scatter3A_1867, %scatter3A_1868, %scatter3A_1869, %scatter3A_1870] : memref<2x8x8x129xf32, #tpu.memory_space<vmem>> -> memref<1x8x8x129xf32, #tpu.memory_space<vmem>>
        %scatter3A_1872 = tpu.memref_squeeze %scatter3A_1871 : memref<1x8x8x129xf32, #tpu.memory_space<vmem>> -> memref<8x8x129xf32, #tpu.memory_space<vmem>>
        tpu.vector_store_idx %scatter3A_1872[%select_n3A_109, %select_n3A_134, %add3A_1848], %add3A_1866 : memref<8x8x129xf32, #tpu.memory_space<vmem>>[vector<16xi32>, vector<16xi32>, vector<16xi32>], vector<16xf32>,
        %get3A_1873 = arith.constant 2 : i32
        %get3A_1874 = arith.index_cast %get3A_1873 : i32 to index
        %get3A_1875 = arith.index_cast %add3A_1845 : i32 to index
        %get3A_1876 = arith.constant 32 : index
        %get3A_1877 = tpu.vector_load %arg10[%get3A_1874, %get3A_1875, %get3A_1876] {strides = array<i32>} : memref<4x128x64xf32, #tpu.memory_space<vmem>>, vector<16xf32>,
        %add3A_1878 = arith.addf %get3A_1877, %get3A_1563 : vector<16xf32>
        %scatter3A_1879 = arith.constant 0 : i32
        %scatter3A_1880 = arith.constant 0 : i32
        %scatter3A_1881 = arith.constant 0 : i32
        %scatter3A_1882 = arith.constant 0 : i32
        %scatter3A_1883 = tpu.memref_slice %arg11[%scatter3A_1879, %scatter3A_1880, %scatter3A_1881, %scatter3A_1882] : memref<2x8x8x129xf32, #tpu.memory_space<vmem>> -> memref<1x8x8x129xf32, #tpu.memory_space<vmem>>
        %scatter3A_1884 = tpu.memref_squeeze %scatter3A_1883 : memref<1x8x8x129xf32, #tpu.memory_space<vmem>> -> memref<8x8x129xf32, #tpu.memory_space<vmem>>
        tpu.vector_store_idx %scatter3A_1884[%select_n3A_168, %select_n3A_193, %add3A_1848], %add3A_1878 : memref<8x8x129xf32, #tpu.memory_space<vmem>>[vector<16xi32>, vector<16xi32>, vector<16xi32>], vector<16xf32>,
        %get3A_1885 = arith.constant 2 : i32
        %get3A_1886 = arith.index_cast %get3A_1885 : i32 to index
        %get3A_1887 = arith.index_cast %add3A_1845 : i32 to index
        %get3A_1888 = arith.constant 48 : index
        %get3A_1889 = tpu.vector_load %arg10[%get3A_1886, %get3A_1887, %get3A_1888] {strides = array<i32>} : memref<4x128x64xf32, #tpu.memory_space<vmem>>, vector<16xf32>,
        %add3A_1890 = arith.addf %get3A_1889, %get3A_1566 : vector<16xf32>
        %scatter3A_1891 = arith.constant 0 : i32
        %scatter3A_1892 = arith.constant 0 : i32
        %scatter3A_1893 = arith.constant 0 : i32
        %scatter3A_1894 = arith.constant 0 : i32
        %scatter3A_1895 = tpu.memref_slice %arg11[%scatter3A_1891, %scatter3A_1892, %scatter3A_1893, %scatter3A_1894] : memref<2x8x8x129xf32, #tpu.memory_space<vmem>> -> memref<1x8x8x129xf32, #tpu.memory_space<vmem>>
        %scatter3A_1896 = tpu.memref_squeeze %scatter3A_1895 : memref<1x8x8x129xf32, #tpu.memory_space<vmem>> -> memref<8x8x129xf32, #tpu.memory_space<vmem>>
        tpu.vector_store_idx %scatter3A_1896[%select_n3A_227, %select_n3A_252, %add3A_1848], %add3A_1890 : memref<8x8x129xf32, #tpu.memory_space<vmem>>[vector<16xi32>, vector<16xi32>, vector<16xi32>], vector<16xf32>,
        %mul3A_1897 = arith.constant 4 : i32
        %mul3A_1898 = arith.muli %scan3A_1785, %mul3A_1897 : i32
        %add3A_1899 = arith.constant 2 : i32
        %add3A_1900 = arith.addi %mul3A_1898, %add3A_1899 : i32
        %add3A_1901 = arith.constant 2 : i32
        %add3A_1902 = vector.broadcast %add3A_1901 : i32 to vector<16xi32>
        %add3A_1903 = arith.addi %broadcast_in_dim3A, %add3A_1902 : vector<16xi32>
        %get3A_1904 = arith.constant 2 : i32
        %get3A_1905 = arith.index_cast %get3A_1904 : i32 to index
        %get3A_1906 = arith.index_cast %add3A_1900 : i32 to index
        %get3A_1907 = arith.constant 0 : index
        %get3A_1908 = tpu.vector_load %arg10[%get3A_1905, %get3A_1906, %get3A_1907] {strides = array<i32>} : memref<4x128x64xf32, #tpu.memory_space<vmem>>, vector<16xf32>,
        %add3A_1909 = arith.addf %get3A_1908, %get3A_1557 : vector<16xf32>
        %scatter3A_1910 = arith.constant 0 : i32
        %scatter3A_1911 = arith.constant 0 : i32
        %scatter3A_1912 = arith.constant 0 : i32
        %scatter3A_1913 = arith.constant 0 : i32
        %scatter3A_1914 = tpu.memref_slice %arg11[%scatter3A_1910, %scatter3A_1911, %scatter3A_1912, %scatter3A_1913] : memref<2x8x8x129xf32, #tpu.memory_space<vmem>> -> memref<1x8x8x129xf32, #tpu.memory_space<vmem>>
        %scatter3A_1915 = tpu.memref_squeeze %scatter3A_1914 : memref<1x8x8x129xf32, #tpu.memory_space<vmem>> -> memref<8x8x129xf32, #tpu.memory_space<vmem>>
        tpu.vector_store_idx %scatter3A_1915[%select_n3A_52, %select_n3A_75, %add3A_1903], %add3A_1909 : memref<8x8x129xf32, #tpu.memory_space<vmem>>[vector<16xi32>, vector<16xi32>, vector<16xi32>], vector<16xf32>,
        %get3A_1916 = arith.constant 2 : i32
        %get3A_1917 = arith.index_cast %get3A_1916 : i32 to index
        %get3A_1918 = arith.index_cast %add3A_1900 : i32 to index
        %get3A_1919 = arith.constant 16 : index
        %get3A_1920 = tpu.vector_load %arg10[%get3A_1917, %get3A_1918, %get3A_1919] {strides = array<i32>} : memref<4x128x64xf32, #tpu.memory_space<vmem>>, vector<16xf32>,
        %add3A_1921 = arith.addf %get3A_1920, %get3A_1560 : vector<16xf32>
        %scatter3A_1922 = arith.constant 0 : i32
        %scatter3A_1923 = arith.constant 0 : i32
        %scatter3A_1924 = arith.constant 0 : i32
        %scatter3A_1925 = arith.constant 0 : i32
        %scatter3A_1926 = tpu.memref_slice %arg11[%scatter3A_1922, %scatter3A_1923, %scatter3A_1924, %scatter3A_1925] : memref<2x8x8x129xf32, #tpu.memory_space<vmem>> -> memref<1x8x8x129xf32, #tpu.memory_space<vmem>>
        %scatter3A_1927 = tpu.memref_squeeze %scatter3A_1926 : memref<1x8x8x129xf32, #tpu.memory_space<vmem>> -> memref<8x8x129xf32, #tpu.memory_space<vmem>>
        tpu.vector_store_idx %scatter3A_1927[%select_n3A_109, %select_n3A_134, %add3A_1903], %add3A_1921 : memref<8x8x129xf32, #tpu.memory_space<vmem>>[vector<16xi32>, vector<16xi32>, vector<16xi32>], vector<16xf32>,
        %get3A_1928 = arith.constant 2 : i32
        %get3A_1929 = arith.index_cast %get3A_1928 : i32 to index
        %get3A_1930 = arith.index_cast %add3A_1900 : i32 to index
        %get3A_1931 = arith.constant 32 : index
        %get3A_1932 = tpu.vector_load %arg10[%get3A_1929, %get3A_1930, %get3A_1931] {strides = array<i32>} : memref<4x128x64xf32, #tpu.memory_space<vmem>>, vector<16xf32>,
        %add3A_1933 = arith.addf %get3A_1932, %get3A_1563 : vector<16xf32>
        %scatter3A_1934 = arith.constant 0 : i32
        %scatter3A_1935 = arith.constant 0 : i32
        %scatter3A_1936 = arith.constant 0 : i32
        %scatter3A_1937 = arith.constant 0 : i32
        %scatter3A_1938 = tpu.memref_slice %arg11[%scatter3A_1934, %scatter3A_1935, %scatter3A_1936, %scatter3A_1937] : memref<2x8x8x129xf32, #tpu.memory_space<vmem>> -> memref<1x8x8x129xf32, #tpu.memory_space<vmem>>
        %scatter3A_1939 = tpu.memref_squeeze %scatter3A_1938 : memref<1x8x8x129xf32, #tpu.memory_space<vmem>> -> memref<8x8x129xf32, #tpu.memory_space<vmem>>
        tpu.vector_store_idx %scatter3A_1939[%select_n3A_168, %select_n3A_193, %add3A_1903], %add3A_1933 : memref<8x8x129xf32, #tpu.memory_space<vmem>>[vector<16xi32>, vector<16xi32>, vector<16xi32>], vector<16xf32>,
        %get3A_1940 = arith.constant 2 : i32
        %get3A_1941 = arith.index_cast %get3A_1940 : i32 to index
        %get3A_1942 = arith.index_cast %add3A_1900 : i32 to index
        %get3A_1943 = arith.constant 48 : index
        %get3A_1944 = tpu.vector_load %arg10[%get3A_1941, %get3A_1942, %get3A_1943] {strides = array<i32>} : memref<4x128x64xf32, #tpu.memory_space<vmem>>, vector<16xf32>,
        %add3A_1945 = arith.addf %get3A_1944, %get3A_1566 : vector<16xf32>
        %scatter3A_1946 = arith.constant 0 : i32
        %scatter3A_1947 = arith.constant 0 : i32
        %scatter3A_1948 = arith.constant 0 : i32
        %scatter3A_1949 = arith.constant 0 : i32
        %scatter3A_1950 = tpu.memref_slice %arg11[%scatter3A_1946, %scatter3A_1947, %scatter3A_1948, %scatter3A_1949] : memref<2x8x8x129xf32, #tpu.memory_space<vmem>> -> memref<1x8x8x129xf32, #tpu.memory_space<vmem>>
        %scatter3A_1951 = tpu.memref_squeeze %scatter3A_1950 : memref<1x8x8x129xf32, #tpu.memory_space<vmem>> -> memref<8x8x129xf32, #tpu.memory_space<vmem>>
        tpu.vector_store_idx %scatter3A_1951[%select_n3A_227, %select_n3A_252, %add3A_1903], %add3A_1945 : memref<8x8x129xf32, #tpu.memory_space<vmem>>[vector<16xi32>, vector<16xi32>, vector<16xi32>], vector<16xf32>,
        %mul3A_1952 = arith.constant 4 : i32
        %mul3A_1953 = arith.muli %scan3A_1785, %mul3A_1952 : i32
        %add3A_1954 = arith.constant 3 : i32
        %add3A_1955 = arith.addi %mul3A_1953, %add3A_1954 : i32
        %add3A_1956 = arith.constant 3 : i32
        %add3A_1957 = vector.broadcast %add3A_1956 : i32 to vector<16xi32>
        %add3A_1958 = arith.addi %broadcast_in_dim3A, %add3A_1957 : vector<16xi32>
        %get3A_1959 = arith.constant 2 : i32
        %get3A_1960 = arith.index_cast %get3A_1959 : i32 to index
        %get3A_1961 = arith.index_cast %add3A_1955 : i32 to index
        %get3A_1962 = arith.constant 0 : index
        %get3A_1963 = tpu.vector_load %arg10[%get3A_1960, %get3A_1961, %get3A_1962] {strides = array<i32>} : memref<4x128x64xf32, #tpu.memory_space<vmem>>, vector<16xf32>,
        %add3A_1964 = arith.addf %get3A_1963, %get3A_1557 : vector<16xf32>
        %scatter3A_1965 = arith.constant 0 : i32
        %scatter3A_1966 = arith.constant 0 : i32
        %scatter3A_1967 = arith.constant 0 : i32
        %scatter3A_1968 = arith.constant 0 : i32
        %scatter3A_1969 = tpu.memref_slice %arg11[%scatter3A_1965, %scatter3A_1966, %scatter3A_1967, %scatter3A_1968] : memref<2x8x8x129xf32, #tpu.memory_space<vmem>> -> memref<1x8x8x129xf32, #tpu.memory_space<vmem>>
        %scatter3A_1970 = tpu.memref_squeeze %scatter3A_1969 : memref<1x8x8x129xf32, #tpu.memory_space<vmem>> -> memref<8x8x129xf32, #tpu.memory_space<vmem>>
        tpu.vector_store_idx %scatter3A_1970[%select_n3A_52, %select_n3A_75, %add3A_1958], %add3A_1964 : memref<8x8x129xf32, #tpu.memory_space<vmem>>[vector<16xi32>, vector<16xi32>, vector<16xi32>], vector<16xf32>,
        %get3A_1971 = arith.constant 2 : i32
        %get3A_1972 = arith.index_cast %get3A_1971 : i32 to index
        %get3A_1973 = arith.index_cast %add3A_1955 : i32 to index
        %get3A_1974 = arith.constant 16 : index
        %get3A_1975 = tpu.vector_load %arg10[%get3A_1972, %get3A_1973, %get3A_1974] {strides = array<i32>} : memref<4x128x64xf32, #tpu.memory_space<vmem>>, vector<16xf32>,
        %add3A_1976 = arith.addf %get3A_1975, %get3A_1560 : vector<16xf32>
        %scatter3A_1977 = arith.constant 0 : i32
        %scatter3A_1978 = arith.constant 0 : i32
        %scatter3A_1979 = arith.constant 0 : i32
        %scatter3A_1980 = arith.constant 0 : i32
        %scatter3A_1981 = tpu.memref_slice %arg11[%scatter3A_1977, %scatter3A_1978, %scatter3A_1979, %scatter3A_1980] : memref<2x8x8x129xf32, #tpu.memory_space<vmem>> -> memref<1x8x8x129xf32, #tpu.memory_space<vmem>>
        %scatter3A_1982 = tpu.memref_squeeze %scatter3A_1981 : memref<1x8x8x129xf32, #tpu.memory_space<vmem>> -> memref<8x8x129xf32, #tpu.memory_space<vmem>>
        tpu.vector_store_idx %scatter3A_1982[%select_n3A_109, %select_n3A_134, %add3A_1958], %add3A_1976 : memref<8x8x129xf32, #tpu.memory_space<vmem>>[vector<16xi32>, vector<16xi32>, vector<16xi32>], vector<16xf32>,
        %get3A_1983 = arith.constant 2 : i32
        %get3A_1984 = arith.index_cast %get3A_1983 : i32 to index
        %get3A_1985 = arith.index_cast %add3A_1955 : i32 to index
        %get3A_1986 = arith.constant 32 : index
        %get3A_1987 = tpu.vector_load %arg10[%get3A_1984, %get3A_1985, %get3A_1986] {strides = array<i32>} : memref<4x128x64xf32, #tpu.memory_space<vmem>>, vector<16xf32>,
        %add3A_1988 = arith.addf %get3A_1987, %get3A_1563 : vector<16xf32>
        %scatter3A_1989 = arith.constant 0 : i32
        %scatter3A_1990 = arith.constant 0 : i32
        %scatter3A_1991 = arith.constant 0 : i32
        %scatter3A_1992 = arith.constant 0 : i32
        %scatter3A_1993 = tpu.memref_slice %arg11[%scatter3A_1989, %scatter3A_1990, %scatter3A_1991, %scatter3A_1992] : memref<2x8x8x129xf32, #tpu.memory_space<vmem>> -> memref<1x8x8x129xf32, #tpu.memory_space<vmem>>
        %scatter3A_1994 = tpu.memref_squeeze %scatter3A_1993 : memref<1x8x8x129xf32, #tpu.memory_space<vmem>> -> memref<8x8x129xf32, #tpu.memory_space<vmem>>
        tpu.vector_store_idx %scatter3A_1994[%select_n3A_168, %select_n3A_193, %add3A_1958], %add3A_1988 : memref<8x8x129xf32, #tpu.memory_space<vmem>>[vector<16xi32>, vector<16xi32>, vector<16xi32>], vector<16xf32>,
        %get3A_1995 = arith.constant 2 : i32
        %get3A_1996 = arith.index_cast %get3A_1995 : i32 to index
        %get3A_1997 = arith.index_cast %add3A_1955 : i32 to index
        %get3A_1998 = arith.constant 48 : index
        %get3A_1999 = tpu.vector_load %arg10[%get3A_1996, %get3A_1997, %get3A_1998] {strides = array<i32>} : memref<4x128x64xf32, #tpu.memory_space<vmem>>, vector<16xf32>,
        %add3A_2000 = arith.addf %get3A_1999, %get3A_1566 : vector<16xf32>
        %scatter3A_2001 = arith.constant 0 : i32
        %scatter3A_2002 = arith.constant 0 : i32
        %scatter3A_2003 = arith.constant 0 : i32
        %scatter3A_2004 = arith.constant 0 : i32
        %scatter3A_2005 = tpu.memref_slice %arg11[%scatter3A_2001, %scatter3A_2002, %scatter3A_2003, %scatter3A_2004] : memref<2x8x8x129xf32, #tpu.memory_space<vmem>> -> memref<1x8x8x129xf32, #tpu.memory_space<vmem>>
        %scatter3A_2006 = tpu.memref_squeeze %scatter3A_2005 : memref<1x8x8x129xf32, #tpu.memory_space<vmem>> -> memref<8x8x129xf32, #tpu.memory_space<vmem>>
        tpu.vector_store_idx %scatter3A_2006[%select_n3A_227, %select_n3A_252, %add3A_1958], %add3A_2000 : memref<8x8x129xf32, #tpu.memory_space<vmem>>[vector<16xi32>, vector<16xi32>, vector<16xi32>], vector<16xf32>,
      }
      %scan3A_1572 = arith.constant 32 : i32
      %add3A_1573 = arith.addi %mul3A_2, %add3A_1490 : i32
      %jit3A_1574 = arith.constant 32 : i32
      %div3A_1575 = arith.divsi %add3A_1573, %jit3A_1574 : i32
      %sign3A_1576 = arith.constant 0 : i32
      %sign3A_1577 = arith.cmpi sgt, %add3A_1573, %sign3A_1576 : i32
      %sign3A_1578 = arith.extui %sign3A_1577 : i1 to i32
      %sign3A_1579 = arith.constant 0 : i32
      %sign3A_1580 = arith.cmpi slt, %add3A_1573, %sign3A_1579 : i32
      %sign3A_1581 = arith.extui %sign3A_1580 : i1 to i32
      %sign3A_1582 = arith.subi %sign3A_1578, %sign3A_1581 : i32
      %sign3A_1583 = arith.constant 0 : i32
      %sign3A_1584 = arith.cmpi sgt, %jit3A_1574, %sign3A_1583 : i32
      %sign3A_1585 = arith.extui %sign3A_1584 : i1 to i32
      %sign3A_1586 = arith.constant 0 : i32
      %sign3A_1587 = arith.cmpi slt, %jit3A_1574, %sign3A_1586 : i32
      %sign3A_1588 = arith.extui %sign3A_1587 : i1 to i32
      %sign3A_1589 = arith.subi %sign3A_1585, %sign3A_1588 : i32
      %ne3A_1590 = arith.cmpi ne, %sign3A_1582, %sign3A_1589 : i32
      %rem3A_1591 = arith.remsi %add3A_1573, %jit3A_1574 : i32
      %ne3A_1592 = arith.constant 0 : i32
      %ne3A_1593 = arith.cmpi ne, %rem3A_1591, %ne3A_1592 : i32
      %and3A_1594 = arith.andi %ne3A_1590, %ne3A_1593 : i1
      %sub3A_1595 = arith.constant 1 : i32
      %sub3A_1596 = arith.subi %div3A_1575, %sub3A_1595 : i32
      %select_n3A_1597 = arith.select %and3A_1594, %sub3A_1596, %div3A_1575 : i32
      %add3A_1598 = arith.addi %mul3A_2, %add3A_1490 : i32
      %jit3A_1599 = arith.constant 32 : i32
      %eq3A_1600 = arith.constant 0 : i32
      %eq3A_1601 = arith.cmpi eq, %jit3A_1599, %eq3A_1600 : i32
      %jit3A_1602 = arith.constant 1 : i32
      %select_n3A_1603 = arith.select %eq3A_1601, %jit3A_1602, %jit3A_1599 : i32
      %rem3A_1604 = arith.remsi %add3A_1598, %select_n3A_1603 : i32
      %ne3A_1605 = arith.constant 0 : i32
      %ne3A_1606 = arith.cmpi ne, %rem3A_1604, %ne3A_1605 : i32
      %lt3A_1607 = arith.constant 0 : i32
      %lt3A_1608 = arith.cmpi slt, %rem3A_1604, %lt3A_1607 : i32
      %lt3A_1609 = arith.constant 0 : i32
      %lt3A_1610 = arith.cmpi slt, %select_n3A_1603, %lt3A_1609 : i32
      %ne3A_1611 = arith.xori %lt3A_1608, %lt3A_1610 : i1
      %and3A_1612 = arith.andi %ne3A_1611, %ne3A_1606 : i1
      %add3A_1613 = arith.addi %rem3A_1604, %select_n3A_1603 : i32
      %select_n3A_1614 = arith.select %and3A_1612, %add3A_1613, %rem3A_1604 : i32
      %dma_start3A_1615 = arith.constant 0 : i32
      %dma_start3A_1616 = arith.constant 0 : i32
      %dma_start3A_1617 = arith.constant 0 : i32
      %dma_start3A_1618 = arith.constant 0 : i32
      %dma_start3A_1619 = tpu.memref_slice %arg11[%dma_start3A_1615, %dma_start3A_1616, %dma_start3A_1617, %dma_start3A_1618] : memref<2x8x8x129xf32, #tpu.memory_space<vmem>> -> memref<1x8x8x128xf32, #tpu.memory_space<vmem>>
      %dma_start3A_1620 = tpu.memref_squeeze %dma_start3A_1619 : memref<1x8x8x128xf32, #tpu.memory_space<vmem>> -> memref<8x8x128xf32, #tpu.memory_space<vmem>>
      %dma_start3A_1621 = arith.constant 0 : i32
      %dma_start3A_1622 = arith.constant 0 : i32
      %dma_start3A_1623 = arith.constant 0 : i32
      %dma_start3A_1624 = tpu.memref_slice %arg7[%select_n3A_1597, %dma_start3A_1621, %select_n3A_1614, %dma_start3A_1622, %dma_start3A_1623] : memref<200x8x32x8x128xf32, #tpu.memory_space<hbm>> -> memref<1x8x1x8x128xf32, #tpu.memory_space<hbm>>
      %dma_start3A_1625 = tpu.memref_squeeze %dma_start3A_1624 : memref<1x8x1x8x128xf32, #tpu.memory_space<hbm>> -> memref<8x8x128xf32, #tpu.memory_space<hbm>>
      %dma_start3A_1626 = arith.constant 0 : i32
      %dma_start3A_1627 = arith.constant 0 : i32
      %dma_start3A_1628 = arith.constant 0 : i32
      %dma_start3A_1629 = tpu.memref_slice %arg7[%select_n3A_1597, %dma_start3A_1626, %select_n3A_1614, %dma_start3A_1627, %dma_start3A_1628] : memref<200x8x32x8x128xf32, #tpu.memory_space<hbm>> -> memref<1x8x1x8x128xf32, #tpu.memory_space<hbm>>
      %dma_start3A_1630 = tpu.memref_squeeze %dma_start3A_1629 : memref<1x8x1x8x128xf32, #tpu.memory_space<hbm>> -> memref<8x8x128xf32, #tpu.memory_space<hbm>>
      %dma_start3A_1631 = arith.constant 0 : i32
      %dma_start3A_1632 = arith.constant 0 : i32
      %dma_start3A_1633 = arith.constant 0 : i32
      %dma_start3A_1634 = tpu.memref_slice %arg11[%dma_start3A_1615, %dma_start3A_1631, %dma_start3A_1632, %dma_start3A_1633] : memref<2x8x8x129xf32, #tpu.memory_space<vmem>> -> memref<1x8x8x128xf32, #tpu.memory_space<vmem>>
      %dma_start3A_1635 = tpu.memref_squeeze %dma_start3A_1634 : memref<1x8x8x128xf32, #tpu.memory_space<vmem>> -> memref<8x8x128xf32, #tpu.memory_space<vmem>>
      tpu.enqueue_dma source(%dma_start3A_1635 : memref<8x8x128xf32, #tpu.memory_space<vmem>>) target(%dma_start3A_1630 : memref<8x8x128xf32, #tpu.memory_space<hbm>>) target_semaphore(%arg25 : memref<!tpu.dma_semaphore, #tpu.memory_space<semaphore_mem>>)
      %mul3A_1636 = arith.constant 4 : i32
      %mul3A_1637 = arith.muli %scan3A_1192, %mul3A_1636 : i32
      %add3A_1638 = arith.constant 3 : i32
      %add3A_1639 = arith.addi %mul3A_1637, %add3A_1638 : i32
      %add3A_1640 = arith.constant 1 : i32
      %add3A_1641 = arith.addi %add3A_1639, %add3A_1640 : i32
      %lt3A_1642 = arith.constant 200 : i32
      %lt3A_1643 = arith.cmpi slt, %add3A_1641, %lt3A_1642 : i32
      %convert_element_type3A_1644 = arith.extui %lt3A_1643 : i1 to i32
      %cond3A_1645 = arith.constant 0 : i32
      %cond3A_1646 = arith.cmpi ne, %convert_element_type3A_1644, %cond3A_1645 : i32
      scf.if %cond3A_1646 {
        %dma_wait3A_1785 = arith.constant 0 : i32
        %dma_wait3A_1786 = arith.constant 0 : i32
        %dma_wait3A_1787 = arith.constant 0 : i32
        %dma_wait3A_1788 = arith.constant 0 : i32
        %dma_wait3A_1789 = tpu.memref_slice %arg10[%dma_wait3A_1786, %dma_wait3A_1787, %dma_wait3A_1788] : memref<4x128x64xf32, #tpu.memory_space<vmem>> -> memref<1x128x64xf32, #tpu.memory_space<vmem>>
        %dma_wait3A_1790 = tpu.memref_squeeze %dma_wait3A_1789 : memref<1x128x64xf32, #tpu.memory_space<vmem>> -> memref<128x64xf32, #tpu.memory_space<vmem>>
        %dma_wait3A_1791 = arith.constant 0 : i32
        %dma_wait3A_1792 = tpu.memref_slice %arg8[%dma_wait3A_1785, %dma_wait3A_1791] : memref<4x128xi32, #tpu.memory_space<vmem>> -> memref<1x128xi32, #tpu.memory_space<vmem>>
        %dma_wait3A_1793 = tpu.memref_squeeze %dma_wait3A_1792 : memref<1x128xi32, #tpu.memory_space<vmem>> -> memref<128xi32, #tpu.memory_space<vmem>>
        %dma_wait3A_1794 = arith.constant 0 : i32
        %dma_wait3A_1795 = arith.constant 0 : i32
        %dma_wait3A_1796 = tpu.memref_slice %arg4[%dma_wait3A_1794, %dma_wait3A_1795] : memref<100000x64xf32, #tpu.memory_space<hbm>> -> memref<100000x64xf32, #tpu.memory_space<hbm>>
        tpu.wait_indirect_dma semaphore(%arg17 : memref<!tpu.dma_semaphore, #tpu.memory_space<semaphore_mem>>) src(%dma_wait3A_1796 : memref<100000x64xf32, #tpu.memory_space<hbm>>) dst(%dma_wait3A_1790 : memref<128x64xf32, #tpu.memory_space<vmem>>)
        %dma_start3A_1797 = arith.constant 0 : i32
        %dma_start3A_1798 = arith.constant 0 : i32
        %dma_start3A_1799 = arith.constant 0 : i32
        %dma_start3A_1800 = arith.constant 0 : i32
        %dma_start3A_1801 = tpu.memref_slice %arg10[%dma_start3A_1798, %dma_start3A_1799, %dma_start3A_1800] : memref<4x128x64xf32, #tpu.memory_space<vmem>> -> memref<1x128x64xf32, #tpu.memory_space<vmem>>
        %dma_start3A_1802 = tpu.memref_squeeze %dma_start3A_1801 : memref<1x128x64xf32, #tpu.memory_space<vmem>> -> memref<128x64xf32, #tpu.memory_space<vmem>>
        %dma_start3A_1803 = arith.constant 0 : i32
        %dma_start3A_1804 = tpu.memref_slice %arg9[%dma_start3A_1797, %dma_start3A_1803] : memref<4x128xi32, #tpu.memory_space<vmem>> -> memref<1x128xi32, #tpu.memory_space<vmem>>
        %dma_start3A_1805 = tpu.memref_squeeze %dma_start3A_1804 : memref<1x128xi32, #tpu.memory_space<vmem>> -> memref<128xi32, #tpu.memory_space<vmem>>
        %dma_start3A_1806 = arith.constant 0 : i32
        %dma_start3A_1807 = arith.constant 0 : i32
        %dma_start3A_1808 = tpu.memref_slice %arg5[%dma_start3A_1806, %dma_start3A_1807] : memref<1000x64xf32, #tpu.memory_space<hbm>> -> memref<1000x64xf32, #tpu.memory_space<hbm>>
        tpu.enqueue_indirect_dma source(%dma_start3A_1808 : memref<1000x64xf32, #tpu.memory_space<hbm>>) target(%dma_start3A_1802 : memref<128x64xf32, #tpu.memory_space<vmem>>) offsets(%dma_start3A_1805 : memref<128xi32, #tpu.memory_space<vmem>>) semaphore(%arg21 : memref<!tpu.dma_semaphore, #tpu.memory_space<semaphore_mem>>) {add = true}
      } else {
      }
      %add3A_1647 = arith.constant 2 : i32
      %add3A_1648 = arith.addi %add3A_1639, %add3A_1647 : i32
      %lt3A_1649 = arith.constant 200 : i32
      %lt3A_1650 = arith.cmpi slt, %add3A_1648, %lt3A_1649 : i32
      %convert_element_type3A_1651 = arith.extui %lt3A_1650 : i1 to i32
      %cond3A_1652 = arith.constant 0 : i32
      %cond3A_1653 = arith.cmpi ne, %convert_element_type3A_1651, %cond3A_1652 : i32
      scf.if %cond3A_1653 {
        %add3A_1785 = arith.constant 2 : i32
        %add3A_1786 = arith.addi %add3A_1639, %add3A_1785 : i32
        %add3A_1787 = arith.addi %mul3A_2, %add3A_1786 : i32
        %jit3A_1788 = arith.constant 32 : i32
        %div3A_1789 = arith.divsi %add3A_1787, %jit3A_1788 : i32
        %sign3A_1790 = arith.constant 0 : i32
        %sign3A_1791 = arith.cmpi sgt, %add3A_1787, %sign3A_1790 : i32
        %sign3A_1792 = arith.extui %sign3A_1791 : i1 to i32
        %sign3A_1793 = arith.constant 0 : i32
        %sign3A_1794 = arith.cmpi slt, %add3A_1787, %sign3A_1793 : i32
        %sign3A_1795 = arith.extui %sign3A_1794 : i1 to i32
        %sign3A_1796 = arith.subi %sign3A_1792, %sign3A_1795 : i32
        %sign3A_1797 = arith.constant 0 : i32
        %sign3A_1798 = arith.cmpi sgt, %jit3A_1788, %sign3A_1797 : i32
        %sign3A_1799 = arith.extui %sign3A_1798 : i1 to i32
        %sign3A_1800 = arith.constant 0 : i32
        %sign3A_1801 = arith.cmpi slt, %jit3A_1788, %sign3A_1800 : i32
        %sign3A_1802 = arith.extui %sign3A_1801 : i1 to i32
        %sign3A_1803 = arith.subi %sign3A_1799, %sign3A_1802 : i32
        %ne3A_1804 = arith.cmpi ne, %sign3A_1796, %sign3A_1803 : i32
        %rem3A_1805 = arith.remsi %add3A_1787, %jit3A_1788 : i32
        %ne3A_1806 = arith.constant 0 : i32
        %ne3A_1807 = arith.cmpi ne, %rem3A_1805, %ne3A_1806 : i32
        %and3A_1808 = arith.andi %ne3A_1804, %ne3A_1807 : i1
        %sub3A_1809 = arith.constant 1 : i32
        %sub3A_1810 = arith.subi %div3A_1789, %sub3A_1809 : i32
        %select_n3A_1811 = arith.select %and3A_1808, %sub3A_1810, %div3A_1789 : i32
        %add3A_1812 = arith.addi %mul3A_2, %add3A_1786 : i32
        %jit3A_1813 = arith.constant 32 : i32
        %eq3A_1814 = arith.constant 0 : i32
        %eq3A_1815 = arith.cmpi eq, %jit3A_1813, %eq3A_1814 : i32
        %jit3A_1816 = arith.constant 1 : i32
        %select_n3A_1817 = arith.select %eq3A_1815, %jit3A_1816, %jit3A_1813 : i32
        %rem3A_1818 = arith.remsi %add3A_1812, %select_n3A_1817 : i32
        %ne3A_1819 = arith.constant 0 : i32
        %ne3A_1820 = arith.cmpi ne, %rem3A_1818, %ne3A_1819 : i32
        %lt3A_1821 = arith.constant 0 : i32
        %lt3A_1822 = arith.cmpi slt, %rem3A_1818, %lt3A_1821 : i32
        %lt3A_1823 = arith.constant 0 : i32
        %lt3A_1824 = arith.cmpi slt, %select_n3A_1817, %lt3A_1823 : i32
        %ne3A_1825 = arith.xori %lt3A_1822, %lt3A_1824 : i1
        %and3A_1826 = arith.andi %ne3A_1825, %ne3A_1820 : i1
        %add3A_1827 = arith.addi %rem3A_1818, %select_n3A_1817 : i32
        %select_n3A_1828 = arith.select %and3A_1826, %add3A_1827, %rem3A_1818 : i32
        %jit3A_1829 = arith.constant 8 : i32
        %div3A_1830 = arith.divsi %select_n3A_1811, %jit3A_1829 : i32
        %sign3A_1831 = arith.constant 0 : i32
        %sign3A_1832 = arith.cmpi sgt, %select_n3A_1811, %sign3A_1831 : i32
        %sign3A_1833 = arith.extui %sign3A_1832 : i1 to i32
        %sign3A_1834 = arith.constant 0 : i32
        %sign3A_1835 = arith.cmpi slt, %select_n3A_1811, %sign3A_1834 : i32
        %sign3A_1836 = arith.extui %sign3A_1835 : i1 to i32
        %sign3A_1837 = arith.subi %sign3A_1833, %sign3A_1836 : i32
        %sign3A_1838 = arith.constant 0 : i32
        %sign3A_1839 = arith.cmpi sgt, %jit3A_1829, %sign3A_1838 : i32
        %sign3A_1840 = arith.extui %sign3A_1839 : i1 to i32
        %sign3A_1841 = arith.constant 0 : i32
        %sign3A_1842 = arith.cmpi slt, %jit3A_1829, %sign3A_1841 : i32
        %sign3A_1843 = arith.extui %sign3A_1842 : i1 to i32
        %sign3A_1844 = arith.subi %sign3A_1840, %sign3A_1843 : i32
        %ne3A_1845 = arith.cmpi ne, %sign3A_1837, %sign3A_1844 : i32
        %rem3A_1846 = arith.remsi %select_n3A_1811, %jit3A_1829 : i32
        %ne3A_1847 = arith.constant 0 : i32
        %ne3A_1848 = arith.cmpi ne, %rem3A_1846, %ne3A_1847 : i32
        %and3A_1849 = arith.andi %ne3A_1845, %ne3A_1848 : i1
        %sub3A_1850 = arith.constant 1 : i32
        %sub3A_1851 = arith.subi %div3A_1830, %sub3A_1850 : i32
        %select_n3A_1852 = arith.select %and3A_1849, %sub3A_1851, %div3A_1830 : i32
        %jit3A_1853 = arith.constant 8 : i32
        %eq3A_1854 = arith.constant 0 : i32
        %eq3A_1855 = arith.cmpi eq, %jit3A_1853, %eq3A_1854 : i32
        %jit3A_1856 = arith.constant 1 : i32
        %select_n3A_1857 = arith.select %eq3A_1855, %jit3A_1856, %jit3A_1853 : i32
        %rem3A_1858 = arith.remsi %select_n3A_1811, %select_n3A_1857 : i32
        %ne3A_1859 = arith.constant 0 : i32
        %ne3A_1860 = arith.cmpi ne, %rem3A_1858, %ne3A_1859 : i32
        %lt3A_1861 = arith.constant 0 : i32
        %lt3A_1862 = arith.cmpi slt, %rem3A_1858, %lt3A_1861 : i32
        %lt3A_1863 = arith.constant 0 : i32
        %lt3A_1864 = arith.cmpi slt, %select_n3A_1857, %lt3A_1863 : i32
        %ne3A_1865 = arith.xori %lt3A_1862, %lt3A_1864 : i1
        %and3A_1866 = arith.andi %ne3A_1865, %ne3A_1860 : i1
        %add3A_1867 = arith.addi %rem3A_1858, %select_n3A_1857 : i32
        %select_n3A_1868 = arith.select %and3A_1866, %add3A_1867, %rem3A_1858 : i32
        %jit3A_1869 = arith.constant 8 : i32
        %div3A_1870 = arith.divsi %select_n3A_1811, %jit3A_1869 : i32
        %sign3A_1871 = arith.constant 0 : i32
        %sign3A_1872 = arith.cmpi sgt, %select_n3A_1811, %sign3A_1871 : i32
        %sign3A_1873 = arith.extui %sign3A_1872 : i1 to i32
        %sign3A_1874 = arith.constant 0 : i32
        %sign3A_1875 = arith.cmpi slt, %select_n3A_1811, %sign3A_1874 : i32
        %sign3A_1876 = arith.extui %sign3A_1875 : i1 to i32
        %sign3A_1877 = arith.subi %sign3A_1873, %sign3A_1876 : i32
        %sign3A_1878 = arith.constant 0 : i32
        %sign3A_1879 = arith.cmpi sgt, %jit3A_1869, %sign3A_1878 : i32
        %sign3A_1880 = arith.extui %sign3A_1879 : i1 to i32
        %sign3A_1881 = arith.constant 0 : i32
        %sign3A_1882 = arith.cmpi slt, %jit3A_1869, %sign3A_1881 : i32
        %sign3A_1883 = arith.extui %sign3A_1882 : i1 to i32
        %sign3A_1884 = arith.subi %sign3A_1880, %sign3A_1883 : i32
        %ne3A_1885 = arith.cmpi ne, %sign3A_1877, %sign3A_1884 : i32
        %rem3A_1886 = arith.remsi %select_n3A_1811, %jit3A_1869 : i32
        %ne3A_1887 = arith.constant 0 : i32
        %ne3A_1888 = arith.cmpi ne, %rem3A_1886, %ne3A_1887 : i32
        %and3A_1889 = arith.andi %ne3A_1885, %ne3A_1888 : i1
        %sub3A_1890 = arith.constant 1 : i32
        %sub3A_1891 = arith.subi %div3A_1870, %sub3A_1890 : i32
        %select_n3A_1892 = arith.select %and3A_1889, %sub3A_1891, %div3A_1870 : i32
        %jit3A_1893 = arith.constant 8 : i32
        %eq3A_1894 = arith.constant 0 : i32
        %eq3A_1895 = arith.cmpi eq, %jit3A_1893, %eq3A_1894 : i32
        %jit3A_1896 = arith.constant 1 : i32
        %select_n3A_1897 = arith.select %eq3A_1895, %jit3A_1896, %jit3A_1893 : i32
        %rem3A_1898 = arith.remsi %select_n3A_1811, %select_n3A_1897 : i32
        %ne3A_1899 = arith.constant 0 : i32
        %ne3A_1900 = arith.cmpi ne, %rem3A_1898, %ne3A_1899 : i32
        %lt3A_1901 = arith.constant 0 : i32
        %lt3A_1902 = arith.cmpi slt, %rem3A_1898, %lt3A_1901 : i32
        %lt3A_1903 = arith.constant 0 : i32
        %lt3A_1904 = arith.cmpi slt, %select_n3A_1897, %lt3A_1903 : i32
        %ne3A_1905 = arith.xori %lt3A_1902, %lt3A_1904 : i1
        %and3A_1906 = arith.andi %ne3A_1905, %ne3A_1900 : i1
        %add3A_1907 = arith.addi %rem3A_1898, %select_n3A_1897 : i32
        %select_n3A_1908 = arith.select %and3A_1906, %add3A_1907, %rem3A_1898 : i32
        %dma_wait3A_1909 = arith.constant 1 : i32
        %dma_wait3A_1910 = arith.constant 0 : i32
        %dma_wait3A_1911 = tpu.memref_slice %arg8[%dma_wait3A_1909, %dma_wait3A_1910] : memref<4x128xi32, #tpu.memory_space<vmem>> -> memref<1x128xi32, #tpu.memory_space<vmem>>
        %dma_wait3A_1912 = tpu.memref_squeeze %dma_wait3A_1911 : memref<1x128xi32, #tpu.memory_space<vmem>> -> memref<128xi32, #tpu.memory_space<vmem>>
        %dma_wait3A_1913 = arith.constant 0 : i32
        %dma_wait3A_1914 = tpu.memref_slice %arg2[%select_n3A_1852, %select_n3A_1828, %select_n3A_1868, %dma_wait3A_1913] : memref<25x32x8x128xi32, #tpu.memory_space<hbm>> -> memref<1x1x1x128xi32, #tpu.memory_space<hbm>>
        %dma_wait3A_1915 = tpu.memref_squeeze %dma_wait3A_1914 : memref<1x1x1x128xi32, #tpu.memory_space<hbm>> -> memref<128xi32, #tpu.memory_space<hbm>>
        %dma_wait3A_1916 = arith.constant 0 : i32
        %dma_wait3A_1917 = tpu.memref_slice %arg8[%dma_wait3A_1909, %dma_wait3A_1916] : memref<4x128xi32, #tpu.memory_space<vmem>> -> memref<1x128xi32, #tpu.memory_space<vmem>>
        %dma_wait3A_1918 = tpu.memref_squeeze %dma_wait3A_1917 : memref<1x128xi32, #tpu.memory_space<vmem>> -> memref<128xi32, #tpu.memory_space<vmem>>
        %dma_wait3A_1919 = arith.constant 0 : i32
        %dma_wait3A_1920 = tpu.memref_slice %arg2[%select_n3A_1852, %select_n3A_1828, %select_n3A_1868, %dma_wait3A_1919] : memref<25x32x8x128xi32, #tpu.memory_space<hbm>> -> memref<1x1x1x128xi32, #tpu.memory_space<hbm>>
        %dma_wait3A_1921 = tpu.memref_squeeze %dma_wait3A_1920 : memref<1x1x1x128xi32, #tpu.memory_space<hbm>> -> memref<128xi32, #tpu.memory_space<hbm>>
        tpu.wait_dma2 semaphore(%arg14 : memref<!tpu.dma_semaphore, #tpu.memory_space<semaphore_mem>>) src(%dma_wait3A_1921 : memref<128xi32, #tpu.memory_space<hbm>>) dst(%dma_wait3A_1918 : memref<128xi32, #tpu.memory_space<vmem>>)
        %dma_wait3A_1922 = arith.constant 1 : i32
        %dma_wait3A_1923 = arith.constant 0 : i32
        %dma_wait3A_1924 = tpu.memref_slice %arg9[%dma_wait3A_1922, %dma_wait3A_1923] : memref<4x128xi32, #tpu.memory_space<vmem>> -> memref<1x128xi32, #tpu.memory_space<vmem>>
        %dma_wait3A_1925 = tpu.memref_squeeze %dma_wait3A_1924 : memref<1x128xi32, #tpu.memory_space<vmem>> -> memref<128xi32, #tpu.memory_space<vmem>>
        %dma_wait3A_1926 = arith.constant 0 : i32
        %dma_wait3A_1927 = tpu.memref_slice %arg3[%select_n3A_1892, %select_n3A_1828, %select_n3A_1908, %dma_wait3A_1926] : memref<25x32x8x128xi32, #tpu.memory_space<hbm>> -> memref<1x1x1x128xi32, #tpu.memory_space<hbm>>
        %dma_wait3A_1928 = tpu.memref_squeeze %dma_wait3A_1927 : memref<1x1x1x128xi32, #tpu.memory_space<hbm>> -> memref<128xi32, #tpu.memory_space<hbm>>
        %dma_wait3A_1929 = arith.constant 0 : i32
        %dma_wait3A_1930 = tpu.memref_slice %arg9[%dma_wait3A_1922, %dma_wait3A_1929] : memref<4x128xi32, #tpu.memory_space<vmem>> -> memref<1x128xi32, #tpu.memory_space<vmem>>
        %dma_wait3A_1931 = tpu.memref_squeeze %dma_wait3A_1930 : memref<1x128xi32, #tpu.memory_space<vmem>> -> memref<128xi32, #tpu.memory_space<vmem>>
        %dma_wait3A_1932 = arith.constant 0 : i32
        %dma_wait3A_1933 = tpu.memref_slice %arg3[%select_n3A_1892, %select_n3A_1828, %select_n3A_1908, %dma_wait3A_1932] : memref<25x32x8x128xi32, #tpu.memory_space<hbm>> -> memref<1x1x1x128xi32, #tpu.memory_space<hbm>>
        %dma_wait3A_1934 = tpu.memref_squeeze %dma_wait3A_1933 : memref<1x1x1x128xi32, #tpu.memory_space<hbm>> -> memref<128xi32, #tpu.memory_space<hbm>>
        tpu.wait_dma2 semaphore(%arg14 : memref<!tpu.dma_semaphore, #tpu.memory_space<semaphore_mem>>) src(%dma_wait3A_1934 : memref<128xi32, #tpu.memory_space<hbm>>) dst(%dma_wait3A_1931 : memref<128xi32, #tpu.memory_space<vmem>>)
        %dma_start3A_1935 = arith.constant 1 : i32
        %dma_start3A_1936 = arith.constant 1 : i32
        %dma_start3A_1937 = arith.constant 0 : i32
        %dma_start3A_1938 = arith.constant 0 : i32
        %dma_start3A_1939 = tpu.memref_slice %arg10[%dma_start3A_1936, %dma_start3A_1937, %dma_start3A_1938] : memref<4x128x64xf32, #tpu.memory_space<vmem>> -> memref<1x128x64xf32, #tpu.memory_space<vmem>>
        %dma_start3A_1940 = tpu.memref_squeeze %dma_start3A_1939 : memref<1x128x64xf32, #tpu.memory_space<vmem>> -> memref<128x64xf32, #tpu.memory_space<vmem>>
        %dma_start3A_1941 = arith.constant 0 : i32
        %dma_start3A_1942 = tpu.memref_slice %arg8[%dma_start3A_1935, %dma_start3A_1941] : memref<4x128xi32, #tpu.memory_space<vmem>> -> memref<1x128xi32, #tpu.memory_space<vmem>>
        %dma_start3A_1943 = tpu.memref_squeeze %dma_start3A_1942 : memref<1x128xi32, #tpu.memory_space<vmem>> -> memref<128xi32, #tpu.memory_space<vmem>>
        %dma_start3A_1944 = arith.constant 0 : i32
        %dma_start3A_1945 = arith.constant 0 : i32
        %dma_start3A_1946 = tpu.memref_slice %arg4[%dma_start3A_1944, %dma_start3A_1945] : memref<100000x64xf32, #tpu.memory_space<hbm>> -> memref<100000x64xf32, #tpu.memory_space<hbm>>
        tpu.enqueue_indirect_dma source(%dma_start3A_1946 : memref<100000x64xf32, #tpu.memory_space<hbm>>) target(%dma_start3A_1940 : memref<128x64xf32, #tpu.memory_space<vmem>>) offsets(%dma_start3A_1943 : memref<128xi32, #tpu.memory_space<vmem>>) semaphore(%arg18 : memref<!tpu.dma_semaphore, #tpu.memory_space<semaphore_mem>>)
      } else {
      }
      %add3A_1654 = arith.constant 3 : i32
      %add3A_1655 = arith.addi %add3A_1639, %add3A_1654 : i32
      %lt3A_1656 = arith.constant 200 : i32
      %lt3A_1657 = arith.cmpi slt, %add3A_1655, %lt3A_1656 : i32
      %convert_element_type3A_1658 = arith.extui %lt3A_1657 : i1 to i32
      %cond3A_1659 = arith.constant 0 : i32
      %cond3A_1660 = arith.cmpi ne, %convert_element_type3A_1658, %cond3A_1659 : i32
      scf.if %cond3A_1660 {
        %add3A_1785 = arith.constant 3 : i32
        %add3A_1786 = arith.addi %add3A_1639, %add3A_1785 : i32
        %add3A_1787 = arith.addi %mul3A_2, %add3A_1786 : i32
        %jit3A_1788 = arith.constant 32 : i32
        %div3A_1789 = arith.divsi %add3A_1787, %jit3A_1788 : i32
        %sign3A_1790 = arith.constant 0 : i32
        %sign3A_1791 = arith.cmpi sgt, %add3A_1787, %sign3A_1790 : i32
        %sign3A_1792 = arith.extui %sign3A_1791 : i1 to i32
        %sign3A_1793 = arith.constant 0 : i32
        %sign3A_1794 = arith.cmpi slt, %add3A_1787, %sign3A_1793 : i32
        %sign3A_1795 = arith.extui %sign3A_1794 : i1 to i32
        %sign3A_1796 = arith.subi %sign3A_1792, %sign3A_1795 : i32
        %sign3A_1797 = arith.constant 0 : i32
        %sign3A_1798 = arith.cmpi sgt, %jit3A_1788, %sign3A_1797 : i32
        %sign3A_1799 = arith.extui %sign3A_1798 : i1 to i32
        %sign3A_1800 = arith.constant 0 : i32
        %sign3A_1801 = arith.cmpi slt, %jit3A_1788, %sign3A_1800 : i32
        %sign3A_1802 = arith.extui %sign3A_1801 : i1 to i32
        %sign3A_1803 = arith.subi %sign3A_1799, %sign3A_1802 : i32
        %ne3A_1804 = arith.cmpi ne, %sign3A_1796, %sign3A_1803 : i32
        %rem3A_1805 = arith.remsi %add3A_1787, %jit3A_1788 : i32
        %ne3A_1806 = arith.constant 0 : i32
        %ne3A_1807 = arith.cmpi ne, %rem3A_1805, %ne3A_1806 : i32
        %and3A_1808 = arith.andi %ne3A_1804, %ne3A_1807 : i1
        %sub3A_1809 = arith.constant 1 : i32
        %sub3A_1810 = arith.subi %div3A_1789, %sub3A_1809 : i32
        %select_n3A_1811 = arith.select %and3A_1808, %sub3A_1810, %div3A_1789 : i32
        %add3A_1812 = arith.addi %mul3A_2, %add3A_1786 : i32
        %jit3A_1813 = arith.constant 32 : i32
        %eq3A_1814 = arith.constant 0 : i32
        %eq3A_1815 = arith.cmpi eq, %jit3A_1813, %eq3A_1814 : i32
        %jit3A_1816 = arith.constant 1 : i32
        %select_n3A_1817 = arith.select %eq3A_1815, %jit3A_1816, %jit3A_1813 : i32
        %rem3A_1818 = arith.remsi %add3A_1812, %select_n3A_1817 : i32
        %ne3A_1819 = arith.constant 0 : i32
        %ne3A_1820 = arith.cmpi ne, %rem3A_1818, %ne3A_1819 : i32
        %lt3A_1821 = arith.constant 0 : i32
        %lt3A_1822 = arith.cmpi slt, %rem3A_1818, %lt3A_1821 : i32
        %lt3A_1823 = arith.constant 0 : i32
        %lt3A_1824 = arith.cmpi slt, %select_n3A_1817, %lt3A_1823 : i32
        %ne3A_1825 = arith.xori %lt3A_1822, %lt3A_1824 : i1
        %and3A_1826 = arith.andi %ne3A_1825, %ne3A_1820 : i1
        %add3A_1827 = arith.addi %rem3A_1818, %select_n3A_1817 : i32
        %select_n3A_1828 = arith.select %and3A_1826, %add3A_1827, %rem3A_1818 : i32
        %jit3A_1829 = arith.constant 8 : i32
        %div3A_1830 = arith.divsi %select_n3A_1811, %jit3A_1829 : i32
        %sign3A_1831 = arith.constant 0 : i32
        %sign3A_1832 = arith.cmpi sgt, %select_n3A_1811, %sign3A_1831 : i32
        %sign3A_1833 = arith.extui %sign3A_1832 : i1 to i32
        %sign3A_1834 = arith.constant 0 : i32
        %sign3A_1835 = arith.cmpi slt, %select_n3A_1811, %sign3A_1834 : i32
        %sign3A_1836 = arith.extui %sign3A_1835 : i1 to i32
        %sign3A_1837 = arith.subi %sign3A_1833, %sign3A_1836 : i32
        %sign3A_1838 = arith.constant 0 : i32
        %sign3A_1839 = arith.cmpi sgt, %jit3A_1829, %sign3A_1838 : i32
        %sign3A_1840 = arith.extui %sign3A_1839 : i1 to i32
        %sign3A_1841 = arith.constant 0 : i32
        %sign3A_1842 = arith.cmpi slt, %jit3A_1829, %sign3A_1841 : i32
        %sign3A_1843 = arith.extui %sign3A_1842 : i1 to i32
        %sign3A_1844 = arith.subi %sign3A_1840, %sign3A_1843 : i32
        %ne3A_1845 = arith.cmpi ne, %sign3A_1837, %sign3A_1844 : i32
        %rem3A_1846 = arith.remsi %select_n3A_1811, %jit3A_1829 : i32
        %ne3A_1847 = arith.constant 0 : i32
        %ne3A_1848 = arith.cmpi ne, %rem3A_1846, %ne3A_1847 : i32
        %and3A_1849 = arith.andi %ne3A_1845, %ne3A_1848 : i1
        %sub3A_1850 = arith.constant 1 : i32
        %sub3A_1851 = arith.subi %div3A_1830, %sub3A_1850 : i32
        %select_n3A_1852 = arith.select %and3A_1849, %sub3A_1851, %div3A_1830 : i32
        %jit3A_1853 = arith.constant 8 : i32
        %eq3A_1854 = arith.constant 0 : i32
        %eq3A_1855 = arith.cmpi eq, %jit3A_1853, %eq3A_1854 : i32
        %jit3A_1856 = arith.constant 1 : i32
        %select_n3A_1857 = arith.select %eq3A_1855, %jit3A_1856, %jit3A_1853 : i32
        %rem3A_1858 = arith.remsi %select_n3A_1811, %select_n3A_1857 : i32
        %ne3A_1859 = arith.constant 0 : i32
        %ne3A_1860 = arith.cmpi ne, %rem3A_1858, %ne3A_1859 : i32
        %lt3A_1861 = arith.constant 0 : i32
        %lt3A_1862 = arith.cmpi slt, %rem3A_1858, %lt3A_1861 : i32
        %lt3A_1863 = arith.constant 0 : i32
        %lt3A_1864 = arith.cmpi slt, %select_n3A_1857, %lt3A_1863 : i32
        %ne3A_1865 = arith.xori %lt3A_1862, %lt3A_1864 : i1
        %and3A_1866 = arith.andi %ne3A_1865, %ne3A_1860 : i1
        %add3A_1867 = arith.addi %rem3A_1858, %select_n3A_1857 : i32
        %select_n3A_1868 = arith.select %and3A_1866, %add3A_1867, %rem3A_1858 : i32
        %jit3A_1869 = arith.constant 8 : i32
        %div3A_1870 = arith.divsi %select_n3A_1811, %jit3A_1869 : i32
        %sign3A_1871 = arith.constant 0 : i32
        %sign3A_1872 = arith.cmpi sgt, %select_n3A_1811, %sign3A_1871 : i32
        %sign3A_1873 = arith.extui %sign3A_1872 : i1 to i32
        %sign3A_1874 = arith.constant 0 : i32
        %sign3A_1875 = arith.cmpi slt, %select_n3A_1811, %sign3A_1874 : i32
        %sign3A_1876 = arith.extui %sign3A_1875 : i1 to i32
        %sign3A_1877 = arith.subi %sign3A_1873, %sign3A_1876 : i32
        %sign3A_1878 = arith.constant 0 : i32
        %sign3A_1879 = arith.cmpi sgt, %jit3A_1869, %sign3A_1878 : i32
        %sign3A_1880 = arith.extui %sign3A_1879 : i1 to i32
        %sign3A_1881 = arith.constant 0 : i32
        %sign3A_1882 = arith.cmpi slt, %jit3A_1869, %sign3A_1881 : i32
        %sign3A_1883 = arith.extui %sign3A_1882 : i1 to i32
        %sign3A_1884 = arith.subi %sign3A_1880, %sign3A_1883 : i32
        %ne3A_1885 = arith.cmpi ne, %sign3A_1877, %sign3A_1884 : i32
        %rem3A_1886 = arith.remsi %select_n3A_1811, %jit3A_1869 : i32
        %ne3A_1887 = arith.constant 0 : i32
        %ne3A_1888 = arith.cmpi ne, %rem3A_1886, %ne3A_1887 : i32
        %and3A_1889 = arith.andi %ne3A_1885, %ne3A_1888 : i1
        %sub3A_1890 = arith.constant 1 : i32
        %sub3A_1891 = arith.subi %div3A_1870, %sub3A_1890 : i32
        %select_n3A_1892 = arith.select %and3A_1889, %sub3A_1891, %div3A_1870 : i32
        %jit3A_1893 = arith.constant 8 : i32
        %eq3A_1894 = arith.constant 0 : i32
        %eq3A_1895 = arith.cmpi eq, %jit3A_1893, %eq3A_1894 : i32
        %jit3A_1896 = arith.constant 1 : i32
        %select_n3A_1897 = arith.select %eq3A_1895, %jit3A_1896, %jit3A_1893 : i32
        %rem3A_1898 = arith.remsi %select_n3A_1811, %select_n3A_1897 : i32
        %ne3A_1899 = arith.constant 0 : i32
        %ne3A_1900 = arith.cmpi ne, %rem3A_1898, %ne3A_1899 : i32
        %lt3A_1901 = arith.constant 0 : i32
        %lt3A_1902 = arith.cmpi slt, %rem3A_1898, %lt3A_1901 : i32
        %lt3A_1903 = arith.constant 0 : i32
        %lt3A_1904 = arith.cmpi slt, %select_n3A_1897, %lt3A_1903 : i32
        %ne3A_1905 = arith.xori %lt3A_1902, %lt3A_1904 : i1
        %and3A_1906 = arith.andi %ne3A_1905, %ne3A_1900 : i1
        %add3A_1907 = arith.addi %rem3A_1898, %select_n3A_1897 : i32
        %select_n3A_1908 = arith.select %and3A_1906, %add3A_1907, %rem3A_1898 : i32
        %dma_start3A_1909 = arith.constant 2 : i32
        %dma_start3A_1910 = arith.constant 0 : i32
        %dma_start3A_1911 = tpu.memref_slice %arg8[%dma_start3A_1909, %dma_start3A_1910] : memref<4x128xi32, #tpu.memory_space<vmem>> -> memref<1x128xi32, #tpu.memory_space<vmem>>
        %dma_start3A_1912 = tpu.memref_squeeze %dma_start3A_1911 : memref<1x128xi32, #tpu.memory_space<vmem>> -> memref<128xi32, #tpu.memory_space<vmem>>
        %dma_start3A_1913 = arith.constant 0 : i32
        %dma_start3A_1914 = tpu.memref_slice %arg2[%select_n3A_1852, %select_n3A_1828, %select_n3A_1868, %dma_start3A_1913] : memref<25x32x8x128xi32, #tpu.memory_space<hbm>> -> memref<1x1x1x128xi32, #tpu.memory_space<hbm>>
        %dma_start3A_1915 = tpu.memref_squeeze %dma_start3A_1914 : memref<1x1x1x128xi32, #tpu.memory_space<hbm>> -> memref<128xi32, #tpu.memory_space<hbm>>
        %dma_start3A_1916 = arith.constant 0 : i32
        %dma_start3A_1917 = tpu.memref_slice %arg8[%dma_start3A_1909, %dma_start3A_1916] : memref<4x128xi32, #tpu.memory_space<vmem>> -> memref<1x128xi32, #tpu.memory_space<vmem>>
        %dma_start3A_1918 = tpu.memref_squeeze %dma_start3A_1917 : memref<1x128xi32, #tpu.memory_space<vmem>> -> memref<128xi32, #tpu.memory_space<vmem>>
        %dma_start3A_1919 = arith.constant 0 : i32
        %dma_start3A_1920 = tpu.memref_slice %arg2[%select_n3A_1852, %select_n3A_1828, %select_n3A_1868, %dma_start3A_1919] : memref<25x32x8x128xi32, #tpu.memory_space<hbm>> -> memref<1x1x1x128xi32, #tpu.memory_space<hbm>>
        %dma_start3A_1921 = tpu.memref_squeeze %dma_start3A_1920 : memref<1x1x1x128xi32, #tpu.memory_space<hbm>> -> memref<128xi32, #tpu.memory_space<hbm>>
        tpu.enqueue_dma source(%dma_start3A_1921 : memref<128xi32, #tpu.memory_space<hbm>>) target(%dma_start3A_1918 : memref<128xi32, #tpu.memory_space<vmem>>) target_semaphore(%arg15 : memref<!tpu.dma_semaphore, #tpu.memory_space<semaphore_mem>>)
        %dma_start3A_1922 = arith.constant 2 : i32
        %dma_start3A_1923 = arith.constant 0 : i32
        %dma_start3A_1924 = tpu.memref_slice %arg9[%dma_start3A_1922, %dma_start3A_1923] : memref<4x128xi32, #tpu.memory_space<vmem>> -> memref<1x128xi32, #tpu.memory_space<vmem>>
        %dma_start3A_1925 = tpu.memref_squeeze %dma_start3A_1924 : memref<1x128xi32, #tpu.memory_space<vmem>> -> memref<128xi32, #tpu.memory_space<vmem>>
        %dma_start3A_1926 = arith.constant 0 : i32
        %dma_start3A_1927 = tpu.memref_slice %arg3[%select_n3A_1892, %select_n3A_1828, %select_n3A_1908, %dma_start3A_1926] : memref<25x32x8x128xi32, #tpu.memory_space<hbm>> -> memref<1x1x1x128xi32, #tpu.memory_space<hbm>>
        %dma_start3A_1928 = tpu.memref_squeeze %dma_start3A_1927 : memref<1x1x1x128xi32, #tpu.memory_space<hbm>> -> memref<128xi32, #tpu.memory_space<hbm>>
        %dma_start3A_1929 = arith.constant 0 : i32
        %dma_start3A_1930 = tpu.memref_slice %arg9[%dma_start3A_1922, %dma_start3A_1929] : memref<4x128xi32, #tpu.memory_space<vmem>> -> memref<1x128xi32, #tpu.memory_space<vmem>>
        %dma_start3A_1931 = tpu.memref_squeeze %dma_start3A_1930 : memref<1x128xi32, #tpu.memory_space<vmem>> -> memref<128xi32, #tpu.memory_space<vmem>>
        %dma_start3A_1932 = arith.constant 0 : i32
        %dma_start3A_1933 = tpu.memref_slice %arg3[%select_n3A_1892, %select_n3A_1828, %select_n3A_1908, %dma_start3A_1932] : memref<25x32x8x128xi32, #tpu.memory_space<hbm>> -> memref<1x1x1x128xi32, #tpu.memory_space<hbm>>
        %dma_start3A_1934 = tpu.memref_squeeze %dma_start3A_1933 : memref<1x1x1x128xi32, #tpu.memory_space<hbm>> -> memref<128xi32, #tpu.memory_space<hbm>>
        tpu.enqueue_dma source(%dma_start3A_1934 : memref<128xi32, #tpu.memory_space<hbm>>) target(%dma_start3A_1931 : memref<128xi32, #tpu.memory_space<vmem>>) target_semaphore(%arg15 : memref<!tpu.dma_semaphore, #tpu.memory_space<semaphore_mem>>)
      } else {
      }
      %dma_wait3A_1661 = arith.constant 3 : i32
      %dma_wait3A_1662 = arith.constant 3 : i32
      %dma_wait3A_1663 = arith.constant 0 : i32
      %dma_wait3A_1664 = arith.constant 0 : i32
      %dma_wait3A_1665 = tpu.memref_slice %arg10[%dma_wait3A_1662, %dma_wait3A_1663, %dma_wait3A_1664] : memref<4x128x64xf32, #tpu.memory_space<vmem>> -> memref<1x128x64xf32, #tpu.memory_space<vmem>>
      %dma_wait3A_1666 = tpu.memref_squeeze %dma_wait3A_1665 : memref<1x128x64xf32, #tpu.memory_space<vmem>> -> memref<128x64xf32, #tpu.memory_space<vmem>>
      %dma_wait3A_1667 = arith.constant 0 : i32
      %dma_wait3A_1668 = tpu.memref_slice %arg9[%dma_wait3A_1661, %dma_wait3A_1667] : memref<4x128xi32, #tpu.memory_space<vmem>> -> memref<1x128xi32, #tpu.memory_space<vmem>>
      %dma_wait3A_1669 = tpu.memref_squeeze %dma_wait3A_1668 : memref<1x128xi32, #tpu.memory_space<vmem>> -> memref<128xi32, #tpu.memory_space<vmem>>
      %dma_wait3A_1670 = arith.constant 0 : i32
      %dma_wait3A_1671 = arith.constant 0 : i32
      %dma_wait3A_1672 = tpu.memref_slice %arg5[%dma_wait3A_1670, %dma_wait3A_1671] : memref<1000x64xf32, #tpu.memory_space<hbm>> -> memref<1000x64xf32, #tpu.memory_space<hbm>>
      tpu.wait_indirect_dma semaphore(%arg24 : memref<!tpu.dma_semaphore, #tpu.memory_space<semaphore_mem>>) src(%dma_wait3A_1672 : memref<1000x64xf32, #tpu.memory_space<hbm>>) dst(%dma_wait3A_1666 : memref<128x64xf32, #tpu.memory_space<vmem>>)
      %ge3A_1673 = arith.constant 2 : i32
      %ge3A_1674 = arith.cmpi sge, %add3A_1639, %ge3A_1673 : i32
      %convert_element_type3A_1675 = arith.extui %ge3A_1674 : i1 to i32
      %cond3A_1676 = arith.constant 0 : i32
      %cond3A_1677 = arith.cmpi ne, %convert_element_type3A_1675, %cond3A_1676 : i32
      scf.if %cond3A_1677 {
        %sub3A_1785 = arith.constant 2 : i32
        %sub3A_1786 = arith.subi %add3A_1639, %sub3A_1785 : i32
        %add3A_1787 = arith.addi %mul3A_2, %sub3A_1786 : i32
        %jit3A_1788 = arith.constant 32 : i32
        %div3A_1789 = arith.divsi %add3A_1787, %jit3A_1788 : i32
        %sign3A_1790 = arith.constant 0 : i32
        %sign3A_1791 = arith.cmpi sgt, %add3A_1787, %sign3A_1790 : i32
        %sign3A_1792 = arith.extui %sign3A_1791 : i1 to i32
        %sign3A_1793 = arith.constant 0 : i32
        %sign3A_1794 = arith.cmpi slt, %add3A_1787, %sign3A_1793 : i32
        %sign3A_1795 = arith.extui %sign3A_1794 : i1 to i32
        %sign3A_1796 = arith.subi %sign3A_1792, %sign3A_1795 : i32
        %sign3A_1797 = arith.constant 0 : i32
        %sign3A_1798 = arith.cmpi sgt, %jit3A_1788, %sign3A_1797 : i32
        %sign3A_1799 = arith.extui %sign3A_1798 : i1 to i32
        %sign3A_1800 = arith.constant 0 : i32
        %sign3A_1801 = arith.cmpi slt, %jit3A_1788, %sign3A_1800 : i32
        %sign3A_1802 = arith.extui %sign3A_1801 : i1 to i32
        %sign3A_1803 = arith.subi %sign3A_1799, %sign3A_1802 : i32
        %ne3A_1804 = arith.cmpi ne, %sign3A_1796, %sign3A_1803 : i32
        %rem3A_1805 = arith.remsi %add3A_1787, %jit3A_1788 : i32
        %ne3A_1806 = arith.constant 0 : i32
        %ne3A_1807 = arith.cmpi ne, %rem3A_1805, %ne3A_1806 : i32
        %and3A_1808 = arith.andi %ne3A_1804, %ne3A_1807 : i1
        %sub3A_1809 = arith.constant 1 : i32
        %sub3A_1810 = arith.subi %div3A_1789, %sub3A_1809 : i32
        %select_n3A_1811 = arith.select %and3A_1808, %sub3A_1810, %div3A_1789 : i32
        %add3A_1812 = arith.addi %mul3A_2, %sub3A_1786 : i32
        %jit3A_1813 = arith.constant 32 : i32
        %eq3A_1814 = arith.constant 0 : i32
        %eq3A_1815 = arith.cmpi eq, %jit3A_1813, %eq3A_1814 : i32
        %jit3A_1816 = arith.constant 1 : i32
        %select_n3A_1817 = arith.select %eq3A_1815, %jit3A_1816, %jit3A_1813 : i32
        %rem3A_1818 = arith.remsi %add3A_1812, %select_n3A_1817 : i32
        %ne3A_1819 = arith.constant 0 : i32
        %ne3A_1820 = arith.cmpi ne, %rem3A_1818, %ne3A_1819 : i32
        %lt3A_1821 = arith.constant 0 : i32
        %lt3A_1822 = arith.cmpi slt, %rem3A_1818, %lt3A_1821 : i32
        %lt3A_1823 = arith.constant 0 : i32
        %lt3A_1824 = arith.cmpi slt, %select_n3A_1817, %lt3A_1823 : i32
        %ne3A_1825 = arith.xori %lt3A_1822, %lt3A_1824 : i1
        %and3A_1826 = arith.andi %ne3A_1825, %ne3A_1820 : i1
        %add3A_1827 = arith.addi %rem3A_1818, %select_n3A_1817 : i32
        %select_n3A_1828 = arith.select %and3A_1826, %add3A_1827, %rem3A_1818 : i32
        %dma_wait3A_1829 = arith.constant 1 : i32
        %dma_wait3A_1830 = arith.constant 0 : i32
        %dma_wait3A_1831 = arith.constant 0 : i32
        %dma_wait3A_1832 = arith.constant 0 : i32
        %dma_wait3A_1833 = tpu.memref_slice %arg11[%dma_wait3A_1829, %dma_wait3A_1830, %dma_wait3A_1831, %dma_wait3A_1832] : memref<2x8x8x129xf32, #tpu.memory_space<vmem>> -> memref<1x8x8x128xf32, #tpu.memory_space<vmem>>
        %dma_wait3A_1834 = tpu.memref_squeeze %dma_wait3A_1833 : memref<1x8x8x128xf32, #tpu.memory_space<vmem>> -> memref<8x8x128xf32, #tpu.memory_space<vmem>>
        %dma_wait3A_1835 = arith.constant 0 : i32
        %dma_wait3A_1836 = arith.constant 0 : i32
        %dma_wait3A_1837 = arith.constant 0 : i32
        %dma_wait3A_1838 = tpu.memref_slice %arg7[%select_n3A_1811, %dma_wait3A_1835, %select_n3A_1828, %dma_wait3A_1836, %dma_wait3A_1837] : memref<200x8x32x8x128xf32, #tpu.memory_space<hbm>> -> memref<1x8x1x8x128xf32, #tpu.memory_space<hbm>>
        %dma_wait3A_1839 = tpu.memref_squeeze %dma_wait3A_1838 : memref<1x8x1x8x128xf32, #tpu.memory_space<hbm>> -> memref<8x8x128xf32, #tpu.memory_space<hbm>>
        %dma_wait3A_1840 = arith.constant 0 : i32
        %dma_wait3A_1841 = arith.constant 0 : i32
        %dma_wait3A_1842 = arith.constant 0 : i32
        %dma_wait3A_1843 = tpu.memref_slice %arg7[%select_n3A_1811, %dma_wait3A_1840, %select_n3A_1828, %dma_wait3A_1841, %dma_wait3A_1842] : memref<200x8x32x8x128xf32, #tpu.memory_space<hbm>> -> memref<1x8x1x8x128xf32, #tpu.memory_space<hbm>>
        %dma_wait3A_1844 = tpu.memref_squeeze %dma_wait3A_1843 : memref<1x8x1x8x128xf32, #tpu.memory_space<hbm>> -> memref<8x8x128xf32, #tpu.memory_space<hbm>>
        %dma_wait3A_1845 = arith.constant 0 : i32
        %dma_wait3A_1846 = arith.constant 0 : i32
        %dma_wait3A_1847 = arith.constant 0 : i32
        %dma_wait3A_1848 = tpu.memref_slice %arg11[%dma_wait3A_1829, %dma_wait3A_1845, %dma_wait3A_1846, %dma_wait3A_1847] : memref<2x8x8x129xf32, #tpu.memory_space<vmem>> -> memref<1x8x8x128xf32, #tpu.memory_space<vmem>>
        %dma_wait3A_1849 = tpu.memref_squeeze %dma_wait3A_1848 : memref<1x8x8x128xf32, #tpu.memory_space<vmem>> -> memref<8x8x128xf32, #tpu.memory_space<vmem>>
        tpu.wait_dma2 semaphore(%arg26 : memref<!tpu.dma_semaphore, #tpu.memory_space<semaphore_mem>>) src(%dma_wait3A_1849 : memref<8x8x128xf32, #tpu.memory_space<vmem>>) dst(%dma_wait3A_1844 : memref<8x8x128xf32, #tpu.memory_space<hbm>>)
      } else {
      }
      %add3A_1678 = arith.addi %mul3A_2, %add3A_1639 : i32
      %jit3A_1679 = arith.constant 32 : i32
      %div3A_1680 = arith.divsi %add3A_1678, %jit3A_1679 : i32
      %sign3A_1681 = arith.constant 0 : i32
      %sign3A_1682 = arith.cmpi sgt, %add3A_1678, %sign3A_1681 : i32
      %sign3A_1683 = arith.extui %sign3A_1682 : i1 to i32
      %sign3A_1684 = arith.constant 0 : i32
      %sign3A_1685 = arith.cmpi slt, %add3A_1678, %sign3A_1684 : i32
      %sign3A_1686 = arith.extui %sign3A_1685 : i1 to i32
      %sign3A_1687 = arith.subi %sign3A_1683, %sign3A_1686 : i32
      %sign3A_1688 = arith.constant 0 : i32
      %sign3A_1689 = arith.cmpi sgt, %jit3A_1679, %sign3A_1688 : i32
      %sign3A_1690 = arith.extui %sign3A_1689 : i1 to i32
      %sign3A_1691 = arith.constant 0 : i32
      %sign3A_1692 = arith.cmpi slt, %jit3A_1679, %sign3A_1691 : i32
      %sign3A_1693 = arith.extui %sign3A_1692 : i1 to i32
      %sign3A_1694 = arith.subi %sign3A_1690, %sign3A_1693 : i32
      %ne3A_1695 = arith.cmpi ne, %sign3A_1687, %sign3A_1694 : i32
      %rem3A_1696 = arith.remsi %add3A_1678, %jit3A_1679 : i32
      %ne3A_1697 = arith.constant 0 : i32
      %ne3A_1698 = arith.cmpi ne, %rem3A_1696, %ne3A_1697 : i32
      %and3A_1699 = arith.andi %ne3A_1695, %ne3A_1698 : i1
      %sub3A_1700 = arith.constant 1 : i32
      %sub3A_1701 = arith.subi %div3A_1680, %sub3A_1700 : i32
      %select_n3A_1702 = arith.select %and3A_1699, %sub3A_1701, %div3A_1680 : i32
      %sub3A_1703 = arith.subi %select_n3A_1702, %select_n3A : i32
      %get3A_1704 = arith.index_cast %sub3A_1703 : i32 to index
      %get3A_1705 = arith.constant 0 : index
      %get3A_1706 = tpu.vector_load %arg12[%get3A_1704, %get3A_1705] {strides = array<i32>} : memref<8x64xf32, #tpu.memory_space<vmem>>, vector<16xf32>,
      %get3A_1707 = arith.index_cast %sub3A_1703 : i32 to index
      %get3A_1708 = arith.constant 16 : index
      %get3A_1709 = tpu.vector_load %arg12[%get3A_1707, %get3A_1708] {strides = array<i32>} : memref<8x64xf32, #tpu.memory_space<vmem>>, vector<16xf32>,
      %get3A_1710 = arith.index_cast %sub3A_1703 : i32 to index
      %get3A_1711 = arith.constant 32 : index
      %get3A_1712 = tpu.vector_load %arg12[%get3A_1710, %get3A_1711] {strides = array<i32>} : memref<8x64xf32, #tpu.memory_space<vmem>>, vector<16xf32>,
      %get3A_1713 = arith.index_cast %sub3A_1703 : i32 to index
      %get3A_1714 = arith.constant 48 : index
      %get3A_1715 = tpu.vector_load %arg12[%get3A_1713, %get3A_1714] {strides = array<i32>} : memref<8x64xf32, #tpu.memory_space<vmem>>, vector<16xf32>,
      %scan3A_1716 = arith.constant 0 : i32
      %scan3A_1717 = arith.constant 0 : i32
      %scan3A_1718 = arith.constant 32 : i32
      %scan3A_1719 = arith.addi %scan3A_1717, %scan3A_1718 : i32
      %scan3A_1720 = arith.constant 1 : i32
      scf.for %scan3A_1785 = %scan3A_1717 to %scan3A_1719 step %scan3A_1720  : i32 {
        %mul3A_1786 = arith.constant 4 : i32
        %mul3A_1787 = arith.muli %scan3A_1785, %mul3A_1786 : i32
        %broadcast_in_dim3A = vector.broadcast %mul3A_1787 : i32 to vector<16xi32>
        %mul3A_1788 = arith.constant 4 : i32
        %mul3A_1789 = arith.muli %scan3A_1785, %mul3A_1788 : i32
        %add3A_1790 = arith.constant 0 : i32
        %add3A_1791 = arith.addi %mul3A_1789, %add3A_1790 : i32
        %add3A_1792 = arith.constant 0 : i32
        %add3A_1793 = vector.broadcast %add3A_1792 : i32 to vector<16xi32>
        %add3A_1794 = arith.addi %broadcast_in_dim3A, %add3A_1793 : vector<16xi32>
        %get3A_1795 = arith.constant 3 : i32
        %get3A_1796 = arith.index_cast %get3A_1795 : i32 to index
        %get3A_1797 = arith.index_cast %add3A_1791 : i32 to index
        %get3A_1798 = arith.constant 0 : index
        %get3A_1799 = tpu.vector_load %arg10[%get3A_1796, %get3A_1797, %get3A_1798] {strides = array<i32>} : memref<4x128x64xf32, #tpu.memory_space<vmem>>, vector<16xf32>,
        %add3A_1800 = arith.addf %get3A_1799, %get3A_1706 : vector<16xf32>
        %scatter3A = arith.constant 1 : i32
        %scatter3A_1801 = arith.constant 0 : i32
        %scatter3A_1802 = arith.constant 0 : i32
        %scatter3A_1803 = arith.constant 0 : i32
        %scatter3A_1804 = tpu.memref_slice %arg11[%scatter3A, %scatter3A_1801, %scatter3A_1802, %scatter3A_1803] : memref<2x8x8x129xf32, #tpu.memory_space<vmem>> -> memref<1x8x8x129xf32, #tpu.memory_space<vmem>>
        %scatter3A_1805 = tpu.memref_squeeze %scatter3A_1804 : memref<1x8x8x129xf32, #tpu.memory_space<vmem>> -> memref<8x8x129xf32, #tpu.memory_space<vmem>>
        tpu.vector_store_idx %scatter3A_1805[%select_n3A_52, %select_n3A_75, %add3A_1794], %add3A_1800 : memref<8x8x129xf32, #tpu.memory_space<vmem>>[vector<16xi32>, vector<16xi32>, vector<16xi32>], vector<16xf32>,
        %get3A_1806 = arith.constant 3 : i32
        %get3A_1807 = arith.index_cast %get3A_1806 : i32 to index
        %get3A_1808 = arith.index_cast %add3A_1791 : i32 to index
        %get3A_1809 = arith.constant 16 : index
        %get3A_1810 = tpu.vector_load %arg10[%get3A_1807, %get3A_1808, %get3A_1809] {strides = array<i32>} : memref<4x128x64xf32, #tpu.memory_space<vmem>>, vector<16xf32>,
        %add3A_1811 = arith.addf %get3A_1810, %get3A_1709 : vector<16xf32>
        %scatter3A_1812 = arith.constant 1 : i32
        %scatter3A_1813 = arith.constant 0 : i32
        %scatter3A_1814 = arith.constant 0 : i32
        %scatter3A_1815 = arith.constant 0 : i32
        %scatter3A_1816 = tpu.memref_slice %arg11[%scatter3A_1812, %scatter3A_1813, %scatter3A_1814, %scatter3A_1815] : memref<2x8x8x129xf32, #tpu.memory_space<vmem>> -> memref<1x8x8x129xf32, #tpu.memory_space<vmem>>
        %scatter3A_1817 = tpu.memref_squeeze %scatter3A_1816 : memref<1x8x8x129xf32, #tpu.memory_space<vmem>> -> memref<8x8x129xf32, #tpu.memory_space<vmem>>
        tpu.vector_store_idx %scatter3A_1817[%select_n3A_109, %select_n3A_134, %add3A_1794], %add3A_1811 : memref<8x8x129xf32, #tpu.memory_space<vmem>>[vector<16xi32>, vector<16xi32>, vector<16xi32>], vector<16xf32>,
        %get3A_1818 = arith.constant 3 : i32
        %get3A_1819 = arith.index_cast %get3A_1818 : i32 to index
        %get3A_1820 = arith.index_cast %add3A_1791 : i32 to index
        %get3A_1821 = arith.constant 32 : index
        %get3A_1822 = tpu.vector_load %arg10[%get3A_1819, %get3A_1820, %get3A_1821] {strides = array<i32>} : memref<4x128x64xf32, #tpu.memory_space<vmem>>, vector<16xf32>,
        %add3A_1823 = arith.addf %get3A_1822, %get3A_1712 : vector<16xf32>
        %scatter3A_1824 = arith.constant 1 : i32
        %scatter3A_1825 = arith.constant 0 : i32
        %scatter3A_1826 = arith.constant 0 : i32
        %scatter3A_1827 = arith.constant 0 : i32
        %scatter3A_1828 = tpu.memref_slice %arg11[%scatter3A_1824, %scatter3A_1825, %scatter3A_1826, %scatter3A_1827] : memref<2x8x8x129xf32, #tpu.memory_space<vmem>> -> memref<1x8x8x129xf32, #tpu.memory_space<vmem>>
        %scatter3A_1829 = tpu.memref_squeeze %scatter3A_1828 : memref<1x8x8x129xf32, #tpu.memory_space<vmem>> -> memref<8x8x129xf32, #tpu.memory_space<vmem>>
        tpu.vector_store_idx %scatter3A_1829[%select_n3A_168, %select_n3A_193, %add3A_1794], %add3A_1823 : memref<8x8x129xf32, #tpu.memory_space<vmem>>[vector<16xi32>, vector<16xi32>, vector<16xi32>], vector<16xf32>,
        %get3A_1830 = arith.constant 3 : i32
        %get3A_1831 = arith.index_cast %get3A_1830 : i32 to index
        %get3A_1832 = arith.index_cast %add3A_1791 : i32 to index
        %get3A_1833 = arith.constant 48 : index
        %get3A_1834 = tpu.vector_load %arg10[%get3A_1831, %get3A_1832, %get3A_1833] {strides = array<i32>} : memref<4x128x64xf32, #tpu.memory_space<vmem>>, vector<16xf32>,
        %add3A_1835 = arith.addf %get3A_1834, %get3A_1715 : vector<16xf32>
        %scatter3A_1836 = arith.constant 1 : i32
        %scatter3A_1837 = arith.constant 0 : i32
        %scatter3A_1838 = arith.constant 0 : i32
        %scatter3A_1839 = arith.constant 0 : i32
        %scatter3A_1840 = tpu.memref_slice %arg11[%scatter3A_1836, %scatter3A_1837, %scatter3A_1838, %scatter3A_1839] : memref<2x8x8x129xf32, #tpu.memory_space<vmem>> -> memref<1x8x8x129xf32, #tpu.memory_space<vmem>>
        %scatter3A_1841 = tpu.memref_squeeze %scatter3A_1840 : memref<1x8x8x129xf32, #tpu.memory_space<vmem>> -> memref<8x8x129xf32, #tpu.memory_space<vmem>>
        tpu.vector_store_idx %scatter3A_1841[%select_n3A_227, %select_n3A_252, %add3A_1794], %add3A_1835 : memref<8x8x129xf32, #tpu.memory_space<vmem>>[vector<16xi32>, vector<16xi32>, vector<16xi32>], vector<16xf32>,
        %mul3A_1842 = arith.constant 4 : i32
        %mul3A_1843 = arith.muli %scan3A_1785, %mul3A_1842 : i32
        %add3A_1844 = arith.constant 1 : i32
        %add3A_1845 = arith.addi %mul3A_1843, %add3A_1844 : i32
        %add3A_1846 = arith.constant 1 : i32
        %add3A_1847 = vector.broadcast %add3A_1846 : i32 to vector<16xi32>
        %add3A_1848 = arith.addi %broadcast_in_dim3A, %add3A_1847 : vector<16xi32>
        %get3A_1849 = arith.constant 3 : i32
        %get3A_1850 = arith.index_cast %get3A_1849 : i32 to index
        %get3A_1851 = arith.index_cast %add3A_1845 : i32 to index
        %get3A_1852 = arith.constant 0 : index
        %get3A_1853 = tpu.vector_load %arg10[%get3A_1850, %get3A_1851, %get3A_1852] {strides = array<i32>} : memref<4x128x64xf32, #tpu.memory_space<vmem>>, vector<16xf32>,
        %add3A_1854 = arith.addf %get3A_1853, %get3A_1706 : vector<16xf32>
        %scatter3A_1855 = arith.constant 1 : i32
        %scatter3A_1856 = arith.constant 0 : i32
        %scatter3A_1857 = arith.constant 0 : i32
        %scatter3A_1858 = arith.constant 0 : i32
        %scatter3A_1859 = tpu.memref_slice %arg11[%scatter3A_1855, %scatter3A_1856, %scatter3A_1857, %scatter3A_1858] : memref<2x8x8x129xf32, #tpu.memory_space<vmem>> -> memref<1x8x8x129xf32, #tpu.memory_space<vmem>>
        %scatter3A_1860 = tpu.memref_squeeze %scatter3A_1859 : memref<1x8x8x129xf32, #tpu.memory_space<vmem>> -> memref<8x8x129xf32, #tpu.memory_space<vmem>>
        tpu.vector_store_idx %scatter3A_1860[%select_n3A_52, %select_n3A_75, %add3A_1848], %add3A_1854 : memref<8x8x129xf32, #tpu.memory_space<vmem>>[vector<16xi32>, vector<16xi32>, vector<16xi32>], vector<16xf32>,
        %get3A_1861 = arith.constant 3 : i32
        %get3A_1862 = arith.index_cast %get3A_1861 : i32 to index
        %get3A_1863 = arith.index_cast %add3A_1845 : i32 to index
        %get3A_1864 = arith.constant 16 : index
        %get3A_1865 = tpu.vector_load %arg10[%get3A_1862, %get3A_1863, %get3A_1864] {strides = array<i32>} : memref<4x128x64xf32, #tpu.memory_space<vmem>>, vector<16xf32>,
        %add3A_1866 = arith.addf %get3A_1865, %get3A_1709 : vector<16xf32>
        %scatter3A_1867 = arith.constant 1 : i32
        %scatter3A_1868 = arith.constant 0 : i32
        %scatter3A_1869 = arith.constant 0 : i32
        %scatter3A_1870 = arith.constant 0 : i32
        %scatter3A_1871 = tpu.memref_slice %arg11[%scatter3A_1867, %scatter3A_1868, %scatter3A_1869, %scatter3A_1870] : memref<2x8x8x129xf32, #tpu.memory_space<vmem>> -> memref<1x8x8x129xf32, #tpu.memory_space<vmem>>
        %scatter3A_1872 = tpu.memref_squeeze %scatter3A_1871 : memref<1x8x8x129xf32, #tpu.memory_space<vmem>> -> memref<8x8x129xf32, #tpu.memory_space<vmem>>
        tpu.vector_store_idx %scatter3A_1872[%select_n3A_109, %select_n3A_134, %add3A_1848], %add3A_1866 : memref<8x8x129xf32, #tpu.memory_space<vmem>>[vector<16xi32>, vector<16xi32>, vector<16xi32>], vector<16xf32>,
        %get3A_1873 = arith.constant 3 : i32
        %get3A_1874 = arith.index_cast %get3A_1873 : i32 to index
        %get3A_1875 = arith.index_cast %add3A_1845 : i32 to index
        %get3A_1876 = arith.constant 32 : index
        %get3A_1877 = tpu.vector_load %arg10[%get3A_1874, %get3A_1875, %get3A_1876] {strides = array<i32>} : memref<4x128x64xf32, #tpu.memory_space<vmem>>, vector<16xf32>,
        %add3A_1878 = arith.addf %get3A_1877, %get3A_1712 : vector<16xf32>
        %scatter3A_1879 = arith.constant 1 : i32
        %scatter3A_1880 = arith.constant 0 : i32
        %scatter3A_1881 = arith.constant 0 : i32
        %scatter3A_1882 = arith.constant 0 : i32
        %scatter3A_1883 = tpu.memref_slice %arg11[%scatter3A_1879, %scatter3A_1880, %scatter3A_1881, %scatter3A_1882] : memref<2x8x8x129xf32, #tpu.memory_space<vmem>> -> memref<1x8x8x129xf32, #tpu.memory_space<vmem>>
        %scatter3A_1884 = tpu.memref_squeeze %scatter3A_1883 : memref<1x8x8x129xf32, #tpu.memory_space<vmem>> -> memref<8x8x129xf32, #tpu.memory_space<vmem>>
        tpu.vector_store_idx %scatter3A_1884[%select_n3A_168, %select_n3A_193, %add3A_1848], %add3A_1878 : memref<8x8x129xf32, #tpu.memory_space<vmem>>[vector<16xi32>, vector<16xi32>, vector<16xi32>], vector<16xf32>,
        %get3A_1885 = arith.constant 3 : i32
        %get3A_1886 = arith.index_cast %get3A_1885 : i32 to index
        %get3A_1887 = arith.index_cast %add3A_1845 : i32 to index
        %get3A_1888 = arith.constant 48 : index
        %get3A_1889 = tpu.vector_load %arg10[%get3A_1886, %get3A_1887, %get3A_1888] {strides = array<i32>} : memref<4x128x64xf32, #tpu.memory_space<vmem>>, vector<16xf32>,
        %add3A_1890 = arith.addf %get3A_1889, %get3A_1715 : vector<16xf32>
        %scatter3A_1891 = arith.constant 1 : i32
        %scatter3A_1892 = arith.constant 0 : i32
        %scatter3A_1893 = arith.constant 0 : i32
        %scatter3A_1894 = arith.constant 0 : i32
        %scatter3A_1895 = tpu.memref_slice %arg11[%scatter3A_1891, %scatter3A_1892, %scatter3A_1893, %scatter3A_1894] : memref<2x8x8x129xf32, #tpu.memory_space<vmem>> -> memref<1x8x8x129xf32, #tpu.memory_space<vmem>>
        %scatter3A_1896 = tpu.memref_squeeze %scatter3A_1895 : memref<1x8x8x129xf32, #tpu.memory_space<vmem>> -> memref<8x8x129xf32, #tpu.memory_space<vmem>>
        tpu.vector_store_idx %scatter3A_1896[%select_n3A_227, %select_n3A_252, %add3A_1848], %add3A_1890 : memref<8x8x129xf32, #tpu.memory_space<vmem>>[vector<16xi32>, vector<16xi32>, vector<16xi32>], vector<16xf32>,
        %mul3A_1897 = arith.constant 4 : i32
        %mul3A_1898 = arith.muli %scan3A_1785, %mul3A_1897 : i32
        %add3A_1899 = arith.constant 2 : i32
        %add3A_1900 = arith.addi %mul3A_1898, %add3A_1899 : i32
        %add3A_1901 = arith.constant 2 : i32
        %add3A_1902 = vector.broadcast %add3A_1901 : i32 to vector<16xi32>
        %add3A_1903 = arith.addi %broadcast_in_dim3A, %add3A_1902 : vector<16xi32>
        %get3A_1904 = arith.constant 3 : i32
        %get3A_1905 = arith.index_cast %get3A_1904 : i32 to index
        %get3A_1906 = arith.index_cast %add3A_1900 : i32 to index
        %get3A_1907 = arith.constant 0 : index
        %get3A_1908 = tpu.vector_load %arg10[%get3A_1905, %get3A_1906, %get3A_1907] {strides = array<i32>} : memref<4x128x64xf32, #tpu.memory_space<vmem>>, vector<16xf32>,
        %add3A_1909 = arith.addf %get3A_1908, %get3A_1706 : vector<16xf32>
        %scatter3A_1910 = arith.constant 1 : i32
        %scatter3A_1911 = arith.constant 0 : i32
        %scatter3A_1912 = arith.constant 0 : i32
        %scatter3A_1913 = arith.constant 0 : i32
        %scatter3A_1914 = tpu.memref_slice %arg11[%scatter3A_1910, %scatter3A_1911, %scatter3A_1912, %scatter3A_1913] : memref<2x8x8x129xf32, #tpu.memory_space<vmem>> -> memref<1x8x8x129xf32, #tpu.memory_space<vmem>>
        %scatter3A_1915 = tpu.memref_squeeze %scatter3A_1914 : memref<1x8x8x129xf32, #tpu.memory_space<vmem>> -> memref<8x8x129xf32, #tpu.memory_space<vmem>>
        tpu.vector_store_idx %scatter3A_1915[%select_n3A_52, %select_n3A_75, %add3A_1903], %add3A_1909 : memref<8x8x129xf32, #tpu.memory_space<vmem>>[vector<16xi32>, vector<16xi32>, vector<16xi32>], vector<16xf32>,
        %get3A_1916 = arith.constant 3 : i32
        %get3A_1917 = arith.index_cast %get3A_1916 : i32 to index
        %get3A_1918 = arith.index_cast %add3A_1900 : i32 to index
        %get3A_1919 = arith.constant 16 : index
        %get3A_1920 = tpu.vector_load %arg10[%get3A_1917, %get3A_1918, %get3A_1919] {strides = array<i32>} : memref<4x128x64xf32, #tpu.memory_space<vmem>>, vector<16xf32>,
        %add3A_1921 = arith.addf %get3A_1920, %get3A_1709 : vector<16xf32>
        %scatter3A_1922 = arith.constant 1 : i32
        %scatter3A_1923 = arith.constant 0 : i32
        %scatter3A_1924 = arith.constant 0 : i32
        %scatter3A_1925 = arith.constant 0 : i32
        %scatter3A_1926 = tpu.memref_slice %arg11[%scatter3A_1922, %scatter3A_1923, %scatter3A_1924, %scatter3A_1925] : memref<2x8x8x129xf32, #tpu.memory_space<vmem>> -> memref<1x8x8x129xf32, #tpu.memory_space<vmem>>
        %scatter3A_1927 = tpu.memref_squeeze %scatter3A_1926 : memref<1x8x8x129xf32, #tpu.memory_space<vmem>> -> memref<8x8x129xf32, #tpu.memory_space<vmem>>
        tpu.vector_store_idx %scatter3A_1927[%select_n3A_109, %select_n3A_134, %add3A_1903], %add3A_1921 : memref<8x8x129xf32, #tpu.memory_space<vmem>>[vector<16xi32>, vector<16xi32>, vector<16xi32>], vector<16xf32>,
        %get3A_1928 = arith.constant 3 : i32
        %get3A_1929 = arith.index_cast %get3A_1928 : i32 to index
        %get3A_1930 = arith.index_cast %add3A_1900 : i32 to index
        %get3A_1931 = arith.constant 32 : index
        %get3A_1932 = tpu.vector_load %arg10[%get3A_1929, %get3A_1930, %get3A_1931] {strides = array<i32>} : memref<4x128x64xf32, #tpu.memory_space<vmem>>, vector<16xf32>,
        %add3A_1933 = arith.addf %get3A_1932, %get3A_1712 : vector<16xf32>
        %scatter3A_1934 = arith.constant 1 : i32
        %scatter3A_1935 = arith.constant 0 : i32
        %scatter3A_1936 = arith.constant 0 : i32
        %scatter3A_1937 = arith.constant 0 : i32
        %scatter3A_1938 = tpu.memref_slice %arg11[%scatter3A_1934, %scatter3A_1935, %scatter3A_1936, %scatter3A_1937] : memref<2x8x8x129xf32, #tpu.memory_space<vmem>> -> memref<1x8x8x129xf32, #tpu.memory_space<vmem>>
        %scatter3A_1939 = tpu.memref_squeeze %scatter3A_1938 : memref<1x8x8x129xf32, #tpu.memory_space<vmem>> -> memref<8x8x129xf32, #tpu.memory_space<vmem>>
        tpu.vector_store_idx %scatter3A_1939[%select_n3A_168, %select_n3A_193, %add3A_1903], %add3A_1933 : memref<8x8x129xf32, #tpu.memory_space<vmem>>[vector<16xi32>, vector<16xi32>, vector<16xi32>], vector<16xf32>,
        %get3A_1940 = arith.constant 3 : i32
        %get3A_1941 = arith.index_cast %get3A_1940 : i32 to index
        %get3A_1942 = arith.index_cast %add3A_1900 : i32 to index
        %get3A_1943 = arith.constant 48 : index
        %get3A_1944 = tpu.vector_load %arg10[%get3A_1941, %get3A_1942, %get3A_1943] {strides = array<i32>} : memref<4x128x64xf32, #tpu.memory_space<vmem>>, vector<16xf32>,
        %add3A_1945 = arith.addf %get3A_1944, %get3A_1715 : vector<16xf32>
        %scatter3A_1946 = arith.constant 1 : i32
        %scatter3A_1947 = arith.constant 0 : i32
        %scatter3A_1948 = arith.constant 0 : i32
        %scatter3A_1949 = arith.constant 0 : i32
        %scatter3A_1950 = tpu.memref_slice %arg11[%scatter3A_1946, %scatter3A_1947, %scatter3A_1948, %scatter3A_1949] : memref<2x8x8x129xf32, #tpu.memory_space<vmem>> -> memref<1x8x8x129xf32, #tpu.memory_space<vmem>>
        %scatter3A_1951 = tpu.memref_squeeze %scatter3A_1950 : memref<1x8x8x129xf32, #tpu.memory_space<vmem>> -> memref<8x8x129xf32, #tpu.memory_space<vmem>>
        tpu.vector_store_idx %scatter3A_1951[%select_n3A_227, %select_n3A_252, %add3A_1903], %add3A_1945 : memref<8x8x129xf32, #tpu.memory_space<vmem>>[vector<16xi32>, vector<16xi32>, vector<16xi32>], vector<16xf32>,
        %mul3A_1952 = arith.constant 4 : i32
        %mul3A_1953 = arith.muli %scan3A_1785, %mul3A_1952 : i32
        %add3A_1954 = arith.constant 3 : i32
        %add3A_1955 = arith.addi %mul3A_1953, %add3A_1954 : i32
        %add3A_1956 = arith.constant 3 : i32
        %add3A_1957 = vector.broadcast %add3A_1956 : i32 to vector<16xi32>
        %add3A_1958 = arith.addi %broadcast_in_dim3A, %add3A_1957 : vector<16xi32>
        %get3A_1959 = arith.constant 3 : i32
        %get3A_1960 = arith.index_cast %get3A_1959 : i32 to index
        %get3A_1961 = arith.index_cast %add3A_1955 : i32 to index
        %get3A_1962 = arith.constant 0 : index
        %get3A_1963 = tpu.vector_load %arg10[%get3A_1960, %get3A_1961, %get3A_1962] {strides = array<i32>} : memref<4x128x64xf32, #tpu.memory_space<vmem>>, vector<16xf32>,
        %add3A_1964 = arith.addf %get3A_1963, %get3A_1706 : vector<16xf32>
        %scatter3A_1965 = arith.constant 1 : i32
        %scatter3A_1966 = arith.constant 0 : i32
        %scatter3A_1967 = arith.constant 0 : i32
        %scatter3A_1968 = arith.constant 0 : i32
        %scatter3A_1969 = tpu.memref_slice %arg11[%scatter3A_1965, %scatter3A_1966, %scatter3A_1967, %scatter3A_1968] : memref<2x8x8x129xf32, #tpu.memory_space<vmem>> -> memref<1x8x8x129xf32, #tpu.memory_space<vmem>>
        %scatter3A_1970 = tpu.memref_squeeze %scatter3A_1969 : memref<1x8x8x129xf32, #tpu.memory_space<vmem>> -> memref<8x8x129xf32, #tpu.memory_space<vmem>>
        tpu.vector_store_idx %scatter3A_1970[%select_n3A_52, %select_n3A_75, %add3A_1958], %add3A_1964 : memref<8x8x129xf32, #tpu.memory_space<vmem>>[vector<16xi32>, vector<16xi32>, vector<16xi32>], vector<16xf32>,
        %get3A_1971 = arith.constant 3 : i32
        %get3A_1972 = arith.index_cast %get3A_1971 : i32 to index
        %get3A_1973 = arith.index_cast %add3A_1955 : i32 to index
        %get3A_1974 = arith.constant 16 : index
        %get3A_1975 = tpu.vector_load %arg10[%get3A_1972, %get3A_1973, %get3A_1974] {strides = array<i32>} : memref<4x128x64xf32, #tpu.memory_space<vmem>>, vector<16xf32>,
        %add3A_1976 = arith.addf %get3A_1975, %get3A_1709 : vector<16xf32>
        %scatter3A_1977 = arith.constant 1 : i32
        %scatter3A_1978 = arith.constant 0 : i32
        %scatter3A_1979 = arith.constant 0 : i32
        %scatter3A_1980 = arith.constant 0 : i32
        %scatter3A_1981 = tpu.memref_slice %arg11[%scatter3A_1977, %scatter3A_1978, %scatter3A_1979, %scatter3A_1980] : memref<2x8x8x129xf32, #tpu.memory_space<vmem>> -> memref<1x8x8x129xf32, #tpu.memory_space<vmem>>
        %scatter3A_1982 = tpu.memref_squeeze %scatter3A_1981 : memref<1x8x8x129xf32, #tpu.memory_space<vmem>> -> memref<8x8x129xf32, #tpu.memory_space<vmem>>
        tpu.vector_store_idx %scatter3A_1982[%select_n3A_109, %select_n3A_134, %add3A_1958], %add3A_1976 : memref<8x8x129xf32, #tpu.memory_space<vmem>>[vector<16xi32>, vector<16xi32>, vector<16xi32>], vector<16xf32>,
        %get3A_1983 = arith.constant 3 : i32
        %get3A_1984 = arith.index_cast %get3A_1983 : i32 to index
        %get3A_1985 = arith.index_cast %add3A_1955 : i32 to index
        %get3A_1986 = arith.constant 32 : index
        %get3A_1987 = tpu.vector_load %arg10[%get3A_1984, %get3A_1985, %get3A_1986] {strides = array<i32>} : memref<4x128x64xf32, #tpu.memory_space<vmem>>, vector<16xf32>,
        %add3A_1988 = arith.addf %get3A_1987, %get3A_1712 : vector<16xf32>
        %scatter3A_1989 = arith.constant 1 : i32
        %scatter3A_1990 = arith.constant 0 : i32
        %scatter3A_1991 = arith.constant 0 : i32
        %scatter3A_1992 = arith.constant 0 : i32
        %scatter3A_1993 = tpu.memref_slice %arg11[%scatter3A_1989, %scatter3A_1990, %scatter3A_1991, %scatter3A_1992] : memref<2x8x8x129xf32, #tpu.memory_space<vmem>> -> memref<1x8x8x129xf32, #tpu.memory_space<vmem>>
        %scatter3A_1994 = tpu.memref_squeeze %scatter3A_1993 : memref<1x8x8x129xf32, #tpu.memory_space<vmem>> -> memref<8x8x129xf32, #tpu.memory_space<vmem>>
        tpu.vector_store_idx %scatter3A_1994[%select_n3A_168, %select_n3A_193, %add3A_1958], %add3A_1988 : memref<8x8x129xf32, #tpu.memory_space<vmem>>[vector<16xi32>, vector<16xi32>, vector<16xi32>], vector<16xf32>,
        %get3A_1995 = arith.constant 3 : i32
        %get3A_1996 = arith.index_cast %get3A_1995 : i32 to index
        %get3A_1997 = arith.index_cast %add3A_1955 : i32 to index
        %get3A_1998 = arith.constant 48 : index
        %get3A_1999 = tpu.vector_load %arg10[%get3A_1996, %get3A_1997, %get3A_1998] {strides = array<i32>} : memref<4x128x64xf32, #tpu.memory_space<vmem>>, vector<16xf32>,
        %add3A_2000 = arith.addf %get3A_1999, %get3A_1715 : vector<16xf32>
        %scatter3A_2001 = arith.constant 1 : i32
        %scatter3A_2002 = arith.constant 0 : i32
        %scatter3A_2003 = arith.constant 0 : i32
        %scatter3A_2004 = arith.constant 0 : i32
        %scatter3A_2005 = tpu.memref_slice %arg11[%scatter3A_2001, %scatter3A_2002, %scatter3A_2003, %scatter3A_2004] : memref<2x8x8x129xf32, #tpu.memory_space<vmem>> -> memref<1x8x8x129xf32, #tpu.memory_space<vmem>>
        %scatter3A_2006 = tpu.memref_squeeze %scatter3A_2005 : memref<1x8x8x129xf32, #tpu.memory_space<vmem>> -> memref<8x8x129xf32, #tpu.memory_space<vmem>>
        tpu.vector_store_idx %scatter3A_2006[%select_n3A_227, %select_n3A_252, %add3A_1958], %add3A_2000 : memref<8x8x129xf32, #tpu.memory_space<vmem>>[vector<16xi32>, vector<16xi32>, vector<16xi32>], vector<16xf32>,
      }
      %scan3A_1721 = arith.constant 32 : i32
      %add3A_1722 = arith.addi %mul3A_2, %add3A_1639 : i32
      %jit3A_1723 = arith.constant 32 : i32
      %div3A_1724 = arith.divsi %add3A_1722, %jit3A_1723 : i32
      %sign3A_1725 = arith.constant 0 : i32
      %sign3A_1726 = arith.cmpi sgt, %add3A_1722, %sign3A_1725 : i32
      %sign3A_1727 = arith.extui %sign3A_1726 : i1 to i32
      %sign3A_1728 = arith.constant 0 : i32
      %sign3A_1729 = arith.cmpi slt, %add3A_1722, %sign3A_1728 : i32
      %sign3A_1730 = arith.extui %sign3A_1729 : i1 to i32
      %sign3A_1731 = arith.subi %sign3A_1727, %sign3A_1730 : i32
      %sign3A_1732 = arith.constant 0 : i32
      %sign3A_1733 = arith.cmpi sgt, %jit3A_1723, %sign3A_1732 : i32
      %sign3A_1734 = arith.extui %sign3A_1733 : i1 to i32
      %sign3A_1735 = arith.constant 0 : i32
      %sign3A_1736 = arith.cmpi slt, %jit3A_1723, %sign3A_1735 : i32
      %sign3A_1737 = arith.extui %sign3A_1736 : i1 to i32
      %sign3A_1738 = arith.subi %sign3A_1734, %sign3A_1737 : i32
      %ne3A_1739 = arith.cmpi ne, %sign3A_1731, %sign3A_1738 : i32
      %rem3A_1740 = arith.remsi %add3A_1722, %jit3A_1723 : i32
      %ne3A_1741 = arith.constant 0 : i32
      %ne3A_1742 = arith.cmpi ne, %rem3A_1740, %ne3A_1741 : i32
      %and3A_1743 = arith.andi %ne3A_1739, %ne3A_1742 : i1
      %sub3A_1744 = arith.constant 1 : i32
      %sub3A_1745 = arith.subi %div3A_1724, %sub3A_1744 : i32
      %select_n3A_1746 = arith.select %and3A_1743, %sub3A_1745, %div3A_1724 : i32
      %add3A_1747 = arith.addi %mul3A_2, %add3A_1639 : i32
      %jit3A_1748 = arith.constant 32 : i32
      %eq3A_1749 = arith.constant 0 : i32
      %eq3A_1750 = arith.cmpi eq, %jit3A_1748, %eq3A_1749 : i32
      %jit3A_1751 = arith.constant 1 : i32
      %select_n3A_1752 = arith.select %eq3A_1750, %jit3A_1751, %jit3A_1748 : i32
      %rem3A_1753 = arith.remsi %add3A_1747, %select_n3A_1752 : i32
      %ne3A_1754 = arith.constant 0 : i32
      %ne3A_1755 = arith.cmpi ne, %rem3A_1753, %ne3A_1754 : i32
      %lt3A_1756 = arith.constant 0 : i32
      %lt3A_1757 = arith.cmpi slt, %rem3A_1753, %lt3A_1756 : i32
      %lt3A_1758 = arith.constant 0 : i32
      %lt3A_1759 = arith.cmpi slt, %select_n3A_1752, %lt3A_1758 : i32
      %ne3A_1760 = arith.xori %lt3A_1757, %lt3A_1759 : i1
      %and3A_1761 = arith.andi %ne3A_1760, %ne3A_1755 : i1
      %add3A_1762 = arith.addi %rem3A_1753, %select_n3A_1752 : i32
      %select_n3A_1763 = arith.select %and3A_1761, %add3A_1762, %rem3A_1753 : i32
      %dma_start3A_1764 = arith.constant 1 : i32
      %dma_start3A_1765 = arith.constant 0 : i32
      %dma_start3A_1766 = arith.constant 0 : i32
      %dma_start3A_1767 = arith.constant 0 : i32
      %dma_start3A_1768 = tpu.memref_slice %arg11[%dma_start3A_1764, %dma_start3A_1765, %dma_start3A_1766, %dma_start3A_1767] : memref<2x8x8x129xf32, #tpu.memory_space<vmem>> -> memref<1x8x8x128xf32, #tpu.memory_space<vmem>>
      %dma_start3A_1769 = tpu.memref_squeeze %dma_start3A_1768 : memref<1x8x8x128xf32, #tpu.memory_space<vmem>> -> memref<8x8x128xf32, #tpu.memory_space<vmem>>
      %dma_start3A_1770 = arith.constant 0 : i32
      %dma_start3A_1771 = arith.constant 0 : i32
      %dma_start3A_1772 = arith.constant 0 : i32
      %dma_start3A_1773 = tpu.memref_slice %arg7[%select_n3A_1746, %dma_start3A_1770, %select_n3A_1763, %dma_start3A_1771, %dma_start3A_1772] : memref<200x8x32x8x128xf32, #tpu.memory_space<hbm>> -> memref<1x8x1x8x128xf32, #tpu.memory_space<hbm>>
      %dma_start3A_1774 = tpu.memref_squeeze %dma_start3A_1773 : memref<1x8x1x8x128xf32, #tpu.memory_space<hbm>> -> memref<8x8x128xf32, #tpu.memory_space<hbm>>
      %dma_start3A_1775 = arith.constant 0 : i32
      %dma_start3A_1776 = arith.constant 0 : i32
      %dma_start3A_1777 = arith.constant 0 : i32
      %dma_start3A_1778 = tpu.memref_slice %arg7[%select_n3A_1746, %dma_start3A_1775, %select_n3A_1763, %dma_start3A_1776, %dma_start3A_1777] : memref<200x8x32x8x128xf32, #tpu.memory_space<hbm>> -> memref<1x8x1x8x128xf32, #tpu.memory_space<hbm>>
      %dma_start3A_1779 = tpu.memref_squeeze %dma_start3A_1778 : memref<1x8x1x8x128xf32, #tpu.memory_space<hbm>> -> memref<8x8x128xf32, #tpu.memory_space<hbm>>
      %dma_start3A_1780 = arith.constant 0 : i32
      %dma_start3A_1781 = arith.constant 0 : i32
      %dma_start3A_1782 = arith.constant 0 : i32
      %dma_start3A_1783 = tpu.memref_slice %arg11[%dma_start3A_1764, %dma_start3A_1780, %dma_start3A_1781, %dma_start3A_1782] : memref<2x8x8x129xf32, #tpu.memory_space<vmem>> -> memref<1x8x8x128xf32, #tpu.memory_space<vmem>>
      %dma_start3A_1784 = tpu.memref_squeeze %dma_start3A_1783 : memref<1x8x8x128xf32, #tpu.memory_space<vmem>> -> memref<8x8x128xf32, #tpu.memory_space<vmem>>
      tpu.enqueue_dma source(%dma_start3A_1784 : memref<8x8x128xf32, #tpu.memory_space<vmem>>) target(%dma_start3A_1779 : memref<8x8x128xf32, #tpu.memory_space<hbm>>) target_semaphore(%arg26 : memref<!tpu.dma_semaphore, #tpu.memory_space<semaphore_mem>>)
    }
    %scan3A_1061 = arith.constant 50 : i32
    %add3A_1062 = arith.constant 198 : i32
    %add3A_1063 = arith.addi %mul3A_2, %add3A_1062 : i32
    %jit3A_1064 = arith.constant 32 : i32
    %div3A_1065 = arith.divsi %add3A_1063, %jit3A_1064 : i32
    %sign3A_1066 = arith.constant 0 : i32
    %sign3A_1067 = arith.cmpi sgt, %add3A_1063, %sign3A_1066 : i32
    %sign3A_1068 = arith.extui %sign3A_1067 : i1 to i32
    %sign3A_1069 = arith.constant 0 : i32
    %sign3A_1070 = arith.cmpi slt, %add3A_1063, %sign3A_1069 : i32
    %sign3A_1071 = arith.extui %sign3A_1070 : i1 to i32
    %sign3A_1072 = arith.subi %sign3A_1068, %sign3A_1071 : i32
    %sign3A_1073 = arith.constant 0 : i32
    %sign3A_1074 = arith.cmpi sgt, %jit3A_1064, %sign3A_1073 : i32
    %sign3A_1075 = arith.extui %sign3A_1074 : i1 to i32
    %sign3A_1076 = arith.constant 0 : i32
    %sign3A_1077 = arith.cmpi slt, %jit3A_1064, %sign3A_1076 : i32
    %sign3A_1078 = arith.extui %sign3A_1077 : i1 to i32
    %sign3A_1079 = arith.subi %sign3A_1075, %sign3A_1078 : i32
    %ne3A_1080 = arith.cmpi ne, %sign3A_1072, %sign3A_1079 : i32
    %rem3A_1081 = arith.remsi %add3A_1063, %jit3A_1064 : i32
    %ne3A_1082 = arith.constant 0 : i32
    %ne3A_1083 = arith.cmpi ne, %rem3A_1081, %ne3A_1082 : i32
    %and3A_1084 = arith.andi %ne3A_1080, %ne3A_1083 : i1
    %sub3A_1085 = arith.constant 1 : i32
    %sub3A_1086 = arith.subi %div3A_1065, %sub3A_1085 : i32
    %select_n3A_1087 = arith.select %and3A_1084, %sub3A_1086, %div3A_1065 : i32
    %add3A_1088 = arith.constant 198 : i32
    %add3A_1089 = arith.addi %mul3A_2, %add3A_1088 : i32
    %jit3A_1090 = arith.constant 32 : i32
    %eq3A_1091 = arith.constant 0 : i32
    %eq3A_1092 = arith.cmpi eq, %jit3A_1090, %eq3A_1091 : i32
    %jit3A_1093 = arith.constant 1 : i32
    %select_n3A_1094 = arith.select %eq3A_1092, %jit3A_1093, %jit3A_1090 : i32
    %rem3A_1095 = arith.remsi %add3A_1089, %select_n3A_1094 : i32
    %ne3A_1096 = arith.constant 0 : i32
    %ne3A_1097 = arith.cmpi ne, %rem3A_1095, %ne3A_1096 : i32
    %lt3A_1098 = arith.constant 0 : i32
    %lt3A_1099 = arith.cmpi slt, %rem3A_1095, %lt3A_1098 : i32
    %lt3A_1100 = arith.constant 0 : i32
    %lt3A_1101 = arith.cmpi slt, %select_n3A_1094, %lt3A_1100 : i32
    %ne3A_1102 = arith.xori %lt3A_1099, %lt3A_1101 : i1
    %and3A_1103 = arith.andi %ne3A_1102, %ne3A_1097 : i1
    %add3A_1104 = arith.addi %rem3A_1095, %select_n3A_1094 : i32
    %select_n3A_1105 = arith.select %and3A_1103, %add3A_1104, %rem3A_1095 : i32
    %dma_wait3A_1106 = arith.constant 0 : i32
    %dma_wait3A_1107 = arith.constant 0 : i32
    %dma_wait3A_1108 = arith.constant 0 : i32
    %dma_wait3A_1109 = arith.constant 0 : i32
    %dma_wait3A_1110 = tpu.memref_slice %arg11[%dma_wait3A_1106, %dma_wait3A_1107, %dma_wait3A_1108, %dma_wait3A_1109] : memref<2x8x8x129xf32, #tpu.memory_space<vmem>> -> memref<1x8x8x128xf32, #tpu.memory_space<vmem>>
    %dma_wait3A_1111 = tpu.memref_squeeze %dma_wait3A_1110 : memref<1x8x8x128xf32, #tpu.memory_space<vmem>> -> memref<8x8x128xf32, #tpu.memory_space<vmem>>
    %dma_wait3A_1112 = arith.constant 0 : i32
    %dma_wait3A_1113 = arith.constant 0 : i32
    %dma_wait3A_1114 = arith.constant 0 : i32
    %dma_wait3A_1115 = tpu.memref_slice %arg7[%select_n3A_1087, %dma_wait3A_1112, %select_n3A_1105, %dma_wait3A_1113, %dma_wait3A_1114] : memref<200x8x32x8x128xf32, #tpu.memory_space<hbm>> -> memref<1x8x1x8x128xf32, #tpu.memory_space<hbm>>
    %dma_wait3A_1116 = tpu.memref_squeeze %dma_wait3A_1115 : memref<1x8x1x8x128xf32, #tpu.memory_space<hbm>> -> memref<8x8x128xf32, #tpu.memory_space<hbm>>
    %dma_wait3A_1117 = arith.constant 0 : i32
    %dma_wait3A_1118 = arith.constant 0 : i32
    %dma_wait3A_1119 = arith.constant 0 : i32
    %dma_wait3A_1120 = tpu.memref_slice %arg7[%select_n3A_1087, %dma_wait3A_1117, %select_n3A_1105, %dma_wait3A_1118, %dma_wait3A_1119] : memref<200x8x32x8x128xf32, #tpu.memory_space<hbm>> -> memref<1x8x1x8x128xf32, #tpu.memory_space<hbm>>
    %dma_wait3A_1121 = tpu.memref_squeeze %dma_wait3A_1120 : memref<1x8x1x8x128xf32, #tpu.memory_space<hbm>> -> memref<8x8x128xf32, #tpu.memory_space<hbm>>
    %dma_wait3A_1122 = arith.constant 0 : i32
    %dma_wait3A_1123 = arith.constant 0 : i32
    %dma_wait3A_1124 = arith.constant 0 : i32
    %dma_wait3A_1125 = tpu.memref_slice %arg11[%dma_wait3A_1106, %dma_wait3A_1122, %dma_wait3A_1123, %dma_wait3A_1124] : memref<2x8x8x129xf32, #tpu.memory_space<vmem>> -> memref<1x8x8x128xf32, #tpu.memory_space<vmem>>
    %dma_wait3A_1126 = tpu.memref_squeeze %dma_wait3A_1125 : memref<1x8x8x128xf32, #tpu.memory_space<vmem>> -> memref<8x8x128xf32, #tpu.memory_space<vmem>>
    tpu.wait_dma2 semaphore(%arg25 : memref<!tpu.dma_semaphore, #tpu.memory_space<semaphore_mem>>) src(%dma_wait3A_1126 : memref<8x8x128xf32, #tpu.memory_space<vmem>>) dst(%dma_wait3A_1121 : memref<8x8x128xf32, #tpu.memory_space<hbm>>)
    %add3A_1127 = arith.constant 199 : i32
    %add3A_1128 = arith.addi %mul3A_2, %add3A_1127 : i32
    %jit3A_1129 = arith.constant 32 : i32
    %div3A_1130 = arith.divsi %add3A_1128, %jit3A_1129 : i32
    %sign3A_1131 = arith.constant 0 : i32
    %sign3A_1132 = arith.cmpi sgt, %add3A_1128, %sign3A_1131 : i32
    %sign3A_1133 = arith.extui %sign3A_1132 : i1 to i32
    %sign3A_1134 = arith.constant 0 : i32
    %sign3A_1135 = arith.cmpi slt, %add3A_1128, %sign3A_1134 : i32
    %sign3A_1136 = arith.extui %sign3A_1135 : i1 to i32
    %sign3A_1137 = arith.subi %sign3A_1133, %sign3A_1136 : i32
    %sign3A_1138 = arith.constant 0 : i32
    %sign3A_1139 = arith.cmpi sgt, %jit3A_1129, %sign3A_1138 : i32
    %sign3A_1140 = arith.extui %sign3A_1139 : i1 to i32
    %sign3A_1141 = arith.constant 0 : i32
    %sign3A_1142 = arith.cmpi slt, %jit3A_1129, %sign3A_1141 : i32
    %sign3A_1143 = arith.extui %sign3A_1142 : i1 to i32
    %sign3A_1144 = arith.subi %sign3A_1140, %sign3A_1143 : i32
    %ne3A_1145 = arith.cmpi ne, %sign3A_1137, %sign3A_1144 : i32
    %rem3A_1146 = arith.remsi %add3A_1128, %jit3A_1129 : i32
    %ne3A_1147 = arith.constant 0 : i32
    %ne3A_1148 = arith.cmpi ne, %rem3A_1146, %ne3A_1147 : i32
    %and3A_1149 = arith.andi %ne3A_1145, %ne3A_1148 : i1
    %sub3A_1150 = arith.constant 1 : i32
    %sub3A_1151 = arith.subi %div3A_1130, %sub3A_1150 : i32
    %select_n3A_1152 = arith.select %and3A_1149, %sub3A_1151, %div3A_1130 : i32
    %add3A_1153 = arith.constant 199 : i32
    %add3A_1154 = arith.addi %mul3A_2, %add3A_1153 : i32
    %jit3A_1155 = arith.constant 32 : i32
    %eq3A_1156 = arith.constant 0 : i32
    %eq3A_1157 = arith.cmpi eq, %jit3A_1155, %eq3A_1156 : i32
    %jit3A_1158 = arith.constant 1 : i32
    %select_n3A_1159 = arith.select %eq3A_1157, %jit3A_1158, %jit3A_1155 : i32
    %rem3A_1160 = arith.remsi %add3A_1154, %select_n3A_1159 : i32
    %ne3A_1161 = arith.constant 0 : i32
    %ne3A_1162 = arith.cmpi ne, %rem3A_1160, %ne3A_1161 : i32
    %lt3A_1163 = arith.constant 0 : i32
    %lt3A_1164 = arith.cmpi slt, %rem3A_1160, %lt3A_1163 : i32
    %lt3A_1165 = arith.constant 0 : i32
    %lt3A_1166 = arith.cmpi slt, %select_n3A_1159, %lt3A_1165 : i32
    %ne3A_1167 = arith.xori %lt3A_1164, %lt3A_1166 : i1
    %and3A_1168 = arith.andi %ne3A_1167, %ne3A_1162 : i1
    %add3A_1169 = arith.addi %rem3A_1160, %select_n3A_1159 : i32
    %select_n3A_1170 = arith.select %and3A_1168, %add3A_1169, %rem3A_1160 : i32
    %dma_wait3A_1171 = arith.constant 1 : i32
    %dma_wait3A_1172 = arith.constant 0 : i32
    %dma_wait3A_1173 = arith.constant 0 : i32
    %dma_wait3A_1174 = arith.constant 0 : i32
    %dma_wait3A_1175 = tpu.memref_slice %arg11[%dma_wait3A_1171, %dma_wait3A_1172, %dma_wait3A_1173, %dma_wait3A_1174] : memref<2x8x8x129xf32, #tpu.memory_space<vmem>> -> memref<1x8x8x128xf32, #tpu.memory_space<vmem>>
    %dma_wait3A_1176 = tpu.memref_squeeze %dma_wait3A_1175 : memref<1x8x8x128xf32, #tpu.memory_space<vmem>> -> memref<8x8x128xf32, #tpu.memory_space<vmem>>
    %dma_wait3A_1177 = arith.constant 0 : i32
    %dma_wait3A_1178 = arith.constant 0 : i32
    %dma_wait3A_1179 = arith.constant 0 : i32
    %dma_wait3A_1180 = tpu.memref_slice %arg7[%select_n3A_1152, %dma_wait3A_1177, %select_n3A_1170, %dma_wait3A_1178, %dma_wait3A_1179] : memref<200x8x32x8x128xf32, #tpu.memory_space<hbm>> -> memref<1x8x1x8x128xf32, #tpu.memory_space<hbm>>
    %dma_wait3A_1181 = tpu.memref_squeeze %dma_wait3A_1180 : memref<1x8x1x8x128xf32, #tpu.memory_space<hbm>> -> memref<8x8x128xf32, #tpu.memory_space<hbm>>
    %dma_wait3A_1182 = arith.constant 0 : i32
    %dma_wait3A_1183 = arith.constant 0 : i32
    %dma_wait3A_1184 = arith.constant 0 : i32
    %dma_wait3A_1185 = tpu.memref_slice %arg7[%select_n3A_1152, %dma_wait3A_1182, %select_n3A_1170, %dma_wait3A_1183, %dma_wait3A_1184] : memref<200x8x32x8x128xf32, #tpu.memory_space<hbm>> -> memref<1x8x1x8x128xf32, #tpu.memory_space<hbm>>
    %dma_wait3A_1186 = tpu.memref_squeeze %dma_wait3A_1185 : memref<1x8x1x8x128xf32, #tpu.memory_space<hbm>> -> memref<8x8x128xf32, #tpu.memory_space<hbm>>
    %dma_wait3A_1187 = arith.constant 0 : i32
    %dma_wait3A_1188 = arith.constant 0 : i32
    %dma_wait3A_1189 = arith.constant 0 : i32
    %dma_wait3A_1190 = tpu.memref_slice %arg11[%dma_wait3A_1171, %dma_wait3A_1187, %dma_wait3A_1188, %dma_wait3A_1189] : memref<2x8x8x129xf32, #tpu.memory_space<vmem>> -> memref<1x8x8x128xf32, #tpu.memory_space<vmem>>
    %dma_wait3A_1191 = tpu.memref_squeeze %dma_wait3A_1190 : memref<1x8x8x128xf32, #tpu.memory_space<vmem>> -> memref<8x8x128xf32, #tpu.memory_space<vmem>>
    tpu.wait_dma2 semaphore(%arg26 : memref<!tpu.dma_semaphore, #tpu.memory_space<semaphore_mem>>) src(%dma_wait3A_1191 : memref<8x8x128xf32, #tpu.memory_space<vmem>>) dst(%dma_wait3A_1186 : memref<8x8x128xf32, #tpu.memory_space<hbm>>)
    return
  }
}

</mosaic_0001>

<sc_bundles>
// kernel: kernel.3.cloned.1.call-start
scs
__scs_entry_jumppad:
0x0: {  	(pc) =	sbr.rel $0x88, $3  }
0x1: {  	(tag) =	ssettag $0x0;
	lr =	simm.s32 $0x1  }
0x2: {  	[smem:$0x3F9C] =	sst lr;
	_ =	strace $0xD0000000  }
0x3: {  	_ = 	snop  }
0x4: {  	_ = 	snop  }
0x5: {  	_ = 	snop  }
0x6: {  	_ = 	snop  }
0x7: {  	_ = 	snop  }
__scs_overlays_trampoline_lowered:
0x8: {  	[smem:$0x3FAB] =	sst s0  }
0x9: {  	[smem:$0x3FAC] =	sst s1  }
0xa: {  	[smem:$0x3FAD] =	sst s2  }
0xb: {  	[smem:$0x3FAE] =	sst s3  }
0xc: {  	[smem:$0x3FAF] =	sst s4  }
0xd: {  	[smem:$0x3FB0] =	sst s5  }
0xe: {  	[smem:$0x3FB1] =	sst s6  }
0xf: {  	[smem:$0x3FB2] =	sst s7  }
0x10: {  	[smem:$0x3FB3] =	sst s8  }
0x11: {  	[smem:$0x3FB4] =	sst s9;
	s0 =	simm.s32 @!p0 $0x0  }
0x12: {  	s1 =	sld [smem:$0x3F9A];
	s0 =	simm.s32 @p0 $0x1  }
0x13: {  	[smem:$0x3FB5] =	sst s0;
	s0 =	simm.s32 @!p1 $0x0  }
0x14: {  	s2 =	sld [smem:$0x3F99];
	s0 =	simm.s32 @p1 $0x1  }
0x15: {  	[smem:$0x3FB6] =	sst s0;
	s0 =	simm.s32 @!p2 $0x0  }
0x16: {  	s3 =	sld [smem:$0x3FDB];
	s0 =	simm.s32 @p2 $0x1  }
0x17: {  	s4 =	simm.s32 $0x1BF5;
	[smem:$0x3FB8] =	sst s0  }
0x18: {  	s0 =	sld [smem:$0x3F9B];
	_ =	swait.ge [sflag:s4], $0x0  }
0x19: {  	s7 =	sld [smem:$0x3F9C]  }
0x1a: {  	s8 =	sadd.s32 $0xFFFFE003, lr  }
0x1b: {  	s9 =	sadd.s32 $0xFFFFFEF7, lr;
	s5 =	simm.s32 $0xFFFFFFFF;
	p2 =	slt.u32 s8, $0xFFFFF086  }
0x1c: {  	p1 =	slt.u32 s9, $0xF7A;
	s5 =	simm.s32 @!p2 $0x0  }
0x1d: {  	s5 =	simm.s32 @p1 $0x1;
	p0 =	seq.s32 s7, s2  }
0x1e: {  	s7 =	smul.u32 @!p0 $0xF7A, s2;
	p2 =	seq.s32 @!p0 s5, $0x0  }
0x1f: {  	s9 =	smul.u32 $0xF7A, s1;
	s8 =	simm.s32 @!p0 $0x1BF5;
	p2 =	por !p2, p0  }
0x20: {  	[sflag:s8] =	ssyncset.s32 @!p0 $0xFFFFF086;
	s6 =	sadd.s32 @!p0 s3, s7;
	s7 =	simm.s32 @!p0 $0x108  }
0x21: {  	s3 =	sadd.s32 s3, s9;
	s6 =	sadd.s32 @!p0 $0x88, s6;
	s7 =	simm.s32 @p2 $0x1082  }
0x22: {  	[simem:s7], [sflag:s8] =	dma.local @!p0 [hbm:s6], $0xF7A  }
0x23: {  	s9 =	sor.u32 $0xD0000000, s2;
	s6 =	simm.s32 $0x108;
	_ =	swait.ge @!p0 [sflag:s8], $0x0  }
0x24: {  	s3 =	sadd.s32 $0x88, s3;
	s6 =	simm.s32 @!p1 $0x1082;
	[sflag:s4] =	ssyncset.s32 $0xFFFFF086  }
0x25: {  	[simem:s6], [sflag:s4] =	dma.local [hbm:s3], $0xF7A  }
0x26: {  	[smem:$0x3F9C] =	sst s1;
	(tag) =	ssettag s2;
	_ =	strace s9  }
0x27: {  	s1 =	sld [smem:$0x3FAC]  }
0x28: {  	s2 =	sld [smem:$0x3FAD]  }
0x29: {  	s4 =	sld [smem:$0x3FAF]  }
0x2a: {  	p0 =	seq.s32 s5, $0x0;
	s5 =	sld [smem:$0x3FB0]  }
0x2b: {  	s6 =	sld [smem:$0x3FB1]  }
0x2c: {  	s7 =	sld [smem:$0x3FB2]  }
0x2d: {  	s3 =	simm.s32 $0x108;
	s8 =	sld [smem:$0x3FB3]  }
0x2e: {  	s3 =	simm.s32 @!p0 $0x1082;
	s9 =	sld [smem:$0x3FB4]  }
0x2f: {  	lr =	sadd.s32 s0, s3;
	s0 =	sld [smem:$0x3FAB]  }
0x30: {  	s3 =	sld [smem:$0x3FAE]  }
0x31: {  	[smem:$0x3FB7] =	sst s10  }
0x32: {  	s10 =	sld [smem:$0x3FB5];
	_ =	sdelay $0x3  }
0x33: {  	p0 =	seq.s32 s10, $0x1;
	s10 =	sld [smem:$0x3FB7];
	_ =	sdelay $0x3  }
0x34: {  	[smem:$0x3FB7] =	sst s10  }
0x35: {  	s10 =	sld [smem:$0x3FB6];
	_ =	sdelay $0x3  }
0x36: {  	p1 =	seq.s32 s10, $0x1;
	s10 =	sld [smem:$0x3FB7];
	_ =	sdelay $0x3  }
0x37: {  	[smem:$0x3FB7] =	sst s10  }
0x38: {  	s10 =	sld [smem:$0x3FB8]  }
0x39: {  	_ = 	snop;
	(pc) =	sbr.ind lr, $3  }
0x3a: {  	_ = 	snop  }
0x3b: {  	_ = 	snop  }
0x3c: {  	p2 =	seq.s32 s10, $0x1;
	s10 =	sld [smem:$0x3FB7]  }
0x3d: {  	_ =	shalt  }
0x3e: {  	_ =	shalt  }
0x3f: {  	_ =	shalt  }
0x40: {  	_ =	shalt  }
0x41: {  	_ =	shalt  }
0x42: {  	_ =	shalt  }
0x43: {  	_ =	shalt  }
0x44: {  	_ =	shalt  }
0x45: {  	_ =	shalt  }
0x46: {  	_ =	shalt  }
0x47: {  	_ =	shalt  }
0x48: {  	_ =	shalt  }
0x49: {  	_ =	shalt  }
0x4a: {  	_ =	shalt  }
0x4b: {  	_ =	shalt  }
0x4c: {  	_ =	shalt  }
0x4d: {  	_ =	shalt  }
0x4e: {  	_ =	shalt  }
0x4f: {  	_ =	shalt  }
0x50: {  	_ =	shalt  }
0x51: {  	_ =	shalt  }
0x52: {  	_ =	shalt  }
0x53: {  	_ =	shalt  }
0x54: {  	_ =	shalt  }
0x55: {  	_ =	shalt  }
0x56: {  	_ =	shalt  }
0x57: {  	_ =	shalt  }
0x58: {  	_ =	shalt  }
0x59: {  	_ =	shalt  }
0x5a: {  	_ =	shalt  }
0x5b: {  	_ =	shalt  }
0x5c: {  	_ =	shalt  }
0x5d: {  	_ =	shalt  }
0x5e: {  	_ =	shalt  }
0x5f: {  	_ =	shalt  }
0x60: {  	_ =	shalt  }
0x61: {  	_ =	shalt  }
0x62: {  	_ =	shalt  }
0x63: {  	_ =	shalt  }
0x64: {  	_ =	shalt  }
0x65: {  	_ =	shalt  }
0x66: {  	_ =	shalt  }
0x67: {  	_ =	shalt  }
0x68: {  	_ =	shalt  }
0x69: {  	_ =	shalt  }
0x6a: {  	_ =	shalt  }
0x6b: {  	_ =	shalt  }
0x6c: {  	_ =	shalt  }
0x6d: {  	_ =	shalt  }
0x6e: {  	_ =	shalt  }
0x6f: {  	_ =	shalt  }
0x70: {  	_ =	shalt  }
0x71: {  	_ =	shalt  }
0x72: {  	_ =	shalt  }
0x73: {  	_ =	shalt  }
0x74: {  	_ =	shalt  }
0x75: {  	_ =	shalt  }
0x76: {  	_ =	shalt  }
0x77: {  	_ =	shalt  }
0x78: {  	_ =	shalt  }
0x79: {  	_ =	shalt  }
0x7a: {  	_ =	shalt  }
0x7b: {  	_ =	shalt  }
0x7c: {  	_ =	shalt  }
0x7d: {  	_ =	shalt  }
0x7e: {  	_ =	shalt  }
0x7f: {  	_ =	shalt  }
0x80: {  	_ =	shalt  }
0x81: {  	_ =	shalt  }
0x82: {  	_ =	shalt  }
0x83: {  	_ =	shalt  }
0x84: {  	_ =	shalt  }
0x85: {  	_ =	shalt  }
0x86: {  	_ =	shalt  }
0x87: {  	_ =	shalt  }
.Lfunc_end0:
.L_simem_size_0:
called_computation_lowered:
.L_overlay_start_0:
0x88: {  	s2 =	sld [smem:$0x3FD9]  }
0x89: {  	s3 =	sld [smem:$0x3FFE];
	_ =	sdelay $0x1  }
0x8a: {  	s1 =	srdreg.scid  }
0x8b: {  	s0 =	sand.u32 $0x1, s1  }
0x8c: {  	s17 =	sshll.u32 s0, $0xA;
	s2 =	sadd.s32 s3, s2  }
0x8d: {  	s2 =	sadd.s32 s2, s17  }
0x8e: {  	[smem:$0x3FC3] =	sst s2  }
0x8f: {  	_ = 	snop  }
0x90: {  	s2 =	sld [smem:$0x3FC9]  }
0x91: {  	s18 =	sld [smem:$0x3FC8]  }
0x92: {  	s4 =	sld [smem:$0x3FD0];
	(tm) =	ssettm $0x1  }
0x93: {  	s5 =	sld [smem:$0x3FFB];
	_ =	sdelay $0x3  }
0x94: {  	_ =	strace s5  }
0x95: {  	s5 =	sld [smem:$0x3FFC];
	_ =	sdelay $0x3  }
0x96: {  	_ =	strace s5  }
0x97: {  	s5 =	sld [smem:$0x3FFD];
	_ =	sdelay $0x3  }
0x98: {  	_ =	strace s5  }
0x99: {  	_ =	strace $0x8FFFFFFF  }
0x9a: {  	s19 =	sld [smem:$0x3FDB];
	_ =	sdelay $0x1  }
0x9b: {  	s6 =	simm.s32 $_scs_section_size  }
0x9c: {  	s7 =	simm.s32 $_size__tile_overlayer_lowered;
	s8 =	simm.s32 $_tile_overlayer_lowered  }
0x9d: {  	s22 =	simm.s32 $0x1BFF;
	s21 =	sshll.u32 s8, $0x1;
	s5 =	sadd.s32 s6, s19  }
0x9e: {  	s9 =	simm.s32 $0x0;
	s20 =	sshll.u32 s7, $0x1;
	s7 =	sadd.s32 s21, s5  }
0x9f: {  	[timem:s9], [sflag:s22] =	dma.local [hbm:s7], s20  }
0xa0: {  	_ =	swait.ge [sflag:s22], s20  }
0xa1: {  	s6 =	ssub.s32 $0x0, s20;
	[sflag:s22] =	ssyncset.done $0x0  }
0xa2: {  	[sflag:s22] =	ssyncadd.s32 s6;
	_ =	sdelay $0x1  }
0xa3: {  	s23 =	simm.s32 $0x1B8B  }
0xa4: {  	_ =	swait.ge [sflag:s23], $0x1  }
0xa5: {  	[sflag:s23] =	ssyncset.done $0x0  }
0xa6: {  	s25 =	simm.s32 $0x1B8E;
	s24 =	sld [smem:$0x3FFE];
	[sflag:s23] =	ssyncadd.s32 $0xFFFFFFFF  }
0xa7: {  	s26 =	simm.s32 $execute0_lowered;
	[smem:$0x3FD2] =	sst s25  }
0xa8: {  	s7 =	sshll.u32 s26, $0x1;
	_ =	strace $0x80000046;
	[dreg:$0x1] =	wrdreg $0xFFFFFFFF  }
0xa9: {  	s28 =	simm.s32 $_size_execute0_lowered;
	s5 =	sadd.s32 s5, s7;
	[dreg:$0x0] =	wrdreg $0x0  }
0xaa: {  	s7 =	sshll.u32 s28, $0x1;
	[dreg:$0x2] =	wrdreg s5  }
0xab: {  	[dreg:$0x3] =	wrdreg s7  }
0xac: {  	[dreg:$0x4] =	wrdreg $0xC0  }
0xad: {  	_ =	task [dreg:s9], $0x5FFFF  }
0xae: {  	[dreg:$0x1] =	wrdreg $0xFFFFFFFF  }
0xaf: {  	[dreg:$0x0] =	wrdreg $0x60  }
0xb0: {  	[dreg:$0x2] =	wrdreg s2  }
0xb1: {  	[dreg:$0x3] =	wrdreg s18  }
0xb2: {  	[dreg:$0x4] =	wrdreg s24  }
0xb3: {  	[dreg:$0x5] =	wrdreg s4  }
0xb4: {  	[dreg:$0x6] =	wrdreg $0x9  }
0xb5: {  	_ =	task.clear_ibuf [dreg:s9], $0x7FFFF;
	_ =	strace $0x90000046  }
0xb6: {  	s29 =	simm.s32 $0x9;
	_ =	strace $0x80000048  }
0xb7: {  	_ =	swait.ge [sflag:s29], $0x1  }
0xb8: {  	[sflag:s29] =	ssyncadd.s32 $0xFFFFFFFF  }
0xb9: {  	_ =	strace $0x90000048  }
0xba: {  	_ =	sfence  }
0xbb: {  	s30 =	sld [smem:$0x0];
	_ =	sdelay $0x2  }
0xbc: {  	s31 =	sshll.u32 s1, $0xD;
	s1 =	sshrl.u32 s1, $0x2  }
0xbd: {  	s3 =	sand.u32 $0x4000, s31;
	s1 =	sadd.s32 s1, s30  }
0xbe: {  	s0 =	sor.u32 s3, s0;
	s1 =	sshll.u32 s1, $0x11  }
0xbf: {  	s0 =	sor.u32 s1, s0  }
0xc0: {  	s0 =	sadd.s32 $0x8F2B, s0  }
0xc1: {  	[sflag:s0] =	ssyncadd.remote.s32 $0x1  }
0xc2: {  	_ =	sfence.sel $0xFFFF  }
0xc3: {  	[dreg:$0x0] =	wrdreg $0xFFFFFFFF;
	(pc) =	sbr.abs _section_cstart, $3  }
0xc4: {  	[dreg:$0x1] =	wrdreg $0xFFFFFFFF  }
0xc5: {  	_ =	task.clear_ibuf [dreg:s9], $0x2FFFF;
	_ =	strace $0x9FFFFFFF  }
0xc6: {  	(tm) =	ssettm $0x7FFFFFFF  }
0xc7: {  	_ =	shalt  }
tec
execute0_lowered:
.L_overlay_start_1:
0x0: {  	(tag) =	ssettag $0x1  }
0x1: {  	s1 =	rddreg [dreg:$0x0]  }
0x2: {  	s2 =	rddreg [dreg:$0x1];
	s0 =	srdreg.scid  }
0x3: {  	s4 =	stileid.u32;
	s3 =	rddreg [dreg:$0x2];
	s29 =	simm.s32 $0x3  }
0x4: {  	s16 =	simm.s32 $0x4;
	s28 =	simm.s32 $0xA600;
	s30 =	simm.s32 $0x8  }
0x5: {  	s17 =	simm.s32 $0xD;
	s0 =	sand.u32 $0x1, s0;
	s5 =	sshll.u32 s4, $0x1  }
0x6: {  	s4 =	rddreg [dreg:$0x3];
	s7 =	sadd.s32 $0x2C00, s3;
	s10 =	sor.u32 s0, s5  }
0x7: {  	s9 =	sadd.s32 $0xC00, s3;
	s5 =	simm.s32 $0x0;
	s6 =	smul.u32 $0xC8, s10  }
0x8: {  	s0 =	ssub.s32 $0x2, s0;
	[smem:$0x7FF] =	sst s5;
	s12 =	smul.u32 $0x320, s10  }
0x9: {  	s19 =	sshrl.u32 s0, $0x1;
	s13 =	smul.u32 $0x6400, s10;
	s10 =	sshll.u32 s10, $0xD  }
0xa: {  	_ =	strace $0x80000047;
	s10 =	sand.u32 $0x6000, s10;
	s0 =	ssub.s32 s0, s19  }
0xb: {  	s8 =	sshrl.u32 s6, $0x5;
	s14 =	sshll.u32 s6, $0x2;
	s25 =	sor.u32 $0x4, s6  }
0xc: {  	s12 =	sand.u32 $0x380, s12;
	s26 =	sor.u32 $0x5, s6;
	[dreg:$0xc] =	wrdreg s25  }
0xd: {  	s13 =	sand.u32 $0xF8000, s13;
	s31 =	sor.u32 $0x6, s6;
	[dreg:$0xd] =	wrdreg s26  }
0xe: {  	s0 =	smax.u32 s0, $0x1;
	s11 =	sshll.u32 s8, $0x3;
	[dreg:$0xe] =	wrdreg s31  }
0xf: {  	s14 =	sand.u32 $0x380, s14;
	[dreg:$0xf] =	wrdreg s0;
	s0 =	simm.s32 $0xE  }
0x10: {  	s3 =	sadd.s32 s11, s3;
	s14 =	sor.u32 s14, s10;
	s10 =	sor.u32 s12, s10  }
0x11: {  	s20 =	sor.u32 s13, s14;
	s10 =	sor.u32 s13, s10;
	s3 =	sadd.s32 $0x400, s3  }
0x12: {  	s14 =	simm.s32 $0x8400;
	[dreg:$0x5] =	wrdreg s3;
	s21 =	sshrl.u32 s20, $0x3  }
0x13: {  	s10 =	sshrl.u32 s10, $0x3;
	s11 =	sadd.s32 s1, s21;
	s3 =	sadd.s32 s2, s21  }
0x14: {  	s22 =	sor.u32 $0x80, s10;
	s24 =	sor.u32 $0x100, s10;
	[dreg:$0x6] =	wrdreg s11  }
0x15: {  	s21 =	simm.s32 $0x4400;
	[dreg:$0x7] =	wrdreg s3;
	s23 =	sadd.s32 s1, s22  }
0x16: {  	v0 =	vlaneseq.u32;
	s3 =	sadd.s32 s2, s22;
	s10 =	sadd.s32 s1, s24;
	[dreg:$0x8] =	wrdreg s23  }
0x17: {  	v0 =	vmul.u32 $0x88, v0;
	s22 =	simm.s32 $0xB;
	s11 =	simm.s32 $0x0;
	[dreg:$0x9] =	wrdreg s3  }
0x18: {  	[dreg:$0xa] =	wrdreg s10;
	s3 =	sadd.s32 s2, s24;
	s23 =	simm.s32 $0x80  }
0x19: {  	v1 =	vadd.s32 $0x880, v0;
	v2 =	vadd.s32 $0x1100, v0;
	v3 =	vadd.s32 $0x1980, v0;
	s24 =	simm.s32 $0xC;
	[dreg:$0xb] =	wrdreg s3;
	s3 =	simm.s32 $0xA  }
.LBB2_1:
0x1a: {  	[dreg:$0x10] =	wrdreg s11  }
0x1b: {  	s10 =	rddreg [dreg:$0x5];
	s15 =	simm.s32 $0xC800  }
0x1c: {  	[tilespmem:s15], [sflag:$0xF] =	stream.linear.gather [hbm4b:s10+s5], $0x200, $0x38;
	[tilespmem:$0xCA00] =	vst v63  }
0x1d: {  	s18 =	rddreg [dreg:$0x6]  }
0x1e: {  	[tilespmem:s5], [sflag:$0x1] =	stream.linear.gather [hbm4b:s18+s5], $0x80, $0x38;
	[tilespmem:$0xCA00] =	vst v63  }
0x1f: {  	s19 =	rddreg [dreg:$0x7];
	s11 =	simm.s32 $0x200  }
0x20: {  	[tilespmem:s11], [sflag:$0x1] =	stream.linear.gather [hbm4b:s19+s5], $0x80, $0x38;
	[tilespmem:$0xCA00] =	vst v63  }
0x21: {  	s20 =	rddreg [dreg:$0x8]  }
0x22: {  	[tilespmem:s23], [sflag:$0x2] =	stream.linear.gather [hbm4b:s20+s5], $0x80, $0x38;
	[tilespmem:$0xCA00] =	vst v63  }
0x23: {  	s25 =	rddreg [dreg:$0x9];
	s12 =	simm.s32 $0x280  }
0x24: {  	[tilespmem:s12], [sflag:$0x2] =	stream.linear.gather [hbm4b:s25+s5], $0x80, $0x38;
	[tilespmem:$0xCA00] =	vst v63  }
0x25: {  	s26 =	rddreg [dreg:$0xa];
	s31 =	simm.s32 $0x100  }
0x26: {  	[tilespmem:s31], [sflag:$0x3] =	stream.linear.gather [hbm4b:s26+s5], $0x80, $0x38;
	[tilespmem:$0xCA00] =	vst v63  }
0x27: {  	s13 =	rddreg [dreg:$0xb];
	s15 =	simm.s32 $0x300;
	s18 =	simm.s32 $0x1  }
0x28: {  	[tilespmem:s15], [sflag:$0x3] =	stream.linear.gather [hbm4b:s13+s5], $0x80, $0x38;
	[tilespmem:$0xCA00] =	vst v63  }
0x29: {  	_ =	swait.ge [sflag:s18], $0x80  }
0x2a: {  	[sflag:s18] =	ssyncset.done $0x0  }
0x2b: {  	[sflag:s18] =	ssyncadd.s32 $0xFFFFFF80  }
0x2c: {  	_ =	swait.ge [sflag:s18], $0x80  }
0x2d: {  	[sflag:s18] =	ssyncset.done $0x0  }
0x2e: {  	s19 =	simm.s32 $0x400;
	s20 =	simm.s32 $0x2;
	[sflag:s18] =	ssyncadd.s32 $0xFFFFFF80  }
0x2f: {  	[tilespmem:s19], [sflag:$0x5] =	stream.indirect.gather [hbm4b:s7+s23], $0x40, s5, s23, $0xb8;
	[tilespmem:$0xCA00] =	vst v63  }
0x30: {  	_ =	swait.ge [sflag:s20], $0x80  }
0x31: {  	[sflag:s20] =	ssyncset.done $0x0  }
0x32: {  	[sflag:s20] =	ssyncadd.s32 $0xFFFFFF80  }
0x33: {  	_ =	swait.ge [sflag:s20], $0x80  }
0x34: {  	[sflag:s20] =	ssyncset.done $0x0  }
0x35: {  	s25 =	simm.s32 $0x2400;
	s26 =	simm.s32 $0x5;
	[sflag:s20] =	ssyncadd.s32 $0xFFFFFF80  }
0x36: {  	[tilespmem:s25], [sflag:$0x6] =	stream.indirect.gather [hbm4b:s7+s23], $0x40, s23, s23, $0xb8;
	[tilespmem:$0xCA00] =	vst v63  }
0x37: {  	_ =	swait.ge [sflag:s26], $0x2000  }
0x38: {  	[sflag:s26] =	ssyncset.done $0x0  }
0x39: {  	s31 =	simm.s32 $0xF;
	[sflag:s26] =	ssyncadd.s32 $0xFFFFE000  }
0x3a: {  	[tilespmem:s19], [sflag:$0x9] =	stream.indirect.gather.add.f32 [hbm:s9], $0x40, s11, s23, $0xb8;
	[tilespmem:$0xCA00] =	vst v63  }
0x3b: {  	_ =	swait.ge [sflag:s31], $0x200  }
0x3c: {  	[sflag:s31] =	ssyncset.done $0x0  }
0x3d: {  	s25 =	simm.s32 $0x0;
	[sflag:s31] =	ssyncadd.s32 $0xFFFFFE00  }
.LBB2_2:
0x3e: {  	s10 =	simm.s32 $0x6  }
0x3f: {  	_ =	swait.ge [sflag:s10], $0x2000  }
0x40: {  	[sflag:s10] =	ssyncset.done $0x0  }
0x41: {  	s26 =	simm.s32 $0x280;
	s11 =	simm.s32 $0x2400;
	[sflag:s10] =	ssyncadd.s32 $0xFFFFE000  }
0x42: {  	[tilespmem:s11], [sflag:$0xA] =	stream.indirect.gather.add.f32 [hbm:s9], $0x40, s26, s23, $0xb8;
	[tilespmem:$0xCA00] =	vst v63  }
0x43: {  	_ =	swait.ge [sflag:s29], $0x80  }
0x44: {  	[sflag:s29] =	ssyncset.done $0x0  }
0x45: {  	s18 =	sshll.u32 s25, $0x2;
	[sflag:s29] =	ssyncadd.s32 $0xFFFFFF80  }
0x46: {  	s13 =	sadd.s32 s18, s6;
	_ =	swait.ge [sflag:s29], $0x80  }
0x47: {  	s12 =	simm.s32 $0x100;
	s31 =	sadd.s32 $0x3, s13;
	[sflag:s29] =	ssyncset.done $0x0  }
0x48: {  	s10 =	sshll.u32 s31, $0xA;
	s26 =	sshll.u32 s31, $0x7;
	[sflag:s29] =	ssyncadd.s32 $0xFFFFFF80  }
0x49: {  	[tilespmem:s21], [sflag:$0x7] =	stream.indirect.gather [hbm4b:s7+s23], $0x40, s12, s23, $0xb8;
	[tilespmem:$0xCA00] =	vst v63  }
0x4a: {  	s10 =	sand.u32 $0x7C00, s10;
	s15 =	sand.u32 $0x7FFF8000, s26;
	s12 =	sshll.u32 s31, $0x2  }
0x4b: {  	s10 =	sor.u32 s10, s15;
	s19 =	sand.u32 $0x380, s12  }
0x4c: {  	s10 =	sor.u32 s19, s10  }
0x4d: {  	s10 =	sshrl.u32 s10, $0x3  }
0x4e: {  	s21 =	simm.s32 $0x180;
	s20 =	sadd.s32 s1, s10  }
0x4f: {  	[tilespmem:s21], [sflag:$0x4] =	stream.linear.gather [hbm4b:s20+s5], $0x80, $0x38;
	[tilespmem:$0xCA00] =	vst v63  }
0x50: {  	s13 =	simm.s32 $0x380;
	s15 =	simm.s32 $0x9;
	s10 =	sadd.s32 s2, s10  }
0x51: {  	[tilespmem:s13], [sflag:$0x4] =	stream.linear.gather [hbm4b:s10+s5], $0x80, $0x38;
	[tilespmem:$0xCA00] =	vst v63  }
0x52: {  	_ =	swait.ge [sflag:s15], $0x2000  }
0x53: {  	p0 =	seq.s32 s25, $0x0;
	s11 =	sadd.s32 s6, s18;
	[sflag:s15] =	ssyncset.done $0x0  }
0x54: {  	s12 =	sshrl.u32 s11, $0x5;
	s10 =	simm.s32 @!p0 $0xD;
	[sflag:s15] =	ssyncadd.s32 $0xFFFFE000  }
0x55: {  	s13 =	ssub.s32 s12, s8;
	_ =	swait.ge @!p0 [sflag:s10], $0x2000  }
0x56: {  	s13 =	sshll.u32 s13, $0x8;
	[sflag:s10] =	ssyncset.done @!p0 $0x0  }
0x57: {  	s21 =	simm.s32 $0x0;
	s19 =	sshra.s32 s13, $0x2;
	[sflag:s10] =	ssyncadd.s32 @!p0 $0xFFFFE000  }
0x58: {  	s20 =	simm.s32 $0x480;
	v4 =	vmov s21;
	v5 =	vld [tilespmem:s19+$0xC800]  }
0x59: {  	v9 =	vand.u32 $0x78, v4;
	v8 =	vld [tilespmem:s20+$0xFFFFFF80]  }
0x5a: {  	v10 =	vand.u32 $0x4, v4;
	v11 =	vadd.s32 v0, v9  }
0x5b: {  	v12 =	vor.u32 v10, v11;
	_ =	sdelay $0x2  }
0x5c: {  	v7 =	vld [tilespmem:s19+$0xC810];
	v8 =	vadd.f32 v8, v5  }
0x5d: {  	v6 =	vld [tilespmem:s19+$0xC820]  }
0x5e: {  	v4 =	vld [tilespmem:s19+$0xC830];
	[tilespmem:v12+s14+$0x0] =	vst.idx.msk $0xffff, v8  }
0x5f: {  	v8 =	vld [tilespmem:s20+$0xFFFFFF90]  }
0x60: {  	v54 =	vadd.s32 v1, v9  }
0x61: {  	v13 =	vor.u32 v10, v54;
	_ =	sdelay $0x2  }
0x62: {  	v8 =	vadd.f32 v8, v7;
	_ =	sdelay $0x1  }
0x63: {  	[tilespmem:v13+s14+$0x0] =	vst.idx.msk $0xffff, v8  }
0x64: {  	v8 =	vld [tilespmem:s20+$0xFFFFFFA0]  }
0x65: {  	v55 =	vadd.s32 v2, v9  }
0x66: {  	v14 =	vor.u32 v10, v55;
	_ =	sdelay $0x2  }
0x67: {  	v8 =	vadd.f32 v8, v6;
	_ =	sdelay $0x1  }
0x68: {  	[tilespmem:v14+s14+$0x0] =	vst.idx.msk $0xffff, v8  }
0x69: {  	v8 =	vld [tilespmem:s20+$0xFFFFFFB0]  }
0x6a: {  	v9 =	vadd.s32 v3, v9  }
0x6b: {  	v56 =	vor.u32 v10, v9;
	_ =	sdelay $0x2  }
0x6c: {  	v8 =	vadd.f32 v8, v4;
	_ =	sdelay $0x1  }
0x6d: {  	[tilespmem:v56+s14+$0x0] =	vst.idx.msk $0xffff, v8  }
0x6e: {  	v8 =	vld [tilespmem:s20+$0xFFFFFFC0]  }
0x6f: {  	v57 =	vor.u32 $0x1, v10  }
0x70: {  	v15 =	vor.u32 v57, v11;
	_ =	sdelay $0x2  }
0x71: {  	v8 =	vadd.f32 v8, v5;
	_ =	sdelay $0x1  }
0x72: {  	[tilespmem:v15+s14+$0x0] =	vst.idx.msk $0xffff, v8  }
0x73: {  	v8 =	vld [tilespmem:s20+$0xFFFFFFD0];
	_ =	sdelay $0x1  }
0x74: {  	v58 =	vor.u32 v57, v54;
	_ =	sdelay $0x2  }
0x75: {  	v8 =	vadd.f32 v8, v7;
	_ =	sdelay $0x1  }
0x76: {  	[tilespmem:v58+s14+$0x0] =	vst.idx.msk $0xffff, v8  }
0x77: {  	v8 =	vld [tilespmem:s20+$0xFFFFFFE0];
	_ =	sdelay $0x1  }
0x78: {  	v59 =	vor.u32 v57, v55;
	_ =	sdelay $0x2  }
0x79: {  	v8 =	vadd.f32 v8, v6;
	_ =	sdelay $0x1  }
0x7a: {  	[tilespmem:v59+s14+$0x0] =	vst.idx.msk $0xffff, v8  }
0x7b: {  	v8 =	vld [tilespmem:s20+$0xFFFFFFF0];
	_ =	sdelay $0x1  }
0x7c: {  	v14 =	vor.u32 v57, v9;
	_ =	sdelay $0x2  }
0x7d: {  	v8 =	vadd.f32 v8, v4;
	_ =	sdelay $0x1  }
0x7e: {  	[tilespmem:v14+s14+$0x0] =	vst.idx.msk $0xffff, v8  }
0x7f: {  	v8 =	vld [tilespmem:s20+$0x0]  }
0x80: {  	v60 =	vor.u32 $0x2, v10  }
0x81: {  	v61 =	vor.u32 v60, v11;
	_ =	sdelay $0x2  }
0x82: {  	v8 =	vadd.f32 v8, v5;
	_ =	sdelay $0x1  }
0x83: {  	[tilespmem:v61+s14+$0x0] =	vst.idx.msk $0xffff, v8  }
0x84: {  	v8 =	vld [tilespmem:s20+$0x10];
	_ =	sdelay $0x1  }
0x85: {  	v62 =	vor.u32 v60, v54;
	_ =	sdelay $0x2  }
0x86: {  	v8 =	vadd.f32 v8, v7;
	_ =	sdelay $0x1  }
0x87: {  	[tilespmem:v62+s14+$0x0] =	vst.idx.msk $0xffff, v8  }
0x88: {  	v8 =	vld [tilespmem:s20+$0x20];
	_ =	sdelay $0x1  }
0x89: {  	v63 =	vor.u32 v60, v55;
	_ =	sdelay $0x2  }
0x8a: {  	v8 =	vadd.f32 v8, v6;
	_ =	sdelay $0x1  }
0x8b: {  	[tilespmem:v63+s14+$0x0] =	vst.idx.msk $0xffff, v8  }
0x8c: {  	v8 =	vld [tilespmem:s20+$0x30];
	_ =	sdelay $0x1  }
0x8d: {  	v14 =	vor.u32 v60, v9;
	_ =	sdelay $0x2  }
0x8e: {  	v8 =	vadd.f32 v8, v4;
	_ =	sdelay $0x1  }
0x8f: {  	[tilespmem:v14+s14+$0x0] =	vst.idx.msk $0xffff, v8  }
0x90: {  	v8 =	vld [tilespmem:s20+$0x40]  }
0x91: {  	v10 =	vor.u32 $0x3, v10  }
0x92: {  	v11 =	vor.u32 v10, v11;
	_ =	sdelay $0x2  }
0x93: {  	v8 =	vadd.f32 v8, v5;
	_ =	sdelay $0x1  }
0x94: {  	[tilespmem:v11+s14+$0x0] =	vst.idx.msk $0xffff, v8  }
0x95: {  	v8 =	vld [tilespmem:s20+$0x50];
	_ =	sdelay $0x1  }
0x96: {  	v11 =	vor.u32 v10, v54;
	_ =	sdelay $0x2  }
0x97: {  	v8 =	vadd.f32 v8, v7;
	_ =	sdelay $0x1  }
0x98: {  	[tilespmem:v11+s14+$0x0] =	vst.idx.msk $0xffff, v8  }
0x99: {  	v8 =	vld [tilespmem:s20+$0x60];
	_ =	sdelay $0x1  }
0x9a: {  	v11 =	vor.u32 v10, v55;
	_ =	sdelay $0x2  }
0x9b: {  	v8 =	vadd.f32 v8, v6;
	_ =	sdelay $0x1  }
0x9c: {  	[tilespmem:v11+s14+$0x0] =	vst.idx.msk $0xffff, v8  }
0x9d: {  	v11 =	vld [tilespmem:s20+$0x70];
	_ =	sdelay $0x1  }
0x9e: {  	v8 =	vor.u32 v10, v9;
	_ =	sdelay $0x1  }
0x9f: {  	s21 =	simm.s32 $0x8  }
0xa0: {  	s13 =	simm.s32 $0x4;
	s10 =	sor.u32 $0x1, s18;
	s19 =	sor.u32 $0x2, s18;
	v9 =	vadd.f32 v11, v4  }
.LBB2_3:
0xa1: {  	p1 =	sne.s32 s21, $0x7C  }
0xa2: {  	v10 =	vmov s13;
	s20 =	sadd.s32 $0x100, s20;
	s13 =	smov.u32 s21;
	s21 =	sadd.s32 $0x4, s21;
	[tilespmem:v8+s14+$0x0] =	vst.idx.msk $0xffff, v9  }
0xa3: {  	v9 =	vand.u32 $0x78, v10;
	v8 =	vld [tilespmem:s20+$0xFFFFFF80]  }
0xa4: {  	v10 =	vand.u32 $0x4, v10;
	v11 =	vadd.s32 v0, v9;
	v12 =	vadd.s32 v1, v9  }
0xa5: {  	v15 =	vadd.s32 v2, v9;
	v13 =	vor.u32 v10, v11;
	v14 =	vor.u32 v10, v12  }
0xa6: {  	v17 =	vadd.s32 v3, v9;
	v9 =	vor.u32 $0x1, v10;
	v16 =	vor.u32 v10, v15  }
0xa7: {  	v18 =	vor.u32 v10, v17;
	v19 =	vor.u32 v9, v11;
	v20 =	vor.u32 v9, v12  }
0xa8: {  	v21 =	vor.u32 v9, v15;
	v22 =	vor.u32 v9, v17;
	v8 =	vadd.f32 v8, v5  }
0xa9: {  	v23 =	vor.u32 $0x3, v10;
	v9 =	vor.u32 $0x2, v10  }
0xaa: {  	v24 =	vor.u32 v9, v12;
	[tilespmem:v13+s14+$0x0] =	vst.idx.msk $0xffff, v8;
	v13 =	vor.u32 v9, v11  }
0xab: {  	v26 =	vor.u32 v9, v15;
	v27 =	vor.u32 v9, v17;
	v11 =	vor.u32 v23, v11;
	v25 =	vld [tilespmem:s20+$0xFFFFFF90]  }
0xac: {  	v10 =	vor.u32 v23, v12;
	v9 =	vor.u32 v23, v15;
	v8 =	vor.u32 v23, v17;
	_ =	sdelay $0x3  }
0xad: {  	v12 =	vadd.f32 v25, v7;
	_ =	sdelay $0x1  }
0xae: {  	[tilespmem:v14+s14+$0x0] =	vst.idx.msk $0xffff, v12  }
0xaf: {  	v12 =	vld [tilespmem:s20+$0xFFFFFFA0];
	_ =	sdelay $0x4  }
0xb0: {  	v12 =	vadd.f32 v12, v6;
	_ =	sdelay $0x1  }
0xb1: {  	[tilespmem:v16+s14+$0x0] =	vst.idx.msk $0xffff, v12  }
0xb2: {  	v12 =	vld [tilespmem:s20+$0xFFFFFFB0];
	_ =	sdelay $0x4  }
0xb3: {  	v12 =	vadd.f32 v12, v4;
	_ =	sdelay $0x1  }
0xb4: {  	[tilespmem:v18+s14+$0x0] =	vst.idx.msk $0xffff, v12  }
0xb5: {  	v12 =	vld [tilespmem:s20+$0xFFFFFFC0];
	_ =	sdelay $0x4  }
0xb6: {  	v12 =	vadd.f32 v12, v5;
	_ =	sdelay $0x1  }
0xb7: {  	[tilespmem:v19+s14+$0x0] =	vst.idx.msk $0xffff, v12  }
0xb8: {  	v12 =	vld [tilespmem:s20+$0xFFFFFFD0];
	_ =	sdelay $0x4  }
0xb9: {  	v12 =	vadd.f32 v12, v7;
	_ =	sdelay $0x1  }
0xba: {  	[tilespmem:v20+s14+$0x0] =	vst.idx.msk $0xffff, v12  }
0xbb: {  	v12 =	vld [tilespmem:s20+$0xFFFFFFE0];
	_ =	sdelay $0x4  }
0xbc: {  	v12 =	vadd.f32 v12, v6;
	_ =	sdelay $0x1  }
0xbd: {  	[tilespmem:v21+s14+$0x0] =	vst.idx.msk $0xffff, v12  }
0xbe: {  	v12 =	vld [tilespmem:s20+$0xFFFFFFF0];
	_ =	sdelay $0x4  }
0xbf: {  	v12 =	vadd.f32 v12, v4;
	_ =	sdelay $0x1  }
0xc0: {  	[tilespmem:v22+s14+$0x0] =	vst.idx.msk $0xffff, v12  }
0xc1: {  	v12 =	vld [tilespmem:s20+$0x0];
	_ =	sdelay $0x4  }
0xc2: {  	v12 =	vadd.f32 v12, v5;
	_ =	sdelay $0x1  }
0xc3: {  	[tilespmem:v13+s14+$0x0] =	vst.idx.msk $0xffff, v12  }
0xc4: {  	v12 =	vld [tilespmem:s20+$0x10];
	_ =	sdelay $0x4  }
0xc5: {  	v12 =	vadd.f32 v12, v7;
	_ =	sdelay $0x1  }
0xc6: {  	[tilespmem:v24+s14+$0x0] =	vst.idx.msk $0xffff, v12  }
0xc7: {  	v12 =	vld [tilespmem:s20+$0x20];
	_ =	sdelay $0x4  }
0xc8: {  	v12 =	vadd.f32 v12, v6;
	_ =	sdelay $0x1  }
0xc9: {  	[tilespmem:v26+s14+$0x0] =	vst.idx.msk $0xffff, v12  }
0xca: {  	v12 =	vld [tilespmem:s20+$0x30];
	_ =	sdelay $0x4  }
0xcb: {  	v12 =	vadd.f32 v12, v4;
	_ =	sdelay $0x1  }
0xcc: {  	[tilespmem:v27+s14+$0x0] =	vst.idx.msk $0xffff, v12  }
0xcd: {  	v12 =	vld [tilespmem:s20+$0x40];
	_ =	sdelay $0x4  }
0xce: {  	v12 =	vadd.f32 v12, v5;
	_ =	sdelay $0x1  }
0xcf: {  	[tilespmem:v11+s14+$0x0] =	vst.idx.msk $0xffff, v12  }
0xd0: {  	v11 =	vld [tilespmem:s20+$0x50];
	_ =	sdelay $0x4  }
0xd1: {  	v11 =	vadd.f32 v11, v7;
	_ =	sdelay $0x1  }
0xd2: {  	[tilespmem:v10+s14+$0x0] =	vst.idx.msk $0xffff, v11  }
0xd3: {  	v10 =	vld [tilespmem:s20+$0x60];
	_ =	sdelay $0x4  }
0xd4: {  	v10 =	vadd.f32 v10, v6;
	_ =	sdelay $0x1  }
0xd5: {  	[tilespmem:v9+s14+$0x0] =	vst.idx.msk $0xffff, v10  }
0xd6: {  	v9 =	vld [tilespmem:s20+$0x70]  }
.Ltmp0:
0xd7: {  	(pc) =	sbr.rel @p1 .LBB2_3-.Ltmp0, $2  }
0xd8: {  	_ =	sdelay $0x2  }
0xd9: {  	v9 =	vadd.f32 v9, v4  }
0xda: {  	_ =	sdelay $0x3  }
0xdb: {  	v10 =	vmov s13;
	s20 =	sadd.s32 $0x100, s20;
	[tilespmem:v8+s14+$0x0] =	vst.idx.msk $0xffff, v9  }
0xdc: {  	v50 =	vand.u32 $0x78, v10;
	v8 =	vld [tilespmem:s20+$0xFFFFFF80]  }
0xdd: {  	v10 =	vand.u32 $0x4, v10;
	v11 =	vadd.s32 v0, v50  }
0xde: {  	v12 =	vor.u32 v10, v11;
	_ =	sdelay $0x2  }
0xdf: {  	v8 =	vadd.f32 v8, v5;
	_ =	sdelay $0x1  }
0xe0: {  	[tilespmem:v12+s14+$0x0] =	vst.idx.msk $0xffff, v8  }
0xe1: {  	v8 =	vld [tilespmem:s20+$0xFFFFFF90]  }
0xe2: {  	v51 =	vadd.s32 v1, v50  }
0xe3: {  	v13 =	vor.u32 v10, v51;
	_ =	sdelay $0x2  }
0xe4: {  	v8 =	vadd.f32 v8, v7;
	_ =	sdelay $0x1  }
0xe5: {  	[tilespmem:v13+s14+$0x0] =	vst.idx.msk $0xffff, v8  }
0xe6: {  	v8 =	vld [tilespmem:s20+$0xFFFFFFA0]  }
0xe7: {  	v52 =	vadd.s32 v2, v50  }
0xe8: {  	v14 =	vor.u32 v10, v52;
	_ =	sdelay $0x2  }
0xe9: {  	v8 =	vadd.f32 v8, v6;
	_ =	sdelay $0x1  }
0xea: {  	[tilespmem:v14+s14+$0x0] =	vst.idx.msk $0xffff, v8  }
0xeb: {  	v8 =	vld [tilespmem:s20+$0xFFFFFFB0]  }
0xec: {  	v9 =	vadd.s32 v3, v50  }
0xed: {  	v53 =	vor.u32 v10, v9;
	_ =	sdelay $0x2  }
0xee: {  	v8 =	vadd.f32 v8, v4;
	_ =	sdelay $0x1  }
0xef: {  	[tilespmem:v53+s14+$0x0] =	vst.idx.msk $0xffff, v8  }
0xf0: {  	v8 =	vld [tilespmem:s20+$0xFFFFFFC0]  }
0xf1: {  	v54 =	vor.u32 $0x1, v10  }
0xf2: {  	v15 =	vor.u32 v54, v11;
	_ =	sdelay $0x2  }
0xf3: {  	v8 =	vadd.f32 v8, v5;
	_ =	sdelay $0x1  }
0xf4: {  	[tilespmem:v15+s14+$0x0] =	vst.idx.msk $0xffff, v8  }
0xf5: {  	v8 =	vld [tilespmem:s20+$0xFFFFFFD0];
	_ =	sdelay $0x1  }
0xf6: {  	v55 =	vor.u32 v54, v51;
	_ =	sdelay $0x2  }
0xf7: {  	v8 =	vadd.f32 v8, v7;
	_ =	sdelay $0x1  }
0xf8: {  	[tilespmem:v55+s14+$0x0] =	vst.idx.msk $0xffff, v8  }
0xf9: {  	v8 =	vld [tilespmem:s20+$0xFFFFFFE0];
	_ =	sdelay $0x1  }
0xfa: {  	v56 =	vor.u32 v54, v52;
	_ =	sdelay $0x2  }
0xfb: {  	v8 =	vadd.f32 v8, v6;
	_ =	sdelay $0x1  }
0xfc: {  	[tilespmem:v56+s14+$0x0] =	vst.idx.msk $0xffff, v8  }
0xfd: {  	v8 =	vld [tilespmem:s20+$0xFFFFFFF0];
	_ =	sdelay $0x1  }
0xfe: {  	v14 =	vor.u32 v54, v9;
	_ =	sdelay $0x2  }
0xff: {  	v8 =	vadd.f32 v8, v4;
	_ =	sdelay $0x1  }
0x100: {  	[tilespmem:v14+s14+$0x0] =	vst.idx.msk $0xffff, v8  }
0x101: {  	v8 =	vld [tilespmem:s20+$0x0]  }
0x102: {  	v57 =	vor.u32 $0x2, v10  }
0x103: {  	v58 =	vor.u32 v57, v11;
	_ =	sdelay $0x2  }
0x104: {  	v8 =	vadd.f32 v8, v5;
	_ =	sdelay $0x1  }
0x105: {  	[tilespmem:v58+s14+$0x0] =	vst.idx.msk $0xffff, v8  }
0x106: {  	v8 =	vld [tilespmem:s20+$0x10];
	_ =	sdelay $0x1  }
0x107: {  	v59 =	vor.u32 v57, v51;
	_ =	sdelay $0x2  }
0x108: {  	v8 =	vadd.f32 v8, v7;
	_ =	sdelay $0x1  }
0x109: {  	[tilespmem:v59+s14+$0x0] =	vst.idx.msk $0xffff, v8  }
0x10a: {  	v8 =	vld [tilespmem:s20+$0x20];
	_ =	sdelay $0x1  }
0x10b: {  	v60 =	vor.u32 v57, v52;
	_ =	sdelay $0x2  }
0x10c: {  	v8 =	vadd.f32 v8, v6;
	_ =	sdelay $0x1  }
0x10d: {  	[tilespmem:v60+s14+$0x0] =	vst.idx.msk $0xffff, v8  }
0x10e: {  	v8 =	vld [tilespmem:s20+$0x30];
	_ =	sdelay $0x1  }
0x10f: {  	v14 =	vor.u32 v57, v9;
	_ =	sdelay $0x2  }
0x110: {  	v8 =	vadd.f32 v8, v4;
	_ =	sdelay $0x1  }
0x111: {  	[tilespmem:v14+s14+$0x0] =	vst.idx.msk $0xffff, v8  }
0x112: {  	v8 =	vld [tilespmem:s20+$0x40]  }
0x113: {  	v10 =	vor.u32 $0x3, v10  }
0x114: {  	v11 =	vor.u32 v10, v11;
	_ =	sdelay $0x2  }
0x115: {  	v5 =	vadd.f32 v8, v5;
	_ =	sdelay $0x1  }
0x116: {  	[tilespmem:v11+s14+$0x0] =	vst.idx.msk $0xffff, v5  }
0x117: {  	v5 =	vld [tilespmem:s20+$0x50];
	_ =	sdelay $0x1  }
0x118: {  	v61 =	vor.u32 v10, v51;
	_ =	sdelay $0x2  }
0x119: {  	v5 =	vadd.f32 v5, v7;
	_ =	sdelay $0x1  }
0x11a: {  	[tilespmem:v61+s14+$0x0] =	vst.idx.msk $0xffff, v5  }
0x11b: {  	v5 =	vld [tilespmem:s20+$0x60];
	_ =	sdelay $0x1  }
0x11c: {  	v62 =	vor.u32 v10, v52;
	_ =	sdelay $0x2  }
0x11d: {  	v5 =	vadd.f32 v5, v6;
	_ =	sdelay $0x1  }
0x11e: {  	[tilespmem:v62+s14+$0x0] =	vst.idx.msk $0xffff, v5  }
0x11f: {  	v5 =	vld [tilespmem:s20+$0x70];
	_ =	sdelay $0x1  }
0x120: {  	v63 =	vor.u32 v10, v9;
	_ =	sdelay $0x1  }
0x121: {  	s11 =	sshll.u32 s11, $0x7  }
0x122: {  	s11 =	sand.u32 $0xE00, s11;
	v4 =	vadd.f32 v5, v4  }
0x123: {  	s12 =	sshll.u32 s12, $0xF;
	s11 =	sadd.s32 s4, s11  }
0x124: {  	s21 =	simm.s32 $0x8400;
	s12 =	sadd.s32 s12, s11;
	[tilespmem:v63+s14+$0x0] =	vst.idx.msk $0xffff, v4  }
0x125: {  	[hbm4b:s12+s5] =	stream.linear.scatter [tilespmem:s21], [sflag:$0xD], $0x80, $0x38;
	[tilespmem:$0xCA00] =	vst v63  }
0x126: {  	s13 =	simm.s32 $0x8488;
	s15 =	sadd.s32 $0x10, s12  }
0x127: {  	[hbm4b:s15+s5] =	stream.linear.scatter [tilespmem:s13], [sflag:$0xD], $0x80, $0x38;
	[tilespmem:$0xCA00] =	vst v63  }
0x128: {  	s20 =	simm.s32 $0x8510;
	s21 =	sadd.s32 $0x20, s12  }
0x129: {  	[hbm4b:s21+s5] =	stream.linear.scatter [tilespmem:s20], [sflag:$0xD], $0x80, $0x38;
	[tilespmem:$0xCA00] =	vst v63  }
0x12a: {  	s13 =	simm.s32 $0x8598;
	s15 =	sadd.s32 $0x30, s12  }
0x12b: {  	[hbm4b:s15+s5] =	stream.linear.scatter [tilespmem:s13], [sflag:$0xD], $0x80, $0x38;
	[tilespmem:$0xCA00] =	vst v63  }
0x12c: {  	s20 =	simm.s32 $0x8620;
	s21 =	sadd.s32 $0x40, s12  }
0x12d: {  	[hbm4b:s21+s5] =	stream.linear.scatter [tilespmem:s20], [sflag:$0xD], $0x80, $0x38;
	[tilespmem:$0xCA00] =	vst v63  }
0x12e: {  	s11 =	simm.s32 $0x440;
	s13 =	simm.s32 $0x86A8;
	s15 =	sadd.s32 $0x50, s12  }
0x12f: {  	[hbm4b:s15+s5] =	stream.linear.scatter [tilespmem:s13], [sflag:$0xD], $0x80, $0x38;
	[tilespmem:$0xCA00] =	vst v63  }
0x130: {  	s20 =	simm.s32 $0x8730;
	s21 =	sadd.s32 $0x60, s12;
	s13 =	simm.s32 $0x2200  }
0x131: {  	[hbm4b:s21+s5] =	stream.linear.scatter [tilespmem:s20], [sflag:$0xD], $0x80, $0x38;
	[tilespmem:$0xCA00] =	vst v63  }
0x132: {  	s20 =	simm.s32 $0x87B8;
	s21 =	sadd.s32 $0x70, s12;
	s12 =	sadd.s32 $0x1000, s12  }
.LBB2_5:
0x133: {  	[hbm4b:s21+s5] =	stream.linear.scatter [tilespmem:s20], [sflag:$0xD], $0x80, $0x38;
	[tilespmem:$0xCA00] =	vst v63  }
0x134: {  	s20 =	smov.u32 s11;
	s11 =	smov.u32 s13  }
0x135: {  	s15 =	sadd.s32 $0x1100, s13;
	s11 =	sshra.s32 s11, $0x2;
	s21 =	sadd.s32 $0x8400, s20  }
0x136: {  	[hbm4b:s12+s5] =	stream.linear.scatter [tilespmem:s21], [sflag:$0xD], $0x80, $0x38;
	[tilespmem:$0xCA00] =	vst v63  }
0x137: {  	p1 =	sne.s32 s13, $0x7700;
	s13 =	sadd.s32 $0x8488, s20;
	s21 =	sadd.s32 $0x10, s12  }
0x138: {  	[hbm4b:s21+s5] =	stream.linear.scatter [tilespmem:s13], [sflag:$0xD], $0x80, $0x38;
	[tilespmem:$0xCA00] =	vst v63  }
0x139: {  	s13 =	sadd.s32 $0x8510, s20;
	s21 =	sadd.s32 $0x20, s12  }
0x13a: {  	[hbm4b:s21+s5] =	stream.linear.scatter [tilespmem:s13], [sflag:$0xD], $0x80, $0x38;
	[tilespmem:$0xCA00] =	vst v63  }
0x13b: {  	s13 =	sadd.s32 $0x8598, s20;
	s21 =	sadd.s32 $0x30, s12  }
0x13c: {  	[hbm4b:s21+s5] =	stream.linear.scatter [tilespmem:s13], [sflag:$0xD], $0x80, $0x38;
	[tilespmem:$0xCA00] =	vst v63  }
0x13d: {  	s13 =	sadd.s32 $0x8620, s20;
	s21 =	sadd.s32 $0x40, s12  }
0x13e: {  	[hbm4b:s21+s5] =	stream.linear.scatter [tilespmem:s13], [sflag:$0xD], $0x80, $0x38;
	[tilespmem:$0xCA00] =	vst v63  }
.Ltmp1:
0x13f: {  	s13 =	sadd.s32 $0x86A8, s20;
	s21 =	sadd.s32 $0x50, s12;
	(pc) =	sbr.rel @p1 .LBB2_5-.Ltmp1, $4  }
0x140: {  	[hbm4b:s21+s5] =	stream.linear.scatter [tilespmem:s13], [sflag:$0xD], $0x80, $0x38;
	[tilespmem:$0xCA00] =	vst v63  }
0x141: {  	s13 =	sadd.s32 $0x8730, s20;
	s21 =	sadd.s32 $0x60, s12;
	s20 =	sadd.s32 $0x87B8, s20  }
0x142: {  	[hbm4b:s21+s5] =	stream.linear.scatter [tilespmem:s13], [sflag:$0xD], $0x80, $0x38;
	[tilespmem:$0xCA00] =	vst v63  }
0x143: {  	s21 =	sadd.s32 $0x70, s12;
	s12 =	sadd.s32 $0x1000, s12;
	s13 =	smov.u32 s15  }
0x144: {  	[hbm4b:s21+s5] =	stream.linear.scatter [tilespmem:s20], [sflag:$0xD], $0x80, $0x38;
	[tilespmem:$0xCA00] =	vst v63  }
0x145: {  	s13 =	sadd.s32 $0x8400, s11  }
0x146: {  	[hbm4b:s12+s5] =	stream.linear.scatter [tilespmem:s13], [sflag:$0xD], $0x80, $0x38;
	[tilespmem:$0xCA00] =	vst v63  }
0x147: {  	s21 =	sadd.s32 $0x8488, s11;
	s15 =	sadd.s32 $0x10, s12  }
0x148: {  	[hbm4b:s15+s5] =	stream.linear.scatter [tilespmem:s21], [sflag:$0xD], $0x80, $0x38;
	[tilespmem:$0xCA00] =	vst v63  }
0x149: {  	s20 =	sadd.s32 $0x8510, s11;
	s21 =	sadd.s32 $0x20, s12  }
0x14a: {  	[hbm4b:s21+s5] =	stream.linear.scatter [tilespmem:s20], [sflag:$0xD], $0x80, $0x38;
	[tilespmem:$0xCA00] =	vst v63  }
0x14b: {  	s20 =	sadd.s32 $0x8598, s11;
	s21 =	sadd.s32 $0x30, s12  }
0x14c: {  	[hbm4b:s21+s5] =	stream.linear.scatter [tilespmem:s20], [sflag:$0xD], $0x80, $0x38;
	[tilespmem:$0xCA00] =	vst v63  }
0x14d: {  	s20 =	sadd.s32 $0x8620, s11;
	s21 =	sadd.s32 $0x40, s12  }
0x14e: {  	[hbm4b:s21+s5] =	stream.linear.scatter [tilespmem:s20], [sflag:$0xD], $0x80, $0x38;
	[tilespmem:$0xCA00] =	vst v63  }
0x14f: {  	s20 =	sadd.s32 $0x86A8, s11;
	s21 =	sadd.s32 $0x50, s12  }
0x150: {  	[hbm4b:s21+s5] =	stream.linear.scatter [tilespmem:s20], [sflag:$0xD], $0x80, $0x38;
	[tilespmem:$0xCA00] =	vst v63  }
0x151: {  	s20 =	sadd.s32 $0x8730, s11;
	s21 =	sadd.s32 $0x60, s12  }
0x152: {  	[hbm4b:s21+s5] =	stream.linear.scatter [tilespmem:s20], [sflag:$0xD], $0x80, $0x38;
	[tilespmem:$0xCA00] =	vst v63  }
0x153: {  	s20 =	sadd.s32 $0x87B8, s11;
	s21 =	sadd.s32 $0x70, s12;
	s12 =	simm.s32 $0x7  }
0x154: {  	[hbm4b:s21+s5] =	stream.linear.scatter [tilespmem:s20], [sflag:$0xD], $0x80, $0x38;
	[tilespmem:$0xCA00] =	vst v63  }
0x155: {  	_ =	swait.ge [sflag:s12], $0x2000  }
0x156: {  	[sflag:s12] =	ssyncset.done $0x0  }
0x157: {  	s13 =	simm.s32 $0x300;
	s21 =	simm.s32 $0x4400;
	[sflag:s12] =	ssyncadd.s32 $0xFFFFE000  }
0x158: {  	[tilespmem:s21], [sflag:$0xB] =	stream.indirect.gather.add.f32 [hbm:s9], $0x40, s13, s23, $0xb8;
	[tilespmem:$0xCA00] =	vst v63  }
0x159: {  	_ =	swait.ge [sflag:s16], $0x80  }
0x15a: {  	p1 =	sne.s32 s25, $0x31;
	[sflag:s16] =	ssyncset.done $0x0  }
.Ltmp2:
0x15b: {  	[sflag:s16] =	ssyncadd.s32 $0xFFFFFF80;
	(pc) =	sbr.rel @p1 .LBB2_8-.Ltmp2, $4  }
0x15c: {  	_ =	swait.ge [sflag:s16], $0x80  }
0x15d: {  	[sflag:s16] =	ssyncset.done $0x0  }
0x15e: {  	s15 =	simm.s32 $0x180;
	s20 =	simm.s32 $0x6400;
	[sflag:s16] =	ssyncadd.s32 $0xFFFFFF80  }
0x15f: {  	[tilespmem:s20], [sflag:$0x8] =	stream.indirect.gather [hbm4b:s7+s23], $0x40, s15, s23, $0xb8;
	[tilespmem:$0xCA00] =	vst v63  }
.Ltmp3:
0x160: {  	(pc) =	sbr.rel .LBB2_9-.Ltmp3, $4  }
0x161: {  	_ = 	snop  }
0x162: {  	_ =	swait.ge [sflag:s3], $0x2000  }
0x163: {  	[sflag:s3] =	ssyncset.done $0x0  }
0x164: {  	[sflag:s3] =	ssyncadd.s32 $0xFFFFE000  }
.LBB2_8:
0x165: {  	s11 =	rddreg [dreg:$0xc]  }
0x166: {  	s11 =	sadd.s32 s18, s11  }
0x167: {  	s12 =	sshll.u32 s11, $0x7;
	s13 =	sshll.u32 s11, $0xA  }
0x168: {  	s11 =	sshll.u32 s11, $0x2;
	s12 =	sand.u32 $0x7FFF8000, s12;
	s13 =	sand.u32 $0x7000, s13  }
0x169: {  	s11 =	sand.u32 $0x380, s11;
	s12 =	sor.u32 s13, s12  }
0x16a: {  	s11 =	sor.u32 s11, s12  }
0x16b: {  	s11 =	sshrl.u32 s11, $0x3  }
0x16c: {  	s15 =	sadd.s32 s1, s11  }
0x16d: {  	[tilespmem:s5], [sflag:$0x1] =	stream.linear.gather [hbm4b:s15+s5], $0x80, $0x38;
	[tilespmem:$0xCA00] =	vst v63  }
.Ltmp4:
0x16e: {  	s20 =	simm.s32 $0x200;
	s11 =	sadd.s32 s2, s11;
	(pc) =	sbr.rel @p0 .LBB2_10-.Ltmp4, $4  }
0x16f: {  	[tilespmem:s20], [sflag:$0x1] =	stream.linear.gather [hbm4b:s11+s5], $0x80, $0x38;
	[tilespmem:$0xCA00] =	vst v63  }
0x170: {  	_ =	swait.ge [sflag:s3], $0x2000  }
0x171: {  	[sflag:s3] =	ssyncset.done $0x0  }
0x172: {  	[sflag:s3] =	ssyncadd.s32 $0xFFFFE000  }
.LBB2_9:
0x173: {  	_ =	swait.ge [sflag:s0], $0x2000  }
0x174: {  	[sflag:s0] =	ssyncset.done $0x0  }
0x175: {  	[sflag:s0] =	ssyncadd.s32 $0xFFFFE000  }
.LBB2_10:
0x176: {  	s11 =	sadd.s32 s6, s10  }
0x177: {  	s10 =	sshrl.u32 s11, $0x5  }
0x178: {  	s12 =	ssub.s32 s10, s8  }
0x179: {  	s12 =	sshll.u32 s12, $0x8  }
0x17a: {  	s15 =	simm.s32 $0x0;
	s13 =	sshra.s32 s12, $0x2  }
0x17b: {  	v4 =	vmov s15;
	s12 =	simm.s32 $0x24F0;
	v5 =	vld [tilespmem:s13+$0xC800]  }
0x17c: {  	v9 =	vand.u32 $0x78, v4;
	v8 =	vld [tilespmem:s12+$0xFFFFFF10]  }
0x17d: {  	v10 =	vand.u32 $0x4, v4;
	v11 =	vadd.s32 v0, v9  }
0x17e: {  	v12 =	vor.u32 v10, v11;
	_ =	sdelay $0x2  }
0x17f: {  	v7 =	vld [tilespmem:s13+$0xC810];
	v8 =	vadd.f32 v8, v5  }
0x180: {  	v6 =	vld [tilespmem:s13+$0xC820]  }
0x181: {  	v4 =	vld [tilespmem:s13+$0xC830];
	[tilespmem:v12+s28+$0x0] =	vst.idx.msk $0xffff, v8  }
0x182: {  	v8 =	vld [tilespmem:s12+$0xFFFFFF20]  }
0x183: {  	v54 =	vadd.s32 v1, v9  }
0x184: {  	v13 =	vor.u32 v10, v54;
	_ =	sdelay $0x2  }
0x185: {  	v8 =	vadd.f32 v8, v7;
	_ =	sdelay $0x1  }
0x186: {  	[tilespmem:v13+s28+$0x0] =	vst.idx.msk $0xffff, v8  }
0x187: {  	v8 =	vld [tilespmem:s12+$0xFFFFFF30]  }
0x188: {  	v55 =	vadd.s32 v2, v9  }
0x189: {  	v14 =	vor.u32 v10, v55;
	_ =	sdelay $0x2  }
0x18a: {  	v8 =	vadd.f32 v8, v6;
	_ =	sdelay $0x1  }
0x18b: {  	[tilespmem:v14+s28+$0x0] =	vst.idx.msk $0xffff, v8  }
0x18c: {  	v8 =	vld [tilespmem:s12+$0xFFFFFF40]  }
0x18d: {  	v9 =	vadd.s32 v3, v9  }
0x18e: {  	v56 =	vor.u32 v10, v9;
	_ =	sdelay $0x2  }
0x18f: {  	v8 =	vadd.f32 v8, v4;
	_ =	sdelay $0x1  }
0x190: {  	[tilespmem:v56+s28+$0x0] =	vst.idx.msk $0xffff, v8  }
0x191: {  	v8 =	vld [tilespmem:s12+$0xFFFFFF50]  }
0x192: {  	v57 =	vor.u32 $0x1, v10  }
0x193: {  	v15 =	vor.u32 v57, v11;
	_ =	sdelay $0x2  }
0x194: {  	v8 =	vadd.f32 v8, v5;
	_ =	sdelay $0x1  }
0x195: {  	[tilespmem:v15+s28+$0x0] =	vst.idx.msk $0xffff, v8  }
0x196: {  	v8 =	vld [tilespmem:s12+$0xFFFFFF60];
	_ =	sdelay $0x1  }
0x197: {  	v58 =	vor.u32 v57, v54;
	_ =	sdelay $0x2  }
0x198: {  	v8 =	vadd.f32 v8, v7;
	_ =	sdelay $0x1  }
0x199: {  	[tilespmem:v58+s28+$0x0] =	vst.idx.msk $0xffff, v8  }
0x19a: {  	v8 =	vld [tilespmem:s12+$0xFFFFFF70];
	_ =	sdelay $0x1  }
0x19b: {  	v59 =	vor.u32 v57, v55;
	_ =	sdelay $0x2  }
0x19c: {  	v8 =	vadd.f32 v8, v6;
	_ =	sdelay $0x1  }
0x19d: {  	[tilespmem:v59+s28+$0x0] =	vst.idx.msk $0xffff, v8  }
0x19e: {  	v8 =	vld [tilespmem:s12+$0xFFFFFF80];
	_ =	sdelay $0x1  }
0x19f: {  	v14 =	vor.u32 v57, v9;
	_ =	sdelay $0x2  }
0x1a0: {  	v8 =	vadd.f32 v8, v4;
	_ =	sdelay $0x1  }
0x1a1: {  	[tilespmem:v14+s28+$0x0] =	vst.idx.msk $0xffff, v8  }
0x1a2: {  	v8 =	vld [tilespmem:s12+$0xFFFFFF90]  }
0x1a3: {  	v60 =	vor.u32 $0x2, v10  }
0x1a4: {  	v61 =	vor.u32 v60, v11;
	_ =	sdelay $0x2  }
0x1a5: {  	v8 =	vadd.f32 v8, v5;
	_ =	sdelay $0x1  }
0x1a6: {  	[tilespmem:v61+s28+$0x0] =	vst.idx.msk $0xffff, v8  }
0x1a7: {  	v8 =	vld [tilespmem:s12+$0xFFFFFFA0];
	_ =	sdelay $0x1  }
0x1a8: {  	v62 =	vor.u32 v60, v54;
	_ =	sdelay $0x2  }
0x1a9: {  	v8 =	vadd.f32 v8, v7;
	_ =	sdelay $0x1  }
0x1aa: {  	[tilespmem:v62+s28+$0x0] =	vst.idx.msk $0xffff, v8  }
0x1ab: {  	v8 =	vld [tilespmem:s12+$0xFFFFFFB0];
	_ =	sdelay $0x1  }
0x1ac: {  	v63 =	vor.u32 v60, v55;
	_ =	sdelay $0x2  }
0x1ad: {  	v8 =	vadd.f32 v8, v6;
	_ =	sdelay $0x1  }
0x1ae: {  	[tilespmem:v63+s28+$0x0] =	vst.idx.msk $0xffff, v8  }
0x1af: {  	v8 =	vld [tilespmem:s12+$0xFFFFFFC0];
	_ =	sdelay $0x1  }
0x1b0: {  	v14 =	vor.u32 v60, v9;
	_ =	sdelay $0x2  }
0x1b1: {  	v8 =	vadd.f32 v8, v4;
	_ =	sdelay $0x1  }
0x1b2: {  	[tilespmem:v14+s28+$0x0] =	vst.idx.msk $0xffff, v8  }
0x1b3: {  	v8 =	vld [tilespmem:s12+$0xFFFFFFD0]  }
0x1b4: {  	v10 =	vor.u32 $0x3, v10  }
0x1b5: {  	v11 =	vor.u32 v10, v11;
	_ =	sdelay $0x2  }
0x1b6: {  	v8 =	vadd.f32 v8, v5;
	_ =	sdelay $0x1  }
0x1b7: {  	[tilespmem:v11+s28+$0x0] =	vst.idx.msk $0xffff, v8  }
0x1b8: {  	v8 =	vld [tilespmem:s12+$0xFFFFFFE0];
	_ =	sdelay $0x1  }
0x1b9: {  	v11 =	vor.u32 v10, v54;
	_ =	sdelay $0x2  }
0x1ba: {  	v8 =	vadd.f32 v8, v7;
	_ =	sdelay $0x1  }
0x1bb: {  	[tilespmem:v11+s28+$0x0] =	vst.idx.msk $0xffff, v8  }
0x1bc: {  	v8 =	vld [tilespmem:s12+$0xFFFFFFF0];
	_ =	sdelay $0x1  }
0x1bd: {  	v11 =	vor.u32 v10, v55;
	_ =	sdelay $0x2  }
0x1be: {  	v8 =	vadd.f32 v8, v6;
	_ =	sdelay $0x1  }
0x1bf: {  	[tilespmem:v11+s28+$0x0] =	vst.idx.msk $0xffff, v8  }
0x1c0: {  	v11 =	vld [tilespmem:s12+$0x0];
	_ =	sdelay $0x1  }
0x1c1: {  	v8 =	vor.u32 v10, v9;
	_ =	sdelay $0x2  }
0x1c2: {  	s20 =	simm.s32 $0x8;
	s13 =	simm.s32 $0x4;
	v9 =	vadd.f32 v11, v4  }
.LBB2_11:
0x1c3: {  	p0 =	sne.s32 s20, $0x7C  }
0x1c4: {  	v10 =	vmov s13;
	s12 =	sadd.s32 $0x100, s12;
	s13 =	smov.u32 s20;
	s20 =	sadd.s32 $0x4, s20;
	[tilespmem:v8+s28+$0x0] =	vst.idx.msk $0xffff, v9  }
0x1c5: {  	v9 =	vand.u32 $0x78, v10;
	v8 =	vld [tilespmem:s12+$0xFFFFFF10]  }
0x1c6: {  	v10 =	vand.u32 $0x4, v10;
	v11 =	vadd.s32 v0, v9;
	v12 =	vadd.s32 v1, v9  }
0x1c7: {  	v15 =	vadd.s32 v2, v9;
	v13 =	vor.u32 v10, v11;
	v14 =	vor.u32 v10, v12  }
0x1c8: {  	v17 =	vadd.s32 v3, v9;
	v9 =	vor.u32 $0x1, v10;
	v16 =	vor.u32 v10, v15  }
0x1c9: {  	v18 =	vor.u32 v10, v17;
	v19 =	vor.u32 v9, v11;
	v20 =	vor.u32 v9, v12  }
0x1ca: {  	v21 =	vor.u32 v9, v15;
	v22 =	vor.u32 v9, v17;
	v8 =	vadd.f32 v8, v5  }
0x1cb: {  	v23 =	vor.u32 $0x3, v10;
	v9 =	vor.u32 $0x2, v10  }
0x1cc: {  	v24 =	vor.u32 v9, v12;
	[tilespmem:v13+s28+$0x0] =	vst.idx.msk $0xffff, v8;
	v13 =	vor.u32 v9, v11  }
0x1cd: {  	v26 =	vor.u32 v9, v15;
	v27 =	vor.u32 v9, v17;
	v11 =	vor.u32 v23, v11;
	v25 =	vld [tilespmem:s12+$0xFFFFFF20]  }
0x1ce: {  	v10 =	vor.u32 v23, v12;
	v9 =	vor.u32 v23, v15;
	v8 =	vor.u32 v23, v17;
	_ =	sdelay $0x3  }
0x1cf: {  	v12 =	vadd.f32 v25, v7;
	_ =	sdelay $0x1  }
0x1d0: {  	[tilespmem:v14+s28+$0x0] =	vst.idx.msk $0xffff, v12  }
0x1d1: {  	v12 =	vld [tilespmem:s12+$0xFFFFFF30];
	_ =	sdelay $0x4  }
0x1d2: {  	v12 =	vadd.f32 v12, v6;
	_ =	sdelay $0x1  }
0x1d3: {  	[tilespmem:v16+s28+$0x0] =	vst.idx.msk $0xffff, v12  }
0x1d4: {  	v12 =	vld [tilespmem:s12+$0xFFFFFF40];
	_ =	sdelay $0x4  }
0x1d5: {  	v12 =	vadd.f32 v12, v4;
	_ =	sdelay $0x1  }
0x1d6: {  	[tilespmem:v18+s28+$0x0] =	vst.idx.msk $0xffff, v12  }
0x1d7: {  	v12 =	vld [tilespmem:s12+$0xFFFFFF50];
	_ =	sdelay $0x4  }
0x1d8: {  	v12 =	vadd.f32 v12, v5;
	_ =	sdelay $0x1  }
0x1d9: {  	[tilespmem:v19+s28+$0x0] =	vst.idx.msk $0xffff, v12  }
0x1da: {  	v12 =	vld [tilespmem:s12+$0xFFFFFF60];
	_ =	sdelay $0x4  }
0x1db: {  	v12 =	vadd.f32 v12, v7;
	_ =	sdelay $0x1  }
0x1dc: {  	[tilespmem:v20+s28+$0x0] =	vst.idx.msk $0xffff, v12  }
0x1dd: {  	v12 =	vld [tilespmem:s12+$0xFFFFFF70];
	_ =	sdelay $0x4  }
0x1de: {  	v12 =	vadd.f32 v12, v6;
	_ =	sdelay $0x1  }
0x1df: {  	[tilespmem:v21+s28+$0x0] =	vst.idx.msk $0xffff, v12  }
0x1e0: {  	v12 =	vld [tilespmem:s12+$0xFFFFFF80];
	_ =	sdelay $0x4  }
0x1e1: {  	v12 =	vadd.f32 v12, v4;
	_ =	sdelay $0x1  }
0x1e2: {  	[tilespmem:v22+s28+$0x0] =	vst.idx.msk $0xffff, v12  }
0x1e3: {  	v12 =	vld [tilespmem:s12+$0xFFFFFF90];
	_ =	sdelay $0x4  }
0x1e4: {  	v12 =	vadd.f32 v12, v5;
	_ =	sdelay $0x1  }
0x1e5: {  	[tilespmem:v13+s28+$0x0] =	vst.idx.msk $0xffff, v12  }
0x1e6: {  	v12 =	vld [tilespmem:s12+$0xFFFFFFA0];
	_ =	sdelay $0x4  }
0x1e7: {  	v12 =	vadd.f32 v12, v7;
	_ =	sdelay $0x1  }
0x1e8: {  	[tilespmem:v24+s28+$0x0] =	vst.idx.msk $0xffff, v12  }
0x1e9: {  	v12 =	vld [tilespmem:s12+$0xFFFFFFB0];
	_ =	sdelay $0x4  }
0x1ea: {  	v12 =	vadd.f32 v12, v6;
	_ =	sdelay $0x1  }
0x1eb: {  	[tilespmem:v26+s28+$0x0] =	vst.idx.msk $0xffff, v12  }
0x1ec: {  	v12 =	vld [tilespmem:s12+$0xFFFFFFC0];
	_ =	sdelay $0x4  }
0x1ed: {  	v12 =	vadd.f32 v12, v4;
	_ =	sdelay $0x1  }
0x1ee: {  	[tilespmem:v27+s28+$0x0] =	vst.idx.msk $0xffff, v12  }
0x1ef: {  	v12 =	vld [tilespmem:s12+$0xFFFFFFD0];
	_ =	sdelay $0x4  }
0x1f0: {  	v12 =	vadd.f32 v12, v5;
	_ =	sdelay $0x1  }
0x1f1: {  	[tilespmem:v11+s28+$0x0] =	vst.idx.msk $0xffff, v12  }
0x1f2: {  	v11 =	vld [tilespmem:s12+$0xFFFFFFE0];
	_ =	sdelay $0x4  }
0x1f3: {  	v11 =	vadd.f32 v11, v7;
	_ =	sdelay $0x1  }
0x1f4: {  	[tilespmem:v10+s28+$0x0] =	vst.idx.msk $0xffff, v11  }
0x1f5: {  	v10 =	vld [tilespmem:s12+$0xFFFFFFF0];
	_ =	sdelay $0x4  }
0x1f6: {  	v10 =	vadd.f32 v10, v6;
	_ =	sdelay $0x1  }
0x1f7: {  	[tilespmem:v9+s28+$0x0] =	vst.idx.msk $0xffff, v10  }
0x1f8: {  	v9 =	vld [tilespmem:s12+$0x0]  }
.Ltmp5:
0x1f9: {  	(pc) =	sbr.rel @p0 .LBB2_11-.Ltmp5, $2  }
0x1fa: {  	_ =	sdelay $0x2  }
0x1fb: {  	v9 =	vadd.f32 v9, v4  }
0x1fc: {  	_ =	sdelay $0x3  }
0x1fd: {  	v10 =	vmov s13;
	s12 =	sadd.s32 $0x100, s12;
	[tilespmem:v8+s28+$0x0] =	vst.idx.msk $0xffff, v9  }
0x1fe: {  	v50 =	vand.u32 $0x78, v10;
	v8 =	vld [tilespmem:s12+$0xFFFFFF10]  }
0x1ff: {  	v10 =	vand.u32 $0x4, v10;
	v11 =	vadd.s32 v0, v50  }
0x200: {  	v12 =	vor.u32 v10, v11;
	_ =	sdelay $0x2  }
0x201: {  	v8 =	vadd.f32 v8, v5;
	_ =	sdelay $0x1  }
0x202: {  	[tilespmem:v12+s28+$0x0] =	vst.idx.msk $0xffff, v8  }
0x203: {  	v8 =	vld [tilespmem:s12+$0xFFFFFF20]  }
0x204: {  	v51 =	vadd.s32 v1, v50  }
0x205: {  	v13 =	vor.u32 v10, v51;
	_ =	sdelay $0x2  }
0x206: {  	v8 =	vadd.f32 v8, v7;
	_ =	sdelay $0x1  }
0x207: {  	[tilespmem:v13+s28+$0x0] =	vst.idx.msk $0xffff, v8  }
0x208: {  	v8 =	vld [tilespmem:s12+$0xFFFFFF30]  }
0x209: {  	v52 =	vadd.s32 v2, v50  }
0x20a: {  	v14 =	vor.u32 v10, v52;
	_ =	sdelay $0x2  }
0x20b: {  	v8 =	vadd.f32 v8, v6;
	_ =	sdelay $0x1  }
0x20c: {  	[tilespmem:v14+s28+$0x0] =	vst.idx.msk $0xffff, v8  }
0x20d: {  	v8 =	vld [tilespmem:s12+$0xFFFFFF40]  }
0x20e: {  	v9 =	vadd.s32 v3, v50  }
0x20f: {  	v53 =	vor.u32 v10, v9;
	_ =	sdelay $0x2  }
0x210: {  	v8 =	vadd.f32 v8, v4;
	_ =	sdelay $0x1  }
0x211: {  	[tilespmem:v53+s28+$0x0] =	vst.idx.msk $0xffff, v8  }
0x212: {  	v8 =	vld [tilespmem:s12+$0xFFFFFF50]  }
0x213: {  	v54 =	vor.u32 $0x1, v10  }
0x214: {  	v15 =	vor.u32 v54, v11;
	_ =	sdelay $0x2  }
0x215: {  	v8 =	vadd.f32 v8, v5;
	_ =	sdelay $0x1  }
0x216: {  	[tilespmem:v15+s28+$0x0] =	vst.idx.msk $0xffff, v8  }
0x217: {  	v8 =	vld [tilespmem:s12+$0xFFFFFF60];
	_ =	sdelay $0x1  }
0x218: {  	v55 =	vor.u32 v54, v51;
	_ =	sdelay $0x2  }
0x219: {  	v8 =	vadd.f32 v8, v7;
	_ =	sdelay $0x1  }
0x21a: {  	[tilespmem:v55+s28+$0x0] =	vst.idx.msk $0xffff, v8  }
0x21b: {  	v8 =	vld [tilespmem:s12+$0xFFFFFF70];
	_ =	sdelay $0x1  }
0x21c: {  	v56 =	vor.u32 v54, v52;
	_ =	sdelay $0x2  }
0x21d: {  	v8 =	vadd.f32 v8, v6;
	_ =	sdelay $0x1  }
0x21e: {  	[tilespmem:v56+s28+$0x0] =	vst.idx.msk $0xffff, v8  }
0x21f: {  	v8 =	vld [tilespmem:s12+$0xFFFFFF80];
	_ =	sdelay $0x1  }
0x220: {  	v14 =	vor.u32 v54, v9;
	_ =	sdelay $0x2  }
0x221: {  	v8 =	vadd.f32 v8, v4;
	_ =	sdelay $0x1  }
0x222: {  	[tilespmem:v14+s28+$0x0] =	vst.idx.msk $0xffff, v8  }
0x223: {  	v8 =	vld [tilespmem:s12+$0xFFFFFF90]  }
0x224: {  	v57 =	vor.u32 $0x2, v10  }
0x225: {  	v58 =	vor.u32 v57, v11;
	_ =	sdelay $0x2  }
0x226: {  	v8 =	vadd.f32 v8, v5;
	_ =	sdelay $0x1  }
0x227: {  	[tilespmem:v58+s28+$0x0] =	vst.idx.msk $0xffff, v8  }
0x228: {  	v8 =	vld [tilespmem:s12+$0xFFFFFFA0];
	_ =	sdelay $0x1  }
0x229: {  	v59 =	vor.u32 v57, v51;
	_ =	sdelay $0x2  }
0x22a: {  	v8 =	vadd.f32 v8, v7;
	_ =	sdelay $0x1  }
0x22b: {  	[tilespmem:v59+s28+$0x0] =	vst.idx.msk $0xffff, v8  }
0x22c: {  	v8 =	vld [tilespmem:s12+$0xFFFFFFB0];
	_ =	sdelay $0x1  }
0x22d: {  	v60 =	vor.u32 v57, v52;
	_ =	sdelay $0x2  }
0x22e: {  	v8 =	vadd.f32 v8, v6;
	_ =	sdelay $0x1  }
0x22f: {  	[tilespmem:v60+s28+$0x0] =	vst.idx.msk $0xffff, v8  }
0x230: {  	v8 =	vld [tilespmem:s12+$0xFFFFFFC0];
	_ =	sdelay $0x1  }
0x231: {  	v14 =	vor.u32 v57, v9;
	_ =	sdelay $0x2  }
0x232: {  	v8 =	vadd.f32 v8, v4;
	_ =	sdelay $0x1  }
0x233: {  	[tilespmem:v14+s28+$0x0] =	vst.idx.msk $0xffff, v8  }
0x234: {  	v8 =	vld [tilespmem:s12+$0xFFFFFFD0]  }
0x235: {  	v10 =	vor.u32 $0x3, v10  }
0x236: {  	v11 =	vor.u32 v10, v11;
	_ =	sdelay $0x2  }
0x237: {  	v5 =	vadd.f32 v8, v5;
	_ =	sdelay $0x1  }
0x238: {  	[tilespmem:v11+s28+$0x0] =	vst.idx.msk $0xffff, v5  }
0x239: {  	v5 =	vld [tilespmem:s12+$0xFFFFFFE0];
	_ =	sdelay $0x1  }
0x23a: {  	v61 =	vor.u32 v10, v51;
	_ =	sdelay $0x2  }
0x23b: {  	v5 =	vadd.f32 v5, v7;
	_ =	sdelay $0x1  }
0x23c: {  	[tilespmem:v61+s28+$0x0] =	vst.idx.msk $0xffff, v5  }
0x23d: {  	v5 =	vld [tilespmem:s12+$0xFFFFFFF0];
	_ =	sdelay $0x1  }
0x23e: {  	v62 =	vor.u32 v10, v52;
	_ =	sdelay $0x2  }
0x23f: {  	v5 =	vadd.f32 v5, v6;
	_ =	sdelay $0x1  }
0x240: {  	[tilespmem:v62+s28+$0x0] =	vst.idx.msk $0xffff, v5  }
0x241: {  	v5 =	vld [tilespmem:s12+$0x0];
	_ =	sdelay $0x1  }
0x242: {  	v63 =	vor.u32 v10, v9;
	_ =	sdelay $0x1  }
0x243: {  	s11 =	sshll.u32 s11, $0x7  }
0x244: {  	s11 =	sand.u32 $0xE80, s11;
	v4 =	vadd.f32 v5, v4  }
0x245: {  	s10 =	sshll.u32 s10, $0xF;
	s11 =	sadd.s32 s4, s11  }
0x246: {  	s20 =	simm.s32 $0xA600;
	s11 =	sadd.s32 s10, s11;
	[tilespmem:v63+s28+$0x0] =	vst.idx.msk $0xffff, v4  }
0x247: {  	[hbm4b:s11+s5] =	stream.linear.scatter [tilespmem:s20], [sflag:$0xE], $0x80, $0x38;
	[tilespmem:$0xCA00] =	vst v63  }
0x248: {  	s13 =	sadd.s32 $0x10, s11;
	s12 =	simm.s32 $0xA688  }
0x249: {  	[hbm4b:s13+s5] =	stream.linear.scatter [tilespmem:s12], [sflag:$0xE], $0x80, $0x38;
	[tilespmem:$0xCA00] =	vst v63  }
0x24a: {  	s15 =	simm.s32 $0xA710;
	s20 =	sadd.s32 $0x20, s11  }
0x24b: {  	[hbm4b:s20+s5] =	stream.linear.scatter [tilespmem:s15], [sflag:$0xE], $0x80, $0x38;
	[tilespmem:$0xCA00] =	vst v63  }
0x24c: {  	s12 =	simm.s32 $0xA798;
	s13 =	sadd.s32 $0x30, s11  }
0x24d: {  	[hbm4b:s13+s5] =	stream.linear.scatter [tilespmem:s12], [sflag:$0xE], $0x80, $0x38;
	[tilespmem:$0xCA00] =	vst v63  }
0x24e: {  	s15 =	simm.s32 $0xA820;
	s20 =	sadd.s32 $0x40, s11  }
0x24f: {  	[hbm4b:s20+s5] =	stream.linear.scatter [tilespmem:s15], [sflag:$0xE], $0x80, $0x38;
	[tilespmem:$0xCA00] =	vst v63  }
0x250: {  	s10 =	simm.s32 $0x440;
	s12 =	simm.s32 $0xA8A8;
	s13 =	sadd.s32 $0x50, s11  }
0x251: {  	[hbm4b:s13+s5] =	stream.linear.scatter [tilespmem:s12], [sflag:$0xE], $0x80, $0x38;
	[tilespmem:$0xCA00] =	vst v63  }
0x252: {  	s15 =	simm.s32 $0xA930;
	s20 =	sadd.s32 $0x60, s11;
	s12 =	simm.s32 $0x2200  }
0x253: {  	[hbm4b:s20+s5] =	stream.linear.scatter [tilespmem:s15], [sflag:$0xE], $0x80, $0x38;
	[tilespmem:$0xCA00] =	vst v63  }
0x254: {  	s13 =	simm.s32 $0xA9B8;
	s20 =	sadd.s32 $0x70, s11;
	s11 =	sadd.s32 $0x1000, s11  }
.LBB2_13:
0x255: {  	[hbm4b:s20+s5] =	stream.linear.scatter [tilespmem:s13], [sflag:$0xE], $0x80, $0x38;
	[tilespmem:$0xCA00] =	vst v63  }
0x256: {  	s13 =	smov.u32 s10;
	s10 =	smov.u32 s12  }
0x257: {  	s15 =	sadd.s32 $0x1100, s12;
	s10 =	sshra.s32 s10, $0x2;
	s20 =	sadd.s32 $0xA600, s13  }
0x258: {  	[hbm4b:s11+s5] =	stream.linear.scatter [tilespmem:s20], [sflag:$0xE], $0x80, $0x38;
	[tilespmem:$0xCA00] =	vst v63  }
0x259: {  	p0 =	sne.s32 s12, $0x7700;
	s12 =	sadd.s32 $0xA688, s13;
	s20 =	sadd.s32 $0x10, s11  }
0x25a: {  	[hbm4b:s20+s5] =	stream.linear.scatter [tilespmem:s12], [sflag:$0xE], $0x80, $0x38;
	[tilespmem:$0xCA00] =	vst v63  }
0x25b: {  	s12 =	sadd.s32 $0xA710, s13;
	s20 =	sadd.s32 $0x20, s11  }
0x25c: {  	[hbm4b:s20+s5] =	stream.linear.scatter [tilespmem:s12], [sflag:$0xE], $0x80, $0x38;
	[tilespmem:$0xCA00] =	vst v63  }
0x25d: {  	s12 =	sadd.s32 $0xA798, s13;
	s20 =	sadd.s32 $0x30, s11  }
0x25e: {  	[hbm4b:s20+s5] =	stream.linear.scatter [tilespmem:s12], [sflag:$0xE], $0x80, $0x38;
	[tilespmem:$0xCA00] =	vst v63  }
0x25f: {  	s12 =	sadd.s32 $0xA820, s13;
	s20 =	sadd.s32 $0x40, s11  }
0x260: {  	[hbm4b:s20+s5] =	stream.linear.scatter [tilespmem:s12], [sflag:$0xE], $0x80, $0x38;
	[tilespmem:$0xCA00] =	vst v63  }
.Ltmp6:
0x261: {  	s12 =	sadd.s32 $0xA8A8, s13;
	s20 =	sadd.s32 $0x50, s11;
	(pc) =	sbr.rel @p0 .LBB2_13-.Ltmp6, $4  }
0x262: {  	[hbm4b:s20+s5] =	stream.linear.scatter [tilespmem:s12], [sflag:$0xE], $0x80, $0x38;
	[tilespmem:$0xCA00] =	vst v63  }
0x263: {  	s12 =	sadd.s32 $0xA930, s13;
	s20 =	sadd.s32 $0x60, s11;
	s13 =	sadd.s32 $0xA9B8, s13  }
0x264: {  	[hbm4b:s20+s5] =	stream.linear.scatter [tilespmem:s12], [sflag:$0xE], $0x80, $0x38;
	[tilespmem:$0xCA00] =	vst v63  }
0x265: {  	s20 =	sadd.s32 $0x70, s11;
	s11 =	sadd.s32 $0x1000, s11;
	s12 =	smov.u32 s15  }
0x266: {  	[hbm4b:s20+s5] =	stream.linear.scatter [tilespmem:s13], [sflag:$0xE], $0x80, $0x38;
	[tilespmem:$0xCA00] =	vst v63  }
0x267: {  	s12 =	sadd.s32 $0xA600, s10  }
0x268: {  	[hbm4b:s11+s5] =	stream.linear.scatter [tilespmem:s12], [sflag:$0xE], $0x80, $0x38;
	[tilespmem:$0xCA00] =	vst v63  }
0x269: {  	s15 =	sadd.s32 $0xA688, s10;
	s20 =	sadd.s32 $0x10, s11  }
0x26a: {  	[hbm4b:s20+s5] =	stream.linear.scatter [tilespmem:s15], [sflag:$0xE], $0x80, $0x38;
	[tilespmem:$0xCA00] =	vst v63  }
0x26b: {  	s15 =	sadd.s32 $0xA710, s10;
	s20 =	sadd.s32 $0x20, s11  }
0x26c: {  	[hbm4b:s20+s5] =	stream.linear.scatter [tilespmem:s15], [sflag:$0xE], $0x80, $0x38;
	[tilespmem:$0xCA00] =	vst v63  }
0x26d: {  	s15 =	sadd.s32 $0xA798, s10;
	s20 =	sadd.s32 $0x30, s11  }
0x26e: {  	[hbm4b:s20+s5] =	stream.linear.scatter [tilespmem:s15], [sflag:$0xE], $0x80, $0x38;
	[tilespmem:$0xCA00] =	vst v63  }
0x26f: {  	s15 =	sadd.s32 $0xA820, s10;
	s20 =	sadd.s32 $0x40, s11  }
0x270: {  	[hbm4b:s20+s5] =	stream.linear.scatter [tilespmem:s15], [sflag:$0xE], $0x80, $0x38;
	[tilespmem:$0xCA00] =	vst v63  }
0x271: {  	s15 =	sadd.s32 $0xA8A8, s10;
	s20 =	sadd.s32 $0x50, s11  }
0x272: {  	[hbm4b:s20+s5] =	stream.linear.scatter [tilespmem:s15], [sflag:$0xE], $0x80, $0x38;
	[tilespmem:$0xCA00] =	vst v63  }
0x273: {  	s15 =	sadd.s32 $0xA930, s10;
	s20 =	sadd.s32 $0x60, s11  }
0x274: {  	[hbm4b:s20+s5] =	stream.linear.scatter [tilespmem:s15], [sflag:$0xE], $0x80, $0x38;
	[tilespmem:$0xCA00] =	vst v63  }
0x275: {  	s15 =	sadd.s32 $0xA9B8, s10;
	s20 =	sadd.s32 $0x70, s11  }
0x276: {  	[hbm4b:s20+s5] =	stream.linear.scatter [tilespmem:s15], [sflag:$0xE], $0x80, $0x38;
	[tilespmem:$0xCA00] =	vst v63  }
0x277: {  	_ =	swait.ge [sflag:s30], $0x2000  }
0x278: {  	p0 =	seq.s32 s25, $0x31;
	s12 =	simm.s32 $0x6400;
	[sflag:s30] =	ssyncset.done $0x0  }
0x279: {  	s11 =	simm.s32 $0x380;
	s10 =	simm.s32 @!p0 $0x1;
	[sflag:s30] =	ssyncadd.s32 $0xFFFFE000  }
0x27a: {  	[tilespmem:s12], [sflag:$0xC] =	stream.indirect.gather.add.f32 [hbm:s9], $0x40, s11, s23, $0xb8;
	[tilespmem:$0xCA00] =	vst v63  }
0x27b: {  	_ =	swait.ge @!p0 [sflag:s10], $0x80  }
0x27c: {  	[sflag:s10] =	ssyncset.done @!p0 $0x0  }
0x27d: {  	[sflag:s10] =	ssyncadd.s32 @!p0 $0xFFFFFF80  }
0x27e: {  	_ =	swait.ge @!p0 [sflag:s10], $0x80  }
0x27f: {  	s11 =	simm.s32 @!p0 $0x0;
	[sflag:s10] =	ssyncset.done @!p0 $0x0  }
0x280: {  	s12 =	simm.s32 @!p0 $0x400;
	[sflag:s10] =	ssyncadd.s32 @!p0 $0xFFFFFF80;
	s10 =	simm.s32 @!p0 $0x80  }
0x281: {  	[tilespmem:s12], [sflag:$0x5] =	stream.indirect.gather @!p0 [hbm4b:s7+s10], $0x40, s11, s10, $0xb8;
	[tilespmem:$0xCA00] =	vst v63  }
0x282: {  	s12 =	rddreg [dreg:$0xd]  }
0x283: {  	s12 =	sadd.s32 @!p0 s18, s12  }
0x284: {  	s13 =	sshll.u32 @!p0 s12, $0x7;
	s15 =	sshll.u32 @!p0 s12, $0xA  }
0x285: {  	s12 =	sshll.u32 @!p0 s12, $0x2;
	s13 =	sand.u32 @!p0 $0x7FFF8000, s13;
	s15 =	sand.u32 @!p0 $0x7400, s15  }
0x286: {  	s12 =	sand.u32 @!p0 $0x380, s12;
	s13 =	sor.u32 @!p0 s15, s13  }
0x287: {  	s12 =	sor.u32 @!p0 s12, s13  }
0x288: {  	s12 =	sshrl.u32 @!p0 s12, $0x3  }
0x289: {  	s13 =	sadd.s32 @!p0 s1, s12  }
0x28a: {  	[tilespmem:s10], [sflag:$0x2] =	stream.linear.gather @!p0 [hbm4b:s13+s11], $0x80, $0x38;
	[tilespmem:$0xCA00] =	vst v63  }
0x28b: {  	s10 =	sadd.s32 @!p0 s2, s12;
	s12 =	simm.s32 @!p0 $0x280  }
0x28c: {  	[tilespmem:s12], [sflag:$0x2] =	stream.linear.gather @!p0 [hbm4b:s10+s11], $0x80, $0x38;
	[tilespmem:$0xCA00] =	vst v63  }
0x28d: {  	_ =	swait.ge [sflag:s22], $0x2000  }
0x28e: {  	s11 =	sadd.s32 s6, s19;
	[sflag:s22] =	ssyncset.done $0x0  }
0x28f: {  	s10 =	sshrl.u32 s11, $0x5;
	[sflag:s22] =	ssyncadd.s32 $0xFFFFE000  }
0x290: {  	s13 =	ssub.s32 s10, s8;
	_ =	swait.ge [sflag:s17], $0x2000  }
0x291: {  	s12 =	sshll.u32 s13, $0x8;
	[sflag:s17] =	ssyncset.done $0x0  }
0x292: {  	s19 =	simm.s32 $0x0;
	s15 =	sshra.s32 s12, $0x2;
	[sflag:s17] =	ssyncadd.s32 $0xFFFFE000  }
0x293: {  	s20 =	simm.s32 $0x0;
	v4 =	vmov s19;
	v5 =	vld [tilespmem:s15+$0xC800]  }
0x294: {  	v9 =	vand.u32 $0x78, v4;
	v8 =	vld [tilespmem:s20+$0x4400]  }
0x295: {  	v10 =	vand.u32 $0x4, v4;
	v11 =	vadd.s32 v0, v9  }
0x296: {  	v12 =	vor.u32 v10, v11;
	_ =	sdelay $0x2  }
0x297: {  	v7 =	vld [tilespmem:s15+$0xC810];
	v8 =	vadd.f32 v8, v5  }
0x298: {  	v6 =	vld [tilespmem:s15+$0xC820]  }
0x299: {  	v4 =	vld [tilespmem:s15+$0xC830];
	[tilespmem:v12+s14+$0x0] =	vst.idx.msk $0xffff, v8  }
0x29a: {  	v8 =	vld [tilespmem:s20+$0x4410]  }
0x29b: {  	v54 =	vadd.s32 v1, v9  }
0x29c: {  	v13 =	vor.u32 v10, v54;
	_ =	sdelay $0x2  }
0x29d: {  	v8 =	vadd.f32 v8, v7;
	_ =	sdelay $0x1  }
0x29e: {  	[tilespmem:v13+s14+$0x0] =	vst.idx.msk $0xffff, v8  }
0x29f: {  	v8 =	vld [tilespmem:s20+$0x4420]  }
0x2a0: {  	v55 =	vadd.s32 v2, v9  }
0x2a1: {  	v14 =	vor.u32 v10, v55;
	_ =	sdelay $0x2  }
0x2a2: {  	v8 =	vadd.f32 v8, v6;
	_ =	sdelay $0x1  }
0x2a3: {  	[tilespmem:v14+s14+$0x0] =	vst.idx.msk $0xffff, v8  }
0x2a4: {  	v8 =	vld [tilespmem:s20+$0x4430]  }
0x2a5: {  	v9 =	vadd.s32 v3, v9  }
0x2a6: {  	v56 =	vor.u32 v10, v9;
	_ =	sdelay $0x2  }
0x2a7: {  	v8 =	vadd.f32 v8, v4;
	_ =	sdelay $0x1  }
0x2a8: {  	[tilespmem:v56+s14+$0x0] =	vst.idx.msk $0xffff, v8  }
0x2a9: {  	v8 =	vld [tilespmem:s20+$0x4440]  }
0x2aa: {  	v57 =	vor.u32 $0x1, v10  }
0x2ab: {  	v15 =	vor.u32 v57, v11;
	_ =	sdelay $0x2  }
0x2ac: {  	v8 =	vadd.f32 v8, v5;
	_ =	sdelay $0x1  }
0x2ad: {  	[tilespmem:v15+s14+$0x0] =	vst.idx.msk $0xffff, v8  }
0x2ae: {  	v8 =	vld [tilespmem:s20+$0x4450];
	_ =	sdelay $0x1  }
0x2af: {  	v58 =	vor.u32 v57, v54;
	_ =	sdelay $0x2  }
0x2b0: {  	v8 =	vadd.f32 v8, v7;
	_ =	sdelay $0x1  }
0x2b1: {  	[tilespmem:v58+s14+$0x0] =	vst.idx.msk $0xffff, v8  }
0x2b2: {  	v8 =	vld [tilespmem:s20+$0x4460];
	_ =	sdelay $0x1  }
0x2b3: {  	v59 =	vor.u32 v57, v55;
	_ =	sdelay $0x2  }
0x2b4: {  	v8 =	vadd.f32 v8, v6;
	_ =	sdelay $0x1  }
0x2b5: {  	[tilespmem:v59+s14+$0x0] =	vst.idx.msk $0xffff, v8  }
0x2b6: {  	v8 =	vld [tilespmem:s20+$0x4470];
	_ =	sdelay $0x1  }
0x2b7: {  	v14 =	vor.u32 v57, v9;
	_ =	sdelay $0x2  }
0x2b8: {  	v8 =	vadd.f32 v8, v4;
	_ =	sdelay $0x1  }
0x2b9: {  	[tilespmem:v14+s14+$0x0] =	vst.idx.msk $0xffff, v8  }
0x2ba: {  	v8 =	vld [tilespmem:s20+$0x4480]  }
0x2bb: {  	v60 =	vor.u32 $0x2, v10  }
0x2bc: {  	v61 =	vor.u32 v60, v11;
	_ =	sdelay $0x2  }
0x2bd: {  	v8 =	vadd.f32 v8, v5;
	_ =	sdelay $0x1  }
0x2be: {  	[tilespmem:v61+s14+$0x0] =	vst.idx.msk $0xffff, v8  }
0x2bf: {  	v8 =	vld [tilespmem:s20+$0x4490];
	_ =	sdelay $0x1  }
0x2c0: {  	v62 =	vor.u32 v60, v54;
	_ =	sdelay $0x2  }
0x2c1: {  	v8 =	vadd.f32 v8, v7;
	_ =	sdelay $0x1  }
0x2c2: {  	[tilespmem:v62+s14+$0x0] =	vst.idx.msk $0xffff, v8  }
0x2c3: {  	v8 =	vld [tilespmem:s20+$0x44A0];
	_ =	sdelay $0x1  }
0x2c4: {  	v63 =	vor.u32 v60, v55;
	_ =	sdelay $0x2  }
0x2c5: {  	v8 =	vadd.f32 v8, v6;
	_ =	sdelay $0x1  }
0x2c6: {  	[tilespmem:v63+s14+$0x0] =	vst.idx.msk $0xffff, v8  }
0x2c7: {  	v8 =	vld [tilespmem:s20+$0x44B0];
	_ =	sdelay $0x1  }
0x2c8: {  	v14 =	vor.u32 v60, v9;
	_ =	sdelay $0x2  }
0x2c9: {  	v8 =	vadd.f32 v8, v4;
	_ =	sdelay $0x1  }
0x2ca: {  	[tilespmem:v14+s14+$0x0] =	vst.idx.msk $0xffff, v8  }
0x2cb: {  	v8 =	vld [tilespmem:s20+$0x44C0]  }
0x2cc: {  	v10 =	vor.u32 $0x3, v10  }
0x2cd: {  	v11 =	vor.u32 v10, v11;
	_ =	sdelay $0x2  }
0x2ce: {  	v8 =	vadd.f32 v8, v5;
	_ =	sdelay $0x1  }
0x2cf: {  	[tilespmem:v11+s14+$0x0] =	vst.idx.msk $0xffff, v8  }
0x2d0: {  	v8 =	vld [tilespmem:s20+$0x44D0];
	_ =	sdelay $0x1  }
0x2d1: {  	v11 =	vor.u32 v10, v54;
	_ =	sdelay $0x2  }
0x2d2: {  	v8 =	vadd.f32 v8, v7;
	_ =	sdelay $0x1  }
0x2d3: {  	[tilespmem:v11+s14+$0x0] =	vst.idx.msk $0xffff, v8  }
0x2d4: {  	v8 =	vld [tilespmem:s20+$0x44E0];
	_ =	sdelay $0x1  }
0x2d5: {  	v11 =	vor.u32 v10, v55;
	_ =	sdelay $0x2  }
0x2d6: {  	v8 =	vadd.f32 v8, v6;
	_ =	sdelay $0x1  }
0x2d7: {  	[tilespmem:v11+s14+$0x0] =	vst.idx.msk $0xffff, v8  }
0x2d8: {  	v11 =	vld [tilespmem:s20+$0x44F0];
	_ =	sdelay $0x1  }
0x2d9: {  	v8 =	vor.u32 v10, v9;
	_ =	sdelay $0x2  }
0x2da: {  	s19 =	simm.s32 $0x800;
	s12 =	simm.s32 $0x400;
	s20 =	simm.s32 $0x4;
	v9 =	vadd.f32 v11, v4  }
.LBB2_15:
0x2db: {  	p1 =	sne.s32 s19, $0x7C00  }
0x2dc: {  	v10 =	vmov s20;
	s13 =	sshra.s32 s12, $0x2;
	[tilespmem:v8+s14+$0x0] =	vst.idx.msk $0xffff, v9;
	s12 =	smov.u32 s19;
	s19 =	sadd.s32 $0x400, s19  }
0x2dd: {  	v8 =	vld [tilespmem:s13+$0x4400];
	v9 =	vand.u32 $0x78, v10  }
0x2de: {  	v10 =	vand.u32 $0x4, v10;
	v11 =	vadd.s32 v0, v9;
	v12 =	vadd.s32 v1, v9  }
0x2df: {  	v15 =	vadd.s32 v2, v9;
	v13 =	vor.u32 v10, v11;
	v14 =	vor.u32 v10, v12  }
0x2e0: {  	v17 =	vadd.s32 v3, v9;
	v9 =	vor.u32 $0x1, v10;
	v16 =	vor.u32 v10, v15  }
0x2e1: {  	v18 =	vor.u32 v10, v17;
	v19 =	vor.u32 v9, v11;
	v20 =	vor.u32 v9, v12  }
0x2e2: {  	v21 =	vor.u32 v9, v15;
	v22 =	vor.u32 v9, v17;
	v8 =	vadd.f32 v8, v5  }
0x2e3: {  	v23 =	vor.u32 $0x3, v10;
	v9 =	vor.u32 $0x2, v10  }
0x2e4: {  	v24 =	vor.u32 v9, v12;
	[tilespmem:v13+s14+$0x0] =	vst.idx.msk $0xffff, v8;
	v13 =	vor.u32 v9, v11  }
0x2e5: {  	v26 =	vor.u32 v9, v15;
	v27 =	vor.u32 v9, v17;
	v11 =	vor.u32 v23, v11;
	v25 =	vld [tilespmem:s13+$0x4410]  }
0x2e6: {  	v10 =	vor.u32 v23, v12;
	v9 =	vor.u32 v23, v15;
	v8 =	vor.u32 v23, v17;
	_ =	sdelay $0x3  }
0x2e7: {  	v12 =	vadd.f32 v25, v7;
	_ =	sdelay $0x1  }
0x2e8: {  	[tilespmem:v14+s14+$0x0] =	vst.idx.msk $0xffff, v12  }
0x2e9: {  	v12 =	vld [tilespmem:s13+$0x4420];
	_ =	sdelay $0x4  }
0x2ea: {  	v12 =	vadd.f32 v12, v6;
	_ =	sdelay $0x1  }
0x2eb: {  	[tilespmem:v16+s14+$0x0] =	vst.idx.msk $0xffff, v12  }
0x2ec: {  	v12 =	vld [tilespmem:s13+$0x4430];
	_ =	sdelay $0x4  }
0x2ed: {  	v12 =	vadd.f32 v12, v4;
	_ =	sdelay $0x1  }
0x2ee: {  	[tilespmem:v18+s14+$0x0] =	vst.idx.msk $0xffff, v12  }
0x2ef: {  	v12 =	vld [tilespmem:s13+$0x4440];
	_ =	sdelay $0x4  }
0x2f0: {  	v12 =	vadd.f32 v12, v5;
	_ =	sdelay $0x1  }
0x2f1: {  	[tilespmem:v19+s14+$0x0] =	vst.idx.msk $0xffff, v12  }
0x2f2: {  	v12 =	vld [tilespmem:s13+$0x4450];
	_ =	sdelay $0x4  }
0x2f3: {  	v12 =	vadd.f32 v12, v7;
	_ =	sdelay $0x1  }
0x2f4: {  	[tilespmem:v20+s14+$0x0] =	vst.idx.msk $0xffff, v12  }
0x2f5: {  	v12 =	vld [tilespmem:s13+$0x4460];
	_ =	sdelay $0x4  }
0x2f6: {  	v12 =	vadd.f32 v12, v6;
	_ =	sdelay $0x1  }
0x2f7: {  	[tilespmem:v21+s14+$0x0] =	vst.idx.msk $0xffff, v12  }
0x2f8: {  	v12 =	vld [tilespmem:s13+$0x4470];
	_ =	sdelay $0x4  }
0x2f9: {  	v12 =	vadd.f32 v12, v4;
	_ =	sdelay $0x1  }
0x2fa: {  	[tilespmem:v22+s14+$0x0] =	vst.idx.msk $0xffff, v12  }
0x2fb: {  	v12 =	vld [tilespmem:s13+$0x4480];
	_ =	sdelay $0x4  }
0x2fc: {  	v12 =	vadd.f32 v12, v5;
	_ =	sdelay $0x1  }
0x2fd: {  	[tilespmem:v13+s14+$0x0] =	vst.idx.msk $0xffff, v12  }
0x2fe: {  	v12 =	vld [tilespmem:s13+$0x4490];
	_ =	sdelay $0x4  }
0x2ff: {  	v12 =	vadd.f32 v12, v7;
	_ =	sdelay $0x1  }
0x300: {  	[tilespmem:v24+s14+$0x0] =	vst.idx.msk $0xffff, v12  }
0x301: {  	v12 =	vld [tilespmem:s13+$0x44A0];
	_ =	sdelay $0x4  }
0x302: {  	v12 =	vadd.f32 v12, v6;
	_ =	sdelay $0x1  }
0x303: {  	[tilespmem:v26+s14+$0x0] =	vst.idx.msk $0xffff, v12  }
0x304: {  	v12 =	vld [tilespmem:s13+$0x44B0];
	_ =	sdelay $0x4  }
0x305: {  	v12 =	vadd.f32 v12, v4;
	_ =	sdelay $0x1  }
0x306: {  	[tilespmem:v27+s14+$0x0] =	vst.idx.msk $0xffff, v12  }
0x307: {  	v12 =	vld [tilespmem:s13+$0x44C0];
	_ =	sdelay $0x4  }
0x308: {  	v12 =	vadd.f32 v12, v5;
	_ =	sdelay $0x1  }
0x309: {  	[tilespmem:v11+s14+$0x0] =	vst.idx.msk $0xffff, v12  }
0x30a: {  	v11 =	vld [tilespmem:s13+$0x44D0];
	_ =	sdelay $0x4  }
0x30b: {  	v11 =	vadd.f32 v11, v7;
	_ =	sdelay $0x1  }
0x30c: {  	[tilespmem:v10+s14+$0x0] =	vst.idx.msk $0xffff, v11  }
0x30d: {  	v10 =	vld [tilespmem:s13+$0x44E0];
	_ =	sdelay $0x4  }
0x30e: {  	v10 =	vadd.f32 v10, v6;
	_ =	sdelay $0x1  }
0x30f: {  	[tilespmem:v9+s14+$0x0] =	vst.idx.msk $0xffff, v10  }
0x310: {  	v9 =	vld [tilespmem:s13+$0x44F0];
	_ =	sdelay $0x1  }
.Ltmp7:
0x311: {  	(pc) =	sbr.rel @p1 .LBB2_15-.Ltmp7, $3  }
0x312: {  	_ =	sdelay $0x1  }
0x313: {  	v9 =	vadd.f32 v9, v4  }
0x314: {  	s20 =	sadd.s32 $0x4, s20  }
0x315: {  	_ =	sdelay $0x3  }
0x316: {  	v10 =	vmov s20;
	s12 =	sshra.s32 s12, $0x2;
	[tilespmem:v8+s14+$0x0] =	vst.idx.msk $0xffff, v9  }
0x317: {  	v8 =	vld [tilespmem:s12+$0x4400];
	v50 =	vand.u32 $0x78, v10  }
0x318: {  	v10 =	vand.u32 $0x4, v10;
	v11 =	vadd.s32 v0, v50  }
0x319: {  	v12 =	vor.u32 v10, v11;
	_ =	sdelay $0x2  }
0x31a: {  	v8 =	vadd.f32 v8, v5;
	_ =	sdelay $0x1  }
0x31b: {  	[tilespmem:v12+s14+$0x0] =	vst.idx.msk $0xffff, v8  }
0x31c: {  	v8 =	vld [tilespmem:s12+$0x4410]  }
0x31d: {  	v51 =	vadd.s32 v1, v50  }
0x31e: {  	v13 =	vor.u32 v10, v51;
	_ =	sdelay $0x2  }
0x31f: {  	v8 =	vadd.f32 v8, v7;
	_ =	sdelay $0x1  }
0x320: {  	[tilespmem:v13+s14+$0x0] =	vst.idx.msk $0xffff, v8  }
0x321: {  	v8 =	vld [tilespmem:s12+$0x4420]  }
0x322: {  	v52 =	vadd.s32 v2, v50  }
0x323: {  	v14 =	vor.u32 v10, v52;
	_ =	sdelay $0x2  }
0x324: {  	v8 =	vadd.f32 v8, v6;
	_ =	sdelay $0x1  }
0x325: {  	[tilespmem:v14+s14+$0x0] =	vst.idx.msk $0xffff, v8  }
0x326: {  	v8 =	vld [tilespmem:s12+$0x4430]  }
0x327: {  	v9 =	vadd.s32 v3, v50  }
0x328: {  	v53 =	vor.u32 v10, v9;
	_ =	sdelay $0x2  }
0x329: {  	v8 =	vadd.f32 v8, v4;
	_ =	sdelay $0x1  }
0x32a: {  	[tilespmem:v53+s14+$0x0] =	vst.idx.msk $0xffff, v8  }
0x32b: {  	v8 =	vld [tilespmem:s12+$0x4440]  }
0x32c: {  	v54 =	vor.u32 $0x1, v10  }
0x32d: {  	v15 =	vor.u32 v54, v11;
	_ =	sdelay $0x2  }
0x32e: {  	v8 =	vadd.f32 v8, v5;
	_ =	sdelay $0x1  }
0x32f: {  	[tilespmem:v15+s14+$0x0] =	vst.idx.msk $0xffff, v8  }
0x330: {  	v8 =	vld [tilespmem:s12+$0x4450];
	_ =	sdelay $0x1  }
0x331: {  	v55 =	vor.u32 v54, v51;
	_ =	sdelay $0x2  }
0x332: {  	v8 =	vadd.f32 v8, v7;
	_ =	sdelay $0x1  }
0x333: {  	[tilespmem:v55+s14+$0x0] =	vst.idx.msk $0xffff, v8  }
0x334: {  	v8 =	vld [tilespmem:s12+$0x4460];
	_ =	sdelay $0x1  }
0x335: {  	v56 =	vor.u32 v54, v52;
	_ =	sdelay $0x2  }
0x336: {  	v8 =	vadd.f32 v8, v6;
	_ =	sdelay $0x1  }
0x337: {  	[tilespmem:v56+s14+$0x0] =	vst.idx.msk $0xffff, v8  }
0x338: {  	v8 =	vld [tilespmem:s12+$0x4470];
	_ =	sdelay $0x1  }
0x339: {  	v14 =	vor.u32 v54, v9;
	_ =	sdelay $0x2  }
0x33a: {  	v8 =	vadd.f32 v8, v4;
	_ =	sdelay $0x1  }
0x33b: {  	[tilespmem:v14+s14+$0x0] =	vst.idx.msk $0xffff, v8  }
0x33c: {  	v8 =	vld [tilespmem:s12+$0x4480]  }
0x33d: {  	v57 =	vor.u32 $0x2, v10  }
0x33e: {  	v58 =	vor.u32 v57, v11;
	_ =	sdelay $0x2  }
0x33f: {  	v8 =	vadd.f32 v8, v5;
	_ =	sdelay $0x1  }
0x340: {  	[tilespmem:v58+s14+$0x0] =	vst.idx.msk $0xffff, v8  }
0x341: {  	v8 =	vld [tilespmem:s12+$0x4490];
	_ =	sdelay $0x1  }
0x342: {  	v59 =	vor.u32 v57, v51;
	_ =	sdelay $0x2  }
0x343: {  	v8 =	vadd.f32 v8, v7;
	_ =	sdelay $0x1  }
0x344: {  	[tilespmem:v59+s14+$0x0] =	vst.idx.msk $0xffff, v8  }
0x345: {  	v8 =	vld [tilespmem:s12+$0x44A0];
	_ =	sdelay $0x1  }
0x346: {  	v60 =	vor.u32 v57, v52;
	_ =	sdelay $0x2  }
0x347: {  	v8 =	vadd.f32 v8, v6;
	_ =	sdelay $0x1  }
0x348: {  	[tilespmem:v60+s14+$0x0] =	vst.idx.msk $0xffff, v8  }
0x349: {  	v8 =	vld [tilespmem:s12+$0x44B0];
	_ =	sdelay $0x1  }
0x34a: {  	v14 =	vor.u32 v57, v9;
	_ =	sdelay $0x2  }
0x34b: {  	v8 =	vadd.f32 v8, v4;
	_ =	sdelay $0x1  }
0x34c: {  	[tilespmem:v14+s14+$0x0] =	vst.idx.msk $0xffff, v8  }
0x34d: {  	v8 =	vld [tilespmem:s12+$0x44C0]  }
0x34e: {  	v10 =	vor.u32 $0x3, v10  }
0x34f: {  	v11 =	vor.u32 v10, v11;
	_ =	sdelay $0x2  }
0x350: {  	v5 =	vadd.f32 v8, v5;
	_ =	sdelay $0x1  }
0x351: {  	[tilespmem:v11+s14+$0x0] =	vst.idx.msk $0xffff, v5  }
0x352: {  	v5 =	vld [tilespmem:s12+$0x44D0];
	_ =	sdelay $0x1  }
0x353: {  	v61 =	vor.u32 v10, v51;
	_ =	sdelay $0x2  }
0x354: {  	v5 =	vadd.f32 v5, v7;
	_ =	sdelay $0x1  }
0x355: {  	[tilespmem:v61+s14+$0x0] =	vst.idx.msk $0xffff, v5  }
0x356: {  	v5 =	vld [tilespmem:s12+$0x44E0];
	_ =	sdelay $0x1  }
0x357: {  	v62 =	vor.u32 v10, v52;
	_ =	sdelay $0x2  }
0x358: {  	v5 =	vadd.f32 v5, v6;
	_ =	sdelay $0x1  }
0x359: {  	[tilespmem:v62+s14+$0x0] =	vst.idx.msk $0xffff, v5  }
0x35a: {  	v5 =	vld [tilespmem:s12+$0x44F0];
	_ =	sdelay $0x1  }
0x35b: {  	v63 =	vor.u32 v10, v9;
	_ =	sdelay $0x1  }
0x35c: {  	s11 =	sshll.u32 s11, $0x7  }
0x35d: {  	s11 =	sand.u32 $0xF00, s11;
	v4 =	vadd.f32 v5, v4  }
0x35e: {  	s10 =	sshll.u32 s10, $0xF;
	s11 =	sadd.s32 s4, s11  }
0x35f: {  	s11 =	sadd.s32 s10, s11;
	s12 =	simm.s32 $0x8400;
	[tilespmem:v63+s14+$0x0] =	vst.idx.msk $0xffff, v4  }
0x360: {  	[hbm4b:s11+s5] =	stream.linear.scatter [tilespmem:s12], [sflag:$0xD], $0x80, $0x38;
	[tilespmem:$0xCA00] =	vst v63  }
0x361: {  	s13 =	simm.s32 $0x8488;
	s15 =	sadd.s32 $0x10, s11  }
0x362: {  	[hbm4b:s15+s5] =	stream.linear.scatter [tilespmem:s13], [sflag:$0xD], $0x80, $0x38;
	[tilespmem:$0xCA00] =	vst v63  }
0x363: {  	s19 =	simm.s32 $0x8510;
	s20 =	sadd.s32 $0x20, s11  }
0x364: {  	[hbm4b:s20+s5] =	stream.linear.scatter [tilespmem:s19], [sflag:$0xD], $0x80, $0x38;
	[tilespmem:$0xCA00] =	vst v63  }
0x365: {  	s13 =	simm.s32 $0x8598;
	s15 =	sadd.s32 $0x30, s11  }
0x366: {  	[hbm4b:s15+s5] =	stream.linear.scatter [tilespmem:s13], [sflag:$0xD], $0x80, $0x38;
	[tilespmem:$0xCA00] =	vst v63  }
0x367: {  	s19 =	simm.s32 $0x8620;
	s20 =	sadd.s32 $0x40, s11  }
0x368: {  	[hbm4b:s20+s5] =	stream.linear.scatter [tilespmem:s19], [sflag:$0xD], $0x80, $0x38;
	[tilespmem:$0xCA00] =	vst v63  }
0x369: {  	s10 =	simm.s32 $0x440;
	s13 =	simm.s32 $0x86A8;
	s15 =	sadd.s32 $0x50, s11  }
0x36a: {  	[hbm4b:s15+s5] =	stream.linear.scatter [tilespmem:s13], [sflag:$0xD], $0x80, $0x38;
	[tilespmem:$0xCA00] =	vst v63  }
0x36b: {  	s12 =	simm.s32 $0x2200;
	s19 =	simm.s32 $0x8730;
	s20 =	sadd.s32 $0x60, s11  }
0x36c: {  	[hbm4b:s20+s5] =	stream.linear.scatter [tilespmem:s19], [sflag:$0xD], $0x80, $0x38;
	[tilespmem:$0xCA00] =	vst v63  }
0x36d: {  	s13 =	simm.s32 $0x87B8;
	s19 =	sadd.s32 $0x70, s11;
	s11 =	sadd.s32 $0x1000, s11  }
.LBB2_17:
0x36e: {  	[hbm4b:s19+s5] =	stream.linear.scatter [tilespmem:s13], [sflag:$0xD], $0x80, $0x38;
	[tilespmem:$0xCA00] =	vst v63  }
0x36f: {  	s13 =	smov.u32 s10;
	s10 =	smov.u32 s12  }
0x370: {  	s15 =	sadd.s32 $0x1100, s12;
	s10 =	sshra.s32 s10, $0x2;
	s19 =	sadd.s32 $0x8400, s13  }
0x371: {  	[hbm4b:s11+s5] =	stream.linear.scatter [tilespmem:s19], [sflag:$0xD], $0x80, $0x38;
	[tilespmem:$0xCA00] =	vst v63  }
0x372: {  	p1 =	sne.s32 s12, $0x7700;
	s12 =	sadd.s32 $0x8488, s13;
	s19 =	sadd.s32 $0x10, s11  }
0x373: {  	[hbm4b:s19+s5] =	stream.linear.scatter [tilespmem:s12], [sflag:$0xD], $0x80, $0x38;
	[tilespmem:$0xCA00] =	vst v63  }
0x374: {  	s12 =	sadd.s32 $0x8510, s13;
	s19 =	sadd.s32 $0x20, s11  }
0x375: {  	[hbm4b:s19+s5] =	stream.linear.scatter [tilespmem:s12], [sflag:$0xD], $0x80, $0x38;
	[tilespmem:$0xCA00] =	vst v63  }
0x376: {  	s12 =	sadd.s32 $0x8598, s13;
	s19 =	sadd.s32 $0x30, s11  }
0x377: {  	[hbm4b:s19+s5] =	stream.linear.scatter [tilespmem:s12], [sflag:$0xD], $0x80, $0x38;
	[tilespmem:$0xCA00] =	vst v63  }
0x378: {  	s12 =	sadd.s32 $0x8620, s13;
	s19 =	sadd.s32 $0x40, s11  }
0x379: {  	[hbm4b:s19+s5] =	stream.linear.scatter [tilespmem:s12], [sflag:$0xD], $0x80, $0x38;
	[tilespmem:$0xCA00] =	vst v63  }
.Ltmp8:
0x37a: {  	s12 =	sadd.s32 $0x86A8, s13;
	s19 =	sadd.s32 $0x50, s11;
	(pc) =	sbr.rel @p1 .LBB2_17-.Ltmp8, $4  }
0x37b: {  	[hbm4b:s19+s5] =	stream.linear.scatter [tilespmem:s12], [sflag:$0xD], $0x80, $0x38;
	[tilespmem:$0xCA00] =	vst v63  }
0x37c: {  	s12 =	sadd.s32 $0x8730, s13;
	s19 =	sadd.s32 $0x60, s11;
	s13 =	sadd.s32 $0x87B8, s13  }
0x37d: {  	[hbm4b:s19+s5] =	stream.linear.scatter [tilespmem:s12], [sflag:$0xD], $0x80, $0x38;
	[tilespmem:$0xCA00] =	vst v63  }
0x37e: {  	s19 =	sadd.s32 $0x70, s11;
	s11 =	sadd.s32 $0x1000, s11;
	s12 =	smov.u32 s15  }
0x37f: {  	[hbm4b:s19+s5] =	stream.linear.scatter [tilespmem:s13], [sflag:$0xD], $0x80, $0x38;
	[tilespmem:$0xCA00] =	vst v63  }
0x380: {  	s12 =	sadd.s32 $0x8400, s10  }
0x381: {  	[hbm4b:s11+s5] =	stream.linear.scatter [tilespmem:s12], [sflag:$0xD], $0x80, $0x38;
	[tilespmem:$0xCA00] =	vst v63  }
0x382: {  	s13 =	sadd.s32 $0x8488, s10;
	s15 =	sadd.s32 $0x10, s11  }
0x383: {  	[hbm4b:s15+s5] =	stream.linear.scatter [tilespmem:s13], [sflag:$0xD], $0x80, $0x38;
	[tilespmem:$0xCA00] =	vst v63  }
0x384: {  	s19 =	sadd.s32 $0x8510, s10;
	s20 =	sadd.s32 $0x20, s11  }
0x385: {  	[hbm4b:s20+s5] =	stream.linear.scatter [tilespmem:s19], [sflag:$0xD], $0x80, $0x38;
	[tilespmem:$0xCA00] =	vst v63  }
0x386: {  	s13 =	sadd.s32 $0x8598, s10;
	s15 =	sadd.s32 $0x30, s11  }
0x387: {  	[hbm4b:s15+s5] =	stream.linear.scatter [tilespmem:s13], [sflag:$0xD], $0x80, $0x38;
	[tilespmem:$0xCA00] =	vst v63  }
0x388: {  	s19 =	sadd.s32 $0x8620, s10;
	s20 =	sadd.s32 $0x40, s11  }
0x389: {  	[hbm4b:s20+s5] =	stream.linear.scatter [tilespmem:s19], [sflag:$0xD], $0x80, $0x38;
	[tilespmem:$0xCA00] =	vst v63  }
0x38a: {  	s13 =	sadd.s32 $0x86A8, s10;
	s15 =	sadd.s32 $0x50, s11  }
0x38b: {  	[hbm4b:s15+s5] =	stream.linear.scatter [tilespmem:s13], [sflag:$0xD], $0x80, $0x38;
	[tilespmem:$0xCA00] =	vst v63  }
0x38c: {  	s19 =	sadd.s32 $0x8730, s10;
	s20 =	sadd.s32 $0x60, s11  }
0x38d: {  	[hbm4b:s20+s5] =	stream.linear.scatter [tilespmem:s19], [sflag:$0xD], $0x80, $0x38;
	[tilespmem:$0xCA00] =	vst v63  }
0x38e: {  	s13 =	sadd.s32 $0x87B8, s10;
	s15 =	sadd.s32 $0x70, s11;
	s10 =	simm.s32 @!p0 $0x5  }
0x38f: {  	[hbm4b:s15+s5] =	stream.linear.scatter [tilespmem:s13], [sflag:$0xD], $0x80, $0x38;
	[tilespmem:$0xCA00] =	vst v63  }
0x390: {  	_ =	swait.ge @!p0 [sflag:s10], $0x2000  }
0x391: {  	s12 =	simm.s32 @!p0 $0x400;
	[sflag:s10] =	ssyncset.done @!p0 $0x0  }
0x392: {  	s11 =	simm.s32 @!p0 $0x200;
	[sflag:s10] =	ssyncadd.s32 @!p0 $0xFFFFE000;
	s10 =	simm.s32 @!p0 $0x80  }
0x393: {  	[tilespmem:s12], [sflag:$0x9] =	stream.indirect.gather.add.f32 @!p0 [hbm:s9], $0x40, s11, s10, $0xb8;
	[tilespmem:$0xCA00] =	vst v63  }
0x394: {  	s11 =	simm.s32 @!p0 $0x2  }
0x395: {  	_ =	swait.ge @!p0 [sflag:s11], $0x80  }
0x396: {  	[sflag:s11] =	ssyncset.done @!p0 $0x0  }
0x397: {  	[sflag:s11] =	ssyncadd.s32 @!p0 $0xFFFFFF80  }
0x398: {  	_ =	swait.ge @!p0 [sflag:s11], $0x80  }
0x399: {  	[sflag:s11] =	ssyncset.done @!p0 $0x0  }
0x39a: {  	[sflag:s11] =	ssyncadd.s32 @!p0 $0xFFFFFF80;
	s11 =	simm.s32 @!p0 $0x2400  }
0x39b: {  	[tilespmem:s11], [sflag:$0x6] =	stream.indirect.gather @!p0 [hbm4b:s7+s10], $0x40, s10, s10, $0xb8;
	[tilespmem:$0xCA00] =	vst v63  }
0x39c: {  	s10 =	rddreg [dreg:$0xe]  }
0x39d: {  	s10 =	sadd.s32 @!p0 s18, s10  }
0x39e: {  	s11 =	sshll.u32 @!p0 s10, $0x7;
	s12 =	sshll.u32 @!p0 s10, $0xA  }
0x39f: {  	s10 =	sshll.u32 @!p0 s10, $0x2;
	s11 =	sand.u32 @!p0 $0x7FFF8000, s11;
	s12 =	sand.u32 @!p0 $0x7800, s12  }
0x3a0: {  	s10 =	sand.u32 @!p0 $0x380, s10;
	s11 =	sor.u32 @!p0 s12, s11  }
0x3a1: {  	s10 =	sor.u32 @!p0 s10, s11  }
0x3a2: {  	s10 =	sshrl.u32 @!p0 s10, $0x3  }
0x3a3: {  	s13 =	simm.s32 @!p0 $0x100;
	s12 =	simm.s32 @!p0 $0x0;
	s11 =	sadd.s32 @!p0 s1, s10  }
0x3a4: {  	[tilespmem:s13], [sflag:$0x3] =	stream.linear.gather @!p0 [hbm4b:s11+s12], $0x80, $0x38;
	[tilespmem:$0xCA00] =	vst v63  }
0x3a5: {  	s10 =	sadd.s32 @!p0 s2, s10;
	s11 =	simm.s32 @!p0 $0x300  }
0x3a6: {  	[tilespmem:s11], [sflag:$0x3] =	stream.linear.gather @!p0 [hbm4b:s10+s12], $0x80, $0x38;
	[tilespmem:$0xCA00] =	vst v63  }
0x3a7: {  	_ =	swait.ge [sflag:s24], $0x2000  }
0x3a8: {  	[sflag:s24] =	ssyncset.done $0x0  }
0x3a9: {  	s10 =	sshrl.u32 s31, $0x5;
	[sflag:s24] =	ssyncadd.s32 $0xFFFFE000  }
0x3aa: {  	s18 =	ssub.s32 s10, s8;
	_ =	swait.ge [sflag:s0], $0x2000  }
0x3ab: {  	s11 =	sshll.u32 s18, $0x8;
	[sflag:s0] =	ssyncset.done $0x0  }
0x3ac: {  	s20 =	simm.s32 $0x0;
	s19 =	sshra.s32 s11, $0x2;
	[sflag:s0] =	ssyncadd.s32 $0xFFFFE000  }
0x3ad: {  	v4 =	vmov s20;
	s31 =	simm.s32 $0x0;
	v5 =	vld [tilespmem:s19+$0xC800]  }
0x3ae: {  	v9 =	vand.u32 $0x78, v4;
	v8 =	vld [tilespmem:s31+$0x6400]  }
0x3af: {  	v10 =	vand.u32 $0x4, v4;
	v11 =	vadd.s32 v0, v9  }
0x3b0: {  	v12 =	vor.u32 v10, v11;
	_ =	sdelay $0x2  }
0x3b1: {  	v7 =	vld [tilespmem:s19+$0xC810];
	v8 =	vadd.f32 v8, v5  }
0x3b2: {  	v6 =	vld [tilespmem:s19+$0xC820]  }
0x3b3: {  	v4 =	vld [tilespmem:s19+$0xC830];
	[tilespmem:v12+s28+$0x0] =	vst.idx.msk $0xffff, v8  }
0x3b4: {  	v8 =	vld [tilespmem:s31+$0x6410]  }
0x3b5: {  	v54 =	vadd.s32 v1, v9  }
0x3b6: {  	v13 =	vor.u32 v10, v54;
	_ =	sdelay $0x2  }
0x3b7: {  	v8 =	vadd.f32 v8, v7;
	_ =	sdelay $0x1  }
0x3b8: {  	[tilespmem:v13+s28+$0x0] =	vst.idx.msk $0xffff, v8  }
0x3b9: {  	v8 =	vld [tilespmem:s31+$0x6420]  }
0x3ba: {  	v55 =	vadd.s32 v2, v9  }
0x3bb: {  	v14 =	vor.u32 v10, v55;
	_ =	sdelay $0x2  }
0x3bc: {  	v8 =	vadd.f32 v8, v6;
	_ =	sdelay $0x1  }
0x3bd: {  	[tilespmem:v14+s28+$0x0] =	vst.idx.msk $0xffff, v8  }
0x3be: {  	v8 =	vld [tilespmem:s31+$0x6430]  }
0x3bf: {  	v9 =	vadd.s32 v3, v9  }
0x3c0: {  	v56 =	vor.u32 v10, v9;
	_ =	sdelay $0x2  }
0x3c1: {  	v8 =	vadd.f32 v8, v4;
	_ =	sdelay $0x1  }
0x3c2: {  	[tilespmem:v56+s28+$0x0] =	vst.idx.msk $0xffff, v8  }
0x3c3: {  	v8 =	vld [tilespmem:s31+$0x6440]  }
0x3c4: {  	v57 =	vor.u32 $0x1, v10  }
0x3c5: {  	v15 =	vor.u32 v57, v11;
	_ =	sdelay $0x2  }
0x3c6: {  	v8 =	vadd.f32 v8, v5;
	_ =	sdelay $0x1  }
0x3c7: {  	[tilespmem:v15+s28+$0x0] =	vst.idx.msk $0xffff, v8  }
0x3c8: {  	v8 =	vld [tilespmem:s31+$0x6450];
	_ =	sdelay $0x1  }
0x3c9: {  	v58 =	vor.u32 v57, v54;
	_ =	sdelay $0x2  }
0x3ca: {  	v8 =	vadd.f32 v8, v7;
	_ =	sdelay $0x1  }
0x3cb: {  	[tilespmem:v58+s28+$0x0] =	vst.idx.msk $0xffff, v8  }
0x3cc: {  	v8 =	vld [tilespmem:s31+$0x6460];
	_ =	sdelay $0x1  }
0x3cd: {  	v59 =	vor.u32 v57, v55;
	_ =	sdelay $0x2  }
0x3ce: {  	v8 =	vadd.f32 v8, v6;
	_ =	sdelay $0x1  }
0x3cf: {  	[tilespmem:v59+s28+$0x0] =	vst.idx.msk $0xffff, v8  }
0x3d0: {  	v8 =	vld [tilespmem:s31+$0x6470];
	_ =	sdelay $0x1  }
0x3d1: {  	v14 =	vor.u32 v57, v9;
	_ =	sdelay $0x2  }
0x3d2: {  	v8 =	vadd.f32 v8, v4;
	_ =	sdelay $0x1  }
0x3d3: {  	[tilespmem:v14+s28+$0x0] =	vst.idx.msk $0xffff, v8  }
0x3d4: {  	v8 =	vld [tilespmem:s31+$0x6480]  }
0x3d5: {  	v60 =	vor.u32 $0x2, v10  }
0x3d6: {  	v61 =	vor.u32 v60, v11;
	_ =	sdelay $0x2  }
0x3d7: {  	v8 =	vadd.f32 v8, v5;
	_ =	sdelay $0x1  }
0x3d8: {  	[tilespmem:v61+s28+$0x0] =	vst.idx.msk $0xffff, v8  }
0x3d9: {  	v8 =	vld [tilespmem:s31+$0x6490];
	_ =	sdelay $0x1  }
0x3da: {  	v62 =	vor.u32 v60, v54;
	_ =	sdelay $0x2  }
0x3db: {  	v8 =	vadd.f32 v8, v7;
	_ =	sdelay $0x1  }
0x3dc: {  	[tilespmem:v62+s28+$0x0] =	vst.idx.msk $0xffff, v8  }
0x3dd: {  	v8 =	vld [tilespmem:s31+$0x64A0];
	_ =	sdelay $0x1  }
0x3de: {  	v63 =	vor.u32 v60, v55;
	_ =	sdelay $0x2  }
0x3df: {  	v8 =	vadd.f32 v8, v6;
	_ =	sdelay $0x1  }
0x3e0: {  	[tilespmem:v63+s28+$0x0] =	vst.idx.msk $0xffff, v8  }
0x3e1: {  	v8 =	vld [tilespmem:s31+$0x64B0];
	_ =	sdelay $0x1  }
0x3e2: {  	v14 =	vor.u32 v60, v9;
	_ =	sdelay $0x2  }
0x3e3: {  	v8 =	vadd.f32 v8, v4;
	_ =	sdelay $0x1  }
0x3e4: {  	[tilespmem:v14+s28+$0x0] =	vst.idx.msk $0xffff, v8  }
0x3e5: {  	v8 =	vld [tilespmem:s31+$0x64C0]  }
0x3e6: {  	v10 =	vor.u32 $0x3, v10  }
0x3e7: {  	v11 =	vor.u32 v10, v11;
	_ =	sdelay $0x2  }
0x3e8: {  	v8 =	vadd.f32 v8, v5;
	_ =	sdelay $0x1  }
0x3e9: {  	[tilespmem:v11+s28+$0x0] =	vst.idx.msk $0xffff, v8  }
0x3ea: {  	v8 =	vld [tilespmem:s31+$0x64D0];
	_ =	sdelay $0x1  }
0x3eb: {  	v11 =	vor.u32 v10, v54;
	_ =	sdelay $0x2  }
0x3ec: {  	v8 =	vadd.f32 v8, v7;
	_ =	sdelay $0x1  }
0x3ed: {  	[tilespmem:v11+s28+$0x0] =	vst.idx.msk $0xffff, v8  }
0x3ee: {  	v8 =	vld [tilespmem:s31+$0x64E0];
	_ =	sdelay $0x1  }
0x3ef: {  	v11 =	vor.u32 v10, v55;
	_ =	sdelay $0x2  }
0x3f0: {  	v8 =	vadd.f32 v8, v6;
	_ =	sdelay $0x1  }
0x3f1: {  	[tilespmem:v11+s28+$0x0] =	vst.idx.msk $0xffff, v8  }
0x3f2: {  	v11 =	vld [tilespmem:s31+$0x64F0];
	_ =	sdelay $0x1  }
0x3f3: {  	v8 =	vor.u32 v10, v9;
	_ =	sdelay $0x2  }
0x3f4: {  	s12 =	simm.s32 $0x800;
	s18 =	simm.s32 $0x4;
	s11 =	simm.s32 $0x400;
	v9 =	vadd.f32 v11, v4  }
.LBB2_19:
0x3f5: {  	p0 =	sne.s32 s12, $0x7C00  }
0x3f6: {  	v10 =	vmov s18;
	s13 =	sshra.s32 s11, $0x2;
	[tilespmem:v8+s28+$0x0] =	vst.idx.msk $0xffff, v9;
	s11 =	smov.u32 s12;
	s12 =	sadd.s32 $0x400, s12  }
0x3f7: {  	v8 =	vld [tilespmem:s13+$0x6400];
	v9 =	vand.u32 $0x78, v10  }
0x3f8: {  	v10 =	vand.u32 $0x4, v10;
	v11 =	vadd.s32 v0, v9;
	v12 =	vadd.s32 v1, v9  }
0x3f9: {  	v15 =	vadd.s32 v2, v9;
	v13 =	vor.u32 v10, v11;
	v14 =	vor.u32 v10, v12  }
0x3fa: {  	v17 =	vadd.s32 v3, v9;
	v9 =	vor.u32 $0x1, v10;
	v16 =	vor.u32 v10, v15  }
0x3fb: {  	v18 =	vor.u32 v10, v17;
	v19 =	vor.u32 v9, v11;
	v20 =	vor.u32 v9, v12  }
0x3fc: {  	v21 =	vor.u32 v9, v15;
	v22 =	vor.u32 v9, v17;
	v8 =	vadd.f32 v8, v5  }
0x3fd: {  	v23 =	vor.u32 $0x3, v10;
	v9 =	vor.u32 $0x2, v10  }
0x3fe: {  	v24 =	vor.u32 v9, v12;
	[tilespmem:v13+s28+$0x0] =	vst.idx.msk $0xffff, v8;
	v13 =	vor.u32 v9, v11  }
0x3ff: {  	v26 =	vor.u32 v9, v15;
	v27 =	vor.u32 v9, v17;
	v11 =	vor.u32 v23, v11;
	v25 =	vld [tilespmem:s13+$0x6410]  }
0x400: {  	v10 =	vor.u32 v23, v12;
	v9 =	vor.u32 v23, v15;
	v8 =	vor.u32 v23, v17;
	_ =	sdelay $0x3  }
0x401: {  	v12 =	vadd.f32 v25, v7;
	_ =	sdelay $0x1  }
0x402: {  	[tilespmem:v14+s28+$0x0] =	vst.idx.msk $0xffff, v12  }
0x403: {  	v12 =	vld [tilespmem:s13+$0x6420];
	_ =	sdelay $0x4  }
0x404: {  	v12 =	vadd.f32 v12, v6;
	_ =	sdelay $0x1  }
0x405: {  	[tilespmem:v16+s28+$0x0] =	vst.idx.msk $0xffff, v12  }
0x406: {  	v12 =	vld [tilespmem:s13+$0x6430];
	_ =	sdelay $0x4  }
0x407: {  	v12 =	vadd.f32 v12, v4;
	_ =	sdelay $0x1  }
0x408: {  	[tilespmem:v18+s28+$0x0] =	vst.idx.msk $0xffff, v12  }
0x409: {  	v12 =	vld [tilespmem:s13+$0x6440];
	_ =	sdelay $0x4  }
0x40a: {  	v12 =	vadd.f32 v12, v5;
	_ =	sdelay $0x1  }
0x40b: {  	[tilespmem:v19+s28+$0x0] =	vst.idx.msk $0xffff, v12  }
0x40c: {  	v12 =	vld [tilespmem:s13+$0x6450];
	_ =	sdelay $0x4  }
0x40d: {  	v12 =	vadd.f32 v12, v7;
	_ =	sdelay $0x1  }
0x40e: {  	[tilespmem:v20+s28+$0x0] =	vst.idx.msk $0xffff, v12  }
0x40f: {  	v12 =	vld [tilespmem:s13+$0x6460];
	_ =	sdelay $0x4  }
0x410: {  	v12 =	vadd.f32 v12, v6;
	_ =	sdelay $0x1  }
0x411: {  	[tilespmem:v21+s28+$0x0] =	vst.idx.msk $0xffff, v12  }
0x412: {  	v12 =	vld [tilespmem:s13+$0x6470];
	_ =	sdelay $0x4  }
0x413: {  	v12 =	vadd.f32 v12, v4;
	_ =	sdelay $0x1  }
0x414: {  	[tilespmem:v22+s28+$0x0] =	vst.idx.msk $0xffff, v12  }
0x415: {  	v12 =	vld [tilespmem:s13+$0x6480];
	_ =	sdelay $0x4  }
0x416: {  	v12 =	vadd.f32 v12, v5;
	_ =	sdelay $0x1  }
0x417: {  	[tilespmem:v13+s28+$0x0] =	vst.idx.msk $0xffff, v12  }
0x418: {  	v12 =	vld [tilespmem:s13+$0x6490];
	_ =	sdelay $0x4  }
0x419: {  	v12 =	vadd.f32 v12, v7;
	_ =	sdelay $0x1  }
0x41a: {  	[tilespmem:v24+s28+$0x0] =	vst.idx.msk $0xffff, v12  }
0x41b: {  	v12 =	vld [tilespmem:s13+$0x64A0];
	_ =	sdelay $0x4  }
0x41c: {  	v12 =	vadd.f32 v12, v6;
	_ =	sdelay $0x1  }
0x41d: {  	[tilespmem:v26+s28+$0x0] =	vst.idx.msk $0xffff, v12  }
0x41e: {  	v12 =	vld [tilespmem:s13+$0x64B0];
	_ =	sdelay $0x4  }
0x41f: {  	v12 =	vadd.f32 v12, v4;
	_ =	sdelay $0x1  }
0x420: {  	[tilespmem:v27+s28+$0x0] =	vst.idx.msk $0xffff, v12  }
0x421: {  	v12 =	vld [tilespmem:s13+$0x64C0];
	_ =	sdelay $0x4  }
0x422: {  	v12 =	vadd.f32 v12, v5;
	_ =	sdelay $0x1  }
0x423: {  	[tilespmem:v11+s28+$0x0] =	vst.idx.msk $0xffff, v12  }
0x424: {  	v11 =	vld [tilespmem:s13+$0x64D0];
	_ =	sdelay $0x4  }
0x425: {  	v11 =	vadd.f32 v11, v7;
	_ =	sdelay $0x1  }
0x426: {  	[tilespmem:v10+s28+$0x0] =	vst.idx.msk $0xffff, v11  }
0x427: {  	v10 =	vld [tilespmem:s13+$0x64E0];
	_ =	sdelay $0x4  }
0x428: {  	v10 =	vadd.f32 v10, v6;
	_ =	sdelay $0x1  }
0x429: {  	[tilespmem:v9+s28+$0x0] =	vst.idx.msk $0xffff, v10  }
0x42a: {  	v9 =	vld [tilespmem:s13+$0x64F0];
	_ =	sdelay $0x1  }
.Ltmp9:
0x42b: {  	(pc) =	sbr.rel @p0 .LBB2_19-.Ltmp9, $3  }
0x42c: {  	_ =	sdelay $0x1  }
0x42d: {  	v9 =	vadd.f32 v9, v4  }
0x42e: {  	s18 =	sadd.s32 $0x4, s18  }
0x42f: {  	_ =	sdelay $0x3  }
0x430: {  	v10 =	vmov s18;
	s11 =	sshra.s32 s11, $0x2;
	[tilespmem:v8+s28+$0x0] =	vst.idx.msk $0xffff, v9  }
0x431: {  	v8 =	vld [tilespmem:s11+$0x6400];
	v50 =	vand.u32 $0x78, v10  }
0x432: {  	v10 =	vand.u32 $0x4, v10;
	v11 =	vadd.s32 v0, v50  }
0x433: {  	v12 =	vor.u32 v10, v11;
	_ =	sdelay $0x2  }
0x434: {  	v8 =	vadd.f32 v8, v5;
	_ =	sdelay $0x1  }
0x435: {  	[tilespmem:v12+s28+$0x0] =	vst.idx.msk $0xffff, v8  }
0x436: {  	v8 =	vld [tilespmem:s11+$0x6410]  }
0x437: {  	v51 =	vadd.s32 v1, v50  }
0x438: {  	v13 =	vor.u32 v10, v51;
	_ =	sdelay $0x2  }
0x439: {  	v8 =	vadd.f32 v8, v7;
	_ =	sdelay $0x1  }
0x43a: {  	[tilespmem:v13+s28+$0x0] =	vst.idx.msk $0xffff, v8  }
0x43b: {  	v8 =	vld [tilespmem:s11+$0x6420]  }
0x43c: {  	v52 =	vadd.s32 v2, v50  }
0x43d: {  	v14 =	vor.u32 v10, v52;
	_ =	sdelay $0x2  }
0x43e: {  	v8 =	vadd.f32 v8, v6;
	_ =	sdelay $0x1  }
0x43f: {  	[tilespmem:v14+s28+$0x0] =	vst.idx.msk $0xffff, v8  }
0x440: {  	v8 =	vld [tilespmem:s11+$0x6430]  }
0x441: {  	v9 =	vadd.s32 v3, v50  }
0x442: {  	v53 =	vor.u32 v10, v9;
	_ =	sdelay $0x2  }
0x443: {  	v8 =	vadd.f32 v8, v4;
	_ =	sdelay $0x1  }
0x444: {  	[tilespmem:v53+s28+$0x0] =	vst.idx.msk $0xffff, v8  }
0x445: {  	v8 =	vld [tilespmem:s11+$0x6440]  }
0x446: {  	v54 =	vor.u32 $0x1, v10  }
0x447: {  	v15 =	vor.u32 v54, v11;
	_ =	sdelay $0x2  }
0x448: {  	v8 =	vadd.f32 v8, v5;
	_ =	sdelay $0x1  }
0x449: {  	[tilespmem:v15+s28+$0x0] =	vst.idx.msk $0xffff, v8  }
0x44a: {  	v8 =	vld [tilespmem:s11+$0x6450];
	_ =	sdelay $0x1  }
0x44b: {  	v55 =	vor.u32 v54, v51;
	_ =	sdelay $0x2  }
0x44c: {  	v8 =	vadd.f32 v8, v7;
	_ =	sdelay $0x1  }
0x44d: {  	[tilespmem:v55+s28+$0x0] =	vst.idx.msk $0xffff, v8  }
0x44e: {  	v8 =	vld [tilespmem:s11+$0x6460];
	_ =	sdelay $0x1  }
0x44f: {  	v56 =	vor.u32 v54, v52;
	_ =	sdelay $0x2  }
0x450: {  	v8 =	vadd.f32 v8, v6;
	_ =	sdelay $0x1  }
0x451: {  	[tilespmem:v56+s28+$0x0] =	vst.idx.msk $0xffff, v8  }
0x452: {  	v8 =	vld [tilespmem:s11+$0x6470];
	_ =	sdelay $0x1  }
0x453: {  	v14 =	vor.u32 v54, v9;
	_ =	sdelay $0x2  }
0x454: {  	v8 =	vadd.f32 v8, v4;
	_ =	sdelay $0x1  }
0x455: {  	[tilespmem:v14+s28+$0x0] =	vst.idx.msk $0xffff, v8  }
0x456: {  	v8 =	vld [tilespmem:s11+$0x6480]  }
0x457: {  	v57 =	vor.u32 $0x2, v10  }
0x458: {  	v58 =	vor.u32 v57, v11;
	_ =	sdelay $0x2  }
0x459: {  	v8 =	vadd.f32 v8, v5;
	_ =	sdelay $0x1  }
0x45a: {  	[tilespmem:v58+s28+$0x0] =	vst.idx.msk $0xffff, v8  }
0x45b: {  	v8 =	vld [tilespmem:s11+$0x6490];
	_ =	sdelay $0x1  }
0x45c: {  	v59 =	vor.u32 v57, v51;
	_ =	sdelay $0x2  }
0x45d: {  	v8 =	vadd.f32 v8, v7;
	_ =	sdelay $0x1  }
0x45e: {  	[tilespmem:v59+s28+$0x0] =	vst.idx.msk $0xffff, v8  }
0x45f: {  	v8 =	vld [tilespmem:s11+$0x64A0];
	_ =	sdelay $0x1  }
0x460: {  	v60 =	vor.u32 v57, v52;
	_ =	sdelay $0x2  }
0x461: {  	v8 =	vadd.f32 v8, v6;
	_ =	sdelay $0x1  }
0x462: {  	[tilespmem:v60+s28+$0x0] =	vst.idx.msk $0xffff, v8  }
0x463: {  	v8 =	vld [tilespmem:s11+$0x64B0];
	_ =	sdelay $0x1  }
0x464: {  	v14 =	vor.u32 v57, v9;
	_ =	sdelay $0x2  }
0x465: {  	v8 =	vadd.f32 v8, v4;
	_ =	sdelay $0x1  }
0x466: {  	[tilespmem:v14+s28+$0x0] =	vst.idx.msk $0xffff, v8  }
0x467: {  	v8 =	vld [tilespmem:s11+$0x64C0]  }
0x468: {  	v10 =	vor.u32 $0x3, v10  }
0x469: {  	v11 =	vor.u32 v10, v11;
	_ =	sdelay $0x2  }
0x46a: {  	v5 =	vadd.f32 v8, v5;
	_ =	sdelay $0x1  }
0x46b: {  	[tilespmem:v11+s28+$0x0] =	vst.idx.msk $0xffff, v5  }
0x46c: {  	v5 =	vld [tilespmem:s11+$0x64D0];
	_ =	sdelay $0x1  }
0x46d: {  	v61 =	vor.u32 v10, v51;
	_ =	sdelay $0x2  }
0x46e: {  	v5 =	vadd.f32 v5, v7;
	_ =	sdelay $0x1  }
0x46f: {  	[tilespmem:v61+s28+$0x0] =	vst.idx.msk $0xffff, v5  }
0x470: {  	v5 =	vld [tilespmem:s11+$0x64E0];
	_ =	sdelay $0x1  }
0x471: {  	v62 =	vor.u32 v10, v52;
	_ =	sdelay $0x2  }
0x472: {  	v5 =	vadd.f32 v5, v6;
	_ =	sdelay $0x1  }
0x473: {  	[tilespmem:v62+s28+$0x0] =	vst.idx.msk $0xffff, v5  }
0x474: {  	v5 =	vld [tilespmem:s11+$0x64F0];
	_ =	sdelay $0x1  }
0x475: {  	v63 =	vor.u32 v10, v9;
	_ =	sdelay $0x2  }
0x476: {  	s18 =	sand.u32 $0xF80, s26;
	v4 =	vadd.f32 v5, v4  }
0x477: {  	s10 =	sshll.u32 s10, $0xF;
	s11 =	sadd.s32 s4, s18  }
0x478: {  	s19 =	simm.s32 $0xA600;
	s11 =	sadd.s32 s10, s11;
	[tilespmem:v63+s28+$0x0] =	vst.idx.msk $0xffff, v4  }
0x479: {  	[hbm4b:s11+s5] =	stream.linear.scatter [tilespmem:s19], [sflag:$0xE], $0x80, $0x38;
	[tilespmem:$0xCA00] =	vst v63  }
0x47a: {  	s20 =	simm.s32 $0xA688;
	s12 =	sadd.s32 $0x10, s11  }
0x47b: {  	[hbm4b:s12+s5] =	stream.linear.scatter [tilespmem:s20], [sflag:$0xE], $0x80, $0x38;
	[tilespmem:$0xCA00] =	vst v63  }
0x47c: {  	s26 =	simm.s32 $0xA710;
	s15 =	simm.s32 $0xA820;
	s31 =	sadd.s32 $0x20, s11  }
0x47d: {  	[hbm4b:s31+s5] =	stream.linear.scatter [tilespmem:s26], [sflag:$0xE], $0x80, $0x38;
	[tilespmem:$0xCA00] =	vst v63  }
0x47e: {  	s10 =	simm.s32 $0x440;
	s13 =	sadd.s32 $0x30, s11;
	s12 =	simm.s32 $0xA798  }
0x47f: {  	[hbm4b:s13+s5] =	stream.linear.scatter [tilespmem:s12], [sflag:$0xE], $0x80, $0x38;
	[tilespmem:$0xCA00] =	vst v63  }
0x480: {  	s18 =	sadd.s32 $0x40, s11;
	s19 =	simm.s32 $0xA8A8;
	s20 =	sadd.s32 $0x50, s11  }
0x481: {  	[hbm4b:s18+s5] =	stream.linear.scatter [tilespmem:s15], [sflag:$0xE], $0x80, $0x38;
	[tilespmem:$0xCA00] =	vst v63  }
0x482: {  	s26 =	simm.s32 $0xA930;
	s31 =	sadd.s32 $0x60, s11;
	s12 =	simm.s32 $0x2200  }
0x483: {  	[hbm4b:s20+s5] =	stream.linear.scatter [tilespmem:s19], [sflag:$0xE], $0x80, $0x38;
	[tilespmem:$0xCA00] =	vst v63  }
0x484: {  	s13 =	simm.s32 $0xA9B8;
	s18 =	sadd.s32 $0x70, s11;
	s11 =	sadd.s32 $0x1000, s11  }
0x485: {  	[hbm4b:s31+s5] =	stream.linear.scatter [tilespmem:s26], [sflag:$0xE], $0x80, $0x38;
	[tilespmem:$0xCA00] =	vst v63  }
.LBB2_21:
0x486: {  	[hbm4b:s18+s5] =	stream.linear.scatter [tilespmem:s13], [sflag:$0xE], $0x80, $0x38;
	[tilespmem:$0xCA00] =	vst v63  }
0x487: {  	s13 =	smov.u32 s10;
	s10 =	smov.u32 s12  }
0x488: {  	s15 =	sadd.s32 $0x1100, s12;
	s10 =	sshra.s32 s10, $0x2;
	s18 =	sadd.s32 $0xA600, s13  }
0x489: {  	[hbm4b:s11+s5] =	stream.linear.scatter [tilespmem:s18], [sflag:$0xE], $0x80, $0x38;
	[tilespmem:$0xCA00] =	vst v63  }
0x48a: {  	p0 =	sne.s32 s12, $0x7700;
	s12 =	sadd.s32 $0xA688, s13;
	s18 =	sadd.s32 $0x10, s11  }
0x48b: {  	[hbm4b:s18+s5] =	stream.linear.scatter [tilespmem:s12], [sflag:$0xE], $0x80, $0x38;
	[tilespmem:$0xCA00] =	vst v63  }
0x48c: {  	s12 =	sadd.s32 $0xA710, s13;
	s18 =	sadd.s32 $0x20, s11  }
0x48d: {  	[hbm4b:s18+s5] =	stream.linear.scatter [tilespmem:s12], [sflag:$0xE], $0x80, $0x38;
	[tilespmem:$0xCA00] =	vst v63  }
0x48e: {  	s12 =	sadd.s32 $0xA798, s13;
	s18 =	sadd.s32 $0x30, s11  }
0x48f: {  	[hbm4b:s18+s5] =	stream.linear.scatter [tilespmem:s12], [sflag:$0xE], $0x80, $0x38;
	[tilespmem:$0xCA00] =	vst v63  }
0x490: {  	s12 =	sadd.s32 $0xA820, s13;
	s18 =	sadd.s32 $0x40, s11  }
0x491: {  	[hbm4b:s18+s5] =	stream.linear.scatter [tilespmem:s12], [sflag:$0xE], $0x80, $0x38;
	[tilespmem:$0xCA00] =	vst v63  }
.Ltmp10:
0x492: {  	s12 =	sadd.s32 $0xA8A8, s13;
	s18 =	sadd.s32 $0x50, s11;
	(pc) =	sbr.rel @p0 .LBB2_21-.Ltmp10, $4  }
0x493: {  	[hbm4b:s18+s5] =	stream.linear.scatter [tilespmem:s12], [sflag:$0xE], $0x80, $0x38;
	[tilespmem:$0xCA00] =	vst v63  }
0x494: {  	s12 =	sadd.s32 $0xA930, s13;
	s18 =	sadd.s32 $0x60, s11;
	s13 =	sadd.s32 $0xA9B8, s13  }
0x495: {  	[hbm4b:s18+s5] =	stream.linear.scatter [tilespmem:s12], [sflag:$0xE], $0x80, $0x38;
	[tilespmem:$0xCA00] =	vst v63  }
0x496: {  	s18 =	sadd.s32 $0x70, s11;
	s11 =	sadd.s32 $0x1000, s11;
	s12 =	smov.u32 s15  }
0x497: {  	[hbm4b:s18+s5] =	stream.linear.scatter [tilespmem:s13], [sflag:$0xE], $0x80, $0x38;
	[tilespmem:$0xCA00] =	vst v63  }
0x498: {  	s12 =	sadd.s32 $0xA600, s10  }
0x499: {  	[hbm4b:s11+s5] =	stream.linear.scatter [tilespmem:s12], [sflag:$0xE], $0x80, $0x38;
	[tilespmem:$0xCA00] =	vst v63  }
0x49a: {  	s26 =	sadd.s32 $0xA688, s10;
	s31 =	sadd.s32 $0x10, s11  }
0x49b: {  	[hbm4b:s31+s5] =	stream.linear.scatter [tilespmem:s26], [sflag:$0xE], $0x80, $0x38;
	[tilespmem:$0xCA00] =	vst v63  }
0x49c: {  	s15 =	sadd.s32 $0xA710, s10;
	s18 =	sadd.s32 $0x20, s11  }
0x49d: {  	[hbm4b:s18+s5] =	stream.linear.scatter [tilespmem:s15], [sflag:$0xE], $0x80, $0x38;
	[tilespmem:$0xCA00] =	vst v63  }
0x49e: {  	s19 =	sadd.s32 $0xA798, s10;
	s20 =	sadd.s32 $0x30, s11  }
0x49f: {  	[hbm4b:s20+s5] =	stream.linear.scatter [tilespmem:s19], [sflag:$0xE], $0x80, $0x38;
	[tilespmem:$0xCA00] =	vst v63  }
0x4a0: {  	s25 =	sadd.s32 $0x1, s25;
	s26 =	sadd.s32 $0xA820, s10;
	s31 =	sadd.s32 $0x40, s11  }
0x4a1: {  	[hbm4b:s31+s5] =	stream.linear.scatter [tilespmem:s26], [sflag:$0xE], $0x80, $0x38;
	[tilespmem:$0xCA00] =	vst v63  }
0x4a2: {  	p0 =	sne.s32 s25, $0x32;
	s15 =	sadd.s32 $0xA8A8, s10;
	s18 =	sadd.s32 $0x50, s11  }
0x4a3: {  	[hbm4b:s18+s5] =	stream.linear.scatter [tilespmem:s15], [sflag:$0xE], $0x80, $0x38;
	[tilespmem:$0xCA00] =	vst v63  }
.Ltmp11:
0x4a4: {  	_ = 	snop;
	(pc) =	sbr.rel @p0 .LBB2_2-.Ltmp11, $4  }
0x4a5: {  	s19 =	sadd.s32 $0xA930, s10;
	s20 =	sadd.s32 $0x60, s11  }
0x4a6: {  	[hbm4b:s20+s5] =	stream.linear.scatter [tilespmem:s19], [sflag:$0xE], $0x80, $0x38;
	[tilespmem:$0xCA00] =	vst v63  }
0x4a7: {  	s26 =	sadd.s32 $0xA9B8, s10;
	s31 =	sadd.s32 $0x70, s11  }
0x4a8: {  	[hbm4b:s31+s5] =	stream.linear.scatter [tilespmem:s26], [sflag:$0xE], $0x80, $0x38;
	[tilespmem:$0xCA00] =	vst v63  }
0x4a9: {  	_ =	swait.ge [sflag:s17], $0x2000  }
0x4aa: {  	[sflag:s17] =	ssyncset.done $0x0  }
0x4ab: {  	[sflag:s17] =	ssyncadd.s32 $0xFFFFE000  }
0x4ac: {  	_ =	swait.ge [sflag:s0], $0x2000  }
0x4ad: {  	s11 =	rddreg [dreg:$0x10]  }
0x4ae: {  	s10 =	rddreg [dreg:$0xf];
	s11 =	sadd.s32 $0x1, s11  }
0x4af: {  	p0 =	sne.s32 s11, s10  }
.Ltmp12:
0x4b0: {  	_ = 	snop;
	(pc) =	sbr.rel @p0 .LBB2_1-.Ltmp12, $3  }
0x4b1: {  	_ =	sdelay $0x1  }
0x4b2: {  	[sflag:s0] =	ssyncset.done $0x0  }
0x4b3: {  	[sflag:s0] =	ssyncadd.s32 $0xFFFFE000  }
0x4b4: {  	_ =	sfence.sel $0x180000  }
0x4b5: {  	[bflag:$0x0] =	sbarrier.arrive $0xFFFF  }
0x4b6: {  	_ =	strace $0x90000047  }
0x4b7: {  	s0 =	stileid.u32;
	[bflag:$0x2] =	sbarrier.arrive $0xFFFF  }
0x4b8: {  	p0 =	sne.s32 s0, $0x0;
	s0 =	rddreg [dreg:$0x4]  }
0x4b9: {  	s0 =	sadd.s32 @!p0 $0x100000, s0  }
0x4ba: {  	[sflag:s0] =	ssyncadd.tile.s32 @!p0 $0x1;
	_ =	shalt  }
.Lfunc_end2:
_tile_overlayer_lowered:
.L_overlay_start_2:
0x4bb: {  	(tag) =	ssettag $0x2  }
0x4bc: {  	s0 =	rddreg [dreg:$0x0];
	s2 =	stileid.u32  }
0x4bd: {  	s1 =	rddreg [dreg:$0x1];
	p0 =	sne.s32 s2, $0x0  }
0x4be: {  	s3 =	rddreg [dreg:$0x2];
	[bflag:$0x3] =	sbarrier.arrive $0xFFFF;
	s2 =	simm.s32 @!p0 $0x1C10  }
0x4bf: {  	[timem:s3], [sflag:s2] =	dma.local @!p0 [hbm:s0], s1  }
0x4c0: {  	s0 =	simm.s32 @!p0 $0x10  }
0x4c1: {  	_ =	swait.ge @!p0 [sflag:s0], s1  }
0x4c2: {  	s1 =	ssub.s32 @!p0 $0x0, s1;
	[sflag:s0] =	ssyncset.done @!p0 $0x0  }
0x4c3: {  	[sflag:s0] =	ssyncadd.s32 @!p0 s1  }
0x4c4: {  	[bflag:$0x3] =	sbarrier.arrive $0xFFFF  }
0x4c5: {  	_ =	shalt  }

</sc_bundles>
